<compile_context>
chip_gen: v7x
topology: tpu7x:2x2x1
jax: 0.10.2.dev20260603
libtpu: 0.0.44.dev20260713+nightly
codegen_flags: <defaults>
</compile_context>

<pallas_src>
import functools

import jax
import jax.numpy as jnp
from jax import lax
from jax.experimental import pallas as pl
from jax.experimental.pallas import tpu as pltpu
from jax.experimental.pallas import tpu_sc as plsc

N = 10000
E = 320000
EQ = 320000
D = 128
H = 128
OUT = 2

NC = 2
NS = 16
NW = NC * NS
EPT = E // NW
BB = 128
NB = 80
CH = 40
EPTP = NB * BB
NA = 10112
RPT = NA // NS
VB = 16
NV = EPT // VB
TRASH = N

_mesh = plsc.VectorSubcoreMesh(
    core_axis_name="c", subcore_axis_name="s", num_cores=NC, num_subcores=NS
)
_sc_params = pltpu.CompilerParams(needs_layout_passes=False)


def _wid():
    return lax.axis_index("s") * NC + lax.axis_index("c")


@functools.partial(
    pl.kernel,
    out_type=(
        jax.ShapeDtypeStruct((NW * N,), jnp.float32),
        jax.ShapeDtypeStruct((NW * N,), jnp.float32),
    ),
    mesh=_mesh,
    compiler_params=_sc_params,
    scratch_types=[
        pltpu.VMEM((EPT,), jnp.int32),
        pltpu.VMEM((EPT,), jnp.int32),
        pltpu.VMEM((N,), jnp.float32),
        pltpu.VMEM((N,), jnp.float32),
    ],
)
def _k1_hist(src_f, dst_f, out_s, out_d, idx_s, idx_d, hist_s, hist_d):
    w = _wid()
    pltpu.sync_copy(src_f.at[pl.ds(w * EPT, EPT)], idx_s)
    pltpu.sync_copy(dst_f.at[pl.ds(w * EPT, EPT)], idx_d)

    z16 = jnp.zeros((VB,), jnp.float32)

    def zero_body(i, _):
        hist_s[pl.ds(i * VB, VB)] = z16
        hist_d[pl.ds(i * VB, VB)] = z16
        return 0

    lax.fori_loop(0, N // VB, zero_body, 0)

    ones16 = jnp.ones((VB,), jnp.float32)

    def body(i, _):
        s16 = idx_s[pl.ds(i * VB, VB)]
        d16 = idx_d[pl.ds(i * VB, VB)]
        plsc.addupdate_scatter(hist_s, [s16], ones16)
        plsc.addupdate_scatter(hist_d, [d16], ones16)
        return 0

    lax.fori_loop(0, NV, body, 0)

    pltpu.sync_copy(hist_s, out_s.at[pl.ds(w * N, N)])
    pltpu.sync_copy(hist_d, out_d.at[pl.ds(w * N, N)])


@functools.partial(
    pl.kernel,
    out_type=jax.ShapeDtypeStruct((NC, NA, D), jnp.float32),
    mesh=_mesh,
    compiler_params=_sc_params,
    scratch_types=[
        pltpu.VMEM((CH, BB), jnp.int32),
        pltpu.VMEM((CH, BB), jnp.int32),
        pltpu.VMEM((BB, D), jnp.float32),
        pltpu.VMEM((BB, D), jnp.float32),
        pltpu.VMEM_SHARED((NA, D), jnp.float32),
        pltpu.SemaphoreType.DMA,
        pltpu.SemaphoreType.DMA,
        pltpu.SemaphoreType.DMA,
    ],
)
def _k3_scatter(
    t, src3, dst3, zrows, acc_out,
    idx_s, idx_d, r0, r1, acc_sh, s0, gs0, gs1,
):
    c = lax.axis_index("c")
    s = lax.axis_index("s")
    w = s * NC + c

    pltpu.sync_copy(zrows, acc_sh.at[pl.ds(s * RPT, RPT)])
    plsc.subcore_barrier()

    def sdrain(buf):
        pltpu.make_async_copy(t.at[idx_s.at[0]], buf, s0).wait()

    def gwait(buf, sem):
        pltpu.make_async_copy(t.at[idx_s.at[0]], buf, sem).wait()

    def body(g, _):
        pltpu.sync_copy(src3.at[w, pl.ds(g * CH, CH)], idx_s)
        pltpu.sync_copy(dst3.at[w, pl.ds(g * CH, CH)], idx_d)
        pltpu.async_copy(t.at[idx_s.at[0]], r0, gs0)
        pltpu.async_copy(t.at[idx_s.at[1]], r1, gs1)
        for k in range(CH // 2 - 1):
            gwait(r0, gs0)
            pltpu.async_copy(r0, acc_sh.at[idx_d.at[2 * k]], s0, add=True)
            gwait(r1, gs1)
            sdrain(r0)
            pltpu.async_copy(t.at[idx_s.at[2 * k + 2]], r0, gs0)
            pltpu.async_copy(r1, acc_sh.at[idx_d.at[2 * k + 1]], s0, add=True)
            sdrain(r1)
            pltpu.async_copy(t.at[idx_s.at[2 * k + 3]], r1, gs1)
        gwait(r0, gs0)
        pltpu.async_copy(r0, acc_sh.at[idx_d.at[CH - 2]], s0, add=True)
        gwait(r1, gs1)
        sdrain(r0)
        pltpu.async_copy(r1, acc_sh.at[idx_d.at[CH - 1]], s0, add=True)
        sdrain(r1)
        return 0

    lax.fori_loop(0, NB // CH, body, 0)
    plsc.subcore_barrier()

    pltpu.sync_copy(acc_sh.at[pl.ds(s * RPT, RPT)], acc_out.at[c, pl.ds(s * RPT, RPT)])


@functools.partial(
    pl.kernel,
    out_type=jax.ShapeDtypeStruct((EQ * OUT,), jnp.float32),
    mesh=_mesh,
    compiler_params=_sc_params,
    scratch_types=[
        pltpu.VMEM((N * 4,), jnp.float32),
        pltpu.VMEM((EPT,), jnp.int32),
        pltpu.VMEM((EPT,), jnp.int32),
        pltpu.VMEM((EPT * OUT,), jnp.float32),
    ],
)
def _k7_classify(ptab_f, qs_f, qd_f, out, ptab_v, qs_v, qd_v, out_v):
    w = _wid()
    pltpu.sync_copy(ptab_f, ptab_v)
    pltpu.sync_copy(qs_f.at[pl.ds(w * EPT, EPT)], qs_v)
    pltpu.sync_copy(qd_f.at[pl.ds(w * EPT, EPT)], qd_v)

    one = jnp.ones((VB,), jnp.float32)

    def body(i, _):
        s16 = qs_v[pl.ds(i * VB, VB)] * 4
        d16 = qd_v[pl.ds(i * VB, VB)] * 4
        a0 = plsc.load_gather(ptab_v, [s16])
        a1 = plsc.load_gather(ptab_v, [s16 + 1])
        b0 = plsc.load_gather(ptab_v, [d16 + 2])
        b1 = plsc.load_gather(ptab_v, [d16 + 3])
        out_v[pl.ds(i * VB, VB)] = one / (one + jnp.exp(-(a0 + b0)))
        out_v[pl.ds(EPT + i * VB, VB)] = one / (one + jnp.exp(-(a1 + b1)))
        return 0

    lax.fori_loop(0, NV, body, 0)
    pltpu.sync_copy(out_v.at[pl.ds(0, EPT)], out.at[pl.ds(w * EPT, EPT)])
    pltpu.sync_copy(out_v.at[pl.ds(EPT, EPT)], out.at[pl.ds(EQ + w * EPT, EPT)])


BN = 2000
GRID = N // BN


def _norm_from(parts):
    deg = jnp.sum(parts[0], axis=0)
    return lax.rsqrt(jnp.clip(deg, 1.0, None))


_HIST_SPEC = pl.BlockSpec((1, NW, BN), lambda j: (j, 0, 0))
_ACC_SPEC = pl.BlockSpec((NC, BN, H), lambda j: (0, j, 0))


def _k2_body(x_ref, hs_ref, w_ref, t_ref):
    ns = _norm_from(hs_ref[...])
    t_ref[...] = jnp.dot(
        x_ref[...] * ns[:, None], w_ref[...], preferred_element_type=jnp.float32
    )


def _k2_matmul(x, hs_part, W1):
    return pl.pallas_call(
        _k2_body,
        grid=(GRID,),
        in_specs=[
            pl.BlockSpec((BN, D), lambda j: (j, 0)),
            _HIST_SPEC,
            pl.BlockSpec((D, H), lambda j: (0, 0)),
        ],
        out_specs=pl.BlockSpec((BN, H), lambda j: (j, 0)),
        out_shape=jax.ShapeDtypeStruct((N, H), jnp.float32),
    )(x, hs_part, W1)


def _k4_body(acc_ref, hd_ref, hs_ref, b_ref, w_ref, t_ref):
    a = acc_ref[0] + acc_ref[1]
    nd = _norm_from(hd_ref[...])
    h = jnp.maximum(a * nd[:, None] + b_ref[...], 0.0)
    ns = _norm_from(hs_ref[...])
    t_ref[...] = jnp.dot(
        h * ns[:, None], w_ref[...], preferred_element_type=jnp.float32
    )


def _k4_mid(acc, hd_part, hs_part, b1, W2):
    return pl.pallas_call(
        _k4_body,
        grid=(GRID,),
        in_specs=[
            _ACC_SPEC,
            _HIST_SPEC,
            _HIST_SPEC,
            pl.BlockSpec((1, H), lambda j: (0, 0)),
            pl.BlockSpec((H, H), lambda j: (0, 0)),
        ],
        out_specs=pl.BlockSpec((BN, H), lambda j: (j, 0)),
        out_shape=jax.ShapeDtypeStruct((N, H), jnp.float32),
    )(acc, hd_part, hs_part, b1, W2)


def _k6_body(acc_ref, hd_ref, b_ref, wc1_ref, wc2_ref, bc_ref, h_ref, p_ref):
    a = acc_ref[0] + acc_ref[1]
    nd = _norm_from(hd_ref[...])
    h = jnp.maximum(a * nd[:, None] + b_ref[...], 0.0)
    h_ref[...] = h
    p1 = jnp.dot(h, wc1_ref[...], preferred_element_type=jnp.float32) + bc_ref[...]
    p2 = jnp.dot(h, wc2_ref[...], preferred_element_type=jnp.float32)
    p_ref[...] = jnp.concatenate([p1, p2], axis=1)


def _k6_final(acc, hd_part, b2, Wc1, Wc2, bc):
    return pl.pallas_call(
        _k6_body,
        grid=(GRID,),
        in_specs=[
            _ACC_SPEC,
            _HIST_SPEC,
            pl.BlockSpec((1, H), lambda j: (0, 0)),
            pl.BlockSpec((H, OUT), lambda j: (0, 0)),
            pl.BlockSpec((H, OUT), lambda j: (0, 0)),
            pl.BlockSpec((1, OUT), lambda j: (0, 0)),
        ],
        out_specs=[
            pl.BlockSpec((BN, H), lambda j: (j, 0)),
            pl.BlockSpec((BN, 2 * OUT), lambda j: (j, 0)),
        ],
        out_shape=[
            jax.ShapeDtypeStruct((N, H), jnp.float32),
            jax.ShapeDtypeStruct((N, 2 * OUT), jnp.float32),
        ],
    )(acc, hd_part, b2, Wc1, Wc2, bc)


def _pad_edges(idx, fill):
    chunks = idx.reshape(NW, EPT)
    pad = jnp.full((NW, EPTP - EPT), fill, jnp.int32)
    return jnp.concatenate([chunks, pad], axis=1).reshape(NW, NB, BB)


def kernel(x, graph_edge_index, edge_index, W1, b1, W2, b2, Wc, bc):
    src = graph_edge_index[0]
    dst = graph_edge_index[1]
    src3 = _pad_edges(src, 0)
    dst3 = _pad_edges(dst, TRASH)
    zrows = jnp.zeros((RPT, D), jnp.float32)

    hs_flat, hd_flat = _k1_hist(src, dst)
    hs_part = hs_flat.reshape(NW, GRID, BN).transpose(1, 0, 2)
    hd_part = hd_flat.reshape(NW, GRID, BN).transpose(1, 0, 2)

    t1 = _k2_matmul(x, hs_part, W1)
    acc1 = _k3_scatter(t1, src3, dst3, zrows)
    t2 = _k4_mid(acc1, hd_part, hs_part, b1.reshape(1, H), W2)
    acc2 = _k3_scatter(t2, src3, dst3, zrows)
    h2, ptab = _k6_final(
        acc2, hd_part, b2.reshape(1, H), Wc[:H], Wc[H:], bc.reshape(1, OUT)
    )
    pf = _k7_classify(ptab.reshape(N * 4), edge_index[0], edge_index[1])
    probs = jnp.stack([pf[:EQ], pf[EQ:]], axis=1)
    return (h2, probs)

# --- scband reference (transcript-rebuilt; emitter-appended) ---
"""Pipeline reference for scband-gcn-34720515620910 (READ-ONLY COPY).

The authoritative reference and input builder live on the scoring server;
editing this copy changes nothing except your own understanding.
"""

import jax, jax.numpy as jnp
import numpy as np

N = 10000
E = 320000
EQ = 320000
D = 128
H = 128
OUT = 2


def setup_inputs(seed: int = 0) -> dict:
    key = jax.random.key(seed)
    ks = jax.random.split(key, 10)
    x = jax.random.normal(ks[0], (N, D), dtype=jnp.float32)
    graph_edge_index = jax.random.randint(ks[1], (2, E), 0, N, dtype=jnp.int32)
    edge_index = jax.random.randint(ks[2], (2, EQ), 0, N, dtype=jnp.int32)
    W1 = jax.random.normal(ks[3], (D, H), dtype=jnp.float32) * 0.05
    b1 = jnp.zeros((H,), dtype=jnp.float32)
    W2 = jax.random.normal(ks[4], (H, H), dtype=jnp.float32) * 0.05
    b2 = jnp.zeros((H,), dtype=jnp.float32)
    Wc = jax.random.normal(ks[5], (2 * H, OUT), dtype=jnp.float32) * 0.05
    bc = jnp.zeros((OUT,), dtype=jnp.float32)
    return {"x": x, "graph_edge_index": graph_edge_index, "edge_index": edge_index,
            "W1": W1, "b1": b1, "W2": W2, "b2": b2, "Wc": Wc, "bc": bc}


def gcn_layer(h, src, dst, W, b):
    # DGL GraphConv with norm='both': scale src feats by 1/sqrt(out_deg),
    # aggregate (sum) over incoming edges, scale by 1/sqrt(in_deg), add bias.
    ones_e = jnp.ones((src.shape[0],), dtype=jnp.float32)
    deg_out = jax.ops.segment_sum(ones_e, src, num_segments=N)
    deg_in = jax.ops.segment_sum(ones_e, dst, num_segments=N)
    norm_s = jax.lax.rsqrt(jnp.clip(deg_out, 1.0, None))
    norm_d = jax.lax.rsqrt(jnp.clip(deg_in, 1.0, None))
    h = h * norm_s[:, None]
    h = h @ W  # weight applied before aggregation (in_dim >= out_dim path)
    m = jnp.take(h, src, axis=0)           # gather per-edge messages
    agg = jax.ops.segment_sum(m, dst, num_segments=N)  # scatter-add to dst
    return agg * norm_d[:, None] + b


def reference(x, graph_edge_index, edge_index, W1, b1, W2, b2, Wc, bc):
    src = graph_edge_index[0]
    dst = graph_edge_index[1]
    h = jax.nn.relu(gcn_layer(x, src, dst, W1, b1))
    h = jax.nn.relu(gcn_layer(h, src, dst, W2, b2))
    qs = edge_index[0]
    qd = edge_index[1]
    hs = jnp.take(h, qs, axis=0)
    hd = jnp.take(h, qd, axis=0)
    h_pair = jnp.concatenate([hs, hd], axis=1)
    logits = h_pair @ Wc + bc
    return (h, jax.nn.sigmoid(logits))

if __name__ == "__main__":
    import jax
    _d = setup_inputs()
    print(jax.jit(kernel)(*tuple(_d.values())))

</pallas_src>

<mosaic_0001>
#map = affine_map<(d0, d1) -> (0, 0)>
#map1 = affine_map<(d0, d1) -> (0, 0, 0)>
module attributes {stable_mosaic.version = 14 : i64} {
  func.func @_k3_scatter(%arg0: i32, %arg1: i32, %arg2: memref<10000x128xf32, #tpu.memory_space<hbm>>, %arg3: memref<32x80x128xi32, #tpu.memory_space<hbm>>, %arg4: memref<32x80x128xi32, #tpu.memory_space<hbm>>, %arg5: memref<632x128xf32, #tpu.memory_space<hbm>>, %arg6: memref<2x10112x128xf32, #tpu.memory_space<hbm>>, %arg7: memref<40x128xi32, #tpu.memory_space<vmem>>, %arg8: memref<40x128xi32, #tpu.memory_space<vmem>>, %arg9: memref<128x128xf32, #tpu.memory_space<vmem>>, %arg10: memref<128x128xf32, #tpu.memory_space<vmem>>, %arg11: memref<10112x128xf32, #tpu.memory_space<vmem_shared>>, %arg12: memref<!tpu.dma_semaphore, #tpu.memory_space<semaphore_mem>>, %arg13: memref<!tpu.dma_semaphore, #tpu.memory_space<semaphore_mem>>, %arg14: memref<!tpu.dma_semaphore, #tpu.memory_space<semaphore_mem>>) attributes {dimension_semantics = [#tpu.dimension_semantics<core_parallel>, #tpu.dimension_semantics<subcore_parallel>], iteration_bounds = array<i64: 2, 16>, scalar_prefetch = 0 : i64, scratch_operands = 8 : i64, tpu.core_type = #tpu.core_type<sc_vector_subcore>, window_params = [{transform_indices = #map}, {transform_indices = #map1}, {transform_indices = #map1}, {transform_indices = #map}, {transform_indices = #map1}]} {
    %mul3A = arith.constant 2 : i32
    %mul3A_0 = arith.muli %arg1, %mul3A : i32
    %add3A = arith.addi %mul3A_0, %arg0 : i32
    %mul3A_1 = arith.constant 632 : i32
    %mul3A_2 = arith.muli %arg1, %mul3A_1 : i32
    "tpu.region"() ({
      %run_scoped3A = tpu.sem_alloc : memref<!tpu.dma_semaphore, #tpu.memory_space<semaphore_mem>>
      %dma_start3A = arith.constant 0 : i32
      %dma_start3A_14 = tpu.memref_slice %arg11[%mul3A_2, %dma_start3A] : memref<10112x128xf32, #tpu.memory_space<vmem_shared>> -> memref<632x128xf32, #tpu.memory_space<vmem_shared>>
      tpu.enqueue_dma source(%arg5 : memref<632x128xf32, #tpu.memory_space<hbm>>) target(%dma_start3A_14 : memref<632x128xf32, #tpu.memory_space<vmem_shared>>) target_semaphore(%run_scoped3A : memref<!tpu.dma_semaphore, #tpu.memory_space<semaphore_mem>>)
      %dma_wait3A = arith.constant 0 : i32
      %dma_wait3A_15 = tpu.memref_slice %arg11[%mul3A_2, %dma_wait3A] : memref<10112x128xf32, #tpu.memory_space<vmem_shared>> -> memref<632x128xf32, #tpu.memory_space<vmem_shared>>
      tpu.wait_dma2 semaphore(%run_scoped3A : memref<!tpu.dma_semaphore, #tpu.memory_space<semaphore_mem>>) src(%arg5 : memref<632x128xf32, #tpu.memory_space<hbm>>) dst(%dma_wait3A_15 : memref<632x128xf32, #tpu.memory_space<vmem_shared>>)
      tpu.yield
    }) : () -> ()
    %barrier3A = arith.constant 0 : index
    tpu.barrier barrier_id(%barrier3A)
    %scan3A = arith.constant 0 : i32
    %scan3A_3 = arith.constant 0 : i32
    %scan3A_4 = arith.constant 2 : i32
    %scan3A_5 = arith.addi %scan3A_3, %scan3A_4 : i32
    %scan3A_6 = arith.constant 1 : i32
    %scan3A_7 = scf.for %scan3A_14 = %scan3A_3 to %scan3A_5 step %scan3A_6 iter_args(%scan3A_15 = %scan3A) -> (i32)  : i32 {
      %mul3A_16 = arith.constant 40 : i32
      %mul3A_17 = arith.muli %scan3A_14, %mul3A_16 : i32
      "tpu.region"() ({
        %run_scoped3A = tpu.sem_alloc : memref<!tpu.dma_semaphore, #tpu.memory_space<semaphore_mem>>
        %dma_start3A_1139 = arith.constant 0 : i32
        %dma_start3A_1140 = tpu.memref_slice %arg3[%add3A, %mul3A_17, %dma_start3A_1139] : memref<32x80x128xi32, #tpu.memory_space<hbm>> -> memref<1x40x128xi32, #tpu.memory_space<hbm>>
        %dma_start3A_1141 = tpu.memref_squeeze %dma_start3A_1140 : memref<1x40x128xi32, #tpu.memory_space<hbm>> -> memref<40x128xi32, #tpu.memory_space<hbm>>
        %dma_start3A_1142 = arith.constant 0 : i32
        %dma_start3A_1143 = tpu.memref_slice %arg3[%add3A, %mul3A_17, %dma_start3A_1142] : memref<32x80x128xi32, #tpu.memory_space<hbm>> -> memref<1x40x128xi32, #tpu.memory_space<hbm>>
        %dma_start3A_1144 = tpu.memref_squeeze %dma_start3A_1143 : memref<1x40x128xi32, #tpu.memory_space<hbm>> -> memref<40x128xi32, #tpu.memory_space<hbm>>
        tpu.enqueue_dma source(%dma_start3A_1144 : memref<40x128xi32, #tpu.memory_space<hbm>>) target(%arg7 : memref<40x128xi32, #tpu.memory_space<vmem>>) target_semaphore(%run_scoped3A : memref<!tpu.dma_semaphore, #tpu.memory_space<semaphore_mem>>)
        %dma_wait3A_1145 = arith.constant 0 : i32
        %dma_wait3A_1146 = tpu.memref_slice %arg3[%add3A, %mul3A_17, %dma_wait3A_1145] : memref<32x80x128xi32, #tpu.memory_space<hbm>> -> memref<1x40x128xi32, #tpu.memory_space<hbm>>
        %dma_wait3A_1147 = tpu.memref_squeeze %dma_wait3A_1146 : memref<1x40x128xi32, #tpu.memory_space<hbm>> -> memref<40x128xi32, #tpu.memory_space<hbm>>
        %dma_wait3A_1148 = arith.constant 0 : i32
        %dma_wait3A_1149 = tpu.memref_slice %arg3[%add3A, %mul3A_17, %dma_wait3A_1148] : memref<32x80x128xi32, #tpu.memory_space<hbm>> -> memref<1x40x128xi32, #tpu.memory_space<hbm>>
        %dma_wait3A_1150 = tpu.memref_squeeze %dma_wait3A_1149 : memref<1x40x128xi32, #tpu.memory_space<hbm>> -> memref<40x128xi32, #tpu.memory_space<hbm>>
        tpu.wait_dma2 semaphore(%run_scoped3A : memref<!tpu.dma_semaphore, #tpu.memory_space<semaphore_mem>>) src(%dma_wait3A_1150 : memref<40x128xi32, #tpu.memory_space<hbm>>) dst(%arg7 : memref<40x128xi32, #tpu.memory_space<vmem>>)
        tpu.yield
      }) : () -> ()
      %mul3A_18 = arith.constant 40 : i32
      %mul3A_19 = arith.muli %scan3A_14, %mul3A_18 : i32
      "tpu.region"() ({
        %run_scoped3A = tpu.sem_alloc : memref<!tpu.dma_semaphore, #tpu.memory_space<semaphore_mem>>
        %dma_start3A_1139 = arith.constant 0 : i32
        %dma_start3A_1140 = tpu.memref_slice %arg4[%add3A, %mul3A_19, %dma_start3A_1139] : memref<32x80x128xi32, #tpu.memory_space<hbm>> -> memref<1x40x128xi32, #tpu.memory_space<hbm>>
        %dma_start3A_1141 = tpu.memref_squeeze %dma_start3A_1140 : memref<1x40x128xi32, #tpu.memory_space<hbm>> -> memref<40x128xi32, #tpu.memory_space<hbm>>
        %dma_start3A_1142 = arith.constant 0 : i32
        %dma_start3A_1143 = tpu.memref_slice %arg4[%add3A, %mul3A_19, %dma_start3A_1142] : memref<32x80x128xi32, #tpu.memory_space<hbm>> -> memref<1x40x128xi32, #tpu.memory_space<hbm>>
        %dma_start3A_1144 = tpu.memref_squeeze %dma_start3A_1143 : memref<1x40x128xi32, #tpu.memory_space<hbm>> -> memref<40x128xi32, #tpu.memory_space<hbm>>
        tpu.enqueue_dma source(%dma_start3A_1144 : memref<40x128xi32, #tpu.memory_space<hbm>>) target(%arg8 : memref<40x128xi32, #tpu.memory_space<vmem>>) target_semaphore(%run_scoped3A : memref<!tpu.dma_semaphore, #tpu.memory_space<semaphore_mem>>)
        %dma_wait3A_1145 = arith.constant 0 : i32
        %dma_wait3A_1146 = tpu.memref_slice %arg4[%add3A, %mul3A_19, %dma_wait3A_1145] : memref<32x80x128xi32, #tpu.memory_space<hbm>> -> memref<1x40x128xi32, #tpu.memory_space<hbm>>
        %dma_wait3A_1147 = tpu.memref_squeeze %dma_wait3A_1146 : memref<1x40x128xi32, #tpu.memory_space<hbm>> -> memref<40x128xi32, #tpu.memory_space<hbm>>
        %dma_wait3A_1148 = arith.constant 0 : i32
        %dma_wait3A_1149 = tpu.memref_slice %arg4[%add3A, %mul3A_19, %dma_wait3A_1148] : memref<32x80x128xi32, #tpu.memory_space<hbm>> -> memref<1x40x128xi32, #tpu.memory_space<hbm>>
        %dma_wait3A_1150 = tpu.memref_squeeze %dma_wait3A_1149 : memref<1x40x128xi32, #tpu.memory_space<hbm>> -> memref<40x128xi32, #tpu.memory_space<hbm>>
        tpu.wait_dma2 semaphore(%run_scoped3A : memref<!tpu.dma_semaphore, #tpu.memory_space<semaphore_mem>>) src(%dma_wait3A_1150 : memref<40x128xi32, #tpu.memory_space<hbm>>) dst(%arg8 : memref<40x128xi32, #tpu.memory_space<vmem>>)
        tpu.yield
      }) : () -> ()
      %dma_start3A = arith.constant 0 : i32
      %dma_start3A_20 = arith.constant 0 : i32
      %dma_start3A_21 = tpu.memref_slice %arg7[%dma_start3A, %dma_start3A_20] : memref<40x128xi32, #tpu.memory_space<vmem>> -> memref<1x128xi32, #tpu.memory_space<vmem>>
      %dma_start3A_22 = tpu.memref_squeeze %dma_start3A_21 : memref<1x128xi32, #tpu.memory_space<vmem>> -> memref<128xi32, #tpu.memory_space<vmem>>
      %dma_start3A_23 = arith.constant 0 : i32
      %dma_start3A_24 = arith.constant 0 : i32
      %dma_start3A_25 = tpu.memref_slice %arg2[%dma_start3A_23, %dma_start3A_24] : memref<10000x128xf32, #tpu.memory_space<hbm>> -> memref<10000x128xf32, #tpu.memory_space<hbm>>
      tpu.enqueue_indirect_dma source(%dma_start3A_25 : memref<10000x128xf32, #tpu.memory_space<hbm>>) target(%arg9 : memref<128x128xf32, #tpu.memory_space<vmem>>) offsets(%dma_start3A_22 : memref<128xi32, #tpu.memory_space<vmem>>) semaphore(%arg13 : memref<!tpu.dma_semaphore, #tpu.memory_space<semaphore_mem>>)
      %dma_start3A_26 = arith.constant 1 : i32
      %dma_start3A_27 = arith.constant 0 : i32
      %dma_start3A_28 = tpu.memref_slice %arg7[%dma_start3A_26, %dma_start3A_27] : memref<40x128xi32, #tpu.memory_space<vmem>> -> memref<1x128xi32, #tpu.memory_space<vmem>>
      %dma_start3A_29 = tpu.memref_squeeze %dma_start3A_28 : memref<1x128xi32, #tpu.memory_space<vmem>> -> memref<128xi32, #tpu.memory_space<vmem>>
      %dma_start3A_30 = arith.constant 0 : i32
      %dma_start3A_31 = arith.constant 0 : i32
      %dma_start3A_32 = tpu.memref_slice %arg2[%dma_start3A_30, %dma_start3A_31] : memref<10000x128xf32, #tpu.memory_space<hbm>> -> memref<10000x128xf32, #tpu.memory_space<hbm>>
      tpu.enqueue_indirect_dma source(%dma_start3A_32 : memref<10000x128xf32, #tpu.memory_space<hbm>>) target(%arg10 : memref<128x128xf32, #tpu.memory_space<vmem>>) offsets(%dma_start3A_29 : memref<128xi32, #tpu.memory_space<vmem>>) semaphore(%arg14 : memref<!tpu.dma_semaphore, #tpu.memory_space<semaphore_mem>>)
      %dma_wait3A = arith.constant 0 : i32
      %dma_wait3A_33 = arith.constant 0 : i32
      %dma_wait3A_34 = tpu.memref_slice %arg7[%dma_wait3A, %dma_wait3A_33] : memref<40x128xi32, #tpu.memory_space<vmem>> -> memref<1x128xi32, #tpu.memory_space<vmem>>
      %dma_wait3A_35 = tpu.memref_squeeze %dma_wait3A_34 : memref<1x128xi32, #tpu.memory_space<vmem>> -> memref<128xi32, #tpu.memory_space<vmem>>
      %dma_wait3A_36 = arith.constant 0 : i32
      %dma_wait3A_37 = arith.constant 0 : i32
      %dma_wait3A_38 = tpu.memref_slice %arg2[%dma_wait3A_36, %dma_wait3A_37] : memref<10000x128xf32, #tpu.memory_space<hbm>> -> memref<10000x128xf32, #tpu.memory_space<hbm>>
      tpu.wait_indirect_dma semaphore(%arg13 : memref<!tpu.dma_semaphore, #tpu.memory_space<semaphore_mem>>) src(%dma_wait3A_38 : memref<10000x128xf32, #tpu.memory_space<hbm>>) dst(%arg9 : memref<128x128xf32, #tpu.memory_space<vmem>>)
      %dma_start3A_39 = arith.constant 0 : i32
      %dma_start3A_40 = arith.constant 0 : i32
      %dma_start3A_41 = tpu.memref_slice %arg8[%dma_start3A_39, %dma_start3A_40] : memref<40x128xi32, #tpu.memory_space<vmem>> -> memref<1x128xi32, #tpu.memory_space<vmem>>
      %dma_start3A_42 = tpu.memref_squeeze %dma_start3A_41 : memref<1x128xi32, #tpu.memory_space<vmem>> -> memref<128xi32, #tpu.memory_space<vmem>>
      %dma_start3A_43 = arith.constant 0 : i32
      %dma_start3A_44 = arith.constant 0 : i32
      %dma_start3A_45 = tpu.memref_slice %arg11[%dma_start3A_43, %dma_start3A_44] : memref<10112x128xf32, #tpu.memory_space<vmem_shared>> -> memref<10112x128xf32, #tpu.memory_space<vmem_shared>>
      tpu.enqueue_indirect_dma source(%arg9 : memref<128x128xf32, #tpu.memory_space<vmem>>) target(%dma_start3A_45 : memref<10112x128xf32, #tpu.memory_space<vmem_shared>>) offsets(%dma_start3A_42 : memref<128xi32, #tpu.memory_space<vmem>>) semaphore(%arg12 : memref<!tpu.dma_semaphore, #tpu.memory_space<semaphore_mem>>) {add = true}
      %dma_wait3A_46 = arith.constant 0 : i32
      %dma_wait3A_47 = arith.constant 0 : i32
      %dma_wait3A_48 = tpu.memref_slice %arg7[%dma_wait3A_46, %dma_wait3A_47] : memref<40x128xi32, #tpu.memory_space<vmem>> -> memref<1x128xi32, #tpu.memory_space<vmem>>
      %dma_wait3A_49 = tpu.memref_squeeze %dma_wait3A_48 : memref<1x128xi32, #tpu.memory_space<vmem>> -> memref<128xi32, #tpu.memory_space<vmem>>
      %dma_wait3A_50 = arith.constant 0 : i32
      %dma_wait3A_51 = arith.constant 0 : i32
      %dma_wait3A_52 = tpu.memref_slice %arg2[%dma_wait3A_50, %dma_wait3A_51] : memref<10000x128xf32, #tpu.memory_space<hbm>> -> memref<10000x128xf32, #tpu.memory_space<hbm>>
      tpu.wait_indirect_dma semaphore(%arg14 : memref<!tpu.dma_semaphore, #tpu.memory_space<semaphore_mem>>) src(%dma_wait3A_52 : memref<10000x128xf32, #tpu.memory_space<hbm>>) dst(%arg10 : memref<128x128xf32, #tpu.memory_space<vmem>>)
      %dma_wait3A_53 = arith.constant 0 : i32
      %dma_wait3A_54 = arith.constant 0 : i32
      %dma_wait3A_55 = tpu.memref_slice %arg7[%dma_wait3A_53, %dma_wait3A_54] : memref<40x128xi32, #tpu.memory_space<vmem>> -> memref<1x128xi32, #tpu.memory_space<vmem>>
      %dma_wait3A_56 = tpu.memref_squeeze %dma_wait3A_55 : memref<1x128xi32, #tpu.memory_space<vmem>> -> memref<128xi32, #tpu.memory_space<vmem>>
      %dma_wait3A_57 = arith.constant 0 : i32
      %dma_wait3A_58 = arith.constant 0 : i32
      %dma_wait3A_59 = tpu.memref_slice %arg2[%dma_wait3A_57, %dma_wait3A_58] : memref<10000x128xf32, #tpu.memory_space<hbm>> -> memref<10000x128xf32, #tpu.memory_space<hbm>>
      tpu.wait_indirect_dma semaphore(%arg12 : memref<!tpu.dma_semaphore, #tpu.memory_space<semaphore_mem>>) src(%dma_wait3A_59 : memref<10000x128xf32, #tpu.memory_space<hbm>>) dst(%arg9 : memref<128x128xf32, #tpu.memory_space<vmem>>)
      %dma_start3A_60 = arith.constant 2 : i32
      %dma_start3A_61 = arith.constant 0 : i32
      %dma_start3A_62 = tpu.memref_slice %arg7[%dma_start3A_60, %dma_start3A_61] : memref<40x128xi32, #tpu.memory_space<vmem>> -> memref<1x128xi32, #tpu.memory_space<vmem>>
      %dma_start3A_63 = tpu.memref_squeeze %dma_start3A_62 : memref<1x128xi32, #tpu.memory_space<vmem>> -> memref<128xi32, #tpu.memory_space<vmem>>
      %dma_start3A_64 = arith.constant 0 : i32
      %dma_start3A_65 = arith.constant 0 : i32
      %dma_start3A_66 = tpu.memref_slice %arg2[%dma_start3A_64, %dma_start3A_65] : memref<10000x128xf32, #tpu.memory_space<hbm>> -> memref<10000x128xf32, #tpu.memory_space<hbm>>
      tpu.enqueue_indirect_dma source(%dma_start3A_66 : memref<10000x128xf32, #tpu.memory_space<hbm>>) target(%arg9 : memref<128x128xf32, #tpu.memory_space<vmem>>) offsets(%dma_start3A_63 : memref<128xi32, #tpu.memory_space<vmem>>) semaphore(%arg13 : memref<!tpu.dma_semaphore, #tpu.memory_space<semaphore_mem>>)
      %dma_start3A_67 = arith.constant 1 : i32
      %dma_start3A_68 = arith.constant 0 : i32
      %dma_start3A_69 = tpu.memref_slice %arg8[%dma_start3A_67, %dma_start3A_68] : memref<40x128xi32, #tpu.memory_space<vmem>> -> memref<1x128xi32, #tpu.memory_space<vmem>>
      %dma_start3A_70 = tpu.memref_squeeze %dma_start3A_69 : memref<1x128xi32, #tpu.memory_space<vmem>> -> memref<128xi32, #tpu.memory_space<vmem>>
      %dma_start3A_71 = arith.constant 0 : i32
      %dma_start3A_72 = arith.constant 0 : i32
      %dma_start3A_73 = tpu.memref_slice %arg11[%dma_start3A_71, %dma_start3A_72] : memref<10112x128xf32, #tpu.memory_space<vmem_shared>> -> memref<10112x128xf32, #tpu.memory_space<vmem_shared>>
      tpu.enqueue_indirect_dma source(%arg10 : memref<128x128xf32, #tpu.memory_space<vmem>>) target(%dma_start3A_73 : memref<10112x128xf32, #tpu.memory_space<vmem_shared>>) offsets(%dma_start3A_70 : memref<128xi32, #tpu.memory_space<vmem>>) semaphore(%arg12 : memref<!tpu.dma_semaphore, #tpu.memory_space<semaphore_mem>>) {add = true}
      %dma_wait3A_74 = arith.constant 0 : i32
      %dma_wait3A_75 = arith.constant 0 : i32
      %dma_wait3A_76 = tpu.memref_slice %arg7[%dma_wait3A_74, %dma_wait3A_75] : memref<40x128xi32, #tpu.memory_space<vmem>> -> memref<1x128xi32, #tpu.memory_space<vmem>>
      %dma_wait3A_77 = tpu.memref_squeeze %dma_wait3A_76 : memref<1x128xi32, #tpu.memory_space<vmem>> -> memref<128xi32, #tpu.memory_space<vmem>>
      %dma_wait3A_78 = arith.constant 0 : i32
      %dma_wait3A_79 = arith.constant 0 : i32
      %dma_wait3A_80 = tpu.memref_slice %arg2[%dma_wait3A_78, %dma_wait3A_79] : memref<10000x128xf32, #tpu.memory_space<hbm>> -> memref<10000x128xf32, #tpu.memory_space<hbm>>
      tpu.wait_indirect_dma semaphore(%arg12 : memref<!tpu.dma_semaphore, #tpu.memory_space<semaphore_mem>>) src(%dma_wait3A_80 : memref<10000x128xf32, #tpu.memory_space<hbm>>) dst(%arg10 : memref<128x128xf32, #tpu.memory_space<vmem>>)
      %dma_start3A_81 = arith.constant 3 : i32
      %dma_start3A_82 = arith.constant 0 : i32
      %dma_start3A_83 = tpu.memref_slice %arg7[%dma_start3A_81, %dma_start3A_82] : memref<40x128xi32, #tpu.memory_space<vmem>> -> memref<1x128xi32, #tpu.memory_space<vmem>>
      %dma_start3A_84 = tpu.memref_squeeze %dma_start3A_83 : memref<1x128xi32, #tpu.memory_space<vmem>> -> memref<128xi32, #tpu.memory_space<vmem>>
      %dma_start3A_85 = arith.constant 0 : i32
      %dma_start3A_86 = arith.constant 0 : i32
      %dma_start3A_87 = tpu.memref_slice %arg2[%dma_start3A_85, %dma_start3A_86] : memref<10000x128xf32, #tpu.memory_space<hbm>> -> memref<10000x128xf32, #tpu.memory_space<hbm>>
      tpu.enqueue_indirect_dma source(%dma_start3A_87 : memref<10000x128xf32, #tpu.memory_space<hbm>>) target(%arg10 : memref<128x128xf32, #tpu.memory_space<vmem>>) offsets(%dma_start3A_84 : memref<128xi32, #tpu.memory_space<vmem>>) semaphore(%arg14 : memref<!tpu.dma_semaphore, #tpu.memory_space<semaphore_mem>>)
      %dma_wait3A_88 = arith.constant 0 : i32
      %dma_wait3A_89 = arith.constant 0 : i32
      %dma_wait3A_90 = tpu.memref_slice %arg7[%dma_wait3A_88, %dma_wait3A_89] : memref<40x128xi32, #tpu.memory_space<vmem>> -> memref<1x128xi32, #tpu.memory_space<vmem>>
      %dma_wait3A_91 = tpu.memref_squeeze %dma_wait3A_90 : memref<1x128xi32, #tpu.memory_space<vmem>> -> memref<128xi32, #tpu.memory_space<vmem>>
      %dma_wait3A_92 = arith.constant 0 : i32
      %dma_wait3A_93 = arith.constant 0 : i32
      %dma_wait3A_94 = tpu.memref_slice %arg2[%dma_wait3A_92, %dma_wait3A_93] : memref<10000x128xf32, #tpu.memory_space<hbm>> -> memref<10000x128xf32, #tpu.memory_space<hbm>>
      tpu.wait_indirect_dma semaphore(%arg13 : memref<!tpu.dma_semaphore, #tpu.memory_space<semaphore_mem>>) src(%dma_wait3A_94 : memref<10000x128xf32, #tpu.memory_space<hbm>>) dst(%arg9 : memref<128x128xf32, #tpu.memory_space<vmem>>)
      %dma_start3A_95 = arith.constant 2 : i32
      %dma_start3A_96 = arith.constant 0 : i32
      %dma_start3A_97 = tpu.memref_slice %arg8[%dma_start3A_95, %dma_start3A_96] : memref<40x128xi32, #tpu.memory_space<vmem>> -> memref<1x128xi32, #tpu.memory_space<vmem>>
      %dma_start3A_98 = tpu.memref_squeeze %dma_start3A_97 : memref<1x128xi32, #tpu.memory_space<vmem>> -> memref<128xi32, #tpu.memory_space<vmem>>
      %dma_start3A_99 = arith.constant 0 : i32
      %dma_start3A_100 = arith.constant 0 : i32
      %dma_start3A_101 = tpu.memref_slice %arg11[%dma_start3A_99, %dma_start3A_100] : memref<10112x128xf32, #tpu.memory_space<vmem_shared>> -> memref<10112x128xf32, #tpu.memory_space<vmem_shared>>
      tpu.enqueue_indirect_dma source(%arg9 : memref<128x128xf32, #tpu.memory_space<vmem>>) target(%dma_start3A_101 : memref<10112x128xf32, #tpu.memory_space<vmem_shared>>) offsets(%dma_start3A_98 : memref<128xi32, #tpu.memory_space<vmem>>) semaphore(%arg12 : memref<!tpu.dma_semaphore, #tpu.memory_space<semaphore_mem>>) {add = true}
      %dma_wait3A_102 = arith.constant 0 : i32
      %dma_wait3A_103 = arith.constant 0 : i32
      %dma_wait3A_104 = tpu.memref_slice %arg7[%dma_wait3A_102, %dma_wait3A_103] : memref<40x128xi32, #tpu.memory_space<vmem>> -> memref<1x128xi32, #tpu.memory_space<vmem>>
      %dma_wait3A_105 = tpu.memref_squeeze %dma_wait3A_104 : memref<1x128xi32, #tpu.memory_space<vmem>> -> memref<128xi32, #tpu.memory_space<vmem>>
      %dma_wait3A_106 = arith.constant 0 : i32
      %dma_wait3A_107 = arith.constant 0 : i32
      %dma_wait3A_108 = tpu.memref_slice %arg2[%dma_wait3A_106, %dma_wait3A_107] : memref<10000x128xf32, #tpu.memory_space<hbm>> -> memref<10000x128xf32, #tpu.memory_space<hbm>>
      tpu.wait_indirect_dma semaphore(%arg14 : memref<!tpu.dma_semaphore, #tpu.memory_space<semaphore_mem>>) src(%dma_wait3A_108 : memref<10000x128xf32, #tpu.memory_space<hbm>>) dst(%arg10 : memref<128x128xf32, #tpu.memory_space<vmem>>)
      %dma_wait3A_109 = arith.constant 0 : i32
      %dma_wait3A_110 = arith.constant 0 : i32
      %dma_wait3A_111 = tpu.memref_slice %arg7[%dma_wait3A_109, %dma_wait3A_110] : memref<40x128xi32, #tpu.memory_space<vmem>> -> memref<1x128xi32, #tpu.memory_space<vmem>>
      %dma_wait3A_112 = tpu.memref_squeeze %dma_wait3A_111 : memref<1x128xi32, #tpu.memory_space<vmem>> -> memref<128xi32, #tpu.memory_space<vmem>>
      %dma_wait3A_113 = arith.constant 0 : i32
      %dma_wait3A_114 = arith.constant 0 : i32
      %dma_wait3A_115 = tpu.memref_slice %arg2[%dma_wait3A_113, %dma_wait3A_114] : memref<10000x128xf32, #tpu.memory_space<hbm>> -> memref<10000x128xf32, #tpu.memory_space<hbm>>
      tpu.wait_indirect_dma semaphore(%arg12 : memref<!tpu.dma_semaphore, #tpu.memory_space<semaphore_mem>>) src(%dma_wait3A_115 : memref<10000x128xf32, #tpu.memory_space<hbm>>) dst(%arg9 : memref<128x128xf32, #tpu.memory_space<vmem>>)
      %dma_start3A_116 = arith.constant 4 : i32
      %dma_start3A_117 = arith.constant 0 : i32
      %dma_start3A_118 = tpu.memref_slice %arg7[%dma_start3A_116, %dma_start3A_117] : memref<40x128xi32, #tpu.memory_space<vmem>> -> memref<1x128xi32, #tpu.memory_space<vmem>>
      %dma_start3A_119 = tpu.memref_squeeze %dma_start3A_118 : memref<1x128xi32, #tpu.memory_space<vmem>> -> memref<128xi32, #tpu.memory_space<vmem>>
      %dma_start3A_120 = arith.constant 0 : i32
      %dma_start3A_121 = arith.constant 0 : i32
      %dma_start3A_122 = tpu.memref_slice %arg2[%dma_start3A_120, %dma_start3A_121] : memref<10000x128xf32, #tpu.memory_space<hbm>> -> memref<10000x128xf32, #tpu.memory_space<hbm>>
      tpu.enqueue_indirect_dma source(%dma_start3A_122 : memref<10000x128xf32, #tpu.memory_space<hbm>>) target(%arg9 : memref<128x128xf32, #tpu.memory_space<vmem>>) offsets(%dma_start3A_119 : memref<128xi32, #tpu.memory_space<vmem>>) semaphore(%arg13 : memref<!tpu.dma_semaphore, #tpu.memory_space<semaphore_mem>>)
      %dma_start3A_123 = arith.constant 3 : i32
      %dma_start3A_124 = arith.constant 0 : i32
      %dma_start3A_125 = tpu.memref_slice %arg8[%dma_start3A_123, %dma_start3A_124] : memref<40x128xi32, #tpu.memory_space<vmem>> -> memref<1x128xi32, #tpu.memory_space<vmem>>
      %dma_start3A_126 = tpu.memref_squeeze %dma_start3A_125 : memref<1x128xi32, #tpu.memory_space<vmem>> -> memref<128xi32, #tpu.memory_space<vmem>>
      %dma_start3A_127 = arith.constant 0 : i32
      %dma_start3A_128 = arith.constant 0 : i32
      %dma_start3A_129 = tpu.memref_slice %arg11[%dma_start3A_127, %dma_start3A_128] : memref<10112x128xf32, #tpu.memory_space<vmem_shared>> -> memref<10112x128xf32, #tpu.memory_space<vmem_shared>>
      tpu.enqueue_indirect_dma source(%arg10 : memref<128x128xf32, #tpu.memory_space<vmem>>) target(%dma_start3A_129 : memref<10112x128xf32, #tpu.memory_space<vmem_shared>>) offsets(%dma_start3A_126 : memref<128xi32, #tpu.memory_space<vmem>>) semaphore(%arg12 : memref<!tpu.dma_semaphore, #tpu.memory_space<semaphore_mem>>) {add = true}
      %dma_wait3A_130 = arith.constant 0 : i32
      %dma_wait3A_131 = arith.constant 0 : i32
      %dma_wait3A_132 = tpu.memref_slice %arg7[%dma_wait3A_130, %dma_wait3A_131] : memref<40x128xi32, #tpu.memory_space<vmem>> -> memref<1x128xi32, #tpu.memory_space<vmem>>
      %dma_wait3A_133 = tpu.memref_squeeze %dma_wait3A_132 : memref<1x128xi32, #tpu.memory_space<vmem>> -> memref<128xi32, #tpu.memory_space<vmem>>
      %dma_wait3A_134 = arith.constant 0 : i32
      %dma_wait3A_135 = arith.constant 0 : i32
      %dma_wait3A_136 = tpu.memref_slice %arg2[%dma_wait3A_134, %dma_wait3A_135] : memref<10000x128xf32, #tpu.memory_space<hbm>> -> memref<10000x128xf32, #tpu.memory_space<hbm>>
      tpu.wait_indirect_dma semaphore(%arg12 : memref<!tpu.dma_semaphore, #tpu.memory_space<semaphore_mem>>) src(%dma_wait3A_136 : memref<10000x128xf32, #tpu.memory_space<hbm>>) dst(%arg10 : memref<128x128xf32, #tpu.memory_space<vmem>>)
      %dma_start3A_137 = arith.constant 5 : i32
      %dma_start3A_138 = arith.constant 0 : i32
      %dma_start3A_139 = tpu.memref_slice %arg7[%dma_start3A_137, %dma_start3A_138] : memref<40x128xi32, #tpu.memory_space<vmem>> -> memref<1x128xi32, #tpu.memory_space<vmem>>
      %dma_start3A_140 = tpu.memref_squeeze %dma_start3A_139 : memref<1x128xi32, #tpu.memory_space<vmem>> -> memref<128xi32, #tpu.memory_space<vmem>>
      %dma_start3A_141 = arith.constant 0 : i32
      %dma_start3A_142 = arith.constant 0 : i32
      %dma_start3A_143 = tpu.memref_slice %arg2[%dma_start3A_141, %dma_start3A_142] : memref<10000x128xf32, #tpu.memory_space<hbm>> -> memref<10000x128xf32, #tpu.memory_space<hbm>>
      tpu.enqueue_indirect_dma source(%dma_start3A_143 : memref<10000x128xf32, #tpu.memory_space<hbm>>) target(%arg10 : memref<128x128xf32, #tpu.memory_space<vmem>>) offsets(%dma_start3A_140 : memref<128xi32, #tpu.memory_space<vmem>>) semaphore(%arg14 : memref<!tpu.dma_semaphore, #tpu.memory_space<semaphore_mem>>)
      %dma_wait3A_144 = arith.constant 0 : i32
      %dma_wait3A_145 = arith.constant 0 : i32
      %dma_wait3A_146 = tpu.memref_slice %arg7[%dma_wait3A_144, %dma_wait3A_145] : memref<40x128xi32, #tpu.memory_space<vmem>> -> memref<1x128xi32, #tpu.memory_space<vmem>>
      %dma_wait3A_147 = tpu.memref_squeeze %dma_wait3A_146 : memref<1x128xi32, #tpu.memory_space<vmem>> -> memref<128xi32, #tpu.memory_space<vmem>>
      %dma_wait3A_148 = arith.constant 0 : i32
      %dma_wait3A_149 = arith.constant 0 : i32
      %dma_wait3A_150 = tpu.memref_slice %arg2[%dma_wait3A_148, %dma_wait3A_149] : memref<10000x128xf32, #tpu.memory_space<hbm>> -> memref<10000x128xf32, #tpu.memory_space<hbm>>
      tpu.wait_indirect_dma semaphore(%arg13 : memref<!tpu.dma_semaphore, #tpu.memory_space<semaphore_mem>>) src(%dma_wait3A_150 : memref<10000x128xf32, #tpu.memory_space<hbm>>) dst(%arg9 : memref<128x128xf32, #tpu.memory_space<vmem>>)
      %dma_start3A_151 = arith.constant 4 : i32
      %dma_start3A_152 = arith.constant 0 : i32
      %dma_start3A_153 = tpu.memref_slice %arg8[%dma_start3A_151, %dma_start3A_152] : memref<40x128xi32, #tpu.memory_space<vmem>> -> memref<1x128xi32, #tpu.memory_space<vmem>>
      %dma_start3A_154 = tpu.memref_squeeze %dma_start3A_153 : memref<1x128xi32, #tpu.memory_space<vmem>> -> memref<128xi32, #tpu.memory_space<vmem>>
      %dma_start3A_155 = arith.constant 0 : i32
      %dma_start3A_156 = arith.constant 0 : i32
      %dma_start3A_157 = tpu.memref_slice %arg11[%dma_start3A_155, %dma_start3A_156] : memref<10112x128xf32, #tpu.memory_space<vmem_shared>> -> memref<10112x128xf32, #tpu.memory_space<vmem_shared>>
      tpu.enqueue_indirect_dma source(%arg9 : memref<128x128xf32, #tpu.memory_space<vmem>>) target(%dma_start3A_157 : memref<10112x128xf32, #tpu.memory_space<vmem_shared>>) offsets(%dma_start3A_154 : memref<128xi32, #tpu.memory_space<vmem>>) semaphore(%arg12 : memref<!tpu.dma_semaphore, #tpu.memory_space<semaphore_mem>>) {add = true}
      %dma_wait3A_158 = arith.constant 0 : i32
      %dma_wait3A_159 = arith.constant 0 : i32
      %dma_wait3A_160 = tpu.memref_slice %arg7[%dma_wait3A_158, %dma_wait3A_159] : memref<40x128xi32, #tpu.memory_space<vmem>> -> memref<1x128xi32, #tpu.memory_space<vmem>>
      %dma_wait3A_161 = tpu.memref_squeeze %dma_wait3A_160 : memref<1x128xi32, #tpu.memory_space<vmem>> -> memref<128xi32, #tpu.memory_space<vmem>>
      %dma_wait3A_162 = arith.constant 0 : i32
      %dma_wait3A_163 = arith.constant 0 : i32
      %dma_wait3A_164 = tpu.memref_slice %arg2[%dma_wait3A_162, %dma_wait3A_163] : memref<10000x128xf32, #tpu.memory_space<hbm>> -> memref<10000x128xf32, #tpu.memory_space<hbm>>
      tpu.wait_indirect_dma semaphore(%arg14 : memref<!tpu.dma_semaphore, #tpu.memory_space<semaphore_mem>>) src(%dma_wait3A_164 : memref<10000x128xf32, #tpu.memory_space<hbm>>) dst(%arg10 : memref<128x128xf32, #tpu.memory_space<vmem>>)
      %dma_wait3A_165 = arith.constant 0 : i32
      %dma_wait3A_166 = arith.constant 0 : i32
      %dma_wait3A_167 = tpu.memref_slice %arg7[%dma_wait3A_165, %dma_wait3A_166] : memref<40x128xi32, #tpu.memory_space<vmem>> -> memref<1x128xi32, #tpu.memory_space<vmem>>
      %dma_wait3A_168 = tpu.memref_squeeze %dma_wait3A_167 : memref<1x128xi32, #tpu.memory_space<vmem>> -> memref<128xi32, #tpu.memory_space<vmem>>
      %dma_wait3A_169 = arith.constant 0 : i32
      %dma_wait3A_170 = arith.constant 0 : i32
      %dma_wait3A_171 = tpu.memref_slice %arg2[%dma_wait3A_169, %dma_wait3A_170] : memref<10000x128xf32, #tpu.memory_space<hbm>> -> memref<10000x128xf32, #tpu.memory_space<hbm>>
      tpu.wait_indirect_dma semaphore(%arg12 : memref<!tpu.dma_semaphore, #tpu.memory_space<semaphore_mem>>) src(%dma_wait3A_171 : memref<10000x128xf32, #tpu.memory_space<hbm>>) dst(%arg9 : memref<128x128xf32, #tpu.memory_space<vmem>>)
      %dma_start3A_172 = arith.constant 6 : i32
      %dma_start3A_173 = arith.constant 0 : i32
      %dma_start3A_174 = tpu.memref_slice %arg7[%dma_start3A_172, %dma_start3A_173] : memref<40x128xi32, #tpu.memory_space<vmem>> -> memref<1x128xi32, #tpu.memory_space<vmem>>
      %dma_start3A_175 = tpu.memref_squeeze %dma_start3A_174 : memref<1x128xi32, #tpu.memory_space<vmem>> -> memref<128xi32, #tpu.memory_space<vmem>>
      %dma_start3A_176 = arith.constant 0 : i32
      %dma_start3A_177 = arith.constant 0 : i32
      %dma_start3A_178 = tpu.memref_slice %arg2[%dma_start3A_176, %dma_start3A_177] : memref<10000x128xf32, #tpu.memory_space<hbm>> -> memref<10000x128xf32, #tpu.memory_space<hbm>>
      tpu.enqueue_indirect_dma source(%dma_start3A_178 : memref<10000x128xf32, #tpu.memory_space<hbm>>) target(%arg9 : memref<128x128xf32, #tpu.memory_space<vmem>>) offsets(%dma_start3A_175 : memref<128xi32, #tpu.memory_space<vmem>>) semaphore(%arg13 : memref<!tpu.dma_semaphore, #tpu.memory_space<semaphore_mem>>)
      %dma_start3A_179 = arith.constant 5 : i32
      %dma_start3A_180 = arith.constant 0 : i32
      %dma_start3A_181 = tpu.memref_slice %arg8[%dma_start3A_179, %dma_start3A_180] : memref<40x128xi32, #tpu.memory_space<vmem>> -> memref<1x128xi32, #tpu.memory_space<vmem>>
      %dma_start3A_182 = tpu.memref_squeeze %dma_start3A_181 : memref<1x128xi32, #tpu.memory_space<vmem>> -> memref<128xi32, #tpu.memory_space<vmem>>
      %dma_start3A_183 = arith.constant 0 : i32
      %dma_start3A_184 = arith.constant 0 : i32
      %dma_start3A_185 = tpu.memref_slice %arg11[%dma_start3A_183, %dma_start3A_184] : memref<10112x128xf32, #tpu.memory_space<vmem_shared>> -> memref<10112x128xf32, #tpu.memory_space<vmem_shared>>
      tpu.enqueue_indirect_dma source(%arg10 : memref<128x128xf32, #tpu.memory_space<vmem>>) target(%dma_start3A_185 : memref<10112x128xf32, #tpu.memory_space<vmem_shared>>) offsets(%dma_start3A_182 : memref<128xi32, #tpu.memory_space<vmem>>) semaphore(%arg12 : memref<!tpu.dma_semaphore, #tpu.memory_space<semaphore_mem>>) {add = true}
      %dma_wait3A_186 = arith.constant 0 : i32
      %dma_wait3A_187 = arith.constant 0 : i32
      %dma_wait3A_188 = tpu.memref_slice %arg7[%dma_wait3A_186, %dma_wait3A_187] : memref<40x128xi32, #tpu.memory_space<vmem>> -> memref<1x128xi32, #tpu.memory_space<vmem>>
      %dma_wait3A_189 = tpu.memref_squeeze %dma_wait3A_188 : memref<1x128xi32, #tpu.memory_space<vmem>> -> memref<128xi32, #tpu.memory_space<vmem>>
      %dma_wait3A_190 = arith.constant 0 : i32
      %dma_wait3A_191 = arith.constant 0 : i32
      %dma_wait3A_192 = tpu.memref_slice %arg2[%dma_wait3A_190, %dma_wait3A_191] : memref<10000x128xf32, #tpu.memory_space<hbm>> -> memref<10000x128xf32, #tpu.memory_space<hbm>>
      tpu.wait_indirect_dma semaphore(%arg12 : memref<!tpu.dma_semaphore, #tpu.memory_space<semaphore_mem>>) src(%dma_wait3A_192 : memref<10000x128xf32, #tpu.memory_space<hbm>>) dst(%arg10 : memref<128x128xf32, #tpu.memory_space<vmem>>)
      %dma_start3A_193 = arith.constant 7 : i32
      %dma_start3A_194 = arith.constant 0 : i32
      %dma_start3A_195 = tpu.memref_slice %arg7[%dma_start3A_193, %dma_start3A_194] : memref<40x128xi32, #tpu.memory_space<vmem>> -> memref<1x128xi32, #tpu.memory_space<vmem>>
      %dma_start3A_196 = tpu.memref_squeeze %dma_start3A_195 : memref<1x128xi32, #tpu.memory_space<vmem>> -> memref<128xi32, #tpu.memory_space<vmem>>
      %dma_start3A_197 = arith.constant 0 : i32
      %dma_start3A_198 = arith.constant 0 : i32
      %dma_start3A_199 = tpu.memref_slice %arg2[%dma_start3A_197, %dma_start3A_198] : memref<10000x128xf32, #tpu.memory_space<hbm>> -> memref<10000x128xf32, #tpu.memory_space<hbm>>
      tpu.enqueue_indirect_dma source(%dma_start3A_199 : memref<10000x128xf32, #tpu.memory_space<hbm>>) target(%arg10 : memref<128x128xf32, #tpu.memory_space<vmem>>) offsets(%dma_start3A_196 : memref<128xi32, #tpu.memory_space<vmem>>) semaphore(%arg14 : memref<!tpu.dma_semaphore, #tpu.memory_space<semaphore_mem>>)
      %dma_wait3A_200 = arith.constant 0 : i32
      %dma_wait3A_201 = arith.constant 0 : i32
      %dma_wait3A_202 = tpu.memref_slice %arg7[%dma_wait3A_200, %dma_wait3A_201] : memref<40x128xi32, #tpu.memory_space<vmem>> -> memref<1x128xi32, #tpu.memory_space<vmem>>
      %dma_wait3A_203 = tpu.memref_squeeze %dma_wait3A_202 : memref<1x128xi32, #tpu.memory_space<vmem>> -> memref<128xi32, #tpu.memory_space<vmem>>
      %dma_wait3A_204 = arith.constant 0 : i32
      %dma_wait3A_205 = arith.constant 0 : i32
      %dma_wait3A_206 = tpu.memref_slice %arg2[%dma_wait3A_204, %dma_wait3A_205] : memref<10000x128xf32, #tpu.memory_space<hbm>> -> memref<10000x128xf32, #tpu.memory_space<hbm>>
      tpu.wait_indirect_dma semaphore(%arg13 : memref<!tpu.dma_semaphore, #tpu.memory_space<semaphore_mem>>) src(%dma_wait3A_206 : memref<10000x128xf32, #tpu.memory_space<hbm>>) dst(%arg9 : memref<128x128xf32, #tpu.memory_space<vmem>>)
      %dma_start3A_207 = arith.constant 6 : i32
      %dma_start3A_208 = arith.constant 0 : i32
      %dma_start3A_209 = tpu.memref_slice %arg8[%dma_start3A_207, %dma_start3A_208] : memref<40x128xi32, #tpu.memory_space<vmem>> -> memref<1x128xi32, #tpu.memory_space<vmem>>
      %dma_start3A_210 = tpu.memref_squeeze %dma_start3A_209 : memref<1x128xi32, #tpu.memory_space<vmem>> -> memref<128xi32, #tpu.memory_space<vmem>>
      %dma_start3A_211 = arith.constant 0 : i32
      %dma_start3A_212 = arith.constant 0 : i32
      %dma_start3A_213 = tpu.memref_slice %arg11[%dma_start3A_211, %dma_start3A_212] : memref<10112x128xf32, #tpu.memory_space<vmem_shared>> -> memref<10112x128xf32, #tpu.memory_space<vmem_shared>>
      tpu.enqueue_indirect_dma source(%arg9 : memref<128x128xf32, #tpu.memory_space<vmem>>) target(%dma_start3A_213 : memref<10112x128xf32, #tpu.memory_space<vmem_shared>>) offsets(%dma_start3A_210 : memref<128xi32, #tpu.memory_space<vmem>>) semaphore(%arg12 : memref<!tpu.dma_semaphore, #tpu.memory_space<semaphore_mem>>) {add = true}
      %dma_wait3A_214 = arith.constant 0 : i32
      %dma_wait3A_215 = arith.constant 0 : i32
      %dma_wait3A_216 = tpu.memref_slice %arg7[%dma_wait3A_214, %dma_wait3A_215] : memref<40x128xi32, #tpu.memory_space<vmem>> -> memref<1x128xi32, #tpu.memory_space<vmem>>
      %dma_wait3A_217 = tpu.memref_squeeze %dma_wait3A_216 : memref<1x128xi32, #tpu.memory_space<vmem>> -> memref<128xi32, #tpu.memory_space<vmem>>
      %dma_wait3A_218 = arith.constant 0 : i32
      %dma_wait3A_219 = arith.constant 0 : i32
      %dma_wait3A_220 = tpu.memref_slice %arg2[%dma_wait3A_218, %dma_wait3A_219] : memref<10000x128xf32, #tpu.memory_space<hbm>> -> memref<10000x128xf32, #tpu.memory_space<hbm>>
      tpu.wait_indirect_dma semaphore(%arg14 : memref<!tpu.dma_semaphore, #tpu.memory_space<semaphore_mem>>) src(%dma_wait3A_220 : memref<10000x128xf32, #tpu.memory_space<hbm>>) dst(%arg10 : memref<128x128xf32, #tpu.memory_space<vmem>>)
      %dma_wait3A_221 = arith.constant 0 : i32
      %dma_wait3A_222 = arith.constant 0 : i32
      %dma_wait3A_223 = tpu.memref_slice %arg7[%dma_wait3A_221, %dma_wait3A_222] : memref<40x128xi32, #tpu.memory_space<vmem>> -> memref<1x128xi32, #tpu.memory_space<vmem>>
      %dma_wait3A_224 = tpu.memref_squeeze %dma_wait3A_223 : memref<1x128xi32, #tpu.memory_space<vmem>> -> memref<128xi32, #tpu.memory_space<vmem>>
      %dma_wait3A_225 = arith.constant 0 : i32
      %dma_wait3A_226 = arith.constant 0 : i32
      %dma_wait3A_227 = tpu.memref_slice %arg2[%dma_wait3A_225, %dma_wait3A_226] : memref<10000x128xf32, #tpu.memory_space<hbm>> -> memref<10000x128xf32, #tpu.memory_space<hbm>>
      tpu.wait_indirect_dma semaphore(%arg12 : memref<!tpu.dma_semaphore, #tpu.memory_space<semaphore_mem>>) src(%dma_wait3A_227 : memref<10000x128xf32, #tpu.memory_space<hbm>>) dst(%arg9 : memref<128x128xf32, #tpu.memory_space<vmem>>)
      %dma_start3A_228 = arith.constant 8 : i32
      %dma_start3A_229 = arith.constant 0 : i32
      %dma_start3A_230 = tpu.memref_slice %arg7[%dma_start3A_228, %dma_start3A_229] : memref<40x128xi32, #tpu.memory_space<vmem>> -> memref<1x128xi32, #tpu.memory_space<vmem>>
      %dma_start3A_231 = tpu.memref_squeeze %dma_start3A_230 : memref<1x128xi32, #tpu.memory_space<vmem>> -> memref<128xi32, #tpu.memory_space<vmem>>
      %dma_start3A_232 = arith.constant 0 : i32
      %dma_start3A_233 = arith.constant 0 : i32
      %dma_start3A_234 = tpu.memref_slice %arg2[%dma_start3A_232, %dma_start3A_233] : memref<10000x128xf32, #tpu.memory_space<hbm>> -> memref<10000x128xf32, #tpu.memory_space<hbm>>
      tpu.enqueue_indirect_dma source(%dma_start3A_234 : memref<10000x128xf32, #tpu.memory_space<hbm>>) target(%arg9 : memref<128x128xf32, #tpu.memory_space<vmem>>) offsets(%dma_start3A_231 : memref<128xi32, #tpu.memory_space<vmem>>) semaphore(%arg13 : memref<!tpu.dma_semaphore, #tpu.memory_space<semaphore_mem>>)
      %dma_start3A_235 = arith.constant 7 : i32
      %dma_start3A_236 = arith.constant 0 : i32
      %dma_start3A_237 = tpu.memref_slice %arg8[%dma_start3A_235, %dma_start3A_236] : memref<40x128xi32, #tpu.memory_space<vmem>> -> memref<1x128xi32, #tpu.memory_space<vmem>>
      %dma_start3A_238 = tpu.memref_squeeze %dma_start3A_237 : memref<1x128xi32, #tpu.memory_space<vmem>> -> memref<128xi32, #tpu.memory_space<vmem>>
      %dma_start3A_239 = arith.constant 0 : i32
      %dma_start3A_240 = arith.constant 0 : i32
      %dma_start3A_241 = tpu.memref_slice %arg11[%dma_start3A_239, %dma_start3A_240] : memref<10112x128xf32, #tpu.memory_space<vmem_shared>> -> memref<10112x128xf32, #tpu.memory_space<vmem_shared>>
      tpu.enqueue_indirect_dma source(%arg10 : memref<128x128xf32, #tpu.memory_space<vmem>>) target(%dma_start3A_241 : memref<10112x128xf32, #tpu.memory_space<vmem_shared>>) offsets(%dma_start3A_238 : memref<128xi32, #tpu.memory_space<vmem>>) semaphore(%arg12 : memref<!tpu.dma_semaphore, #tpu.memory_space<semaphore_mem>>) {add = true}
      %dma_wait3A_242 = arith.constant 0 : i32
      %dma_wait3A_243 = arith.constant 0 : i32
      %dma_wait3A_244 = tpu.memref_slice %arg7[%dma_wait3A_242, %dma_wait3A_243] : memref<40x128xi32, #tpu.memory_space<vmem>> -> memref<1x128xi32, #tpu.memory_space<vmem>>
      %dma_wait3A_245 = tpu.memref_squeeze %dma_wait3A_244 : memref<1x128xi32, #tpu.memory_space<vmem>> -> memref<128xi32, #tpu.memory_space<vmem>>
      %dma_wait3A_246 = arith.constant 0 : i32
      %dma_wait3A_247 = arith.constant 0 : i32
      %dma_wait3A_248 = tpu.memref_slice %arg2[%dma_wait3A_246, %dma_wait3A_247] : memref<10000x128xf32, #tpu.memory_space<hbm>> -> memref<10000x128xf32, #tpu.memory_space<hbm>>
      tpu.wait_indirect_dma semaphore(%arg12 : memref<!tpu.dma_semaphore, #tpu.memory_space<semaphore_mem>>) src(%dma_wait3A_248 : memref<10000x128xf32, #tpu.memory_space<hbm>>) dst(%arg10 : memref<128x128xf32, #tpu.memory_space<vmem>>)
      %dma_start3A_249 = arith.constant 9 : i32
      %dma_start3A_250 = arith.constant 0 : i32
      %dma_start3A_251 = tpu.memref_slice %arg7[%dma_start3A_249, %dma_start3A_250] : memref<40x128xi32, #tpu.memory_space<vmem>> -> memref<1x128xi32, #tpu.memory_space<vmem>>
      %dma_start3A_252 = tpu.memref_squeeze %dma_start3A_251 : memref<1x128xi32, #tpu.memory_space<vmem>> -> memref<128xi32, #tpu.memory_space<vmem>>
      %dma_start3A_253 = arith.constant 0 : i32
      %dma_start3A_254 = arith.constant 0 : i32
      %dma_start3A_255 = tpu.memref_slice %arg2[%dma_start3A_253, %dma_start3A_254] : memref<10000x128xf32, #tpu.memory_space<hbm>> -> memref<10000x128xf32, #tpu.memory_space<hbm>>
      tpu.enqueue_indirect_dma source(%dma_start3A_255 : memref<10000x128xf32, #tpu.memory_space<hbm>>) target(%arg10 : memref<128x128xf32, #tpu.memory_space<vmem>>) offsets(%dma_start3A_252 : memref<128xi32, #tpu.memory_space<vmem>>) semaphore(%arg14 : memref<!tpu.dma_semaphore, #tpu.memory_space<semaphore_mem>>)
      %dma_wait3A_256 = arith.constant 0 : i32
      %dma_wait3A_257 = arith.constant 0 : i32
      %dma_wait3A_258 = tpu.memref_slice %arg7[%dma_wait3A_256, %dma_wait3A_257] : memref<40x128xi32, #tpu.memory_space<vmem>> -> memref<1x128xi32, #tpu.memory_space<vmem>>
      %dma_wait3A_259 = tpu.memref_squeeze %dma_wait3A_258 : memref<1x128xi32, #tpu.memory_space<vmem>> -> memref<128xi32, #tpu.memory_space<vmem>>
      %dma_wait3A_260 = arith.constant 0 : i32
      %dma_wait3A_261 = arith.constant 0 : i32
      %dma_wait3A_262 = tpu.memref_slice %arg2[%dma_wait3A_260, %dma_wait3A_261] : memref<10000x128xf32, #tpu.memory_space<hbm>> -> memref<10000x128xf32, #tpu.memory_space<hbm>>
      tpu.wait_indirect_dma semaphore(%arg13 : memref<!tpu.dma_semaphore, #tpu.memory_space<semaphore_mem>>) src(%dma_wait3A_262 : memref<10000x128xf32, #tpu.memory_space<hbm>>) dst(%arg9 : memref<128x128xf32, #tpu.memory_space<vmem>>)
      %dma_start3A_263 = arith.constant 8 : i32
      %dma_start3A_264 = arith.constant 0 : i32
      %dma_start3A_265 = tpu.memref_slice %arg8[%dma_start3A_263, %dma_start3A_264] : memref<40x128xi32, #tpu.memory_space<vmem>> -> memref<1x128xi32, #tpu.memory_space<vmem>>
      %dma_start3A_266 = tpu.memref_squeeze %dma_start3A_265 : memref<1x128xi32, #tpu.memory_space<vmem>> -> memref<128xi32, #tpu.memory_space<vmem>>
      %dma_start3A_267 = arith.constant 0 : i32
      %dma_start3A_268 = arith.constant 0 : i32
      %dma_start3A_269 = tpu.memref_slice %arg11[%dma_start3A_267, %dma_start3A_268] : memref<10112x128xf32, #tpu.memory_space<vmem_shared>> -> memref<10112x128xf32, #tpu.memory_space<vmem_shared>>
      tpu.enqueue_indirect_dma source(%arg9 : memref<128x128xf32, #tpu.memory_space<vmem>>) target(%dma_start3A_269 : memref<10112x128xf32, #tpu.memory_space<vmem_shared>>) offsets(%dma_start3A_266 : memref<128xi32, #tpu.memory_space<vmem>>) semaphore(%arg12 : memref<!tpu.dma_semaphore, #tpu.memory_space<semaphore_mem>>) {add = true}
      %dma_wait3A_270 = arith.constant 0 : i32
      %dma_wait3A_271 = arith.constant 0 : i32
      %dma_wait3A_272 = tpu.memref_slice %arg7[%dma_wait3A_270, %dma_wait3A_271] : memref<40x128xi32, #tpu.memory_space<vmem>> -> memref<1x128xi32, #tpu.memory_space<vmem>>
      %dma_wait3A_273 = tpu.memref_squeeze %dma_wait3A_272 : memref<1x128xi32, #tpu.memory_space<vmem>> -> memref<128xi32, #tpu.memory_space<vmem>>
      %dma_wait3A_274 = arith.constant 0 : i32
      %dma_wait3A_275 = arith.constant 0 : i32
      %dma_wait3A_276 = tpu.memref_slice %arg2[%dma_wait3A_274, %dma_wait3A_275] : memref<10000x128xf32, #tpu.memory_space<hbm>> -> memref<10000x128xf32, #tpu.memory_space<hbm>>
      tpu.wait_indirect_dma semaphore(%arg14 : memref<!tpu.dma_semaphore, #tpu.memory_space<semaphore_mem>>) src(%dma_wait3A_276 : memref<10000x128xf32, #tpu.memory_space<hbm>>) dst(%arg10 : memref<128x128xf32, #tpu.memory_space<vmem>>)
      %dma_wait3A_277 = arith.constant 0 : i32
      %dma_wait3A_278 = arith.constant 0 : i32
      %dma_wait3A_279 = tpu.memref_slice %arg7[%dma_wait3A_277, %dma_wait3A_278] : memref<40x128xi32, #tpu.memory_space<vmem>> -> memref<1x128xi32, #tpu.memory_space<vmem>>
      %dma_wait3A_280 = tpu.memref_squeeze %dma_wait3A_279 : memref<1x128xi32, #tpu.memory_space<vmem>> -> memref<128xi32, #tpu.memory_space<vmem>>
      %dma_wait3A_281 = arith.constant 0 : i32
      %dma_wait3A_282 = arith.constant 0 : i32
      %dma_wait3A_283 = tpu.memref_slice %arg2[%dma_wait3A_281, %dma_wait3A_282] : memref<10000x128xf32, #tpu.memory_space<hbm>> -> memref<10000x128xf32, #tpu.memory_space<hbm>>
      tpu.wait_indirect_dma semaphore(%arg12 : memref<!tpu.dma_semaphore, #tpu.memory_space<semaphore_mem>>) src(%dma_wait3A_283 : memref<10000x128xf32, #tpu.memory_space<hbm>>) dst(%arg9 : memref<128x128xf32, #tpu.memory_space<vmem>>)
      %dma_start3A_284 = arith.constant 10 : i32
      %dma_start3A_285 = arith.constant 0 : i32
      %dma_start3A_286 = tpu.memref_slice %arg7[%dma_start3A_284, %dma_start3A_285] : memref<40x128xi32, #tpu.memory_space<vmem>> -> memref<1x128xi32, #tpu.memory_space<vmem>>
      %dma_start3A_287 = tpu.memref_squeeze %dma_start3A_286 : memref<1x128xi32, #tpu.memory_space<vmem>> -> memref<128xi32, #tpu.memory_space<vmem>>
      %dma_start3A_288 = arith.constant 0 : i32
      %dma_start3A_289 = arith.constant 0 : i32
      %dma_start3A_290 = tpu.memref_slice %arg2[%dma_start3A_288, %dma_start3A_289] : memref<10000x128xf32, #tpu.memory_space<hbm>> -> memref<10000x128xf32, #tpu.memory_space<hbm>>
      tpu.enqueue_indirect_dma source(%dma_start3A_290 : memref<10000x128xf32, #tpu.memory_space<hbm>>) target(%arg9 : memref<128x128xf32, #tpu.memory_space<vmem>>) offsets(%dma_start3A_287 : memref<128xi32, #tpu.memory_space<vmem>>) semaphore(%arg13 : memref<!tpu.dma_semaphore, #tpu.memory_space<semaphore_mem>>)
      %dma_start3A_291 = arith.constant 9 : i32
      %dma_start3A_292 = arith.constant 0 : i32
      %dma_start3A_293 = tpu.memref_slice %arg8[%dma_start3A_291, %dma_start3A_292] : memref<40x128xi32, #tpu.memory_space<vmem>> -> memref<1x128xi32, #tpu.memory_space<vmem>>
      %dma_start3A_294 = tpu.memref_squeeze %dma_start3A_293 : memref<1x128xi32, #tpu.memory_space<vmem>> -> memref<128xi32, #tpu.memory_space<vmem>>
      %dma_start3A_295 = arith.constant 0 : i32
      %dma_start3A_296 = arith.constant 0 : i32
      %dma_start3A_297 = tpu.memref_slice %arg11[%dma_start3A_295, %dma_start3A_296] : memref<10112x128xf32, #tpu.memory_space<vmem_shared>> -> memref<10112x128xf32, #tpu.memory_space<vmem_shared>>
      tpu.enqueue_indirect_dma source(%arg10 : memref<128x128xf32, #tpu.memory_space<vmem>>) target(%dma_start3A_297 : memref<10112x128xf32, #tpu.memory_space<vmem_shared>>) offsets(%dma_start3A_294 : memref<128xi32, #tpu.memory_space<vmem>>) semaphore(%arg12 : memref<!tpu.dma_semaphore, #tpu.memory_space<semaphore_mem>>) {add = true}
      %dma_wait3A_298 = arith.constant 0 : i32
      %dma_wait3A_299 = arith.constant 0 : i32
      %dma_wait3A_300 = tpu.memref_slice %arg7[%dma_wait3A_298, %dma_wait3A_299] : memref<40x128xi32, #tpu.memory_space<vmem>> -> memref<1x128xi32, #tpu.memory_space<vmem>>
      %dma_wait3A_301 = tpu.memref_squeeze %dma_wait3A_300 : memref<1x128xi32, #tpu.memory_space<vmem>> -> memref<128xi32, #tpu.memory_space<vmem>>
      %dma_wait3A_302 = arith.constant 0 : i32
      %dma_wait3A_303 = arith.constant 0 : i32
      %dma_wait3A_304 = tpu.memref_slice %arg2[%dma_wait3A_302, %dma_wait3A_303] : memref<10000x128xf32, #tpu.memory_space<hbm>> -> memref<10000x128xf32, #tpu.memory_space<hbm>>
      tpu.wait_indirect_dma semaphore(%arg12 : memref<!tpu.dma_semaphore, #tpu.memory_space<semaphore_mem>>) src(%dma_wait3A_304 : memref<10000x128xf32, #tpu.memory_space<hbm>>) dst(%arg10 : memref<128x128xf32, #tpu.memory_space<vmem>>)
      %dma_start3A_305 = arith.constant 11 : i32
      %dma_start3A_306 = arith.constant 0 : i32
      %dma_start3A_307 = tpu.memref_slice %arg7[%dma_start3A_305, %dma_start3A_306] : memref<40x128xi32, #tpu.memory_space<vmem>> -> memref<1x128xi32, #tpu.memory_space<vmem>>
      %dma_start3A_308 = tpu.memref_squeeze %dma_start3A_307 : memref<1x128xi32, #tpu.memory_space<vmem>> -> memref<128xi32, #tpu.memory_space<vmem>>
      %dma_start3A_309 = arith.constant 0 : i32
      %dma_start3A_310 = arith.constant 0 : i32
      %dma_start3A_311 = tpu.memref_slice %arg2[%dma_start3A_309, %dma_start3A_310] : memref<10000x128xf32, #tpu.memory_space<hbm>> -> memref<10000x128xf32, #tpu.memory_space<hbm>>
      tpu.enqueue_indirect_dma source(%dma_start3A_311 : memref<10000x128xf32, #tpu.memory_space<hbm>>) target(%arg10 : memref<128x128xf32, #tpu.memory_space<vmem>>) offsets(%dma_start3A_308 : memref<128xi32, #tpu.memory_space<vmem>>) semaphore(%arg14 : memref<!tpu.dma_semaphore, #tpu.memory_space<semaphore_mem>>)
      %dma_wait3A_312 = arith.constant 0 : i32
      %dma_wait3A_313 = arith.constant 0 : i32
      %dma_wait3A_314 = tpu.memref_slice %arg7[%dma_wait3A_312, %dma_wait3A_313] : memref<40x128xi32, #tpu.memory_space<vmem>> -> memref<1x128xi32, #tpu.memory_space<vmem>>
      %dma_wait3A_315 = tpu.memref_squeeze %dma_wait3A_314 : memref<1x128xi32, #tpu.memory_space<vmem>> -> memref<128xi32, #tpu.memory_space<vmem>>
      %dma_wait3A_316 = arith.constant 0 : i32
      %dma_wait3A_317 = arith.constant 0 : i32
      %dma_wait3A_318 = tpu.memref_slice %arg2[%dma_wait3A_316, %dma_wait3A_317] : memref<10000x128xf32, #tpu.memory_space<hbm>> -> memref<10000x128xf32, #tpu.memory_space<hbm>>
      tpu.wait_indirect_dma semaphore(%arg13 : memref<!tpu.dma_semaphore, #tpu.memory_space<semaphore_mem>>) src(%dma_wait3A_318 : memref<10000x128xf32, #tpu.memory_space<hbm>>) dst(%arg9 : memref<128x128xf32, #tpu.memory_space<vmem>>)
      %dma_start3A_319 = arith.constant 10 : i32
      %dma_start3A_320 = arith.constant 0 : i32
      %dma_start3A_321 = tpu.memref_slice %arg8[%dma_start3A_319, %dma_start3A_320] : memref<40x128xi32, #tpu.memory_space<vmem>> -> memref<1x128xi32, #tpu.memory_space<vmem>>
      %dma_start3A_322 = tpu.memref_squeeze %dma_start3A_321 : memref<1x128xi32, #tpu.memory_space<vmem>> -> memref<128xi32, #tpu.memory_space<vmem>>
      %dma_start3A_323 = arith.constant 0 : i32
      %dma_start3A_324 = arith.constant 0 : i32
      %dma_start3A_325 = tpu.memref_slice %arg11[%dma_start3A_323, %dma_start3A_324] : memref<10112x128xf32, #tpu.memory_space<vmem_shared>> -> memref<10112x128xf32, #tpu.memory_space<vmem_shared>>
      tpu.enqueue_indirect_dma source(%arg9 : memref<128x128xf32, #tpu.memory_space<vmem>>) target(%dma_start3A_325 : memref<10112x128xf32, #tpu.memory_space<vmem_shared>>) offsets(%dma_start3A_322 : memref<128xi32, #tpu.memory_space<vmem>>) semaphore(%arg12 : memref<!tpu.dma_semaphore, #tpu.memory_space<semaphore_mem>>) {add = true}
      %dma_wait3A_326 = arith.constant 0 : i32
      %dma_wait3A_327 = arith.constant 0 : i32
      %dma_wait3A_328 = tpu.memref_slice %arg7[%dma_wait3A_326, %dma_wait3A_327] : memref<40x128xi32, #tpu.memory_space<vmem>> -> memref<1x128xi32, #tpu.memory_space<vmem>>
      %dma_wait3A_329 = tpu.memref_squeeze %dma_wait3A_328 : memref<1x128xi32, #tpu.memory_space<vmem>> -> memref<128xi32, #tpu.memory_space<vmem>>
      %dma_wait3A_330 = arith.constant 0 : i32
      %dma_wait3A_331 = arith.constant 0 : i32
      %dma_wait3A_332 = tpu.memref_slice %arg2[%dma_wait3A_330, %dma_wait3A_331] : memref<10000x128xf32, #tpu.memory_space<hbm>> -> memref<10000x128xf32, #tpu.memory_space<hbm>>
      tpu.wait_indirect_dma semaphore(%arg14 : memref<!tpu.dma_semaphore, #tpu.memory_space<semaphore_mem>>) src(%dma_wait3A_332 : memref<10000x128xf32, #tpu.memory_space<hbm>>) dst(%arg10 : memref<128x128xf32, #tpu.memory_space<vmem>>)
      %dma_wait3A_333 = arith.constant 0 : i32
      %dma_wait3A_334 = arith.constant 0 : i32
      %dma_wait3A_335 = tpu.memref_slice %arg7[%dma_wait3A_333, %dma_wait3A_334] : memref<40x128xi32, #tpu.memory_space<vmem>> -> memref<1x128xi32, #tpu.memory_space<vmem>>
      %dma_wait3A_336 = tpu.memref_squeeze %dma_wait3A_335 : memref<1x128xi32, #tpu.memory_space<vmem>> -> memref<128xi32, #tpu.memory_space<vmem>>
      %dma_wait3A_337 = arith.constant 0 : i32
      %dma_wait3A_338 = arith.constant 0 : i32
      %dma_wait3A_339 = tpu.memref_slice %arg2[%dma_wait3A_337, %dma_wait3A_338] : memref<10000x128xf32, #tpu.memory_space<hbm>> -> memref<10000x128xf32, #tpu.memory_space<hbm>>
      tpu.wait_indirect_dma semaphore(%arg12 : memref<!tpu.dma_semaphore, #tpu.memory_space<semaphore_mem>>) src(%dma_wait3A_339 : memref<10000x128xf32, #tpu.memory_space<hbm>>) dst(%arg9 : memref<128x128xf32, #tpu.memory_space<vmem>>)
      %dma_start3A_340 = arith.constant 12 : i32
      %dma_start3A_341 = arith.constant 0 : i32
      %dma_start3A_342 = tpu.memref_slice %arg7[%dma_start3A_340, %dma_start3A_341] : memref<40x128xi32, #tpu.memory_space<vmem>> -> memref<1x128xi32, #tpu.memory_space<vmem>>
      %dma_start3A_343 = tpu.memref_squeeze %dma_start3A_342 : memref<1x128xi32, #tpu.memory_space<vmem>> -> memref<128xi32, #tpu.memory_space<vmem>>
      %dma_start3A_344 = arith.constant 0 : i32
      %dma_start3A_345 = arith.constant 0 : i32
      %dma_start3A_346 = tpu.memref_slice %arg2[%dma_start3A_344, %dma_start3A_345] : memref<10000x128xf32, #tpu.memory_space<hbm>> -> memref<10000x128xf32, #tpu.memory_space<hbm>>
      tpu.enqueue_indirect_dma source(%dma_start3A_346 : memref<10000x128xf32, #tpu.memory_space<hbm>>) target(%arg9 : memref<128x128xf32, #tpu.memory_space<vmem>>) offsets(%dma_start3A_343 : memref<128xi32, #tpu.memory_space<vmem>>) semaphore(%arg13 : memref<!tpu.dma_semaphore, #tpu.memory_space<semaphore_mem>>)
      %dma_start3A_347 = arith.constant 11 : i32
      %dma_start3A_348 = arith.constant 0 : i32
      %dma_start3A_349 = tpu.memref_slice %arg8[%dma_start3A_347, %dma_start3A_348] : memref<40x128xi32, #tpu.memory_space<vmem>> -> memref<1x128xi32, #tpu.memory_space<vmem>>
      %dma_start3A_350 = tpu.memref_squeeze %dma_start3A_349 : memref<1x128xi32, #tpu.memory_space<vmem>> -> memref<128xi32, #tpu.memory_space<vmem>>
      %dma_start3A_351 = arith.constant 0 : i32
      %dma_start3A_352 = arith.constant 0 : i32
      %dma_start3A_353 = tpu.memref_slice %arg11[%dma_start3A_351, %dma_start3A_352] : memref<10112x128xf32, #tpu.memory_space<vmem_shared>> -> memref<10112x128xf32, #tpu.memory_space<vmem_shared>>
      tpu.enqueue_indirect_dma source(%arg10 : memref<128x128xf32, #tpu.memory_space<vmem>>) target(%dma_start3A_353 : memref<10112x128xf32, #tpu.memory_space<vmem_shared>>) offsets(%dma_start3A_350 : memref<128xi32, #tpu.memory_space<vmem>>) semaphore(%arg12 : memref<!tpu.dma_semaphore, #tpu.memory_space<semaphore_mem>>) {add = true}
      %dma_wait3A_354 = arith.constant 0 : i32
      %dma_wait3A_355 = arith.constant 0 : i32
      %dma_wait3A_356 = tpu.memref_slice %arg7[%dma_wait3A_354, %dma_wait3A_355] : memref<40x128xi32, #tpu.memory_space<vmem>> -> memref<1x128xi32, #tpu.memory_space<vmem>>
      %dma_wait3A_357 = tpu.memref_squeeze %dma_wait3A_356 : memref<1x128xi32, #tpu.memory_space<vmem>> -> memref<128xi32, #tpu.memory_space<vmem>>
      %dma_wait3A_358 = arith.constant 0 : i32
      %dma_wait3A_359 = arith.constant 0 : i32
      %dma_wait3A_360 = tpu.memref_slice %arg2[%dma_wait3A_358, %dma_wait3A_359] : memref<10000x128xf32, #tpu.memory_space<hbm>> -> memref<10000x128xf32, #tpu.memory_space<hbm>>
      tpu.wait_indirect_dma semaphore(%arg12 : memref<!tpu.dma_semaphore, #tpu.memory_space<semaphore_mem>>) src(%dma_wait3A_360 : memref<10000x128xf32, #tpu.memory_space<hbm>>) dst(%arg10 : memref<128x128xf32, #tpu.memory_space<vmem>>)
      %dma_start3A_361 = arith.constant 13 : i32
      %dma_start3A_362 = arith.constant 0 : i32
      %dma_start3A_363 = tpu.memref_slice %arg7[%dma_start3A_361, %dma_start3A_362] : memref<40x128xi32, #tpu.memory_space<vmem>> -> memref<1x128xi32, #tpu.memory_space<vmem>>
      %dma_start3A_364 = tpu.memref_squeeze %dma_start3A_363 : memref<1x128xi32, #tpu.memory_space<vmem>> -> memref<128xi32, #tpu.memory_space<vmem>>
      %dma_start3A_365 = arith.constant 0 : i32
      %dma_start3A_366 = arith.constant 0 : i32
      %dma_start3A_367 = tpu.memref_slice %arg2[%dma_start3A_365, %dma_start3A_366] : memref<10000x128xf32, #tpu.memory_space<hbm>> -> memref<10000x128xf32, #tpu.memory_space<hbm>>
      tpu.enqueue_indirect_dma source(%dma_start3A_367 : memref<10000x128xf32, #tpu.memory_space<hbm>>) target(%arg10 : memref<128x128xf32, #tpu.memory_space<vmem>>) offsets(%dma_start3A_364 : memref<128xi32, #tpu.memory_space<vmem>>) semaphore(%arg14 : memref<!tpu.dma_semaphore, #tpu.memory_space<semaphore_mem>>)
      %dma_wait3A_368 = arith.constant 0 : i32
      %dma_wait3A_369 = arith.constant 0 : i32
      %dma_wait3A_370 = tpu.memref_slice %arg7[%dma_wait3A_368, %dma_wait3A_369] : memref<40x128xi32, #tpu.memory_space<vmem>> -> memref<1x128xi32, #tpu.memory_space<vmem>>
      %dma_wait3A_371 = tpu.memref_squeeze %dma_wait3A_370 : memref<1x128xi32, #tpu.memory_space<vmem>> -> memref<128xi32, #tpu.memory_space<vmem>>
      %dma_wait3A_372 = arith.constant 0 : i32
      %dma_wait3A_373 = arith.constant 0 : i32
      %dma_wait3A_374 = tpu.memref_slice %arg2[%dma_wait3A_372, %dma_wait3A_373] : memref<10000x128xf32, #tpu.memory_space<hbm>> -> memref<10000x128xf32, #tpu.memory_space<hbm>>
      tpu.wait_indirect_dma semaphore(%arg13 : memref<!tpu.dma_semaphore, #tpu.memory_space<semaphore_mem>>) src(%dma_wait3A_374 : memref<10000x128xf32, #tpu.memory_space<hbm>>) dst(%arg9 : memref<128x128xf32, #tpu.memory_space<vmem>>)
      %dma_start3A_375 = arith.constant 12 : i32
      %dma_start3A_376 = arith.constant 0 : i32
      %dma_start3A_377 = tpu.memref_slice %arg8[%dma_start3A_375, %dma_start3A_376] : memref<40x128xi32, #tpu.memory_space<vmem>> -> memref<1x128xi32, #tpu.memory_space<vmem>>
      %dma_start3A_378 = tpu.memref_squeeze %dma_start3A_377 : memref<1x128xi32, #tpu.memory_space<vmem>> -> memref<128xi32, #tpu.memory_space<vmem>>
      %dma_start3A_379 = arith.constant 0 : i32
      %dma_start3A_380 = arith.constant 0 : i32
      %dma_start3A_381 = tpu.memref_slice %arg11[%dma_start3A_379, %dma_start3A_380] : memref<10112x128xf32, #tpu.memory_space<vmem_shared>> -> memref<10112x128xf32, #tpu.memory_space<vmem_shared>>
      tpu.enqueue_indirect_dma source(%arg9 : memref<128x128xf32, #tpu.memory_space<vmem>>) target(%dma_start3A_381 : memref<10112x128xf32, #tpu.memory_space<vmem_shared>>) offsets(%dma_start3A_378 : memref<128xi32, #tpu.memory_space<vmem>>) semaphore(%arg12 : memref<!tpu.dma_semaphore, #tpu.memory_space<semaphore_mem>>) {add = true}
      %dma_wait3A_382 = arith.constant 0 : i32
      %dma_wait3A_383 = arith.constant 0 : i32
      %dma_wait3A_384 = tpu.memref_slice %arg7[%dma_wait3A_382, %dma_wait3A_383] : memref<40x128xi32, #tpu.memory_space<vmem>> -> memref<1x128xi32, #tpu.memory_space<vmem>>
      %dma_wait3A_385 = tpu.memref_squeeze %dma_wait3A_384 : memref<1x128xi32, #tpu.memory_space<vmem>> -> memref<128xi32, #tpu.memory_space<vmem>>
      %dma_wait3A_386 = arith.constant 0 : i32
      %dma_wait3A_387 = arith.constant 0 : i32
      %dma_wait3A_388 = tpu.memref_slice %arg2[%dma_wait3A_386, %dma_wait3A_387] : memref<10000x128xf32, #tpu.memory_space<hbm>> -> memref<10000x128xf32, #tpu.memory_space<hbm>>
      tpu.wait_indirect_dma semaphore(%arg14 : memref<!tpu.dma_semaphore, #tpu.memory_space<semaphore_mem>>) src(%dma_wait3A_388 : memref<10000x128xf32, #tpu.memory_space<hbm>>) dst(%arg10 : memref<128x128xf32, #tpu.memory_space<vmem>>)
      %dma_wait3A_389 = arith.constant 0 : i32
      %dma_wait3A_390 = arith.constant 0 : i32
      %dma_wait3A_391 = tpu.memref_slice %arg7[%dma_wait3A_389, %dma_wait3A_390] : memref<40x128xi32, #tpu.memory_space<vmem>> -> memref<1x128xi32, #tpu.memory_space<vmem>>
      %dma_wait3A_392 = tpu.memref_squeeze %dma_wait3A_391 : memref<1x128xi32, #tpu.memory_space<vmem>> -> memref<128xi32, #tpu.memory_space<vmem>>
      %dma_wait3A_393 = arith.constant 0 : i32
      %dma_wait3A_394 = arith.constant 0 : i32
      %dma_wait3A_395 = tpu.memref_slice %arg2[%dma_wait3A_393, %dma_wait3A_394] : memref<10000x128xf32, #tpu.memory_space<hbm>> -> memref<10000x128xf32, #tpu.memory_space<hbm>>
      tpu.wait_indirect_dma semaphore(%arg12 : memref<!tpu.dma_semaphore, #tpu.memory_space<semaphore_mem>>) src(%dma_wait3A_395 : memref<10000x128xf32, #tpu.memory_space<hbm>>) dst(%arg9 : memref<128x128xf32, #tpu.memory_space<vmem>>)
      %dma_start3A_396 = arith.constant 14 : i32
      %dma_start3A_397 = arith.constant 0 : i32
      %dma_start3A_398 = tpu.memref_slice %arg7[%dma_start3A_396, %dma_start3A_397] : memref<40x128xi32, #tpu.memory_space<vmem>> -> memref<1x128xi32, #tpu.memory_space<vmem>>
      %dma_start3A_399 = tpu.memref_squeeze %dma_start3A_398 : memref<1x128xi32, #tpu.memory_space<vmem>> -> memref<128xi32, #tpu.memory_space<vmem>>
      %dma_start3A_400 = arith.constant 0 : i32
      %dma_start3A_401 = arith.constant 0 : i32
      %dma_start3A_402 = tpu.memref_slice %arg2[%dma_start3A_400, %dma_start3A_401] : memref<10000x128xf32, #tpu.memory_space<hbm>> -> memref<10000x128xf32, #tpu.memory_space<hbm>>
      tpu.enqueue_indirect_dma source(%dma_start3A_402 : memref<10000x128xf32, #tpu.memory_space<hbm>>) target(%arg9 : memref<128x128xf32, #tpu.memory_space<vmem>>) offsets(%dma_start3A_399 : memref<128xi32, #tpu.memory_space<vmem>>) semaphore(%arg13 : memref<!tpu.dma_semaphore, #tpu.memory_space<semaphore_mem>>)
      %dma_start3A_403 = arith.constant 13 : i32
      %dma_start3A_404 = arith.constant 0 : i32
      %dma_start3A_405 = tpu.memref_slice %arg8[%dma_start3A_403, %dma_start3A_404] : memref<40x128xi32, #tpu.memory_space<vmem>> -> memref<1x128xi32, #tpu.memory_space<vmem>>
      %dma_start3A_406 = tpu.memref_squeeze %dma_start3A_405 : memref<1x128xi32, #tpu.memory_space<vmem>> -> memref<128xi32, #tpu.memory_space<vmem>>
      %dma_start3A_407 = arith.constant 0 : i32
      %dma_start3A_408 = arith.constant 0 : i32
      %dma_start3A_409 = tpu.memref_slice %arg11[%dma_start3A_407, %dma_start3A_408] : memref<10112x128xf32, #tpu.memory_space<vmem_shared>> -> memref<10112x128xf32, #tpu.memory_space<vmem_shared>>
      tpu.enqueue_indirect_dma source(%arg10 : memref<128x128xf32, #tpu.memory_space<vmem>>) target(%dma_start3A_409 : memref<10112x128xf32, #tpu.memory_space<vmem_shared>>) offsets(%dma_start3A_406 : memref<128xi32, #tpu.memory_space<vmem>>) semaphore(%arg12 : memref<!tpu.dma_semaphore, #tpu.memory_space<semaphore_mem>>) {add = true}
      %dma_wait3A_410 = arith.constant 0 : i32
      %dma_wait3A_411 = arith.constant 0 : i32
      %dma_wait3A_412 = tpu.memref_slice %arg7[%dma_wait3A_410, %dma_wait3A_411] : memref<40x128xi32, #tpu.memory_space<vmem>> -> memref<1x128xi32, #tpu.memory_space<vmem>>
      %dma_wait3A_413 = tpu.memref_squeeze %dma_wait3A_412 : memref<1x128xi32, #tpu.memory_space<vmem>> -> memref<128xi32, #tpu.memory_space<vmem>>
      %dma_wait3A_414 = arith.constant 0 : i32
      %dma_wait3A_415 = arith.constant 0 : i32
      %dma_wait3A_416 = tpu.memref_slice %arg2[%dma_wait3A_414, %dma_wait3A_415] : memref<10000x128xf32, #tpu.memory_space<hbm>> -> memref<10000x128xf32, #tpu.memory_space<hbm>>
      tpu.wait_indirect_dma semaphore(%arg12 : memref<!tpu.dma_semaphore, #tpu.memory_space<semaphore_mem>>) src(%dma_wait3A_416 : memref<10000x128xf32, #tpu.memory_space<hbm>>) dst(%arg10 : memref<128x128xf32, #tpu.memory_space<vmem>>)
      %dma_start3A_417 = arith.constant 15 : i32
      %dma_start3A_418 = arith.constant 0 : i32
      %dma_start3A_419 = tpu.memref_slice %arg7[%dma_start3A_417, %dma_start3A_418] : memref<40x128xi32, #tpu.memory_space<vmem>> -> memref<1x128xi32, #tpu.memory_space<vmem>>
      %dma_start3A_420 = tpu.memref_squeeze %dma_start3A_419 : memref<1x128xi32, #tpu.memory_space<vmem>> -> memref<128xi32, #tpu.memory_space<vmem>>
      %dma_start3A_421 = arith.constant 0 : i32
      %dma_start3A_422 = arith.constant 0 : i32
      %dma_start3A_423 = tpu.memref_slice %arg2[%dma_start3A_421, %dma_start3A_422] : memref<10000x128xf32, #tpu.memory_space<hbm>> -> memref<10000x128xf32, #tpu.memory_space<hbm>>
      tpu.enqueue_indirect_dma source(%dma_start3A_423 : memref<10000x128xf32, #tpu.memory_space<hbm>>) target(%arg10 : memref<128x128xf32, #tpu.memory_space<vmem>>) offsets(%dma_start3A_420 : memref<128xi32, #tpu.memory_space<vmem>>) semaphore(%arg14 : memref<!tpu.dma_semaphore, #tpu.memory_space<semaphore_mem>>)
      %dma_wait3A_424 = arith.constant 0 : i32
      %dma_wait3A_425 = arith.constant 0 : i32
      %dma_wait3A_426 = tpu.memref_slice %arg7[%dma_wait3A_424, %dma_wait3A_425] : memref<40x128xi32, #tpu.memory_space<vmem>> -> memref<1x128xi32, #tpu.memory_space<vmem>>
      %dma_wait3A_427 = tpu.memref_squeeze %dma_wait3A_426 : memref<1x128xi32, #tpu.memory_space<vmem>> -> memref<128xi32, #tpu.memory_space<vmem>>
      %dma_wait3A_428 = arith.constant 0 : i32
      %dma_wait3A_429 = arith.constant 0 : i32
      %dma_wait3A_430 = tpu.memref_slice %arg2[%dma_wait3A_428, %dma_wait3A_429] : memref<10000x128xf32, #tpu.memory_space<hbm>> -> memref<10000x128xf32, #tpu.memory_space<hbm>>
      tpu.wait_indirect_dma semaphore(%arg13 : memref<!tpu.dma_semaphore, #tpu.memory_space<semaphore_mem>>) src(%dma_wait3A_430 : memref<10000x128xf32, #tpu.memory_space<hbm>>) dst(%arg9 : memref<128x128xf32, #tpu.memory_space<vmem>>)
      %dma_start3A_431 = arith.constant 14 : i32
      %dma_start3A_432 = arith.constant 0 : i32
      %dma_start3A_433 = tpu.memref_slice %arg8[%dma_start3A_431, %dma_start3A_432] : memref<40x128xi32, #tpu.memory_space<vmem>> -> memref<1x128xi32, #tpu.memory_space<vmem>>
      %dma_start3A_434 = tpu.memref_squeeze %dma_start3A_433 : memref<1x128xi32, #tpu.memory_space<vmem>> -> memref<128xi32, #tpu.memory_space<vmem>>
      %dma_start3A_435 = arith.constant 0 : i32
      %dma_start3A_436 = arith.constant 0 : i32
      %dma_start3A_437 = tpu.memref_slice %arg11[%dma_start3A_435, %dma_start3A_436] : memref<10112x128xf32, #tpu.memory_space<vmem_shared>> -> memref<10112x128xf32, #tpu.memory_space<vmem_shared>>
      tpu.enqueue_indirect_dma source(%arg9 : memref<128x128xf32, #tpu.memory_space<vmem>>) target(%dma_start3A_437 : memref<10112x128xf32, #tpu.memory_space<vmem_shared>>) offsets(%dma_start3A_434 : memref<128xi32, #tpu.memory_space<vmem>>) semaphore(%arg12 : memref<!tpu.dma_semaphore, #tpu.memory_space<semaphore_mem>>) {add = true}
      %dma_wait3A_438 = arith.constant 0 : i32
      %dma_wait3A_439 = arith.constant 0 : i32
      %dma_wait3A_440 = tpu.memref_slice %arg7[%dma_wait3A_438, %dma_wait3A_439] : memref<40x128xi32, #tpu.memory_space<vmem>> -> memref<1x128xi32, #tpu.memory_space<vmem>>
      %dma_wait3A_441 = tpu.memref_squeeze %dma_wait3A_440 : memref<1x128xi32, #tpu.memory_space<vmem>> -> memref<128xi32, #tpu.memory_space<vmem>>
      %dma_wait3A_442 = arith.constant 0 : i32
      %dma_wait3A_443 = arith.constant 0 : i32
      %dma_wait3A_444 = tpu.memref_slice %arg2[%dma_wait3A_442, %dma_wait3A_443] : memref<10000x128xf32, #tpu.memory_space<hbm>> -> memref<10000x128xf32, #tpu.memory_space<hbm>>
      tpu.wait_indirect_dma semaphore(%arg14 : memref<!tpu.dma_semaphore, #tpu.memory_space<semaphore_mem>>) src(%dma_wait3A_444 : memref<10000x128xf32, #tpu.memory_space<hbm>>) dst(%arg10 : memref<128x128xf32, #tpu.memory_space<vmem>>)
      %dma_wait3A_445 = arith.constant 0 : i32
      %dma_wait3A_446 = arith.constant 0 : i32
      %dma_wait3A_447 = tpu.memref_slice %arg7[%dma_wait3A_445, %dma_wait3A_446] : memref<40x128xi32, #tpu.memory_space<vmem>> -> memref<1x128xi32, #tpu.memory_space<vmem>>
      %dma_wait3A_448 = tpu.memref_squeeze %dma_wait3A_447 : memref<1x128xi32, #tpu.memory_space<vmem>> -> memref<128xi32, #tpu.memory_space<vmem>>
      %dma_wait3A_449 = arith.constant 0 : i32
      %dma_wait3A_450 = arith.constant 0 : i32
      %dma_wait3A_451 = tpu.memref_slice %arg2[%dma_wait3A_449, %dma_wait3A_450] : memref<10000x128xf32, #tpu.memory_space<hbm>> -> memref<10000x128xf32, #tpu.memory_space<hbm>>
      tpu.wait_indirect_dma semaphore(%arg12 : memref<!tpu.dma_semaphore, #tpu.memory_space<semaphore_mem>>) src(%dma_wait3A_451 : memref<10000x128xf32, #tpu.memory_space<hbm>>) dst(%arg9 : memref<128x128xf32, #tpu.memory_space<vmem>>)
      %dma_start3A_452 = arith.constant 16 : i32
      %dma_start3A_453 = arith.constant 0 : i32
      %dma_start3A_454 = tpu.memref_slice %arg7[%dma_start3A_452, %dma_start3A_453] : memref<40x128xi32, #tpu.memory_space<vmem>> -> memref<1x128xi32, #tpu.memory_space<vmem>>
      %dma_start3A_455 = tpu.memref_squeeze %dma_start3A_454 : memref<1x128xi32, #tpu.memory_space<vmem>> -> memref<128xi32, #tpu.memory_space<vmem>>
      %dma_start3A_456 = arith.constant 0 : i32
      %dma_start3A_457 = arith.constant 0 : i32
      %dma_start3A_458 = tpu.memref_slice %arg2[%dma_start3A_456, %dma_start3A_457] : memref<10000x128xf32, #tpu.memory_space<hbm>> -> memref<10000x128xf32, #tpu.memory_space<hbm>>
      tpu.enqueue_indirect_dma source(%dma_start3A_458 : memref<10000x128xf32, #tpu.memory_space<hbm>>) target(%arg9 : memref<128x128xf32, #tpu.memory_space<vmem>>) offsets(%dma_start3A_455 : memref<128xi32, #tpu.memory_space<vmem>>) semaphore(%arg13 : memref<!tpu.dma_semaphore, #tpu.memory_space<semaphore_mem>>)
      %dma_start3A_459 = arith.constant 15 : i32
      %dma_start3A_460 = arith.constant 0 : i32
      %dma_start3A_461 = tpu.memref_slice %arg8[%dma_start3A_459, %dma_start3A_460] : memref<40x128xi32, #tpu.memory_space<vmem>> -> memref<1x128xi32, #tpu.memory_space<vmem>>
      %dma_start3A_462 = tpu.memref_squeeze %dma_start3A_461 : memref<1x128xi32, #tpu.memory_space<vmem>> -> memref<128xi32, #tpu.memory_space<vmem>>
      %dma_start3A_463 = arith.constant 0 : i32
      %dma_start3A_464 = arith.constant 0 : i32
      %dma_start3A_465 = tpu.memref_slice %arg11[%dma_start3A_463, %dma_start3A_464] : memref<10112x128xf32, #tpu.memory_space<vmem_shared>> -> memref<10112x128xf32, #tpu.memory_space<vmem_shared>>
      tpu.enqueue_indirect_dma source(%arg10 : memref<128x128xf32, #tpu.memory_space<vmem>>) target(%dma_start3A_465 : memref<10112x128xf32, #tpu.memory_space<vmem_shared>>) offsets(%dma_start3A_462 : memref<128xi32, #tpu.memory_space<vmem>>) semaphore(%arg12 : memref<!tpu.dma_semaphore, #tpu.memory_space<semaphore_mem>>) {add = true}
      %dma_wait3A_466 = arith.constant 0 : i32
      %dma_wait3A_467 = arith.constant 0 : i32
      %dma_wait3A_468 = tpu.memref_slice %arg7[%dma_wait3A_466, %dma_wait3A_467] : memref<40x128xi32, #tpu.memory_space<vmem>> -> memref<1x128xi32, #tpu.memory_space<vmem>>
      %dma_wait3A_469 = tpu.memref_squeeze %dma_wait3A_468 : memref<1x128xi32, #tpu.memory_space<vmem>> -> memref<128xi32, #tpu.memory_space<vmem>>
      %dma_wait3A_470 = arith.constant 0 : i32
      %dma_wait3A_471 = arith.constant 0 : i32
      %dma_wait3A_472 = tpu.memref_slice %arg2[%dma_wait3A_470, %dma_wait3A_471] : memref<10000x128xf32, #tpu.memory_space<hbm>> -> memref<10000x128xf32, #tpu.memory_space<hbm>>
      tpu.wait_indirect_dma semaphore(%arg12 : memref<!tpu.dma_semaphore, #tpu.memory_space<semaphore_mem>>) src(%dma_wait3A_472 : memref<10000x128xf32, #tpu.memory_space<hbm>>) dst(%arg10 : memref<128x128xf32, #tpu.memory_space<vmem>>)
      %dma_start3A_473 = arith.constant 17 : i32
      %dma_start3A_474 = arith.constant 0 : i32
      %dma_start3A_475 = tpu.memref_slice %arg7[%dma_start3A_473, %dma_start3A_474] : memref<40x128xi32, #tpu.memory_space<vmem>> -> memref<1x128xi32, #tpu.memory_space<vmem>>
      %dma_start3A_476 = tpu.memref_squeeze %dma_start3A_475 : memref<1x128xi32, #tpu.memory_space<vmem>> -> memref<128xi32, #tpu.memory_space<vmem>>
      %dma_start3A_477 = arith.constant 0 : i32
      %dma_start3A_478 = arith.constant 0 : i32
      %dma_start3A_479 = tpu.memref_slice %arg2[%dma_start3A_477, %dma_start3A_478] : memref<10000x128xf32, #tpu.memory_space<hbm>> -> memref<10000x128xf32, #tpu.memory_space<hbm>>
      tpu.enqueue_indirect_dma source(%dma_start3A_479 : memref<10000x128xf32, #tpu.memory_space<hbm>>) target(%arg10 : memref<128x128xf32, #tpu.memory_space<vmem>>) offsets(%dma_start3A_476 : memref<128xi32, #tpu.memory_space<vmem>>) semaphore(%arg14 : memref<!tpu.dma_semaphore, #tpu.memory_space<semaphore_mem>>)
      %dma_wait3A_480 = arith.constant 0 : i32
      %dma_wait3A_481 = arith.constant 0 : i32
      %dma_wait3A_482 = tpu.memref_slice %arg7[%dma_wait3A_480, %dma_wait3A_481] : memref<40x128xi32, #tpu.memory_space<vmem>> -> memref<1x128xi32, #tpu.memory_space<vmem>>
      %dma_wait3A_483 = tpu.memref_squeeze %dma_wait3A_482 : memref<1x128xi32, #tpu.memory_space<vmem>> -> memref<128xi32, #tpu.memory_space<vmem>>
      %dma_wait3A_484 = arith.constant 0 : i32
      %dma_wait3A_485 = arith.constant 0 : i32
      %dma_wait3A_486 = tpu.memref_slice %arg2[%dma_wait3A_484, %dma_wait3A_485] : memref<10000x128xf32, #tpu.memory_space<hbm>> -> memref<10000x128xf32, #tpu.memory_space<hbm>>
      tpu.wait_indirect_dma semaphore(%arg13 : memref<!tpu.dma_semaphore, #tpu.memory_space<semaphore_mem>>) src(%dma_wait3A_486 : memref<10000x128xf32, #tpu.memory_space<hbm>>) dst(%arg9 : memref<128x128xf32, #tpu.memory_space<vmem>>)
      %dma_start3A_487 = arith.constant 16 : i32
      %dma_start3A_488 = arith.constant 0 : i32
      %dma_start3A_489 = tpu.memref_slice %arg8[%dma_start3A_487, %dma_start3A_488] : memref<40x128xi32, #tpu.memory_space<vmem>> -> memref<1x128xi32, #tpu.memory_space<vmem>>
      %dma_start3A_490 = tpu.memref_squeeze %dma_start3A_489 : memref<1x128xi32, #tpu.memory_space<vmem>> -> memref<128xi32, #tpu.memory_space<vmem>>
      %dma_start3A_491 = arith.constant 0 : i32
      %dma_start3A_492 = arith.constant 0 : i32
      %dma_start3A_493 = tpu.memref_slice %arg11[%dma_start3A_491, %dma_start3A_492] : memref<10112x128xf32, #tpu.memory_space<vmem_shared>> -> memref<10112x128xf32, #tpu.memory_space<vmem_shared>>
      tpu.enqueue_indirect_dma source(%arg9 : memref<128x128xf32, #tpu.memory_space<vmem>>) target(%dma_start3A_493 : memref<10112x128xf32, #tpu.memory_space<vmem_shared>>) offsets(%dma_start3A_490 : memref<128xi32, #tpu.memory_space<vmem>>) semaphore(%arg12 : memref<!tpu.dma_semaphore, #tpu.memory_space<semaphore_mem>>) {add = true}
      %dma_wait3A_494 = arith.constant 0 : i32
      %dma_wait3A_495 = arith.constant 0 : i32
      %dma_wait3A_496 = tpu.memref_slice %arg7[%dma_wait3A_494, %dma_wait3A_495] : memref<40x128xi32, #tpu.memory_space<vmem>> -> memref<1x128xi32, #tpu.memory_space<vmem>>
      %dma_wait3A_497 = tpu.memref_squeeze %dma_wait3A_496 : memref<1x128xi32, #tpu.memory_space<vmem>> -> memref<128xi32, #tpu.memory_space<vmem>>
      %dma_wait3A_498 = arith.constant 0 : i32
      %dma_wait3A_499 = arith.constant 0 : i32
      %dma_wait3A_500 = tpu.memref_slice %arg2[%dma_wait3A_498, %dma_wait3A_499] : memref<10000x128xf32, #tpu.memory_space<hbm>> -> memref<10000x128xf32, #tpu.memory_space<hbm>>
      tpu.wait_indirect_dma semaphore(%arg14 : memref<!tpu.dma_semaphore, #tpu.memory_space<semaphore_mem>>) src(%dma_wait3A_500 : memref<10000x128xf32, #tpu.memory_space<hbm>>) dst(%arg10 : memref<128x128xf32, #tpu.memory_space<vmem>>)
      %dma_wait3A_501 = arith.constant 0 : i32
      %dma_wait3A_502 = arith.constant 0 : i32
      %dma_wait3A_503 = tpu.memref_slice %arg7[%dma_wait3A_501, %dma_wait3A_502] : memref<40x128xi32, #tpu.memory_space<vmem>> -> memref<1x128xi32, #tpu.memory_space<vmem>>
      %dma_wait3A_504 = tpu.memref_squeeze %dma_wait3A_503 : memref<1x128xi32, #tpu.memory_space<vmem>> -> memref<128xi32, #tpu.memory_space<vmem>>
      %dma_wait3A_505 = arith.constant 0 : i32
      %dma_wait3A_506 = arith.constant 0 : i32
      %dma_wait3A_507 = tpu.memref_slice %arg2[%dma_wait3A_505, %dma_wait3A_506] : memref<10000x128xf32, #tpu.memory_space<hbm>> -> memref<10000x128xf32, #tpu.memory_space<hbm>>
      tpu.wait_indirect_dma semaphore(%arg12 : memref<!tpu.dma_semaphore, #tpu.memory_space<semaphore_mem>>) src(%dma_wait3A_507 : memref<10000x128xf32, #tpu.memory_space<hbm>>) dst(%arg9 : memref<128x128xf32, #tpu.memory_space<vmem>>)
      %dma_start3A_508 = arith.constant 18 : i32
      %dma_start3A_509 = arith.constant 0 : i32
      %dma_start3A_510 = tpu.memref_slice %arg7[%dma_start3A_508, %dma_start3A_509] : memref<40x128xi32, #tpu.memory_space<vmem>> -> memref<1x128xi32, #tpu.memory_space<vmem>>
      %dma_start3A_511 = tpu.memref_squeeze %dma_start3A_510 : memref<1x128xi32, #tpu.memory_space<vmem>> -> memref<128xi32, #tpu.memory_space<vmem>>
      %dma_start3A_512 = arith.constant 0 : i32
      %dma_start3A_513 = arith.constant 0 : i32
      %dma_start3A_514 = tpu.memref_slice %arg2[%dma_start3A_512, %dma_start3A_513] : memref<10000x128xf32, #tpu.memory_space<hbm>> -> memref<10000x128xf32, #tpu.memory_space<hbm>>
      tpu.enqueue_indirect_dma source(%dma_start3A_514 : memref<10000x128xf32, #tpu.memory_space<hbm>>) target(%arg9 : memref<128x128xf32, #tpu.memory_space<vmem>>) offsets(%dma_start3A_511 : memref<128xi32, #tpu.memory_space<vmem>>) semaphore(%arg13 : memref<!tpu.dma_semaphore, #tpu.memory_space<semaphore_mem>>)
      %dma_start3A_515 = arith.constant 17 : i32
      %dma_start3A_516 = arith.constant 0 : i32
      %dma_start3A_517 = tpu.memref_slice %arg8[%dma_start3A_515, %dma_start3A_516] : memref<40x128xi32, #tpu.memory_space<vmem>> -> memref<1x128xi32, #tpu.memory_space<vmem>>
      %dma_start3A_518 = tpu.memref_squeeze %dma_start3A_517 : memref<1x128xi32, #tpu.memory_space<vmem>> -> memref<128xi32, #tpu.memory_space<vmem>>
      %dma_start3A_519 = arith.constant 0 : i32
      %dma_start3A_520 = arith.constant 0 : i32
      %dma_start3A_521 = tpu.memref_slice %arg11[%dma_start3A_519, %dma_start3A_520] : memref<10112x128xf32, #tpu.memory_space<vmem_shared>> -> memref<10112x128xf32, #tpu.memory_space<vmem_shared>>
      tpu.enqueue_indirect_dma source(%arg10 : memref<128x128xf32, #tpu.memory_space<vmem>>) target(%dma_start3A_521 : memref<10112x128xf32, #tpu.memory_space<vmem_shared>>) offsets(%dma_start3A_518 : memref<128xi32, #tpu.memory_space<vmem>>) semaphore(%arg12 : memref<!tpu.dma_semaphore, #tpu.memory_space<semaphore_mem>>) {add = true}
      %dma_wait3A_522 = arith.constant 0 : i32
      %dma_wait3A_523 = arith.constant 0 : i32
      %dma_wait3A_524 = tpu.memref_slice %arg7[%dma_wait3A_522, %dma_wait3A_523] : memref<40x128xi32, #tpu.memory_space<vmem>> -> memref<1x128xi32, #tpu.memory_space<vmem>>
      %dma_wait3A_525 = tpu.memref_squeeze %dma_wait3A_524 : memref<1x128xi32, #tpu.memory_space<vmem>> -> memref<128xi32, #tpu.memory_space<vmem>>
      %dma_wait3A_526 = arith.constant 0 : i32
      %dma_wait3A_527 = arith.constant 0 : i32
      %dma_wait3A_528 = tpu.memref_slice %arg2[%dma_wait3A_526, %dma_wait3A_527] : memref<10000x128xf32, #tpu.memory_space<hbm>> -> memref<10000x128xf32, #tpu.memory_space<hbm>>
      tpu.wait_indirect_dma semaphore(%arg12 : memref<!tpu.dma_semaphore, #tpu.memory_space<semaphore_mem>>) src(%dma_wait3A_528 : memref<10000x128xf32, #tpu.memory_space<hbm>>) dst(%arg10 : memref<128x128xf32, #tpu.memory_space<vmem>>)
      %dma_start3A_529 = arith.constant 19 : i32
      %dma_start3A_530 = arith.constant 0 : i32
      %dma_start3A_531 = tpu.memref_slice %arg7[%dma_start3A_529, %dma_start3A_530] : memref<40x128xi32, #tpu.memory_space<vmem>> -> memref<1x128xi32, #tpu.memory_space<vmem>>
      %dma_start3A_532 = tpu.memref_squeeze %dma_start3A_531 : memref<1x128xi32, #tpu.memory_space<vmem>> -> memref<128xi32, #tpu.memory_space<vmem>>
      %dma_start3A_533 = arith.constant 0 : i32
      %dma_start3A_534 = arith.constant 0 : i32
      %dma_start3A_535 = tpu.memref_slice %arg2[%dma_start3A_533, %dma_start3A_534] : memref<10000x128xf32, #tpu.memory_space<hbm>> -> memref<10000x128xf32, #tpu.memory_space<hbm>>
      tpu.enqueue_indirect_dma source(%dma_start3A_535 : memref<10000x128xf32, #tpu.memory_space<hbm>>) target(%arg10 : memref<128x128xf32, #tpu.memory_space<vmem>>) offsets(%dma_start3A_532 : memref<128xi32, #tpu.memory_space<vmem>>) semaphore(%arg14 : memref<!tpu.dma_semaphore, #tpu.memory_space<semaphore_mem>>)
      %dma_wait3A_536 = arith.constant 0 : i32
      %dma_wait3A_537 = arith.constant 0 : i32
      %dma_wait3A_538 = tpu.memref_slice %arg7[%dma_wait3A_536, %dma_wait3A_537] : memref<40x128xi32, #tpu.memory_space<vmem>> -> memref<1x128xi32, #tpu.memory_space<vmem>>
      %dma_wait3A_539 = tpu.memref_squeeze %dma_wait3A_538 : memref<1x128xi32, #tpu.memory_space<vmem>> -> memref<128xi32, #tpu.memory_space<vmem>>
      %dma_wait3A_540 = arith.constant 0 : i32
      %dma_wait3A_541 = arith.constant 0 : i32
      %dma_wait3A_542 = tpu.memref_slice %arg2[%dma_wait3A_540, %dma_wait3A_541] : memref<10000x128xf32, #tpu.memory_space<hbm>> -> memref<10000x128xf32, #tpu.memory_space<hbm>>
      tpu.wait_indirect_dma semaphore(%arg13 : memref<!tpu.dma_semaphore, #tpu.memory_space<semaphore_mem>>) src(%dma_wait3A_542 : memref<10000x128xf32, #tpu.memory_space<hbm>>) dst(%arg9 : memref<128x128xf32, #tpu.memory_space<vmem>>)
      %dma_start3A_543 = arith.constant 18 : i32
      %dma_start3A_544 = arith.constant 0 : i32
      %dma_start3A_545 = tpu.memref_slice %arg8[%dma_start3A_543, %dma_start3A_544] : memref<40x128xi32, #tpu.memory_space<vmem>> -> memref<1x128xi32, #tpu.memory_space<vmem>>
      %dma_start3A_546 = tpu.memref_squeeze %dma_start3A_545 : memref<1x128xi32, #tpu.memory_space<vmem>> -> memref<128xi32, #tpu.memory_space<vmem>>
      %dma_start3A_547 = arith.constant 0 : i32
      %dma_start3A_548 = arith.constant 0 : i32
      %dma_start3A_549 = tpu.memref_slice %arg11[%dma_start3A_547, %dma_start3A_548] : memref<10112x128xf32, #tpu.memory_space<vmem_shared>> -> memref<10112x128xf32, #tpu.memory_space<vmem_shared>>
      tpu.enqueue_indirect_dma source(%arg9 : memref<128x128xf32, #tpu.memory_space<vmem>>) target(%dma_start3A_549 : memref<10112x128xf32, #tpu.memory_space<vmem_shared>>) offsets(%dma_start3A_546 : memref<128xi32, #tpu.memory_space<vmem>>) semaphore(%arg12 : memref<!tpu.dma_semaphore, #tpu.memory_space<semaphore_mem>>) {add = true}
      %dma_wait3A_550 = arith.constant 0 : i32
      %dma_wait3A_551 = arith.constant 0 : i32
      %dma_wait3A_552 = tpu.memref_slice %arg7[%dma_wait3A_550, %dma_wait3A_551] : memref<40x128xi32, #tpu.memory_space<vmem>> -> memref<1x128xi32, #tpu.memory_space<vmem>>
      %dma_wait3A_553 = tpu.memref_squeeze %dma_wait3A_552 : memref<1x128xi32, #tpu.memory_space<vmem>> -> memref<128xi32, #tpu.memory_space<vmem>>
      %dma_wait3A_554 = arith.constant 0 : i32
      %dma_wait3A_555 = arith.constant 0 : i32
      %dma_wait3A_556 = tpu.memref_slice %arg2[%dma_wait3A_554, %dma_wait3A_555] : memref<10000x128xf32, #tpu.memory_space<hbm>> -> memref<10000x128xf32, #tpu.memory_space<hbm>>
      tpu.wait_indirect_dma semaphore(%arg14 : memref<!tpu.dma_semaphore, #tpu.memory_space<semaphore_mem>>) src(%dma_wait3A_556 : memref<10000x128xf32, #tpu.memory_space<hbm>>) dst(%arg10 : memref<128x128xf32, #tpu.memory_space<vmem>>)
      %dma_wait3A_557 = arith.constant 0 : i32
      %dma_wait3A_558 = arith.constant 0 : i32
      %dma_wait3A_559 = tpu.memref_slice %arg7[%dma_wait3A_557, %dma_wait3A_558] : memref<40x128xi32, #tpu.memory_space<vmem>> -> memref<1x128xi32, #tpu.memory_space<vmem>>
      %dma_wait3A_560 = tpu.memref_squeeze %dma_wait3A_559 : memref<1x128xi32, #tpu.memory_space<vmem>> -> memref<128xi32, #tpu.memory_space<vmem>>
      %dma_wait3A_561 = arith.constant 0 : i32
      %dma_wait3A_562 = arith.constant 0 : i32
      %dma_wait3A_563 = tpu.memref_slice %arg2[%dma_wait3A_561, %dma_wait3A_562] : memref<10000x128xf32, #tpu.memory_space<hbm>> -> memref<10000x128xf32, #tpu.memory_space<hbm>>
      tpu.wait_indirect_dma semaphore(%arg12 : memref<!tpu.dma_semaphore, #tpu.memory_space<semaphore_mem>>) src(%dma_wait3A_563 : memref<10000x128xf32, #tpu.memory_space<hbm>>) dst(%arg9 : memref<128x128xf32, #tpu.memory_space<vmem>>)
      %dma_start3A_564 = arith.constant 20 : i32
      %dma_start3A_565 = arith.constant 0 : i32
      %dma_start3A_566 = tpu.memref_slice %arg7[%dma_start3A_564, %dma_start3A_565] : memref<40x128xi32, #tpu.memory_space<vmem>> -> memref<1x128xi32, #tpu.memory_space<vmem>>
      %dma_start3A_567 = tpu.memref_squeeze %dma_start3A_566 : memref<1x128xi32, #tpu.memory_space<vmem>> -> memref<128xi32, #tpu.memory_space<vmem>>
      %dma_start3A_568 = arith.constant 0 : i32
      %dma_start3A_569 = arith.constant 0 : i32
      %dma_start3A_570 = tpu.memref_slice %arg2[%dma_start3A_568, %dma_start3A_569] : memref<10000x128xf32, #tpu.memory_space<hbm>> -> memref<10000x128xf32, #tpu.memory_space<hbm>>
      tpu.enqueue_indirect_dma source(%dma_start3A_570 : memref<10000x128xf32, #tpu.memory_space<hbm>>) target(%arg9 : memref<128x128xf32, #tpu.memory_space<vmem>>) offsets(%dma_start3A_567 : memref<128xi32, #tpu.memory_space<vmem>>) semaphore(%arg13 : memref<!tpu.dma_semaphore, #tpu.memory_space<semaphore_mem>>)
      %dma_start3A_571 = arith.constant 19 : i32
      %dma_start3A_572 = arith.constant 0 : i32
      %dma_start3A_573 = tpu.memref_slice %arg8[%dma_start3A_571, %dma_start3A_572] : memref<40x128xi32, #tpu.memory_space<vmem>> -> memref<1x128xi32, #tpu.memory_space<vmem>>
      %dma_start3A_574 = tpu.memref_squeeze %dma_start3A_573 : memref<1x128xi32, #tpu.memory_space<vmem>> -> memref<128xi32, #tpu.memory_space<vmem>>
      %dma_start3A_575 = arith.constant 0 : i32
      %dma_start3A_576 = arith.constant 0 : i32
      %dma_start3A_577 = tpu.memref_slice %arg11[%dma_start3A_575, %dma_start3A_576] : memref<10112x128xf32, #tpu.memory_space<vmem_shared>> -> memref<10112x128xf32, #tpu.memory_space<vmem_shared>>
      tpu.enqueue_indirect_dma source(%arg10 : memref<128x128xf32, #tpu.memory_space<vmem>>) target(%dma_start3A_577 : memref<10112x128xf32, #tpu.memory_space<vmem_shared>>) offsets(%dma_start3A_574 : memref<128xi32, #tpu.memory_space<vmem>>) semaphore(%arg12 : memref<!tpu.dma_semaphore, #tpu.memory_space<semaphore_mem>>) {add = true}
      %dma_wait3A_578 = arith.constant 0 : i32
      %dma_wait3A_579 = arith.constant 0 : i32
      %dma_wait3A_580 = tpu.memref_slice %arg7[%dma_wait3A_578, %dma_wait3A_579] : memref<40x128xi32, #tpu.memory_space<vmem>> -> memref<1x128xi32, #tpu.memory_space<vmem>>
      %dma_wait3A_581 = tpu.memref_squeeze %dma_wait3A_580 : memref<1x128xi32, #tpu.memory_space<vmem>> -> memref<128xi32, #tpu.memory_space<vmem>>
      %dma_wait3A_582 = arith.constant 0 : i32
      %dma_wait3A_583 = arith.constant 0 : i32
      %dma_wait3A_584 = tpu.memref_slice %arg2[%dma_wait3A_582, %dma_wait3A_583] : memref<10000x128xf32, #tpu.memory_space<hbm>> -> memref<10000x128xf32, #tpu.memory_space<hbm>>
      tpu.wait_indirect_dma semaphore(%arg12 : memref<!tpu.dma_semaphore, #tpu.memory_space<semaphore_mem>>) src(%dma_wait3A_584 : memref<10000x128xf32, #tpu.memory_space<hbm>>) dst(%arg10 : memref<128x128xf32, #tpu.memory_space<vmem>>)
      %dma_start3A_585 = arith.constant 21 : i32
      %dma_start3A_586 = arith.constant 0 : i32
      %dma_start3A_587 = tpu.memref_slice %arg7[%dma_start3A_585, %dma_start3A_586] : memref<40x128xi32, #tpu.memory_space<vmem>> -> memref<1x128xi32, #tpu.memory_space<vmem>>
      %dma_start3A_588 = tpu.memref_squeeze %dma_start3A_587 : memref<1x128xi32, #tpu.memory_space<vmem>> -> memref<128xi32, #tpu.memory_space<vmem>>
      %dma_start3A_589 = arith.constant 0 : i32
      %dma_start3A_590 = arith.constant 0 : i32
      %dma_start3A_591 = tpu.memref_slice %arg2[%dma_start3A_589, %dma_start3A_590] : memref<10000x128xf32, #tpu.memory_space<hbm>> -> memref<10000x128xf32, #tpu.memory_space<hbm>>
      tpu.enqueue_indirect_dma source(%dma_start3A_591 : memref<10000x128xf32, #tpu.memory_space<hbm>>) target(%arg10 : memref<128x128xf32, #tpu.memory_space<vmem>>) offsets(%dma_start3A_588 : memref<128xi32, #tpu.memory_space<vmem>>) semaphore(%arg14 : memref<!tpu.dma_semaphore, #tpu.memory_space<semaphore_mem>>)
      %dma_wait3A_592 = arith.constant 0 : i32
      %dma_wait3A_593 = arith.constant 0 : i32
      %dma_wait3A_594 = tpu.memref_slice %arg7[%dma_wait3A_592, %dma_wait3A_593] : memref<40x128xi32, #tpu.memory_space<vmem>> -> memref<1x128xi32, #tpu.memory_space<vmem>>
      %dma_wait3A_595 = tpu.memref_squeeze %dma_wait3A_594 : memref<1x128xi32, #tpu.memory_space<vmem>> -> memref<128xi32, #tpu.memory_space<vmem>>
      %dma_wait3A_596 = arith.constant 0 : i32
      %dma_wait3A_597 = arith.constant 0 : i32
      %dma_wait3A_598 = tpu.memref_slice %arg2[%dma_wait3A_596, %dma_wait3A_597] : memref<10000x128xf32, #tpu.memory_space<hbm>> -> memref<10000x128xf32, #tpu.memory_space<hbm>>
      tpu.wait_indirect_dma semaphore(%arg13 : memref<!tpu.dma_semaphore, #tpu.memory_space<semaphore_mem>>) src(%dma_wait3A_598 : memref<10000x128xf32, #tpu.memory_space<hbm>>) dst(%arg9 : memref<128x128xf32, #tpu.memory_space<vmem>>)
      %dma_start3A_599 = arith.constant 20 : i32
      %dma_start3A_600 = arith.constant 0 : i32
      %dma_start3A_601 = tpu.memref_slice %arg8[%dma_start3A_599, %dma_start3A_600] : memref<40x128xi32, #tpu.memory_space<vmem>> -> memref<1x128xi32, #tpu.memory_space<vmem>>
      %dma_start3A_602 = tpu.memref_squeeze %dma_start3A_601 : memref<1x128xi32, #tpu.memory_space<vmem>> -> memref<128xi32, #tpu.memory_space<vmem>>
      %dma_start3A_603 = arith.constant 0 : i32
      %dma_start3A_604 = arith.constant 0 : i32
      %dma_start3A_605 = tpu.memref_slice %arg11[%dma_start3A_603, %dma_start3A_604] : memref<10112x128xf32, #tpu.memory_space<vmem_shared>> -> memref<10112x128xf32, #tpu.memory_space<vmem_shared>>
      tpu.enqueue_indirect_dma source(%arg9 : memref<128x128xf32, #tpu.memory_space<vmem>>) target(%dma_start3A_605 : memref<10112x128xf32, #tpu.memory_space<vmem_shared>>) offsets(%dma_start3A_602 : memref<128xi32, #tpu.memory_space<vmem>>) semaphore(%arg12 : memref<!tpu.dma_semaphore, #tpu.memory_space<semaphore_mem>>) {add = true}
      %dma_wait3A_606 = arith.constant 0 : i32
      %dma_wait3A_607 = arith.constant 0 : i32
      %dma_wait3A_608 = tpu.memref_slice %arg7[%dma_wait3A_606, %dma_wait3A_607] : memref<40x128xi32, #tpu.memory_space<vmem>> -> memref<1x128xi32, #tpu.memory_space<vmem>>
      %dma_wait3A_609 = tpu.memref_squeeze %dma_wait3A_608 : memref<1x128xi32, #tpu.memory_space<vmem>> -> memref<128xi32, #tpu.memory_space<vmem>>
      %dma_wait3A_610 = arith.constant 0 : i32
      %dma_wait3A_611 = arith.constant 0 : i32
      %dma_wait3A_612 = tpu.memref_slice %arg2[%dma_wait3A_610, %dma_wait3A_611] : memref<10000x128xf32, #tpu.memory_space<hbm>> -> memref<10000x128xf32, #tpu.memory_space<hbm>>
      tpu.wait_indirect_dma semaphore(%arg14 : memref<!tpu.dma_semaphore, #tpu.memory_space<semaphore_mem>>) src(%dma_wait3A_612 : memref<10000x128xf32, #tpu.memory_space<hbm>>) dst(%arg10 : memref<128x128xf32, #tpu.memory_space<vmem>>)
      %dma_wait3A_613 = arith.constant 0 : i32
      %dma_wait3A_614 = arith.constant 0 : i32
      %dma_wait3A_615 = tpu.memref_slice %arg7[%dma_wait3A_613, %dma_wait3A_614] : memref<40x128xi32, #tpu.memory_space<vmem>> -> memref<1x128xi32, #tpu.memory_space<vmem>>
      %dma_wait3A_616 = tpu.memref_squeeze %dma_wait3A_615 : memref<1x128xi32, #tpu.memory_space<vmem>> -> memref<128xi32, #tpu.memory_space<vmem>>
      %dma_wait3A_617 = arith.constant 0 : i32
      %dma_wait3A_618 = arith.constant 0 : i32
      %dma_wait3A_619 = tpu.memref_slice %arg2[%dma_wait3A_617, %dma_wait3A_618] : memref<10000x128xf32, #tpu.memory_space<hbm>> -> memref<10000x128xf32, #tpu.memory_space<hbm>>
      tpu.wait_indirect_dma semaphore(%arg12 : memref<!tpu.dma_semaphore, #tpu.memory_space<semaphore_mem>>) src(%dma_wait3A_619 : memref<10000x128xf32, #tpu.memory_space<hbm>>) dst(%arg9 : memref<128x128xf32, #tpu.memory_space<vmem>>)
      %dma_start3A_620 = arith.constant 22 : i32
      %dma_start3A_621 = arith.constant 0 : i32
      %dma_start3A_622 = tpu.memref_slice %arg7[%dma_start3A_620, %dma_start3A_621] : memref<40x128xi32, #tpu.memory_space<vmem>> -> memref<1x128xi32, #tpu.memory_space<vmem>>
      %dma_start3A_623 = tpu.memref_squeeze %dma_start3A_622 : memref<1x128xi32, #tpu.memory_space<vmem>> -> memref<128xi32, #tpu.memory_space<vmem>>
      %dma_start3A_624 = arith.constant 0 : i32
      %dma_start3A_625 = arith.constant 0 : i32
      %dma_start3A_626 = tpu.memref_slice %arg2[%dma_start3A_624, %dma_start3A_625] : memref<10000x128xf32, #tpu.memory_space<hbm>> -> memref<10000x128xf32, #tpu.memory_space<hbm>>
      tpu.enqueue_indirect_dma source(%dma_start3A_626 : memref<10000x128xf32, #tpu.memory_space<hbm>>) target(%arg9 : memref<128x128xf32, #tpu.memory_space<vmem>>) offsets(%dma_start3A_623 : memref<128xi32, #tpu.memory_space<vmem>>) semaphore(%arg13 : memref<!tpu.dma_semaphore, #tpu.memory_space<semaphore_mem>>)
      %dma_start3A_627 = arith.constant 21 : i32
      %dma_start3A_628 = arith.constant 0 : i32
      %dma_start3A_629 = tpu.memref_slice %arg8[%dma_start3A_627, %dma_start3A_628] : memref<40x128xi32, #tpu.memory_space<vmem>> -> memref<1x128xi32, #tpu.memory_space<vmem>>
      %dma_start3A_630 = tpu.memref_squeeze %dma_start3A_629 : memref<1x128xi32, #tpu.memory_space<vmem>> -> memref<128xi32, #tpu.memory_space<vmem>>
      %dma_start3A_631 = arith.constant 0 : i32
      %dma_start3A_632 = arith.constant 0 : i32
      %dma_start3A_633 = tpu.memref_slice %arg11[%dma_start3A_631, %dma_start3A_632] : memref<10112x128xf32, #tpu.memory_space<vmem_shared>> -> memref<10112x128xf32, #tpu.memory_space<vmem_shared>>
      tpu.enqueue_indirect_dma source(%arg10 : memref<128x128xf32, #tpu.memory_space<vmem>>) target(%dma_start3A_633 : memref<10112x128xf32, #tpu.memory_space<vmem_shared>>) offsets(%dma_start3A_630 : memref<128xi32, #tpu.memory_space<vmem>>) semaphore(%arg12 : memref<!tpu.dma_semaphore, #tpu.memory_space<semaphore_mem>>) {add = true}
      %dma_wait3A_634 = arith.constant 0 : i32
      %dma_wait3A_635 = arith.constant 0 : i32
      %dma_wait3A_636 = tpu.memref_slice %arg7[%dma_wait3A_634, %dma_wait3A_635] : memref<40x128xi32, #tpu.memory_space<vmem>> -> memref<1x128xi32, #tpu.memory_space<vmem>>
      %dma_wait3A_637 = tpu.memref_squeeze %dma_wait3A_636 : memref<1x128xi32, #tpu.memory_space<vmem>> -> memref<128xi32, #tpu.memory_space<vmem>>
      %dma_wait3A_638 = arith.constant 0 : i32
      %dma_wait3A_639 = arith.constant 0 : i32
      %dma_wait3A_640 = tpu.memref_slice %arg2[%dma_wait3A_638, %dma_wait3A_639] : memref<10000x128xf32, #tpu.memory_space<hbm>> -> memref<10000x128xf32, #tpu.memory_space<hbm>>
      tpu.wait_indirect_dma semaphore(%arg12 : memref<!tpu.dma_semaphore, #tpu.memory_space<semaphore_mem>>) src(%dma_wait3A_640 : memref<10000x128xf32, #tpu.memory_space<hbm>>) dst(%arg10 : memref<128x128xf32, #tpu.memory_space<vmem>>)
      %dma_start3A_641 = arith.constant 23 : i32
      %dma_start3A_642 = arith.constant 0 : i32
      %dma_start3A_643 = tpu.memref_slice %arg7[%dma_start3A_641, %dma_start3A_642] : memref<40x128xi32, #tpu.memory_space<vmem>> -> memref<1x128xi32, #tpu.memory_space<vmem>>
      %dma_start3A_644 = tpu.memref_squeeze %dma_start3A_643 : memref<1x128xi32, #tpu.memory_space<vmem>> -> memref<128xi32, #tpu.memory_space<vmem>>
      %dma_start3A_645 = arith.constant 0 : i32
      %dma_start3A_646 = arith.constant 0 : i32
      %dma_start3A_647 = tpu.memref_slice %arg2[%dma_start3A_645, %dma_start3A_646] : memref<10000x128xf32, #tpu.memory_space<hbm>> -> memref<10000x128xf32, #tpu.memory_space<hbm>>
      tpu.enqueue_indirect_dma source(%dma_start3A_647 : memref<10000x128xf32, #tpu.memory_space<hbm>>) target(%arg10 : memref<128x128xf32, #tpu.memory_space<vmem>>) offsets(%dma_start3A_644 : memref<128xi32, #tpu.memory_space<vmem>>) semaphore(%arg14 : memref<!tpu.dma_semaphore, #tpu.memory_space<semaphore_mem>>)
      %dma_wait3A_648 = arith.constant 0 : i32
      %dma_wait3A_649 = arith.constant 0 : i32
      %dma_wait3A_650 = tpu.memref_slice %arg7[%dma_wait3A_648, %dma_wait3A_649] : memref<40x128xi32, #tpu.memory_space<vmem>> -> memref<1x128xi32, #tpu.memory_space<vmem>>
      %dma_wait3A_651 = tpu.memref_squeeze %dma_wait3A_650 : memref<1x128xi32, #tpu.memory_space<vmem>> -> memref<128xi32, #tpu.memory_space<vmem>>
      %dma_wait3A_652 = arith.constant 0 : i32
      %dma_wait3A_653 = arith.constant 0 : i32
      %dma_wait3A_654 = tpu.memref_slice %arg2[%dma_wait3A_652, %dma_wait3A_653] : memref<10000x128xf32, #tpu.memory_space<hbm>> -> memref<10000x128xf32, #tpu.memory_space<hbm>>
      tpu.wait_indirect_dma semaphore(%arg13 : memref<!tpu.dma_semaphore, #tpu.memory_space<semaphore_mem>>) src(%dma_wait3A_654 : memref<10000x128xf32, #tpu.memory_space<hbm>>) dst(%arg9 : memref<128x128xf32, #tpu.memory_space<vmem>>)
      %dma_start3A_655 = arith.constant 22 : i32
      %dma_start3A_656 = arith.constant 0 : i32
      %dma_start3A_657 = tpu.memref_slice %arg8[%dma_start3A_655, %dma_start3A_656] : memref<40x128xi32, #tpu.memory_space<vmem>> -> memref<1x128xi32, #tpu.memory_space<vmem>>
      %dma_start3A_658 = tpu.memref_squeeze %dma_start3A_657 : memref<1x128xi32, #tpu.memory_space<vmem>> -> memref<128xi32, #tpu.memory_space<vmem>>
      %dma_start3A_659 = arith.constant 0 : i32
      %dma_start3A_660 = arith.constant 0 : i32
      %dma_start3A_661 = tpu.memref_slice %arg11[%dma_start3A_659, %dma_start3A_660] : memref<10112x128xf32, #tpu.memory_space<vmem_shared>> -> memref<10112x128xf32, #tpu.memory_space<vmem_shared>>
      tpu.enqueue_indirect_dma source(%arg9 : memref<128x128xf32, #tpu.memory_space<vmem>>) target(%dma_start3A_661 : memref<10112x128xf32, #tpu.memory_space<vmem_shared>>) offsets(%dma_start3A_658 : memref<128xi32, #tpu.memory_space<vmem>>) semaphore(%arg12 : memref<!tpu.dma_semaphore, #tpu.memory_space<semaphore_mem>>) {add = true}
      %dma_wait3A_662 = arith.constant 0 : i32
      %dma_wait3A_663 = arith.constant 0 : i32
      %dma_wait3A_664 = tpu.memref_slice %arg7[%dma_wait3A_662, %dma_wait3A_663] : memref<40x128xi32, #tpu.memory_space<vmem>> -> memref<1x128xi32, #tpu.memory_space<vmem>>
      %dma_wait3A_665 = tpu.memref_squeeze %dma_wait3A_664 : memref<1x128xi32, #tpu.memory_space<vmem>> -> memref<128xi32, #tpu.memory_space<vmem>>
      %dma_wait3A_666 = arith.constant 0 : i32
      %dma_wait3A_667 = arith.constant 0 : i32
      %dma_wait3A_668 = tpu.memref_slice %arg2[%dma_wait3A_666, %dma_wait3A_667] : memref<10000x128xf32, #tpu.memory_space<hbm>> -> memref<10000x128xf32, #tpu.memory_space<hbm>>
      tpu.wait_indirect_dma semaphore(%arg14 : memref<!tpu.dma_semaphore, #tpu.memory_space<semaphore_mem>>) src(%dma_wait3A_668 : memref<10000x128xf32, #tpu.memory_space<hbm>>) dst(%arg10 : memref<128x128xf32, #tpu.memory_space<vmem>>)
      %dma_wait3A_669 = arith.constant 0 : i32
      %dma_wait3A_670 = arith.constant 0 : i32
      %dma_wait3A_671 = tpu.memref_slice %arg7[%dma_wait3A_669, %dma_wait3A_670] : memref<40x128xi32, #tpu.memory_space<vmem>> -> memref<1x128xi32, #tpu.memory_space<vmem>>
      %dma_wait3A_672 = tpu.memref_squeeze %dma_wait3A_671 : memref<1x128xi32, #tpu.memory_space<vmem>> -> memref<128xi32, #tpu.memory_space<vmem>>
      %dma_wait3A_673 = arith.constant 0 : i32
      %dma_wait3A_674 = arith.constant 0 : i32
      %dma_wait3A_675 = tpu.memref_slice %arg2[%dma_wait3A_673, %dma_wait3A_674] : memref<10000x128xf32, #tpu.memory_space<hbm>> -> memref<10000x128xf32, #tpu.memory_space<hbm>>
      tpu.wait_indirect_dma semaphore(%arg12 : memref<!tpu.dma_semaphore, #tpu.memory_space<semaphore_mem>>) src(%dma_wait3A_675 : memref<10000x128xf32, #tpu.memory_space<hbm>>) dst(%arg9 : memref<128x128xf32, #tpu.memory_space<vmem>>)
      %dma_start3A_676 = arith.constant 24 : i32
      %dma_start3A_677 = arith.constant 0 : i32
      %dma_start3A_678 = tpu.memref_slice %arg7[%dma_start3A_676, %dma_start3A_677] : memref<40x128xi32, #tpu.memory_space<vmem>> -> memref<1x128xi32, #tpu.memory_space<vmem>>
      %dma_start3A_679 = tpu.memref_squeeze %dma_start3A_678 : memref<1x128xi32, #tpu.memory_space<vmem>> -> memref<128xi32, #tpu.memory_space<vmem>>
      %dma_start3A_680 = arith.constant 0 : i32
      %dma_start3A_681 = arith.constant 0 : i32
      %dma_start3A_682 = tpu.memref_slice %arg2[%dma_start3A_680, %dma_start3A_681] : memref<10000x128xf32, #tpu.memory_space<hbm>> -> memref<10000x128xf32, #tpu.memory_space<hbm>>
      tpu.enqueue_indirect_dma source(%dma_start3A_682 : memref<10000x128xf32, #tpu.memory_space<hbm>>) target(%arg9 : memref<128x128xf32, #tpu.memory_space<vmem>>) offsets(%dma_start3A_679 : memref<128xi32, #tpu.memory_space<vmem>>) semaphore(%arg13 : memref<!tpu.dma_semaphore, #tpu.memory_space<semaphore_mem>>)
      %dma_start3A_683 = arith.constant 23 : i32
      %dma_start3A_684 = arith.constant 0 : i32
      %dma_start3A_685 = tpu.memref_slice %arg8[%dma_start3A_683, %dma_start3A_684] : memref<40x128xi32, #tpu.memory_space<vmem>> -> memref<1x128xi32, #tpu.memory_space<vmem>>
      %dma_start3A_686 = tpu.memref_squeeze %dma_start3A_685 : memref<1x128xi32, #tpu.memory_space<vmem>> -> memref<128xi32, #tpu.memory_space<vmem>>
      %dma_start3A_687 = arith.constant 0 : i32
      %dma_start3A_688 = arith.constant 0 : i32
      %dma_start3A_689 = tpu.memref_slice %arg11[%dma_start3A_687, %dma_start3A_688] : memref<10112x128xf32, #tpu.memory_space<vmem_shared>> -> memref<10112x128xf32, #tpu.memory_space<vmem_shared>>
      tpu.enqueue_indirect_dma source(%arg10 : memref<128x128xf32, #tpu.memory_space<vmem>>) target(%dma_start3A_689 : memref<10112x128xf32, #tpu.memory_space<vmem_shared>>) offsets(%dma_start3A_686 : memref<128xi32, #tpu.memory_space<vmem>>) semaphore(%arg12 : memref<!tpu.dma_semaphore, #tpu.memory_space<semaphore_mem>>) {add = true}
      %dma_wait3A_690 = arith.constant 0 : i32
      %dma_wait3A_691 = arith.constant 0 : i32
      %dma_wait3A_692 = tpu.memref_slice %arg7[%dma_wait3A_690, %dma_wait3A_691] : memref<40x128xi32, #tpu.memory_space<vmem>> -> memref<1x128xi32, #tpu.memory_space<vmem>>
      %dma_wait3A_693 = tpu.memref_squeeze %dma_wait3A_692 : memref<1x128xi32, #tpu.memory_space<vmem>> -> memref<128xi32, #tpu.memory_space<vmem>>
      %dma_wait3A_694 = arith.constant 0 : i32
      %dma_wait3A_695 = arith.constant 0 : i32
      %dma_wait3A_696 = tpu.memref_slice %arg2[%dma_wait3A_694, %dma_wait3A_695] : memref<10000x128xf32, #tpu.memory_space<hbm>> -> memref<10000x128xf32, #tpu.memory_space<hbm>>
      tpu.wait_indirect_dma semaphore(%arg12 : memref<!tpu.dma_semaphore, #tpu.memory_space<semaphore_mem>>) src(%dma_wait3A_696 : memref<10000x128xf32, #tpu.memory_space<hbm>>) dst(%arg10 : memref<128x128xf32, #tpu.memory_space<vmem>>)
      %dma_start3A_697 = arith.constant 25 : i32
      %dma_start3A_698 = arith.constant 0 : i32
      %dma_start3A_699 = tpu.memref_slice %arg7[%dma_start3A_697, %dma_start3A_698] : memref<40x128xi32, #tpu.memory_space<vmem>> -> memref<1x128xi32, #tpu.memory_space<vmem>>
      %dma_start3A_700 = tpu.memref_squeeze %dma_start3A_699 : memref<1x128xi32, #tpu.memory_space<vmem>> -> memref<128xi32, #tpu.memory_space<vmem>>
      %dma_start3A_701 = arith.constant 0 : i32
      %dma_start3A_702 = arith.constant 0 : i32
      %dma_start3A_703 = tpu.memref_slice %arg2[%dma_start3A_701, %dma_start3A_702] : memref<10000x128xf32, #tpu.memory_space<hbm>> -> memref<10000x128xf32, #tpu.memory_space<hbm>>
      tpu.enqueue_indirect_dma source(%dma_start3A_703 : memref<10000x128xf32, #tpu.memory_space<hbm>>) target(%arg10 : memref<128x128xf32, #tpu.memory_space<vmem>>) offsets(%dma_start3A_700 : memref<128xi32, #tpu.memory_space<vmem>>) semaphore(%arg14 : memref<!tpu.dma_semaphore, #tpu.memory_space<semaphore_mem>>)
      %dma_wait3A_704 = arith.constant 0 : i32
      %dma_wait3A_705 = arith.constant 0 : i32
      %dma_wait3A_706 = tpu.memref_slice %arg7[%dma_wait3A_704, %dma_wait3A_705] : memref<40x128xi32, #tpu.memory_space<vmem>> -> memref<1x128xi32, #tpu.memory_space<vmem>>
      %dma_wait3A_707 = tpu.memref_squeeze %dma_wait3A_706 : memref<1x128xi32, #tpu.memory_space<vmem>> -> memref<128xi32, #tpu.memory_space<vmem>>
      %dma_wait3A_708 = arith.constant 0 : i32
      %dma_wait3A_709 = arith.constant 0 : i32
      %dma_wait3A_710 = tpu.memref_slice %arg2[%dma_wait3A_708, %dma_wait3A_709] : memref<10000x128xf32, #tpu.memory_space<hbm>> -> memref<10000x128xf32, #tpu.memory_space<hbm>>
      tpu.wait_indirect_dma semaphore(%arg13 : memref<!tpu.dma_semaphore, #tpu.memory_space<semaphore_mem>>) src(%dma_wait3A_710 : memref<10000x128xf32, #tpu.memory_space<hbm>>) dst(%arg9 : memref<128x128xf32, #tpu.memory_space<vmem>>)
      %dma_start3A_711 = arith.constant 24 : i32
      %dma_start3A_712 = arith.constant 0 : i32
      %dma_start3A_713 = tpu.memref_slice %arg8[%dma_start3A_711, %dma_start3A_712] : memref<40x128xi32, #tpu.memory_space<vmem>> -> memref<1x128xi32, #tpu.memory_space<vmem>>
      %dma_start3A_714 = tpu.memref_squeeze %dma_start3A_713 : memref<1x128xi32, #tpu.memory_space<vmem>> -> memref<128xi32, #tpu.memory_space<vmem>>
      %dma_start3A_715 = arith.constant 0 : i32
      %dma_start3A_716 = arith.constant 0 : i32
      %dma_start3A_717 = tpu.memref_slice %arg11[%dma_start3A_715, %dma_start3A_716] : memref<10112x128xf32, #tpu.memory_space<vmem_shared>> -> memref<10112x128xf32, #tpu.memory_space<vmem_shared>>
      tpu.enqueue_indirect_dma source(%arg9 : memref<128x128xf32, #tpu.memory_space<vmem>>) target(%dma_start3A_717 : memref<10112x128xf32, #tpu.memory_space<vmem_shared>>) offsets(%dma_start3A_714 : memref<128xi32, #tpu.memory_space<vmem>>) semaphore(%arg12 : memref<!tpu.dma_semaphore, #tpu.memory_space<semaphore_mem>>) {add = true}
      %dma_wait3A_718 = arith.constant 0 : i32
      %dma_wait3A_719 = arith.constant 0 : i32
      %dma_wait3A_720 = tpu.memref_slice %arg7[%dma_wait3A_718, %dma_wait3A_719] : memref<40x128xi32, #tpu.memory_space<vmem>> -> memref<1x128xi32, #tpu.memory_space<vmem>>
      %dma_wait3A_721 = tpu.memref_squeeze %dma_wait3A_720 : memref<1x128xi32, #tpu.memory_space<vmem>> -> memref<128xi32, #tpu.memory_space<vmem>>
      %dma_wait3A_722 = arith.constant 0 : i32
      %dma_wait3A_723 = arith.constant 0 : i32
      %dma_wait3A_724 = tpu.memref_slice %arg2[%dma_wait3A_722, %dma_wait3A_723] : memref<10000x128xf32, #tpu.memory_space<hbm>> -> memref<10000x128xf32, #tpu.memory_space<hbm>>
      tpu.wait_indirect_dma semaphore(%arg14 : memref<!tpu.dma_semaphore, #tpu.memory_space<semaphore_mem>>) src(%dma_wait3A_724 : memref<10000x128xf32, #tpu.memory_space<hbm>>) dst(%arg10 : memref<128x128xf32, #tpu.memory_space<vmem>>)
      %dma_wait3A_725 = arith.constant 0 : i32
      %dma_wait3A_726 = arith.constant 0 : i32
      %dma_wait3A_727 = tpu.memref_slice %arg7[%dma_wait3A_725, %dma_wait3A_726] : memref<40x128xi32, #tpu.memory_space<vmem>> -> memref<1x128xi32, #tpu.memory_space<vmem>>
      %dma_wait3A_728 = tpu.memref_squeeze %dma_wait3A_727 : memref<1x128xi32, #tpu.memory_space<vmem>> -> memref<128xi32, #tpu.memory_space<vmem>>
      %dma_wait3A_729 = arith.constant 0 : i32
      %dma_wait3A_730 = arith.constant 0 : i32
      %dma_wait3A_731 = tpu.memref_slice %arg2[%dma_wait3A_729, %dma_wait3A_730] : memref<10000x128xf32, #tpu.memory_space<hbm>> -> memref<10000x128xf32, #tpu.memory_space<hbm>>
      tpu.wait_indirect_dma semaphore(%arg12 : memref<!tpu.dma_semaphore, #tpu.memory_space<semaphore_mem>>) src(%dma_wait3A_731 : memref<10000x128xf32, #tpu.memory_space<hbm>>) dst(%arg9 : memref<128x128xf32, #tpu.memory_space<vmem>>)
      %dma_start3A_732 = arith.constant 26 : i32
      %dma_start3A_733 = arith.constant 0 : i32
      %dma_start3A_734 = tpu.memref_slice %arg7[%dma_start3A_732, %dma_start3A_733] : memref<40x128xi32, #tpu.memory_space<vmem>> -> memref<1x128xi32, #tpu.memory_space<vmem>>
      %dma_start3A_735 = tpu.memref_squeeze %dma_start3A_734 : memref<1x128xi32, #tpu.memory_space<vmem>> -> memref<128xi32, #tpu.memory_space<vmem>>
      %dma_start3A_736 = arith.constant 0 : i32
      %dma_start3A_737 = arith.constant 0 : i32
      %dma_start3A_738 = tpu.memref_slice %arg2[%dma_start3A_736, %dma_start3A_737] : memref<10000x128xf32, #tpu.memory_space<hbm>> -> memref<10000x128xf32, #tpu.memory_space<hbm>>
      tpu.enqueue_indirect_dma source(%dma_start3A_738 : memref<10000x128xf32, #tpu.memory_space<hbm>>) target(%arg9 : memref<128x128xf32, #tpu.memory_space<vmem>>) offsets(%dma_start3A_735 : memref<128xi32, #tpu.memory_space<vmem>>) semaphore(%arg13 : memref<!tpu.dma_semaphore, #tpu.memory_space<semaphore_mem>>)
      %dma_start3A_739 = arith.constant 25 : i32
      %dma_start3A_740 = arith.constant 0 : i32
      %dma_start3A_741 = tpu.memref_slice %arg8[%dma_start3A_739, %dma_start3A_740] : memref<40x128xi32, #tpu.memory_space<vmem>> -> memref<1x128xi32, #tpu.memory_space<vmem>>
      %dma_start3A_742 = tpu.memref_squeeze %dma_start3A_741 : memref<1x128xi32, #tpu.memory_space<vmem>> -> memref<128xi32, #tpu.memory_space<vmem>>
      %dma_start3A_743 = arith.constant 0 : i32
      %dma_start3A_744 = arith.constant 0 : i32
      %dma_start3A_745 = tpu.memref_slice %arg11[%dma_start3A_743, %dma_start3A_744] : memref<10112x128xf32, #tpu.memory_space<vmem_shared>> -> memref<10112x128xf32, #tpu.memory_space<vmem_shared>>
      tpu.enqueue_indirect_dma source(%arg10 : memref<128x128xf32, #tpu.memory_space<vmem>>) target(%dma_start3A_745 : memref<10112x128xf32, #tpu.memory_space<vmem_shared>>) offsets(%dma_start3A_742 : memref<128xi32, #tpu.memory_space<vmem>>) semaphore(%arg12 : memref<!tpu.dma_semaphore, #tpu.memory_space<semaphore_mem>>) {add = true}
      %dma_wait3A_746 = arith.constant 0 : i32
      %dma_wait3A_747 = arith.constant 0 : i32
      %dma_wait3A_748 = tpu.memref_slice %arg7[%dma_wait3A_746, %dma_wait3A_747] : memref<40x128xi32, #tpu.memory_space<vmem>> -> memref<1x128xi32, #tpu.memory_space<vmem>>
      %dma_wait3A_749 = tpu.memref_squeeze %dma_wait3A_748 : memref<1x128xi32, #tpu.memory_space<vmem>> -> memref<128xi32, #tpu.memory_space<vmem>>
      %dma_wait3A_750 = arith.constant 0 : i32
      %dma_wait3A_751 = arith.constant 0 : i32
      %dma_wait3A_752 = tpu.memref_slice %arg2[%dma_wait3A_750, %dma_wait3A_751] : memref<10000x128xf32, #tpu.memory_space<hbm>> -> memref<10000x128xf32, #tpu.memory_space<hbm>>
      tpu.wait_indirect_dma semaphore(%arg12 : memref<!tpu.dma_semaphore, #tpu.memory_space<semaphore_mem>>) src(%dma_wait3A_752 : memref<10000x128xf32, #tpu.memory_space<hbm>>) dst(%arg10 : memref<128x128xf32, #tpu.memory_space<vmem>>)
      %dma_start3A_753 = arith.constant 27 : i32
      %dma_start3A_754 = arith.constant 0 : i32
      %dma_start3A_755 = tpu.memref_slice %arg7[%dma_start3A_753, %dma_start3A_754] : memref<40x128xi32, #tpu.memory_space<vmem>> -> memref<1x128xi32, #tpu.memory_space<vmem>>
      %dma_start3A_756 = tpu.memref_squeeze %dma_start3A_755 : memref<1x128xi32, #tpu.memory_space<vmem>> -> memref<128xi32, #tpu.memory_space<vmem>>
      %dma_start3A_757 = arith.constant 0 : i32
      %dma_start3A_758 = arith.constant 0 : i32
      %dma_start3A_759 = tpu.memref_slice %arg2[%dma_start3A_757, %dma_start3A_758] : memref<10000x128xf32, #tpu.memory_space<hbm>> -> memref<10000x128xf32, #tpu.memory_space<hbm>>
      tpu.enqueue_indirect_dma source(%dma_start3A_759 : memref<10000x128xf32, #tpu.memory_space<hbm>>) target(%arg10 : memref<128x128xf32, #tpu.memory_space<vmem>>) offsets(%dma_start3A_756 : memref<128xi32, #tpu.memory_space<vmem>>) semaphore(%arg14 : memref<!tpu.dma_semaphore, #tpu.memory_space<semaphore_mem>>)
      %dma_wait3A_760 = arith.constant 0 : i32
      %dma_wait3A_761 = arith.constant 0 : i32
      %dma_wait3A_762 = tpu.memref_slice %arg7[%dma_wait3A_760, %dma_wait3A_761] : memref<40x128xi32, #tpu.memory_space<vmem>> -> memref<1x128xi32, #tpu.memory_space<vmem>>
      %dma_wait3A_763 = tpu.memref_squeeze %dma_wait3A_762 : memref<1x128xi32, #tpu.memory_space<vmem>> -> memref<128xi32, #tpu.memory_space<vmem>>
      %dma_wait3A_764 = arith.constant 0 : i32
      %dma_wait3A_765 = arith.constant 0 : i32
      %dma_wait3A_766 = tpu.memref_slice %arg2[%dma_wait3A_764, %dma_wait3A_765] : memref<10000x128xf32, #tpu.memory_space<hbm>> -> memref<10000x128xf32, #tpu.memory_space<hbm>>
      tpu.wait_indirect_dma semaphore(%arg13 : memref<!tpu.dma_semaphore, #tpu.memory_space<semaphore_mem>>) src(%dma_wait3A_766 : memref<10000x128xf32, #tpu.memory_space<hbm>>) dst(%arg9 : memref<128x128xf32, #tpu.memory_space<vmem>>)
      %dma_start3A_767 = arith.constant 26 : i32
      %dma_start3A_768 = arith.constant 0 : i32
      %dma_start3A_769 = tpu.memref_slice %arg8[%dma_start3A_767, %dma_start3A_768] : memref<40x128xi32, #tpu.memory_space<vmem>> -> memref<1x128xi32, #tpu.memory_space<vmem>>
      %dma_start3A_770 = tpu.memref_squeeze %dma_start3A_769 : memref<1x128xi32, #tpu.memory_space<vmem>> -> memref<128xi32, #tpu.memory_space<vmem>>
      %dma_start3A_771 = arith.constant 0 : i32
      %dma_start3A_772 = arith.constant 0 : i32
      %dma_start3A_773 = tpu.memref_slice %arg11[%dma_start3A_771, %dma_start3A_772] : memref<10112x128xf32, #tpu.memory_space<vmem_shared>> -> memref<10112x128xf32, #tpu.memory_space<vmem_shared>>
      tpu.enqueue_indirect_dma source(%arg9 : memref<128x128xf32, #tpu.memory_space<vmem>>) target(%dma_start3A_773 : memref<10112x128xf32, #tpu.memory_space<vmem_shared>>) offsets(%dma_start3A_770 : memref<128xi32, #tpu.memory_space<vmem>>) semaphore(%arg12 : memref<!tpu.dma_semaphore, #tpu.memory_space<semaphore_mem>>) {add = true}
      %dma_wait3A_774 = arith.constant 0 : i32
      %dma_wait3A_775 = arith.constant 0 : i32
      %dma_wait3A_776 = tpu.memref_slice %arg7[%dma_wait3A_774, %dma_wait3A_775] : memref<40x128xi32, #tpu.memory_space<vmem>> -> memref<1x128xi32, #tpu.memory_space<vmem>>
      %dma_wait3A_777 = tpu.memref_squeeze %dma_wait3A_776 : memref<1x128xi32, #tpu.memory_space<vmem>> -> memref<128xi32, #tpu.memory_space<vmem>>
      %dma_wait3A_778 = arith.constant 0 : i32
      %dma_wait3A_779 = arith.constant 0 : i32
      %dma_wait3A_780 = tpu.memref_slice %arg2[%dma_wait3A_778, %dma_wait3A_779] : memref<10000x128xf32, #tpu.memory_space<hbm>> -> memref<10000x128xf32, #tpu.memory_space<hbm>>
      tpu.wait_indirect_dma semaphore(%arg14 : memref<!tpu.dma_semaphore, #tpu.memory_space<semaphore_mem>>) src(%dma_wait3A_780 : memref<10000x128xf32, #tpu.memory_space<hbm>>) dst(%arg10 : memref<128x128xf32, #tpu.memory_space<vmem>>)
      %dma_wait3A_781 = arith.constant 0 : i32
      %dma_wait3A_782 = arith.constant 0 : i32
      %dma_wait3A_783 = tpu.memref_slice %arg7[%dma_wait3A_781, %dma_wait3A_782] : memref<40x128xi32, #tpu.memory_space<vmem>> -> memref<1x128xi32, #tpu.memory_space<vmem>>
      %dma_wait3A_784 = tpu.memref_squeeze %dma_wait3A_783 : memref<1x128xi32, #tpu.memory_space<vmem>> -> memref<128xi32, #tpu.memory_space<vmem>>
      %dma_wait3A_785 = arith.constant 0 : i32
      %dma_wait3A_786 = arith.constant 0 : i32
      %dma_wait3A_787 = tpu.memref_slice %arg2[%dma_wait3A_785, %dma_wait3A_786] : memref<10000x128xf32, #tpu.memory_space<hbm>> -> memref<10000x128xf32, #tpu.memory_space<hbm>>
      tpu.wait_indirect_dma semaphore(%arg12 : memref<!tpu.dma_semaphore, #tpu.memory_space<semaphore_mem>>) src(%dma_wait3A_787 : memref<10000x128xf32, #tpu.memory_space<hbm>>) dst(%arg9 : memref<128x128xf32, #tpu.memory_space<vmem>>)
      %dma_start3A_788 = arith.constant 28 : i32
      %dma_start3A_789 = arith.constant 0 : i32
      %dma_start3A_790 = tpu.memref_slice %arg7[%dma_start3A_788, %dma_start3A_789] : memref<40x128xi32, #tpu.memory_space<vmem>> -> memref<1x128xi32, #tpu.memory_space<vmem>>
      %dma_start3A_791 = tpu.memref_squeeze %dma_start3A_790 : memref<1x128xi32, #tpu.memory_space<vmem>> -> memref<128xi32, #tpu.memory_space<vmem>>
      %dma_start3A_792 = arith.constant 0 : i32
      %dma_start3A_793 = arith.constant 0 : i32
      %dma_start3A_794 = tpu.memref_slice %arg2[%dma_start3A_792, %dma_start3A_793] : memref<10000x128xf32, #tpu.memory_space<hbm>> -> memref<10000x128xf32, #tpu.memory_space<hbm>>
      tpu.enqueue_indirect_dma source(%dma_start3A_794 : memref<10000x128xf32, #tpu.memory_space<hbm>>) target(%arg9 : memref<128x128xf32, #tpu.memory_space<vmem>>) offsets(%dma_start3A_791 : memref<128xi32, #tpu.memory_space<vmem>>) semaphore(%arg13 : memref<!tpu.dma_semaphore, #tpu.memory_space<semaphore_mem>>)
      %dma_start3A_795 = arith.constant 27 : i32
      %dma_start3A_796 = arith.constant 0 : i32
      %dma_start3A_797 = tpu.memref_slice %arg8[%dma_start3A_795, %dma_start3A_796] : memref<40x128xi32, #tpu.memory_space<vmem>> -> memref<1x128xi32, #tpu.memory_space<vmem>>
      %dma_start3A_798 = tpu.memref_squeeze %dma_start3A_797 : memref<1x128xi32, #tpu.memory_space<vmem>> -> memref<128xi32, #tpu.memory_space<vmem>>
      %dma_start3A_799 = arith.constant 0 : i32
      %dma_start3A_800 = arith.constant 0 : i32
      %dma_start3A_801 = tpu.memref_slice %arg11[%dma_start3A_799, %dma_start3A_800] : memref<10112x128xf32, #tpu.memory_space<vmem_shared>> -> memref<10112x128xf32, #tpu.memory_space<vmem_shared>>
      tpu.enqueue_indirect_dma source(%arg10 : memref<128x128xf32, #tpu.memory_space<vmem>>) target(%dma_start3A_801 : memref<10112x128xf32, #tpu.memory_space<vmem_shared>>) offsets(%dma_start3A_798 : memref<128xi32, #tpu.memory_space<vmem>>) semaphore(%arg12 : memref<!tpu.dma_semaphore, #tpu.memory_space<semaphore_mem>>) {add = true}
      %dma_wait3A_802 = arith.constant 0 : i32
      %dma_wait3A_803 = arith.constant 0 : i32
      %dma_wait3A_804 = tpu.memref_slice %arg7[%dma_wait3A_802, %dma_wait3A_803] : memref<40x128xi32, #tpu.memory_space<vmem>> -> memref<1x128xi32, #tpu.memory_space<vmem>>
      %dma_wait3A_805 = tpu.memref_squeeze %dma_wait3A_804 : memref<1x128xi32, #tpu.memory_space<vmem>> -> memref<128xi32, #tpu.memory_space<vmem>>
      %dma_wait3A_806 = arith.constant 0 : i32
      %dma_wait3A_807 = arith.constant 0 : i32
      %dma_wait3A_808 = tpu.memref_slice %arg2[%dma_wait3A_806, %dma_wait3A_807] : memref<10000x128xf32, #tpu.memory_space<hbm>> -> memref<10000x128xf32, #tpu.memory_space<hbm>>
      tpu.wait_indirect_dma semaphore(%arg12 : memref<!tpu.dma_semaphore, #tpu.memory_space<semaphore_mem>>) src(%dma_wait3A_808 : memref<10000x128xf32, #tpu.memory_space<hbm>>) dst(%arg10 : memref<128x128xf32, #tpu.memory_space<vmem>>)
      %dma_start3A_809 = arith.constant 29 : i32
      %dma_start3A_810 = arith.constant 0 : i32
      %dma_start3A_811 = tpu.memref_slice %arg7[%dma_start3A_809, %dma_start3A_810] : memref<40x128xi32, #tpu.memory_space<vmem>> -> memref<1x128xi32, #tpu.memory_space<vmem>>
      %dma_start3A_812 = tpu.memref_squeeze %dma_start3A_811 : memref<1x128xi32, #tpu.memory_space<vmem>> -> memref<128xi32, #tpu.memory_space<vmem>>
      %dma_start3A_813 = arith.constant 0 : i32
      %dma_start3A_814 = arith.constant 0 : i32
      %dma_start3A_815 = tpu.memref_slice %arg2[%dma_start3A_813, %dma_start3A_814] : memref<10000x128xf32, #tpu.memory_space<hbm>> -> memref<10000x128xf32, #tpu.memory_space<hbm>>
      tpu.enqueue_indirect_dma source(%dma_start3A_815 : memref<10000x128xf32, #tpu.memory_space<hbm>>) target(%arg10 : memref<128x128xf32, #tpu.memory_space<vmem>>) offsets(%dma_start3A_812 : memref<128xi32, #tpu.memory_space<vmem>>) semaphore(%arg14 : memref<!tpu.dma_semaphore, #tpu.memory_space<semaphore_mem>>)
      %dma_wait3A_816 = arith.constant 0 : i32
      %dma_wait3A_817 = arith.constant 0 : i32
      %dma_wait3A_818 = tpu.memref_slice %arg7[%dma_wait3A_816, %dma_wait3A_817] : memref<40x128xi32, #tpu.memory_space<vmem>> -> memref<1x128xi32, #tpu.memory_space<vmem>>
      %dma_wait3A_819 = tpu.memref_squeeze %dma_wait3A_818 : memref<1x128xi32, #tpu.memory_space<vmem>> -> memref<128xi32, #tpu.memory_space<vmem>>
      %dma_wait3A_820 = arith.constant 0 : i32
      %dma_wait3A_821 = arith.constant 0 : i32
      %dma_wait3A_822 = tpu.memref_slice %arg2[%dma_wait3A_820, %dma_wait3A_821] : memref<10000x128xf32, #tpu.memory_space<hbm>> -> memref<10000x128xf32, #tpu.memory_space<hbm>>
      tpu.wait_indirect_dma semaphore(%arg13 : memref<!tpu.dma_semaphore, #tpu.memory_space<semaphore_mem>>) src(%dma_wait3A_822 : memref<10000x128xf32, #tpu.memory_space<hbm>>) dst(%arg9 : memref<128x128xf32, #tpu.memory_space<vmem>>)
      %dma_start3A_823 = arith.constant 28 : i32
      %dma_start3A_824 = arith.constant 0 : i32
      %dma_start3A_825 = tpu.memref_slice %arg8[%dma_start3A_823, %dma_start3A_824] : memref<40x128xi32, #tpu.memory_space<vmem>> -> memref<1x128xi32, #tpu.memory_space<vmem>>
      %dma_start3A_826 = tpu.memref_squeeze %dma_start3A_825 : memref<1x128xi32, #tpu.memory_space<vmem>> -> memref<128xi32, #tpu.memory_space<vmem>>
      %dma_start3A_827 = arith.constant 0 : i32
      %dma_start3A_828 = arith.constant 0 : i32
      %dma_start3A_829 = tpu.memref_slice %arg11[%dma_start3A_827, %dma_start3A_828] : memref<10112x128xf32, #tpu.memory_space<vmem_shared>> -> memref<10112x128xf32, #tpu.memory_space<vmem_shared>>
      tpu.enqueue_indirect_dma source(%arg9 : memref<128x128xf32, #tpu.memory_space<vmem>>) target(%dma_start3A_829 : memref<10112x128xf32, #tpu.memory_space<vmem_shared>>) offsets(%dma_start3A_826 : memref<128xi32, #tpu.memory_space<vmem>>) semaphore(%arg12 : memref<!tpu.dma_semaphore, #tpu.memory_space<semaphore_mem>>) {add = true}
      %dma_wait3A_830 = arith.constant 0 : i32
      %dma_wait3A_831 = arith.constant 0 : i32
      %dma_wait3A_832 = tpu.memref_slice %arg7[%dma_wait3A_830, %dma_wait3A_831] : memref<40x128xi32, #tpu.memory_space<vmem>> -> memref<1x128xi32, #tpu.memory_space<vmem>>
      %dma_wait3A_833 = tpu.memref_squeeze %dma_wait3A_832 : memref<1x128xi32, #tpu.memory_space<vmem>> -> memref<128xi32, #tpu.memory_space<vmem>>
      %dma_wait3A_834 = arith.constant 0 : i32
      %dma_wait3A_835 = arith.constant 0 : i32
      %dma_wait3A_836 = tpu.memref_slice %arg2[%dma_wait3A_834, %dma_wait3A_835] : memref<10000x128xf32, #tpu.memory_space<hbm>> -> memref<10000x128xf32, #tpu.memory_space<hbm>>
      tpu.wait_indirect_dma semaphore(%arg14 : memref<!tpu.dma_semaphore, #tpu.memory_space<semaphore_mem>>) src(%dma_wait3A_836 : memref<10000x128xf32, #tpu.memory_space<hbm>>) dst(%arg10 : memref<128x128xf32, #tpu.memory_space<vmem>>)
      %dma_wait3A_837 = arith.constant 0 : i32
      %dma_wait3A_838 = arith.constant 0 : i32
      %dma_wait3A_839 = tpu.memref_slice %arg7[%dma_wait3A_837, %dma_wait3A_838] : memref<40x128xi32, #tpu.memory_space<vmem>> -> memref<1x128xi32, #tpu.memory_space<vmem>>
      %dma_wait3A_840 = tpu.memref_squeeze %dma_wait3A_839 : memref<1x128xi32, #tpu.memory_space<vmem>> -> memref<128xi32, #tpu.memory_space<vmem>>
      %dma_wait3A_841 = arith.constant 0 : i32
      %dma_wait3A_842 = arith.constant 0 : i32
      %dma_wait3A_843 = tpu.memref_slice %arg2[%dma_wait3A_841, %dma_wait3A_842] : memref<10000x128xf32, #tpu.memory_space<hbm>> -> memref<10000x128xf32, #tpu.memory_space<hbm>>
      tpu.wait_indirect_dma semaphore(%arg12 : memref<!tpu.dma_semaphore, #tpu.memory_space<semaphore_mem>>) src(%dma_wait3A_843 : memref<10000x128xf32, #tpu.memory_space<hbm>>) dst(%arg9 : memref<128x128xf32, #tpu.memory_space<vmem>>)
      %dma_start3A_844 = arith.constant 30 : i32
      %dma_start3A_845 = arith.constant 0 : i32
      %dma_start3A_846 = tpu.memref_slice %arg7[%dma_start3A_844, %dma_start3A_845] : memref<40x128xi32, #tpu.memory_space<vmem>> -> memref<1x128xi32, #tpu.memory_space<vmem>>
      %dma_start3A_847 = tpu.memref_squeeze %dma_start3A_846 : memref<1x128xi32, #tpu.memory_space<vmem>> -> memref<128xi32, #tpu.memory_space<vmem>>
      %dma_start3A_848 = arith.constant 0 : i32
      %dma_start3A_849 = arith.constant 0 : i32
      %dma_start3A_850 = tpu.memref_slice %arg2[%dma_start3A_848, %dma_start3A_849] : memref<10000x128xf32, #tpu.memory_space<hbm>> -> memref<10000x128xf32, #tpu.memory_space<hbm>>
      tpu.enqueue_indirect_dma source(%dma_start3A_850 : memref<10000x128xf32, #tpu.memory_space<hbm>>) target(%arg9 : memref<128x128xf32, #tpu.memory_space<vmem>>) offsets(%dma_start3A_847 : memref<128xi32, #tpu.memory_space<vmem>>) semaphore(%arg13 : memref<!tpu.dma_semaphore, #tpu.memory_space<semaphore_mem>>)
      %dma_start3A_851 = arith.constant 29 : i32
      %dma_start3A_852 = arith.constant 0 : i32
      %dma_start3A_853 = tpu.memref_slice %arg8[%dma_start3A_851, %dma_start3A_852] : memref<40x128xi32, #tpu.memory_space<vmem>> -> memref<1x128xi32, #tpu.memory_space<vmem>>
      %dma_start3A_854 = tpu.memref_squeeze %dma_start3A_853 : memref<1x128xi32, #tpu.memory_space<vmem>> -> memref<128xi32, #tpu.memory_space<vmem>>
      %dma_start3A_855 = arith.constant 0 : i32
      %dma_start3A_856 = arith.constant 0 : i32
      %dma_start3A_857 = tpu.memref_slice %arg11[%dma_start3A_855, %dma_start3A_856] : memref<10112x128xf32, #tpu.memory_space<vmem_shared>> -> memref<10112x128xf32, #tpu.memory_space<vmem_shared>>
      tpu.enqueue_indirect_dma source(%arg10 : memref<128x128xf32, #tpu.memory_space<vmem>>) target(%dma_start3A_857 : memref<10112x128xf32, #tpu.memory_space<vmem_shared>>) offsets(%dma_start3A_854 : memref<128xi32, #tpu.memory_space<vmem>>) semaphore(%arg12 : memref<!tpu.dma_semaphore, #tpu.memory_space<semaphore_mem>>) {add = true}
      %dma_wait3A_858 = arith.constant 0 : i32
      %dma_wait3A_859 = arith.constant 0 : i32
      %dma_wait3A_860 = tpu.memref_slice %arg7[%dma_wait3A_858, %dma_wait3A_859] : memref<40x128xi32, #tpu.memory_space<vmem>> -> memref<1x128xi32, #tpu.memory_space<vmem>>
      %dma_wait3A_861 = tpu.memref_squeeze %dma_wait3A_860 : memref<1x128xi32, #tpu.memory_space<vmem>> -> memref<128xi32, #tpu.memory_space<vmem>>
      %dma_wait3A_862 = arith.constant 0 : i32
      %dma_wait3A_863 = arith.constant 0 : i32
      %dma_wait3A_864 = tpu.memref_slice %arg2[%dma_wait3A_862, %dma_wait3A_863] : memref<10000x128xf32, #tpu.memory_space<hbm>> -> memref<10000x128xf32, #tpu.memory_space<hbm>>
      tpu.wait_indirect_dma semaphore(%arg12 : memref<!tpu.dma_semaphore, #tpu.memory_space<semaphore_mem>>) src(%dma_wait3A_864 : memref<10000x128xf32, #tpu.memory_space<hbm>>) dst(%arg10 : memref<128x128xf32, #tpu.memory_space<vmem>>)
      %dma_start3A_865 = arith.constant 31 : i32
      %dma_start3A_866 = arith.constant 0 : i32
      %dma_start3A_867 = tpu.memref_slice %arg7[%dma_start3A_865, %dma_start3A_866] : memref<40x128xi32, #tpu.memory_space<vmem>> -> memref<1x128xi32, #tpu.memory_space<vmem>>
      %dma_start3A_868 = tpu.memref_squeeze %dma_start3A_867 : memref<1x128xi32, #tpu.memory_space<vmem>> -> memref<128xi32, #tpu.memory_space<vmem>>
      %dma_start3A_869 = arith.constant 0 : i32
      %dma_start3A_870 = arith.constant 0 : i32
      %dma_start3A_871 = tpu.memref_slice %arg2[%dma_start3A_869, %dma_start3A_870] : memref<10000x128xf32, #tpu.memory_space<hbm>> -> memref<10000x128xf32, #tpu.memory_space<hbm>>
      tpu.enqueue_indirect_dma source(%dma_start3A_871 : memref<10000x128xf32, #tpu.memory_space<hbm>>) target(%arg10 : memref<128x128xf32, #tpu.memory_space<vmem>>) offsets(%dma_start3A_868 : memref<128xi32, #tpu.memory_space<vmem>>) semaphore(%arg14 : memref<!tpu.dma_semaphore, #tpu.memory_space<semaphore_mem>>)
      %dma_wait3A_872 = arith.constant 0 : i32
      %dma_wait3A_873 = arith.constant 0 : i32
      %dma_wait3A_874 = tpu.memref_slice %arg7[%dma_wait3A_872, %dma_wait3A_873] : memref<40x128xi32, #tpu.memory_space<vmem>> -> memref<1x128xi32, #tpu.memory_space<vmem>>
      %dma_wait3A_875 = tpu.memref_squeeze %dma_wait3A_874 : memref<1x128xi32, #tpu.memory_space<vmem>> -> memref<128xi32, #tpu.memory_space<vmem>>
      %dma_wait3A_876 = arith.constant 0 : i32
      %dma_wait3A_877 = arith.constant 0 : i32
      %dma_wait3A_878 = tpu.memref_slice %arg2[%dma_wait3A_876, %dma_wait3A_877] : memref<10000x128xf32, #tpu.memory_space<hbm>> -> memref<10000x128xf32, #tpu.memory_space<hbm>>
      tpu.wait_indirect_dma semaphore(%arg13 : memref<!tpu.dma_semaphore, #tpu.memory_space<semaphore_mem>>) src(%dma_wait3A_878 : memref<10000x128xf32, #tpu.memory_space<hbm>>) dst(%arg9 : memref<128x128xf32, #tpu.memory_space<vmem>>)
      %dma_start3A_879 = arith.constant 30 : i32
      %dma_start3A_880 = arith.constant 0 : i32
      %dma_start3A_881 = tpu.memref_slice %arg8[%dma_start3A_879, %dma_start3A_880] : memref<40x128xi32, #tpu.memory_space<vmem>> -> memref<1x128xi32, #tpu.memory_space<vmem>>
      %dma_start3A_882 = tpu.memref_squeeze %dma_start3A_881 : memref<1x128xi32, #tpu.memory_space<vmem>> -> memref<128xi32, #tpu.memory_space<vmem>>
      %dma_start3A_883 = arith.constant 0 : i32
      %dma_start3A_884 = arith.constant 0 : i32
      %dma_start3A_885 = tpu.memref_slice %arg11[%dma_start3A_883, %dma_start3A_884] : memref<10112x128xf32, #tpu.memory_space<vmem_shared>> -> memref<10112x128xf32, #tpu.memory_space<vmem_shared>>
      tpu.enqueue_indirect_dma source(%arg9 : memref<128x128xf32, #tpu.memory_space<vmem>>) target(%dma_start3A_885 : memref<10112x128xf32, #tpu.memory_space<vmem_shared>>) offsets(%dma_start3A_882 : memref<128xi32, #tpu.memory_space<vmem>>) semaphore(%arg12 : memref<!tpu.dma_semaphore, #tpu.memory_space<semaphore_mem>>) {add = true}
      %dma_wait3A_886 = arith.constant 0 : i32
      %dma_wait3A_887 = arith.constant 0 : i32
      %dma_wait3A_888 = tpu.memref_slice %arg7[%dma_wait3A_886, %dma_wait3A_887] : memref<40x128xi32, #tpu.memory_space<vmem>> -> memref<1x128xi32, #tpu.memory_space<vmem>>
      %dma_wait3A_889 = tpu.memref_squeeze %dma_wait3A_888 : memref<1x128xi32, #tpu.memory_space<vmem>> -> memref<128xi32, #tpu.memory_space<vmem>>
      %dma_wait3A_890 = arith.constant 0 : i32
      %dma_wait3A_891 = arith.constant 0 : i32
      %dma_wait3A_892 = tpu.memref_slice %arg2[%dma_wait3A_890, %dma_wait3A_891] : memref<10000x128xf32, #tpu.memory_space<hbm>> -> memref<10000x128xf32, #tpu.memory_space<hbm>>
      tpu.wait_indirect_dma semaphore(%arg14 : memref<!tpu.dma_semaphore, #tpu.memory_space<semaphore_mem>>) src(%dma_wait3A_892 : memref<10000x128xf32, #tpu.memory_space<hbm>>) dst(%arg10 : memref<128x128xf32, #tpu.memory_space<vmem>>)
      %dma_wait3A_893 = arith.constant 0 : i32
      %dma_wait3A_894 = arith.constant 0 : i32
      %dma_wait3A_895 = tpu.memref_slice %arg7[%dma_wait3A_893, %dma_wait3A_894] : memref<40x128xi32, #tpu.memory_space<vmem>> -> memref<1x128xi32, #tpu.memory_space<vmem>>
      %dma_wait3A_896 = tpu.memref_squeeze %dma_wait3A_895 : memref<1x128xi32, #tpu.memory_space<vmem>> -> memref<128xi32, #tpu.memory_space<vmem>>
      %dma_wait3A_897 = arith.constant 0 : i32
      %dma_wait3A_898 = arith.constant 0 : i32
      %dma_wait3A_899 = tpu.memref_slice %arg2[%dma_wait3A_897, %dma_wait3A_898] : memref<10000x128xf32, #tpu.memory_space<hbm>> -> memref<10000x128xf32, #tpu.memory_space<hbm>>
      tpu.wait_indirect_dma semaphore(%arg12 : memref<!tpu.dma_semaphore, #tpu.memory_space<semaphore_mem>>) src(%dma_wait3A_899 : memref<10000x128xf32, #tpu.memory_space<hbm>>) dst(%arg9 : memref<128x128xf32, #tpu.memory_space<vmem>>)
      %dma_start3A_900 = arith.constant 32 : i32
      %dma_start3A_901 = arith.constant 0 : i32
      %dma_start3A_902 = tpu.memref_slice %arg7[%dma_start3A_900, %dma_start3A_901] : memref<40x128xi32, #tpu.memory_space<vmem>> -> memref<1x128xi32, #tpu.memory_space<vmem>>
      %dma_start3A_903 = tpu.memref_squeeze %dma_start3A_902 : memref<1x128xi32, #tpu.memory_space<vmem>> -> memref<128xi32, #tpu.memory_space<vmem>>
      %dma_start3A_904 = arith.constant 0 : i32
      %dma_start3A_905 = arith.constant 0 : i32
      %dma_start3A_906 = tpu.memref_slice %arg2[%dma_start3A_904, %dma_start3A_905] : memref<10000x128xf32, #tpu.memory_space<hbm>> -> memref<10000x128xf32, #tpu.memory_space<hbm>>
      tpu.enqueue_indirect_dma source(%dma_start3A_906 : memref<10000x128xf32, #tpu.memory_space<hbm>>) target(%arg9 : memref<128x128xf32, #tpu.memory_space<vmem>>) offsets(%dma_start3A_903 : memref<128xi32, #tpu.memory_space<vmem>>) semaphore(%arg13 : memref<!tpu.dma_semaphore, #tpu.memory_space<semaphore_mem>>)
      %dma_start3A_907 = arith.constant 31 : i32
      %dma_start3A_908 = arith.constant 0 : i32
      %dma_start3A_909 = tpu.memref_slice %arg8[%dma_start3A_907, %dma_start3A_908] : memref<40x128xi32, #tpu.memory_space<vmem>> -> memref<1x128xi32, #tpu.memory_space<vmem>>
      %dma_start3A_910 = tpu.memref_squeeze %dma_start3A_909 : memref<1x128xi32, #tpu.memory_space<vmem>> -> memref<128xi32, #tpu.memory_space<vmem>>
      %dma_start3A_911 = arith.constant 0 : i32
      %dma_start3A_912 = arith.constant 0 : i32
      %dma_start3A_913 = tpu.memref_slice %arg11[%dma_start3A_911, %dma_start3A_912] : memref<10112x128xf32, #tpu.memory_space<vmem_shared>> -> memref<10112x128xf32, #tpu.memory_space<vmem_shared>>
      tpu.enqueue_indirect_dma source(%arg10 : memref<128x128xf32, #tpu.memory_space<vmem>>) target(%dma_start3A_913 : memref<10112x128xf32, #tpu.memory_space<vmem_shared>>) offsets(%dma_start3A_910 : memref<128xi32, #tpu.memory_space<vmem>>) semaphore(%arg12 : memref<!tpu.dma_semaphore, #tpu.memory_space<semaphore_mem>>) {add = true}
      %dma_wait3A_914 = arith.constant 0 : i32
      %dma_wait3A_915 = arith.constant 0 : i32
      %dma_wait3A_916 = tpu.memref_slice %arg7[%dma_wait3A_914, %dma_wait3A_915] : memref<40x128xi32, #tpu.memory_space<vmem>> -> memref<1x128xi32, #tpu.memory_space<vmem>>
      %dma_wait3A_917 = tpu.memref_squeeze %dma_wait3A_916 : memref<1x128xi32, #tpu.memory_space<vmem>> -> memref<128xi32, #tpu.memory_space<vmem>>
      %dma_wait3A_918 = arith.constant 0 : i32
      %dma_wait3A_919 = arith.constant 0 : i32
      %dma_wait3A_920 = tpu.memref_slice %arg2[%dma_wait3A_918, %dma_wait3A_919] : memref<10000x128xf32, #tpu.memory_space<hbm>> -> memref<10000x128xf32, #tpu.memory_space<hbm>>
      tpu.wait_indirect_dma semaphore(%arg12 : memref<!tpu.dma_semaphore, #tpu.memory_space<semaphore_mem>>) src(%dma_wait3A_920 : memref<10000x128xf32, #tpu.memory_space<hbm>>) dst(%arg10 : memref<128x128xf32, #tpu.memory_space<vmem>>)
      %dma_start3A_921 = arith.constant 33 : i32
      %dma_start3A_922 = arith.constant 0 : i32
      %dma_start3A_923 = tpu.memref_slice %arg7[%dma_start3A_921, %dma_start3A_922] : memref<40x128xi32, #tpu.memory_space<vmem>> -> memref<1x128xi32, #tpu.memory_space<vmem>>
      %dma_start3A_924 = tpu.memref_squeeze %dma_start3A_923 : memref<1x128xi32, #tpu.memory_space<vmem>> -> memref<128xi32, #tpu.memory_space<vmem>>
      %dma_start3A_925 = arith.constant 0 : i32
      %dma_start3A_926 = arith.constant 0 : i32
      %dma_start3A_927 = tpu.memref_slice %arg2[%dma_start3A_925, %dma_start3A_926] : memref<10000x128xf32, #tpu.memory_space<hbm>> -> memref<10000x128xf32, #tpu.memory_space<hbm>>
      tpu.enqueue_indirect_dma source(%dma_start3A_927 : memref<10000x128xf32, #tpu.memory_space<hbm>>) target(%arg10 : memref<128x128xf32, #tpu.memory_space<vmem>>) offsets(%dma_start3A_924 : memref<128xi32, #tpu.memory_space<vmem>>) semaphore(%arg14 : memref<!tpu.dma_semaphore, #tpu.memory_space<semaphore_mem>>)
      %dma_wait3A_928 = arith.constant 0 : i32
      %dma_wait3A_929 = arith.constant 0 : i32
      %dma_wait3A_930 = tpu.memref_slice %arg7[%dma_wait3A_928, %dma_wait3A_929] : memref<40x128xi32, #tpu.memory_space<vmem>> -> memref<1x128xi32, #tpu.memory_space<vmem>>
      %dma_wait3A_931 = tpu.memref_squeeze %dma_wait3A_930 : memref<1x128xi32, #tpu.memory_space<vmem>> -> memref<128xi32, #tpu.memory_space<vmem>>
      %dma_wait3A_932 = arith.constant 0 : i32
      %dma_wait3A_933 = arith.constant 0 : i32
      %dma_wait3A_934 = tpu.memref_slice %arg2[%dma_wait3A_932, %dma_wait3A_933] : memref<10000x128xf32, #tpu.memory_space<hbm>> -> memref<10000x128xf32, #tpu.memory_space<hbm>>
      tpu.wait_indirect_dma semaphore(%arg13 : memref<!tpu.dma_semaphore, #tpu.memory_space<semaphore_mem>>) src(%dma_wait3A_934 : memref<10000x128xf32, #tpu.memory_space<hbm>>) dst(%arg9 : memref<128x128xf32, #tpu.memory_space<vmem>>)
      %dma_start3A_935 = arith.constant 32 : i32
      %dma_start3A_936 = arith.constant 0 : i32
      %dma_start3A_937 = tpu.memref_slice %arg8[%dma_start3A_935, %dma_start3A_936] : memref<40x128xi32, #tpu.memory_space<vmem>> -> memref<1x128xi32, #tpu.memory_space<vmem>>
      %dma_start3A_938 = tpu.memref_squeeze %dma_start3A_937 : memref<1x128xi32, #tpu.memory_space<vmem>> -> memref<128xi32, #tpu.memory_space<vmem>>
      %dma_start3A_939 = arith.constant 0 : i32
      %dma_start3A_940 = arith.constant 0 : i32
      %dma_start3A_941 = tpu.memref_slice %arg11[%dma_start3A_939, %dma_start3A_940] : memref<10112x128xf32, #tpu.memory_space<vmem_shared>> -> memref<10112x128xf32, #tpu.memory_space<vmem_shared>>
      tpu.enqueue_indirect_dma source(%arg9 : memref<128x128xf32, #tpu.memory_space<vmem>>) target(%dma_start3A_941 : memref<10112x128xf32, #tpu.memory_space<vmem_shared>>) offsets(%dma_start3A_938 : memref<128xi32, #tpu.memory_space<vmem>>) semaphore(%arg12 : memref<!tpu.dma_semaphore, #tpu.memory_space<semaphore_mem>>) {add = true}
      %dma_wait3A_942 = arith.constant 0 : i32
      %dma_wait3A_943 = arith.constant 0 : i32
      %dma_wait3A_944 = tpu.memref_slice %arg7[%dma_wait3A_942, %dma_wait3A_943] : memref<40x128xi32, #tpu.memory_space<vmem>> -> memref<1x128xi32, #tpu.memory_space<vmem>>
      %dma_wait3A_945 = tpu.memref_squeeze %dma_wait3A_944 : memref<1x128xi32, #tpu.memory_space<vmem>> -> memref<128xi32, #tpu.memory_space<vmem>>
      %dma_wait3A_946 = arith.constant 0 : i32
      %dma_wait3A_947 = arith.constant 0 : i32
      %dma_wait3A_948 = tpu.memref_slice %arg2[%dma_wait3A_946, %dma_wait3A_947] : memref<10000x128xf32, #tpu.memory_space<hbm>> -> memref<10000x128xf32, #tpu.memory_space<hbm>>
      tpu.wait_indirect_dma semaphore(%arg14 : memref<!tpu.dma_semaphore, #tpu.memory_space<semaphore_mem>>) src(%dma_wait3A_948 : memref<10000x128xf32, #tpu.memory_space<hbm>>) dst(%arg10 : memref<128x128xf32, #tpu.memory_space<vmem>>)
      %dma_wait3A_949 = arith.constant 0 : i32
      %dma_wait3A_950 = arith.constant 0 : i32
      %dma_wait3A_951 = tpu.memref_slice %arg7[%dma_wait3A_949, %dma_wait3A_950] : memref<40x128xi32, #tpu.memory_space<vmem>> -> memref<1x128xi32, #tpu.memory_space<vmem>>
      %dma_wait3A_952 = tpu.memref_squeeze %dma_wait3A_951 : memref<1x128xi32, #tpu.memory_space<vmem>> -> memref<128xi32, #tpu.memory_space<vmem>>
      %dma_wait3A_953 = arith.constant 0 : i32
      %dma_wait3A_954 = arith.constant 0 : i32
      %dma_wait3A_955 = tpu.memref_slice %arg2[%dma_wait3A_953, %dma_wait3A_954] : memref<10000x128xf32, #tpu.memory_space<hbm>> -> memref<10000x128xf32, #tpu.memory_space<hbm>>
      tpu.wait_indirect_dma semaphore(%arg12 : memref<!tpu.dma_semaphore, #tpu.memory_space<semaphore_mem>>) src(%dma_wait3A_955 : memref<10000x128xf32, #tpu.memory_space<hbm>>) dst(%arg9 : memref<128x128xf32, #tpu.memory_space<vmem>>)
      %dma_start3A_956 = arith.constant 34 : i32
      %dma_start3A_957 = arith.constant 0 : i32
      %dma_start3A_958 = tpu.memref_slice %arg7[%dma_start3A_956, %dma_start3A_957] : memref<40x128xi32, #tpu.memory_space<vmem>> -> memref<1x128xi32, #tpu.memory_space<vmem>>
      %dma_start3A_959 = tpu.memref_squeeze %dma_start3A_958 : memref<1x128xi32, #tpu.memory_space<vmem>> -> memref<128xi32, #tpu.memory_space<vmem>>
      %dma_start3A_960 = arith.constant 0 : i32
      %dma_start3A_961 = arith.constant 0 : i32
      %dma_start3A_962 = tpu.memref_slice %arg2[%dma_start3A_960, %dma_start3A_961] : memref<10000x128xf32, #tpu.memory_space<hbm>> -> memref<10000x128xf32, #tpu.memory_space<hbm>>
      tpu.enqueue_indirect_dma source(%dma_start3A_962 : memref<10000x128xf32, #tpu.memory_space<hbm>>) target(%arg9 : memref<128x128xf32, #tpu.memory_space<vmem>>) offsets(%dma_start3A_959 : memref<128xi32, #tpu.memory_space<vmem>>) semaphore(%arg13 : memref<!tpu.dma_semaphore, #tpu.memory_space<semaphore_mem>>)
      %dma_start3A_963 = arith.constant 33 : i32
      %dma_start3A_964 = arith.constant 0 : i32
      %dma_start3A_965 = tpu.memref_slice %arg8[%dma_start3A_963, %dma_start3A_964] : memref<40x128xi32, #tpu.memory_space<vmem>> -> memref<1x128xi32, #tpu.memory_space<vmem>>
      %dma_start3A_966 = tpu.memref_squeeze %dma_start3A_965 : memref<1x128xi32, #tpu.memory_space<vmem>> -> memref<128xi32, #tpu.memory_space<vmem>>
      %dma_start3A_967 = arith.constant 0 : i32
      %dma_start3A_968 = arith.constant 0 : i32
      %dma_start3A_969 = tpu.memref_slice %arg11[%dma_start3A_967, %dma_start3A_968] : memref<10112x128xf32, #tpu.memory_space<vmem_shared>> -> memref<10112x128xf32, #tpu.memory_space<vmem_shared>>
      tpu.enqueue_indirect_dma source(%arg10 : memref<128x128xf32, #tpu.memory_space<vmem>>) target(%dma_start3A_969 : memref<10112x128xf32, #tpu.memory_space<vmem_shared>>) offsets(%dma_start3A_966 : memref<128xi32, #tpu.memory_space<vmem>>) semaphore(%arg12 : memref<!tpu.dma_semaphore, #tpu.memory_space<semaphore_mem>>) {add = true}
      %dma_wait3A_970 = arith.constant 0 : i32
      %dma_wait3A_971 = arith.constant 0 : i32
      %dma_wait3A_972 = tpu.memref_slice %arg7[%dma_wait3A_970, %dma_wait3A_971] : memref<40x128xi32, #tpu.memory_space<vmem>> -> memref<1x128xi32, #tpu.memory_space<vmem>>
      %dma_wait3A_973 = tpu.memref_squeeze %dma_wait3A_972 : memref<1x128xi32, #tpu.memory_space<vmem>> -> memref<128xi32, #tpu.memory_space<vmem>>
      %dma_wait3A_974 = arith.constant 0 : i32
      %dma_wait3A_975 = arith.constant 0 : i32
      %dma_wait3A_976 = tpu.memref_slice %arg2[%dma_wait3A_974, %dma_wait3A_975] : memref<10000x128xf32, #tpu.memory_space<hbm>> -> memref<10000x128xf32, #tpu.memory_space<hbm>>
      tpu.wait_indirect_dma semaphore(%arg12 : memref<!tpu.dma_semaphore, #tpu.memory_space<semaphore_mem>>) src(%dma_wait3A_976 : memref<10000x128xf32, #tpu.memory_space<hbm>>) dst(%arg10 : memref<128x128xf32, #tpu.memory_space<vmem>>)
      %dma_start3A_977 = arith.constant 35 : i32
      %dma_start3A_978 = arith.constant 0 : i32
      %dma_start3A_979 = tpu.memref_slice %arg7[%dma_start3A_977, %dma_start3A_978] : memref<40x128xi32, #tpu.memory_space<vmem>> -> memref<1x128xi32, #tpu.memory_space<vmem>>
      %dma_start3A_980 = tpu.memref_squeeze %dma_start3A_979 : memref<1x128xi32, #tpu.memory_space<vmem>> -> memref<128xi32, #tpu.memory_space<vmem>>
      %dma_start3A_981 = arith.constant 0 : i32
      %dma_start3A_982 = arith.constant 0 : i32
      %dma_start3A_983 = tpu.memref_slice %arg2[%dma_start3A_981, %dma_start3A_982] : memref<10000x128xf32, #tpu.memory_space<hbm>> -> memref<10000x128xf32, #tpu.memory_space<hbm>>
      tpu.enqueue_indirect_dma source(%dma_start3A_983 : memref<10000x128xf32, #tpu.memory_space<hbm>>) target(%arg10 : memref<128x128xf32, #tpu.memory_space<vmem>>) offsets(%dma_start3A_980 : memref<128xi32, #tpu.memory_space<vmem>>) semaphore(%arg14 : memref<!tpu.dma_semaphore, #tpu.memory_space<semaphore_mem>>)
      %dma_wait3A_984 = arith.constant 0 : i32
      %dma_wait3A_985 = arith.constant 0 : i32
      %dma_wait3A_986 = tpu.memref_slice %arg7[%dma_wait3A_984, %dma_wait3A_985] : memref<40x128xi32, #tpu.memory_space<vmem>> -> memref<1x128xi32, #tpu.memory_space<vmem>>
      %dma_wait3A_987 = tpu.memref_squeeze %dma_wait3A_986 : memref<1x128xi32, #tpu.memory_space<vmem>> -> memref<128xi32, #tpu.memory_space<vmem>>
      %dma_wait3A_988 = arith.constant 0 : i32
      %dma_wait3A_989 = arith.constant 0 : i32
      %dma_wait3A_990 = tpu.memref_slice %arg2[%dma_wait3A_988, %dma_wait3A_989] : memref<10000x128xf32, #tpu.memory_space<hbm>> -> memref<10000x128xf32, #tpu.memory_space<hbm>>
      tpu.wait_indirect_dma semaphore(%arg13 : memref<!tpu.dma_semaphore, #tpu.memory_space<semaphore_mem>>) src(%dma_wait3A_990 : memref<10000x128xf32, #tpu.memory_space<hbm>>) dst(%arg9 : memref<128x128xf32, #tpu.memory_space<vmem>>)
      %dma_start3A_991 = arith.constant 34 : i32
      %dma_start3A_992 = arith.constant 0 : i32
      %dma_start3A_993 = tpu.memref_slice %arg8[%dma_start3A_991, %dma_start3A_992] : memref<40x128xi32, #tpu.memory_space<vmem>> -> memref<1x128xi32, #tpu.memory_space<vmem>>
      %dma_start3A_994 = tpu.memref_squeeze %dma_start3A_993 : memref<1x128xi32, #tpu.memory_space<vmem>> -> memref<128xi32, #tpu.memory_space<vmem>>
      %dma_start3A_995 = arith.constant 0 : i32
      %dma_start3A_996 = arith.constant 0 : i32
      %dma_start3A_997 = tpu.memref_slice %arg11[%dma_start3A_995, %dma_start3A_996] : memref<10112x128xf32, #tpu.memory_space<vmem_shared>> -> memref<10112x128xf32, #tpu.memory_space<vmem_shared>>
      tpu.enqueue_indirect_dma source(%arg9 : memref<128x128xf32, #tpu.memory_space<vmem>>) target(%dma_start3A_997 : memref<10112x128xf32, #tpu.memory_space<vmem_shared>>) offsets(%dma_start3A_994 : memref<128xi32, #tpu.memory_space<vmem>>) semaphore(%arg12 : memref<!tpu.dma_semaphore, #tpu.memory_space<semaphore_mem>>) {add = true}
      %dma_wait3A_998 = arith.constant 0 : i32
      %dma_wait3A_999 = arith.constant 0 : i32
      %dma_wait3A_1000 = tpu.memref_slice %arg7[%dma_wait3A_998, %dma_wait3A_999] : memref<40x128xi32, #tpu.memory_space<vmem>> -> memref<1x128xi32, #tpu.memory_space<vmem>>
      %dma_wait3A_1001 = tpu.memref_squeeze %dma_wait3A_1000 : memref<1x128xi32, #tpu.memory_space<vmem>> -> memref<128xi32, #tpu.memory_space<vmem>>
      %dma_wait3A_1002 = arith.constant 0 : i32
      %dma_wait3A_1003 = arith.constant 0 : i32
      %dma_wait3A_1004 = tpu.memref_slice %arg2[%dma_wait3A_1002, %dma_wait3A_1003] : memref<10000x128xf32, #tpu.memory_space<hbm>> -> memref<10000x128xf32, #tpu.memory_space<hbm>>
      tpu.wait_indirect_dma semaphore(%arg14 : memref<!tpu.dma_semaphore, #tpu.memory_space<semaphore_mem>>) src(%dma_wait3A_1004 : memref<10000x128xf32, #tpu.memory_space<hbm>>) dst(%arg10 : memref<128x128xf32, #tpu.memory_space<vmem>>)
      %dma_wait3A_1005 = arith.constant 0 : i32
      %dma_wait3A_1006 = arith.constant 0 : i32
      %dma_wait3A_1007 = tpu.memref_slice %arg7[%dma_wait3A_1005, %dma_wait3A_1006] : memref<40x128xi32, #tpu.memory_space<vmem>> -> memref<1x128xi32, #tpu.memory_space<vmem>>
      %dma_wait3A_1008 = tpu.memref_squeeze %dma_wait3A_1007 : memref<1x128xi32, #tpu.memory_space<vmem>> -> memref<128xi32, #tpu.memory_space<vmem>>
      %dma_wait3A_1009 = arith.constant 0 : i32
      %dma_wait3A_1010 = arith.constant 0 : i32
      %dma_wait3A_1011 = tpu.memref_slice %arg2[%dma_wait3A_1009, %dma_wait3A_1010] : memref<10000x128xf32, #tpu.memory_space<hbm>> -> memref<10000x128xf32, #tpu.memory_space<hbm>>
      tpu.wait_indirect_dma semaphore(%arg12 : memref<!tpu.dma_semaphore, #tpu.memory_space<semaphore_mem>>) src(%dma_wait3A_1011 : memref<10000x128xf32, #tpu.memory_space<hbm>>) dst(%arg9 : memref<128x128xf32, #tpu.memory_space<vmem>>)
      %dma_start3A_1012 = arith.constant 36 : i32
      %dma_start3A_1013 = arith.constant 0 : i32
      %dma_start3A_1014 = tpu.memref_slice %arg7[%dma_start3A_1012, %dma_start3A_1013] : memref<40x128xi32, #tpu.memory_space<vmem>> -> memref<1x128xi32, #tpu.memory_space<vmem>>
      %dma_start3A_1015 = tpu.memref_squeeze %dma_start3A_1014 : memref<1x128xi32, #tpu.memory_space<vmem>> -> memref<128xi32, #tpu.memory_space<vmem>>
      %dma_start3A_1016 = arith.constant 0 : i32
      %dma_start3A_1017 = arith.constant 0 : i32
      %dma_start3A_1018 = tpu.memref_slice %arg2[%dma_start3A_1016, %dma_start3A_1017] : memref<10000x128xf32, #tpu.memory_space<hbm>> -> memref<10000x128xf32, #tpu.memory_space<hbm>>
      tpu.enqueue_indirect_dma source(%dma_start3A_1018 : memref<10000x128xf32, #tpu.memory_space<hbm>>) target(%arg9 : memref<128x128xf32, #tpu.memory_space<vmem>>) offsets(%dma_start3A_1015 : memref<128xi32, #tpu.memory_space<vmem>>) semaphore(%arg13 : memref<!tpu.dma_semaphore, #tpu.memory_space<semaphore_mem>>)
      %dma_start3A_1019 = arith.constant 35 : i32
      %dma_start3A_1020 = arith.constant 0 : i32
      %dma_start3A_1021 = tpu.memref_slice %arg8[%dma_start3A_1019, %dma_start3A_1020] : memref<40x128xi32, #tpu.memory_space<vmem>> -> memref<1x128xi32, #tpu.memory_space<vmem>>
      %dma_start3A_1022 = tpu.memref_squeeze %dma_start3A_1021 : memref<1x128xi32, #tpu.memory_space<vmem>> -> memref<128xi32, #tpu.memory_space<vmem>>
      %dma_start3A_1023 = arith.constant 0 : i32
      %dma_start3A_1024 = arith.constant 0 : i32
      %dma_start3A_1025 = tpu.memref_slice %arg11[%dma_start3A_1023, %dma_start3A_1024] : memref<10112x128xf32, #tpu.memory_space<vmem_shared>> -> memref<10112x128xf32, #tpu.memory_space<vmem_shared>>
      tpu.enqueue_indirect_dma source(%arg10 : memref<128x128xf32, #tpu.memory_space<vmem>>) target(%dma_start3A_1025 : memref<10112x128xf32, #tpu.memory_space<vmem_shared>>) offsets(%dma_start3A_1022 : memref<128xi32, #tpu.memory_space<vmem>>) semaphore(%arg12 : memref<!tpu.dma_semaphore, #tpu.memory_space<semaphore_mem>>) {add = true}
      %dma_wait3A_1026 = arith.constant 0 : i32
      %dma_wait3A_1027 = arith.constant 0 : i32
      %dma_wait3A_1028 = tpu.memref_slice %arg7[%dma_wait3A_1026, %dma_wait3A_1027] : memref<40x128xi32, #tpu.memory_space<vmem>> -> memref<1x128xi32, #tpu.memory_space<vmem>>
      %dma_wait3A_1029 = tpu.memref_squeeze %dma_wait3A_1028 : memref<1x128xi32, #tpu.memory_space<vmem>> -> memref<128xi32, #tpu.memory_space<vmem>>
      %dma_wait3A_1030 = arith.constant 0 : i32
      %dma_wait3A_1031 = arith.constant 0 : i32
      %dma_wait3A_1032 = tpu.memref_slice %arg2[%dma_wait3A_1030, %dma_wait3A_1031] : memref<10000x128xf32, #tpu.memory_space<hbm>> -> memref<10000x128xf32, #tpu.memory_space<hbm>>
      tpu.wait_indirect_dma semaphore(%arg12 : memref<!tpu.dma_semaphore, #tpu.memory_space<semaphore_mem>>) src(%dma_wait3A_1032 : memref<10000x128xf32, #tpu.memory_space<hbm>>) dst(%arg10 : memref<128x128xf32, #tpu.memory_space<vmem>>)
      %dma_start3A_1033 = arith.constant 37 : i32
      %dma_start3A_1034 = arith.constant 0 : i32
      %dma_start3A_1035 = tpu.memref_slice %arg7[%dma_start3A_1033, %dma_start3A_1034] : memref<40x128xi32, #tpu.memory_space<vmem>> -> memref<1x128xi32, #tpu.memory_space<vmem>>
      %dma_start3A_1036 = tpu.memref_squeeze %dma_start3A_1035 : memref<1x128xi32, #tpu.memory_space<vmem>> -> memref<128xi32, #tpu.memory_space<vmem>>
      %dma_start3A_1037 = arith.constant 0 : i32
      %dma_start3A_1038 = arith.constant 0 : i32
      %dma_start3A_1039 = tpu.memref_slice %arg2[%dma_start3A_1037, %dma_start3A_1038] : memref<10000x128xf32, #tpu.memory_space<hbm>> -> memref<10000x128xf32, #tpu.memory_space<hbm>>
      tpu.enqueue_indirect_dma source(%dma_start3A_1039 : memref<10000x128xf32, #tpu.memory_space<hbm>>) target(%arg10 : memref<128x128xf32, #tpu.memory_space<vmem>>) offsets(%dma_start3A_1036 : memref<128xi32, #tpu.memory_space<vmem>>) semaphore(%arg14 : memref<!tpu.dma_semaphore, #tpu.memory_space<semaphore_mem>>)
      %dma_wait3A_1040 = arith.constant 0 : i32
      %dma_wait3A_1041 = arith.constant 0 : i32
      %dma_wait3A_1042 = tpu.memref_slice %arg7[%dma_wait3A_1040, %dma_wait3A_1041] : memref<40x128xi32, #tpu.memory_space<vmem>> -> memref<1x128xi32, #tpu.memory_space<vmem>>
      %dma_wait3A_1043 = tpu.memref_squeeze %dma_wait3A_1042 : memref<1x128xi32, #tpu.memory_space<vmem>> -> memref<128xi32, #tpu.memory_space<vmem>>
      %dma_wait3A_1044 = arith.constant 0 : i32
      %dma_wait3A_1045 = arith.constant 0 : i32
      %dma_wait3A_1046 = tpu.memref_slice %arg2[%dma_wait3A_1044, %dma_wait3A_1045] : memref<10000x128xf32, #tpu.memory_space<hbm>> -> memref<10000x128xf32, #tpu.memory_space<hbm>>
      tpu.wait_indirect_dma semaphore(%arg13 : memref<!tpu.dma_semaphore, #tpu.memory_space<semaphore_mem>>) src(%dma_wait3A_1046 : memref<10000x128xf32, #tpu.memory_space<hbm>>) dst(%arg9 : memref<128x128xf32, #tpu.memory_space<vmem>>)
      %dma_start3A_1047 = arith.constant 36 : i32
      %dma_start3A_1048 = arith.constant 0 : i32
      %dma_start3A_1049 = tpu.memref_slice %arg8[%dma_start3A_1047, %dma_start3A_1048] : memref<40x128xi32, #tpu.memory_space<vmem>> -> memref<1x128xi32, #tpu.memory_space<vmem>>
      %dma_start3A_1050 = tpu.memref_squeeze %dma_start3A_1049 : memref<1x128xi32, #tpu.memory_space<vmem>> -> memref<128xi32, #tpu.memory_space<vmem>>
      %dma_start3A_1051 = arith.constant 0 : i32
      %dma_start3A_1052 = arith.constant 0 : i32
      %dma_start3A_1053 = tpu.memref_slice %arg11[%dma_start3A_1051, %dma_start3A_1052] : memref<10112x128xf32, #tpu.memory_space<vmem_shared>> -> memref<10112x128xf32, #tpu.memory_space<vmem_shared>>
      tpu.enqueue_indirect_dma source(%arg9 : memref<128x128xf32, #tpu.memory_space<vmem>>) target(%dma_start3A_1053 : memref<10112x128xf32, #tpu.memory_space<vmem_shared>>) offsets(%dma_start3A_1050 : memref<128xi32, #tpu.memory_space<vmem>>) semaphore(%arg12 : memref<!tpu.dma_semaphore, #tpu.memory_space<semaphore_mem>>) {add = true}
      %dma_wait3A_1054 = arith.constant 0 : i32
      %dma_wait3A_1055 = arith.constant 0 : i32
      %dma_wait3A_1056 = tpu.memref_slice %arg7[%dma_wait3A_1054, %dma_wait3A_1055] : memref<40x128xi32, #tpu.memory_space<vmem>> -> memref<1x128xi32, #tpu.memory_space<vmem>>
      %dma_wait3A_1057 = tpu.memref_squeeze %dma_wait3A_1056 : memref<1x128xi32, #tpu.memory_space<vmem>> -> memref<128xi32, #tpu.memory_space<vmem>>
      %dma_wait3A_1058 = arith.constant 0 : i32
      %dma_wait3A_1059 = arith.constant 0 : i32
      %dma_wait3A_1060 = tpu.memref_slice %arg2[%dma_wait3A_1058, %dma_wait3A_1059] : memref<10000x128xf32, #tpu.memory_space<hbm>> -> memref<10000x128xf32, #tpu.memory_space<hbm>>
      tpu.wait_indirect_dma semaphore(%arg14 : memref<!tpu.dma_semaphore, #tpu.memory_space<semaphore_mem>>) src(%dma_wait3A_1060 : memref<10000x128xf32, #tpu.memory_space<hbm>>) dst(%arg10 : memref<128x128xf32, #tpu.memory_space<vmem>>)
      %dma_wait3A_1061 = arith.constant 0 : i32
      %dma_wait3A_1062 = arith.constant 0 : i32
      %dma_wait3A_1063 = tpu.memref_slice %arg7[%dma_wait3A_1061, %dma_wait3A_1062] : memref<40x128xi32, #tpu.memory_space<vmem>> -> memref<1x128xi32, #tpu.memory_space<vmem>>
      %dma_wait3A_1064 = tpu.memref_squeeze %dma_wait3A_1063 : memref<1x128xi32, #tpu.memory_space<vmem>> -> memref<128xi32, #tpu.memory_space<vmem>>
      %dma_wait3A_1065 = arith.constant 0 : i32
      %dma_wait3A_1066 = arith.constant 0 : i32
      %dma_wait3A_1067 = tpu.memref_slice %arg2[%dma_wait3A_1065, %dma_wait3A_1066] : memref<10000x128xf32, #tpu.memory_space<hbm>> -> memref<10000x128xf32, #tpu.memory_space<hbm>>
      tpu.wait_indirect_dma semaphore(%arg12 : memref<!tpu.dma_semaphore, #tpu.memory_space<semaphore_mem>>) src(%dma_wait3A_1067 : memref<10000x128xf32, #tpu.memory_space<hbm>>) dst(%arg9 : memref<128x128xf32, #tpu.memory_space<vmem>>)
      %dma_start3A_1068 = arith.constant 38 : i32
      %dma_start3A_1069 = arith.constant 0 : i32
      %dma_start3A_1070 = tpu.memref_slice %arg7[%dma_start3A_1068, %dma_start3A_1069] : memref<40x128xi32, #tpu.memory_space<vmem>> -> memref<1x128xi32, #tpu.memory_space<vmem>>
      %dma_start3A_1071 = tpu.memref_squeeze %dma_start3A_1070 : memref<1x128xi32, #tpu.memory_space<vmem>> -> memref<128xi32, #tpu.memory_space<vmem>>
      %dma_start3A_1072 = arith.constant 0 : i32
      %dma_start3A_1073 = arith.constant 0 : i32
      %dma_start3A_1074 = tpu.memref_slice %arg2[%dma_start3A_1072, %dma_start3A_1073] : memref<10000x128xf32, #tpu.memory_space<hbm>> -> memref<10000x128xf32, #tpu.memory_space<hbm>>
      tpu.enqueue_indirect_dma source(%dma_start3A_1074 : memref<10000x128xf32, #tpu.memory_space<hbm>>) target(%arg9 : memref<128x128xf32, #tpu.memory_space<vmem>>) offsets(%dma_start3A_1071 : memref<128xi32, #tpu.memory_space<vmem>>) semaphore(%arg13 : memref<!tpu.dma_semaphore, #tpu.memory_space<semaphore_mem>>)
      %dma_start3A_1075 = arith.constant 37 : i32
      %dma_start3A_1076 = arith.constant 0 : i32
      %dma_start3A_1077 = tpu.memref_slice %arg8[%dma_start3A_1075, %dma_start3A_1076] : memref<40x128xi32, #tpu.memory_space<vmem>> -> memref<1x128xi32, #tpu.memory_space<vmem>>
      %dma_start3A_1078 = tpu.memref_squeeze %dma_start3A_1077 : memref<1x128xi32, #tpu.memory_space<vmem>> -> memref<128xi32, #tpu.memory_space<vmem>>
      %dma_start3A_1079 = arith.constant 0 : i32
      %dma_start3A_1080 = arith.constant 0 : i32
      %dma_start3A_1081 = tpu.memref_slice %arg11[%dma_start3A_1079, %dma_start3A_1080] : memref<10112x128xf32, #tpu.memory_space<vmem_shared>> -> memref<10112x128xf32, #tpu.memory_space<vmem_shared>>
      tpu.enqueue_indirect_dma source(%arg10 : memref<128x128xf32, #tpu.memory_space<vmem>>) target(%dma_start3A_1081 : memref<10112x128xf32, #tpu.memory_space<vmem_shared>>) offsets(%dma_start3A_1078 : memref<128xi32, #tpu.memory_space<vmem>>) semaphore(%arg12 : memref<!tpu.dma_semaphore, #tpu.memory_space<semaphore_mem>>) {add = true}
      %dma_wait3A_1082 = arith.constant 0 : i32
      %dma_wait3A_1083 = arith.constant 0 : i32
      %dma_wait3A_1084 = tpu.memref_slice %arg7[%dma_wait3A_1082, %dma_wait3A_1083] : memref<40x128xi32, #tpu.memory_space<vmem>> -> memref<1x128xi32, #tpu.memory_space<vmem>>
      %dma_wait3A_1085 = tpu.memref_squeeze %dma_wait3A_1084 : memref<1x128xi32, #tpu.memory_space<vmem>> -> memref<128xi32, #tpu.memory_space<vmem>>
      %dma_wait3A_1086 = arith.constant 0 : i32
      %dma_wait3A_1087 = arith.constant 0 : i32
      %dma_wait3A_1088 = tpu.memref_slice %arg2[%dma_wait3A_1086, %dma_wait3A_1087] : memref<10000x128xf32, #tpu.memory_space<hbm>> -> memref<10000x128xf32, #tpu.memory_space<hbm>>
      tpu.wait_indirect_dma semaphore(%arg12 : memref<!tpu.dma_semaphore, #tpu.memory_space<semaphore_mem>>) src(%dma_wait3A_1088 : memref<10000x128xf32, #tpu.memory_space<hbm>>) dst(%arg10 : memref<128x128xf32, #tpu.memory_space<vmem>>)
      %dma_start3A_1089 = arith.constant 39 : i32
      %dma_start3A_1090 = arith.constant 0 : i32
      %dma_start3A_1091 = tpu.memref_slice %arg7[%dma_start3A_1089, %dma_start3A_1090] : memref<40x128xi32, #tpu.memory_space<vmem>> -> memref<1x128xi32, #tpu.memory_space<vmem>>
      %dma_start3A_1092 = tpu.memref_squeeze %dma_start3A_1091 : memref<1x128xi32, #tpu.memory_space<vmem>> -> memref<128xi32, #tpu.memory_space<vmem>>
      %dma_start3A_1093 = arith.constant 0 : i32
      %dma_start3A_1094 = arith.constant 0 : i32
      %dma_start3A_1095 = tpu.memref_slice %arg2[%dma_start3A_1093, %dma_start3A_1094] : memref<10000x128xf32, #tpu.memory_space<hbm>> -> memref<10000x128xf32, #tpu.memory_space<hbm>>
      tpu.enqueue_indirect_dma source(%dma_start3A_1095 : memref<10000x128xf32, #tpu.memory_space<hbm>>) target(%arg10 : memref<128x128xf32, #tpu.memory_space<vmem>>) offsets(%dma_start3A_1092 : memref<128xi32, #tpu.memory_space<vmem>>) semaphore(%arg14 : memref<!tpu.dma_semaphore, #tpu.memory_space<semaphore_mem>>)
      %dma_wait3A_1096 = arith.constant 0 : i32
      %dma_wait3A_1097 = arith.constant 0 : i32
      %dma_wait3A_1098 = tpu.memref_slice %arg7[%dma_wait3A_1096, %dma_wait3A_1097] : memref<40x128xi32, #tpu.memory_space<vmem>> -> memref<1x128xi32, #tpu.memory_space<vmem>>
      %dma_wait3A_1099 = tpu.memref_squeeze %dma_wait3A_1098 : memref<1x128xi32, #tpu.memory_space<vmem>> -> memref<128xi32, #tpu.memory_space<vmem>>
      %dma_wait3A_1100 = arith.constant 0 : i32
      %dma_wait3A_1101 = arith.constant 0 : i32
      %dma_wait3A_1102 = tpu.memref_slice %arg2[%dma_wait3A_1100, %dma_wait3A_1101] : memref<10000x128xf32, #tpu.memory_space<hbm>> -> memref<10000x128xf32, #tpu.memory_space<hbm>>
      tpu.wait_indirect_dma semaphore(%arg13 : memref<!tpu.dma_semaphore, #tpu.memory_space<semaphore_mem>>) src(%dma_wait3A_1102 : memref<10000x128xf32, #tpu.memory_space<hbm>>) dst(%arg9 : memref<128x128xf32, #tpu.memory_space<vmem>>)
      %dma_start3A_1103 = arith.constant 38 : i32
      %dma_start3A_1104 = arith.constant 0 : i32
      %dma_start3A_1105 = tpu.memref_slice %arg8[%dma_start3A_1103, %dma_start3A_1104] : memref<40x128xi32, #tpu.memory_space<vmem>> -> memref<1x128xi32, #tpu.memory_space<vmem>>
      %dma_start3A_1106 = tpu.memref_squeeze %dma_start3A_1105 : memref<1x128xi32, #tpu.memory_space<vmem>> -> memref<128xi32, #tpu.memory_space<vmem>>
      %dma_start3A_1107 = arith.constant 0 : i32
      %dma_start3A_1108 = arith.constant 0 : i32
      %dma_start3A_1109 = tpu.memref_slice %arg11[%dma_start3A_1107, %dma_start3A_1108] : memref<10112x128xf32, #tpu.memory_space<vmem_shared>> -> memref<10112x128xf32, #tpu.memory_space<vmem_shared>>
      tpu.enqueue_indirect_dma source(%arg9 : memref<128x128xf32, #tpu.memory_space<vmem>>) target(%dma_start3A_1109 : memref<10112x128xf32, #tpu.memory_space<vmem_shared>>) offsets(%dma_start3A_1106 : memref<128xi32, #tpu.memory_space<vmem>>) semaphore(%arg12 : memref<!tpu.dma_semaphore, #tpu.memory_space<semaphore_mem>>) {add = true}
      %dma_wait3A_1110 = arith.constant 0 : i32
      %dma_wait3A_1111 = arith.constant 0 : i32
      %dma_wait3A_1112 = tpu.memref_slice %arg7[%dma_wait3A_1110, %dma_wait3A_1111] : memref<40x128xi32, #tpu.memory_space<vmem>> -> memref<1x128xi32, #tpu.memory_space<vmem>>
      %dma_wait3A_1113 = tpu.memref_squeeze %dma_wait3A_1112 : memref<1x128xi32, #tpu.memory_space<vmem>> -> memref<128xi32, #tpu.memory_space<vmem>>
      %dma_wait3A_1114 = arith.constant 0 : i32
      %dma_wait3A_1115 = arith.constant 0 : i32
      %dma_wait3A_1116 = tpu.memref_slice %arg2[%dma_wait3A_1114, %dma_wait3A_1115] : memref<10000x128xf32, #tpu.memory_space<hbm>> -> memref<10000x128xf32, #tpu.memory_space<hbm>>
      tpu.wait_indirect_dma semaphore(%arg14 : memref<!tpu.dma_semaphore, #tpu.memory_space<semaphore_mem>>) src(%dma_wait3A_1116 : memref<10000x128xf32, #tpu.memory_space<hbm>>) dst(%arg10 : memref<128x128xf32, #tpu.memory_space<vmem>>)
      %dma_wait3A_1117 = arith.constant 0 : i32
      %dma_wait3A_1118 = arith.constant 0 : i32
      %dma_wait3A_1119 = tpu.memref_slice %arg7[%dma_wait3A_1117, %dma_wait3A_1118] : memref<40x128xi32, #tpu.memory_space<vmem>> -> memref<1x128xi32, #tpu.memory_space<vmem>>
      %dma_wait3A_1120 = tpu.memref_squeeze %dma_wait3A_1119 : memref<1x128xi32, #tpu.memory_space<vmem>> -> memref<128xi32, #tpu.memory_space<vmem>>
      %dma_wait3A_1121 = arith.constant 0 : i32
      %dma_wait3A_1122 = arith.constant 0 : i32
      %dma_wait3A_1123 = tpu.memref_slice %arg2[%dma_wait3A_1121, %dma_wait3A_1122] : memref<10000x128xf32, #tpu.memory_space<hbm>> -> memref<10000x128xf32, #tpu.memory_space<hbm>>
      tpu.wait_indirect_dma semaphore(%arg12 : memref<!tpu.dma_semaphore, #tpu.memory_space<semaphore_mem>>) src(%dma_wait3A_1123 : memref<10000x128xf32, #tpu.memory_space<hbm>>) dst(%arg9 : memref<128x128xf32, #tpu.memory_space<vmem>>)
      %dma_start3A_1124 = arith.constant 39 : i32
      %dma_start3A_1125 = arith.constant 0 : i32
      %dma_start3A_1126 = tpu.memref_slice %arg8[%dma_start3A_1124, %dma_start3A_1125] : memref<40x128xi32, #tpu.memory_space<vmem>> -> memref<1x128xi32, #tpu.memory_space<vmem>>
      %dma_start3A_1127 = tpu.memref_squeeze %dma_start3A_1126 : memref<1x128xi32, #tpu.memory_space<vmem>> -> memref<128xi32, #tpu.memory_space<vmem>>
      %dma_start3A_1128 = arith.constant 0 : i32
      %dma_start3A_1129 = arith.constant 0 : i32
      %dma_start3A_1130 = tpu.memref_slice %arg11[%dma_start3A_1128, %dma_start3A_1129] : memref<10112x128xf32, #tpu.memory_space<vmem_shared>> -> memref<10112x128xf32, #tpu.memory_space<vmem_shared>>
      tpu.enqueue_indirect_dma source(%arg10 : memref<128x128xf32, #tpu.memory_space<vmem>>) target(%dma_start3A_1130 : memref<10112x128xf32, #tpu.memory_space<vmem_shared>>) offsets(%dma_start3A_1127 : memref<128xi32, #tpu.memory_space<vmem>>) semaphore(%arg12 : memref<!tpu.dma_semaphore, #tpu.memory_space<semaphore_mem>>) {add = true}
      %dma_wait3A_1131 = arith.constant 0 : i32
      %dma_wait3A_1132 = arith.constant 0 : i32
      %dma_wait3A_1133 = tpu.memref_slice %arg7[%dma_wait3A_1131, %dma_wait3A_1132] : memref<40x128xi32, #tpu.memory_space<vmem>> -> memref<1x128xi32, #tpu.memory_space<vmem>>
      %dma_wait3A_1134 = tpu.memref_squeeze %dma_wait3A_1133 : memref<1x128xi32, #tpu.memory_space<vmem>> -> memref<128xi32, #tpu.memory_space<vmem>>
      %dma_wait3A_1135 = arith.constant 0 : i32
      %dma_wait3A_1136 = arith.constant 0 : i32
      %dma_wait3A_1137 = tpu.memref_slice %arg2[%dma_wait3A_1135, %dma_wait3A_1136] : memref<10000x128xf32, #tpu.memory_space<hbm>> -> memref<10000x128xf32, #tpu.memory_space<hbm>>
      tpu.wait_indirect_dma semaphore(%arg12 : memref<!tpu.dma_semaphore, #tpu.memory_space<semaphore_mem>>) src(%dma_wait3A_1137 : memref<10000x128xf32, #tpu.memory_space<hbm>>) dst(%arg10 : memref<128x128xf32, #tpu.memory_space<vmem>>)
      %scan3A_1138 = arith.constant 0 : i32
      scf.yield %scan3A_1138 : i32
    }
    %scan3A_8 = arith.constant 2 : i32
    %barrier3A_9 = arith.constant 0 : index
    tpu.barrier barrier_id(%barrier3A_9)
    %mul3A_10 = arith.constant 632 : i32
    %mul3A_11 = arith.muli %arg1, %mul3A_10 : i32
    %mul3A_12 = arith.constant 632 : i32
    %mul3A_13 = arith.muli %arg1, %mul3A_12 : i32
    "tpu.region"() ({
      %run_scoped3A = tpu.sem_alloc : memref<!tpu.dma_semaphore, #tpu.memory_space<semaphore_mem>>
      %dma_start3A = arith.constant 0 : i32
      %dma_start3A_14 = tpu.memref_slice %arg6[%arg0, %mul3A_13, %dma_start3A] : memref<2x10112x128xf32, #tpu.memory_space<hbm>> -> memref<1x632x128xf32, #tpu.memory_space<hbm>>
      %dma_start3A_15 = tpu.memref_squeeze %dma_start3A_14 : memref<1x632x128xf32, #tpu.memory_space<hbm>> -> memref<632x128xf32, #tpu.memory_space<hbm>>
      %dma_start3A_16 = arith.constant 0 : i32
      %dma_start3A_17 = tpu.memref_slice %arg11[%mul3A_11, %dma_start3A_16] : memref<10112x128xf32, #tpu.memory_space<vmem_shared>> -> memref<632x128xf32, #tpu.memory_space<vmem_shared>>
      tpu.enqueue_dma source(%dma_start3A_17 : memref<632x128xf32, #tpu.memory_space<vmem_shared>>) target(%dma_start3A_15 : memref<632x128xf32, #tpu.memory_space<hbm>>) target_semaphore(%run_scoped3A : memref<!tpu.dma_semaphore, #tpu.memory_space<semaphore_mem>>)
      %dma_wait3A = arith.constant 0 : i32
      %dma_wait3A_18 = tpu.memref_slice %arg6[%arg0, %mul3A_13, %dma_wait3A] : memref<2x10112x128xf32, #tpu.memory_space<hbm>> -> memref<1x632x128xf32, #tpu.memory_space<hbm>>
      %dma_wait3A_19 = tpu.memref_squeeze %dma_wait3A_18 : memref<1x632x128xf32, #tpu.memory_space<hbm>> -> memref<632x128xf32, #tpu.memory_space<hbm>>
      %dma_wait3A_20 = arith.constant 0 : i32
      %dma_wait3A_21 = tpu.memref_slice %arg11[%mul3A_11, %dma_wait3A_20] : memref<10112x128xf32, #tpu.memory_space<vmem_shared>> -> memref<632x128xf32, #tpu.memory_space<vmem_shared>>
      tpu.wait_dma2 semaphore(%run_scoped3A : memref<!tpu.dma_semaphore, #tpu.memory_space<semaphore_mem>>) src(%dma_wait3A_21 : memref<632x128xf32, #tpu.memory_space<vmem_shared>>) dst(%dma_wait3A_19 : memref<632x128xf32, #tpu.memory_space<hbm>>)
      tpu.yield
    }) : () -> ()
    return
  }
}

#map = affine_map<(d0, d1) -> (0, 0)>
#map1 = affine_map<(d0, d1) -> (0, 0, 0)>
module attributes {stable_mosaic.version = 14 : i64} {
  func.func @_k3_scatter(%arg0: i32, %arg1: i32, %arg2: memref<10000x128xf32, #tpu.memory_space<hbm>>, %arg3: memref<32x80x128xi32, #tpu.memory_space<hbm>>, %arg4: memref<32x80x128xi32, #tpu.memory_space<hbm>>, %arg5: memref<632x128xf32, #tpu.memory_space<hbm>>, %arg6: memref<2x10112x128xf32, #tpu.memory_space<hbm>>, %arg7: memref<40x128xi32, #tpu.memory_space<vmem>>, %arg8: memref<40x128xi32, #tpu.memory_space<vmem>>, %arg9: memref<128x128xf32, #tpu.memory_space<vmem>>, %arg10: memref<128x128xf32, #tpu.memory_space<vmem>>, %arg11: memref<10112x128xf32, #tpu.memory_space<vmem_shared>>, %arg12: memref<!tpu.dma_semaphore, #tpu.memory_space<semaphore_mem>>, %arg13: memref<!tpu.dma_semaphore, #tpu.memory_space<semaphore_mem>>, %arg14: memref<!tpu.dma_semaphore, #tpu.memory_space<semaphore_mem>>) attributes {dimension_semantics = [#tpu.dimension_semantics<core_parallel>, #tpu.dimension_semantics<subcore_parallel>], iteration_bounds = array<i64: 2, 16>, scalar_prefetch = 0 : i64, scratch_operands = 8 : i64, tpu.core_type = #tpu.core_type<sc_vector_subcore>, window_params = [{transform_indices = #map}, {transform_indices = #map1}, {transform_indices = #map1}, {transform_indices = #map}, {transform_indices = #map1}]} {
    %mul3A = arith.constant 2 : i32
    %mul3A_0 = arith.muli %arg1, %mul3A : i32
    %add3A = arith.addi %mul3A_0, %arg0 : i32
    %mul3A_1 = arith.constant 632 : i32
    %mul3A_2 = arith.muli %arg1, %mul3A_1 : i32
    "tpu.region"() ({
      %run_scoped3A = tpu.sem_alloc : memref<!tpu.dma_semaphore, #tpu.memory_space<semaphore_mem>>
      %dma_start3A = arith.constant 0 : i32
      %dma_start3A_14 = tpu.memref_slice %arg11[%mul3A_2, %dma_start3A] : memref<10112x128xf32, #tpu.memory_space<vmem_shared>> -> memref<632x128xf32, #tpu.memory_space<vmem_shared>>
      tpu.enqueue_dma source(%arg5 : memref<632x128xf32, #tpu.memory_space<hbm>>) target(%dma_start3A_14 : memref<632x128xf32, #tpu.memory_space<vmem_shared>>) target_semaphore(%run_scoped3A : memref<!tpu.dma_semaphore, #tpu.memory_space<semaphore_mem>>)
      %dma_wait3A = arith.constant 0 : i32
      %dma_wait3A_15 = tpu.memref_slice %arg11[%mul3A_2, %dma_wait3A] : memref<10112x128xf32, #tpu.memory_space<vmem_shared>> -> memref<632x128xf32, #tpu.memory_space<vmem_shared>>
      tpu.wait_dma2 semaphore(%run_scoped3A : memref<!tpu.dma_semaphore, #tpu.memory_space<semaphore_mem>>) src(%arg5 : memref<632x128xf32, #tpu.memory_space<hbm>>) dst(%dma_wait3A_15 : memref<632x128xf32, #tpu.memory_space<vmem_shared>>)
      tpu.yield
    }) : () -> ()
    %barrier3A = arith.constant 0 : index
    tpu.barrier barrier_id(%barrier3A)
    %scan3A = arith.constant 0 : i32
    %scan3A_3 = arith.constant 0 : i32
    %scan3A_4 = arith.constant 2 : i32
    %scan3A_5 = arith.addi %scan3A_3, %scan3A_4 : i32
    %scan3A_6 = arith.constant 1 : i32
    %scan3A_7 = scf.for %scan3A_14 = %scan3A_3 to %scan3A_5 step %scan3A_6 iter_args(%scan3A_15 = %scan3A) -> (i32)  : i32 {
      %mul3A_16 = arith.constant 40 : i32
      %mul3A_17 = arith.muli %scan3A_14, %mul3A_16 : i32
      "tpu.region"() ({
        %run_scoped3A = tpu.sem_alloc : memref<!tpu.dma_semaphore, #tpu.memory_space<semaphore_mem>>
        %dma_start3A_1139 = arith.constant 0 : i32
        %dma_start3A_1140 = tpu.memref_slice %arg3[%add3A, %mul3A_17, %dma_start3A_1139] : memref<32x80x128xi32, #tpu.memory_space<hbm>> -> memref<1x40x128xi32, #tpu.memory_space<hbm>>
        %dma_start3A_1141 = tpu.memref_squeeze %dma_start3A_1140 : memref<1x40x128xi32, #tpu.memory_space<hbm>> -> memref<40x128xi32, #tpu.memory_space<hbm>>
        %dma_start3A_1142 = arith.constant 0 : i32
        %dma_start3A_1143 = tpu.memref_slice %arg3[%add3A, %mul3A_17, %dma_start3A_1142] : memref<32x80x128xi32, #tpu.memory_space<hbm>> -> memref<1x40x128xi32, #tpu.memory_space<hbm>>
        %dma_start3A_1144 = tpu.memref_squeeze %dma_start3A_1143 : memref<1x40x128xi32, #tpu.memory_space<hbm>> -> memref<40x128xi32, #tpu.memory_space<hbm>>
        tpu.enqueue_dma source(%dma_start3A_1144 : memref<40x128xi32, #tpu.memory_space<hbm>>) target(%arg7 : memref<40x128xi32, #tpu.memory_space<vmem>>) target_semaphore(%run_scoped3A : memref<!tpu.dma_semaphore, #tpu.memory_space<semaphore_mem>>)
        %dma_wait3A_1145 = arith.constant 0 : i32
        %dma_wait3A_1146 = tpu.memref_slice %arg3[%add3A, %mul3A_17, %dma_wait3A_1145] : memref<32x80x128xi32, #tpu.memory_space<hbm>> -> memref<1x40x128xi32, #tpu.memory_space<hbm>>
        %dma_wait3A_1147 = tpu.memref_squeeze %dma_wait3A_1146 : memref<1x40x128xi32, #tpu.memory_space<hbm>> -> memref<40x128xi32, #tpu.memory_space<hbm>>
        %dma_wait3A_1148 = arith.constant 0 : i32
        %dma_wait3A_1149 = tpu.memref_slice %arg3[%add3A, %mul3A_17, %dma_wait3A_1148] : memref<32x80x128xi32, #tpu.memory_space<hbm>> -> memref<1x40x128xi32, #tpu.memory_space<hbm>>
        %dma_wait3A_1150 = tpu.memref_squeeze %dma_wait3A_1149 : memref<1x40x128xi32, #tpu.memory_space<hbm>> -> memref<40x128xi32, #tpu.memory_space<hbm>>
        tpu.wait_dma2 semaphore(%run_scoped3A : memref<!tpu.dma_semaphore, #tpu.memory_space<semaphore_mem>>) src(%dma_wait3A_1150 : memref<40x128xi32, #tpu.memory_space<hbm>>) dst(%arg7 : memref<40x128xi32, #tpu.memory_space<vmem>>)
        tpu.yield
      }) : () -> ()
      %mul3A_18 = arith.constant 40 : i32
      %mul3A_19 = arith.muli %scan3A_14, %mul3A_18 : i32
      "tpu.region"() ({
        %run_scoped3A = tpu.sem_alloc : memref<!tpu.dma_semaphore, #tpu.memory_space<semaphore_mem>>
        %dma_start3A_1139 = arith.constant 0 : i32
        %dma_start3A_1140 = tpu.memref_slice %arg4[%add3A, %mul3A_19, %dma_start3A_1139] : memref<32x80x128xi32, #tpu.memory_space<hbm>> -> memref<1x40x128xi32, #tpu.memory_space<hbm>>
        %dma_start3A_1141 = tpu.memref_squeeze %dma_start3A_1140 : memref<1x40x128xi32, #tpu.memory_space<hbm>> -> memref<40x128xi32, #tpu.memory_space<hbm>>
        %dma_start3A_1142 = arith.constant 0 : i32
        %dma_start3A_1143 = tpu.memref_slice %arg4[%add3A, %mul3A_19, %dma_start3A_1142] : memref<32x80x128xi32, #tpu.memory_space<hbm>> -> memref<1x40x128xi32, #tpu.memory_space<hbm>>
        %dma_start3A_1144 = tpu.memref_squeeze %dma_start3A_1143 : memref<1x40x128xi32, #tpu.memory_space<hbm>> -> memref<40x128xi32, #tpu.memory_space<hbm>>
        tpu.enqueue_dma source(%dma_start3A_1144 : memref<40x128xi32, #tpu.memory_space<hbm>>) target(%arg8 : memref<40x128xi32, #tpu.memory_space<vmem>>) target_semaphore(%run_scoped3A : memref<!tpu.dma_semaphore, #tpu.memory_space<semaphore_mem>>)
        %dma_wait3A_1145 = arith.constant 0 : i32
        %dma_wait3A_1146 = tpu.memref_slice %arg4[%add3A, %mul3A_19, %dma_wait3A_1145] : memref<32x80x128xi32, #tpu.memory_space<hbm>> -> memref<1x40x128xi32, #tpu.memory_space<hbm>>
        %dma_wait3A_1147 = tpu.memref_squeeze %dma_wait3A_1146 : memref<1x40x128xi32, #tpu.memory_space<hbm>> -> memref<40x128xi32, #tpu.memory_space<hbm>>
        %dma_wait3A_1148 = arith.constant 0 : i32
        %dma_wait3A_1149 = tpu.memref_slice %arg4[%add3A, %mul3A_19, %dma_wait3A_1148] : memref<32x80x128xi32, #tpu.memory_space<hbm>> -> memref<1x40x128xi32, #tpu.memory_space<hbm>>
        %dma_wait3A_1150 = tpu.memref_squeeze %dma_wait3A_1149 : memref<1x40x128xi32, #tpu.memory_space<hbm>> -> memref<40x128xi32, #tpu.memory_space<hbm>>
        tpu.wait_dma2 semaphore(%run_scoped3A : memref<!tpu.dma_semaphore, #tpu.memory_space<semaphore_mem>>) src(%dma_wait3A_1150 : memref<40x128xi32, #tpu.memory_space<hbm>>) dst(%arg8 : memref<40x128xi32, #tpu.memory_space<vmem>>)
        tpu.yield
      }) : () -> ()
      %dma_start3A = arith.constant 0 : i32
      %dma_start3A_20 = arith.constant 0 : i32
      %dma_start3A_21 = tpu.memref_slice %arg7[%dma_start3A, %dma_start3A_20] : memref<40x128xi32, #tpu.memory_space<vmem>> -> memref<1x128xi32, #tpu.memory_space<vmem>>
      %dma_start3A_22 = tpu.memref_squeeze %dma_start3A_21 : memref<1x128xi32, #tpu.memory_space<vmem>> -> memref<128xi32, #tpu.memory_space<vmem>>
      %dma_start3A_23 = arith.constant 0 : i32
      %dma_start3A_24 = arith.constant 0 : i32
      %dma_start3A_25 = tpu.memref_slice %arg2[%dma_start3A_23, %dma_start3A_24] : memref<10000x128xf32, #tpu.memory_space<hbm>> -> memref<10000x128xf32, #tpu.memory_space<hbm>>
      tpu.enqueue_indirect_dma source(%dma_start3A_25 : memref<10000x128xf32, #tpu.memory_space<hbm>>) target(%arg9 : memref<128x128xf32, #tpu.memory_space<vmem>>) offsets(%dma_start3A_22 : memref<128xi32, #tpu.memory_space<vmem>>) semaphore(%arg13 : memref<!tpu.dma_semaphore, #tpu.memory_space<semaphore_mem>>)
      %dma_start3A_26 = arith.constant 1 : i32
      %dma_start3A_27 = arith.constant 0 : i32
      %dma_start3A_28 = tpu.memref_slice %arg7[%dma_start3A_26, %dma_start3A_27] : memref<40x128xi32, #tpu.memory_space<vmem>> -> memref<1x128xi32, #tpu.memory_space<vmem>>
      %dma_start3A_29 = tpu.memref_squeeze %dma_start3A_28 : memref<1x128xi32, #tpu.memory_space<vmem>> -> memref<128xi32, #tpu.memory_space<vmem>>
      %dma_start3A_30 = arith.constant 0 : i32
      %dma_start3A_31 = arith.constant 0 : i32
      %dma_start3A_32 = tpu.memref_slice %arg2[%dma_start3A_30, %dma_start3A_31] : memref<10000x128xf32, #tpu.memory_space<hbm>> -> memref<10000x128xf32, #tpu.memory_space<hbm>>
      tpu.enqueue_indirect_dma source(%dma_start3A_32 : memref<10000x128xf32, #tpu.memory_space<hbm>>) target(%arg10 : memref<128x128xf32, #tpu.memory_space<vmem>>) offsets(%dma_start3A_29 : memref<128xi32, #tpu.memory_space<vmem>>) semaphore(%arg14 : memref<!tpu.dma_semaphore, #tpu.memory_space<semaphore_mem>>)
      %dma_wait3A = arith.constant 0 : i32
      %dma_wait3A_33 = arith.constant 0 : i32
      %dma_wait3A_34 = tpu.memref_slice %arg7[%dma_wait3A, %dma_wait3A_33] : memref<40x128xi32, #tpu.memory_space<vmem>> -> memref<1x128xi32, #tpu.memory_space<vmem>>
      %dma_wait3A_35 = tpu.memref_squeeze %dma_wait3A_34 : memref<1x128xi32, #tpu.memory_space<vmem>> -> memref<128xi32, #tpu.memory_space<vmem>>
      %dma_wait3A_36 = arith.constant 0 : i32
      %dma_wait3A_37 = arith.constant 0 : i32
      %dma_wait3A_38 = tpu.memref_slice %arg2[%dma_wait3A_36, %dma_wait3A_37] : memref<10000x128xf32, #tpu.memory_space<hbm>> -> memref<10000x128xf32, #tpu.memory_space<hbm>>
      tpu.wait_indirect_dma semaphore(%arg13 : memref<!tpu.dma_semaphore, #tpu.memory_space<semaphore_mem>>) src(%dma_wait3A_38 : memref<10000x128xf32, #tpu.memory_space<hbm>>) dst(%arg9 : memref<128x128xf32, #tpu.memory_space<vmem>>)
      %dma_start3A_39 = arith.constant 0 : i32
      %dma_start3A_40 = arith.constant 0 : i32
      %dma_start3A_41 = tpu.memref_slice %arg8[%dma_start3A_39, %dma_start3A_40] : memref<40x128xi32, #tpu.memory_space<vmem>> -> memref<1x128xi32, #tpu.memory_space<vmem>>
      %dma_start3A_42 = tpu.memref_squeeze %dma_start3A_41 : memref<1x128xi32, #tpu.memory_space<vmem>> -> memref<128xi32, #tpu.memory_space<vmem>>
      %dma_start3A_43 = arith.constant 0 : i32
      %dma_start3A_44 = arith.constant 0 : i32
      %dma_start3A_45 = tpu.memref_slice %arg11[%dma_start3A_43, %dma_start3A_44] : memref<10112x128xf32, #tpu.memory_space<vmem_shared>> -> memref<10112x128xf32, #tpu.memory_space<vmem_shared>>
      tpu.enqueue_indirect_dma source(%arg9 : memref<128x128xf32, #tpu.memory_space<vmem>>) target(%dma_start3A_45 : memref<10112x128xf32, #tpu.memory_space<vmem_shared>>) offsets(%dma_start3A_42 : memref<128xi32, #tpu.memory_space<vmem>>) semaphore(%arg12 : memref<!tpu.dma_semaphore, #tpu.memory_space<semaphore_mem>>) {add = true}
      %dma_wait3A_46 = arith.constant 0 : i32
      %dma_wait3A_47 = arith.constant 0 : i32
      %dma_wait3A_48 = tpu.memref_slice %arg7[%dma_wait3A_46, %dma_wait3A_47] : memref<40x128xi32, #tpu.memory_space<vmem>> -> memref<1x128xi32, #tpu.memory_space<vmem>>
      %dma_wait3A_49 = tpu.memref_squeeze %dma_wait3A_48 : memref<1x128xi32, #tpu.memory_space<vmem>> -> memref<128xi32, #tpu.memory_space<vmem>>
      %dma_wait3A_50 = arith.constant 0 : i32
      %dma_wait3A_51 = arith.constant 0 : i32
      %dma_wait3A_52 = tpu.memref_slice %arg2[%dma_wait3A_50, %dma_wait3A_51] : memref<10000x128xf32, #tpu.memory_space<hbm>> -> memref<10000x128xf32, #tpu.memory_space<hbm>>
      tpu.wait_indirect_dma semaphore(%arg14 : memref<!tpu.dma_semaphore, #tpu.memory_space<semaphore_mem>>) src(%dma_wait3A_52 : memref<10000x128xf32, #tpu.memory_space<hbm>>) dst(%arg10 : memref<128x128xf32, #tpu.memory_space<vmem>>)
      %dma_wait3A_53 = arith.constant 0 : i32
      %dma_wait3A_54 = arith.constant 0 : i32
      %dma_wait3A_55 = tpu.memref_slice %arg7[%dma_wait3A_53, %dma_wait3A_54] : memref<40x128xi32, #tpu.memory_space<vmem>> -> memref<1x128xi32, #tpu.memory_space<vmem>>
      %dma_wait3A_56 = tpu.memref_squeeze %dma_wait3A_55 : memref<1x128xi32, #tpu.memory_space<vmem>> -> memref<128xi32, #tpu.memory_space<vmem>>
      %dma_wait3A_57 = arith.constant 0 : i32
      %dma_wait3A_58 = arith.constant 0 : i32
      %dma_wait3A_59 = tpu.memref_slice %arg2[%dma_wait3A_57, %dma_wait3A_58] : memref<10000x128xf32, #tpu.memory_space<hbm>> -> memref<10000x128xf32, #tpu.memory_space<hbm>>
      tpu.wait_indirect_dma semaphore(%arg12 : memref<!tpu.dma_semaphore, #tpu.memory_space<semaphore_mem>>) src(%dma_wait3A_59 : memref<10000x128xf32, #tpu.memory_space<hbm>>) dst(%arg9 : memref<128x128xf32, #tpu.memory_space<vmem>>)
      %dma_start3A_60 = arith.constant 2 : i32
      %dma_start3A_61 = arith.constant 0 : i32
      %dma_start3A_62 = tpu.memref_slice %arg7[%dma_start3A_60, %dma_start3A_61] : memref<40x128xi32, #tpu.memory_space<vmem>> -> memref<1x128xi32, #tpu.memory_space<vmem>>
      %dma_start3A_63 = tpu.memref_squeeze %dma_start3A_62 : memref<1x128xi32, #tpu.memory_space<vmem>> -> memref<128xi32, #tpu.memory_space<vmem>>
      %dma_start3A_64 = arith.constant 0 : i32
      %dma_start3A_65 = arith.constant 0 : i32
      %dma_start3A_66 = tpu.memref_slice %arg2[%dma_start3A_64, %dma_start3A_65] : memref<10000x128xf32, #tpu.memory_space<hbm>> -> memref<10000x128xf32, #tpu.memory_space<hbm>>
      tpu.enqueue_indirect_dma source(%dma_start3A_66 : memref<10000x128xf32, #tpu.memory_space<hbm>>) target(%arg9 : memref<128x128xf32, #tpu.memory_space<vmem>>) offsets(%dma_start3A_63 : memref<128xi32, #tpu.memory_space<vmem>>) semaphore(%arg13 : memref<!tpu.dma_semaphore, #tpu.memory_space<semaphore_mem>>)
      %dma_start3A_67 = arith.constant 1 : i32
      %dma_start3A_68 = arith.constant 0 : i32
      %dma_start3A_69 = tpu.memref_slice %arg8[%dma_start3A_67, %dma_start3A_68] : memref<40x128xi32, #tpu.memory_space<vmem>> -> memref<1x128xi32, #tpu.memory_space<vmem>>
      %dma_start3A_70 = tpu.memref_squeeze %dma_start3A_69 : memref<1x128xi32, #tpu.memory_space<vmem>> -> memref<128xi32, #tpu.memory_space<vmem>>
      %dma_start3A_71 = arith.constant 0 : i32
      %dma_start3A_72 = arith.constant 0 : i32
      %dma_start3A_73 = tpu.memref_slice %arg11[%dma_start3A_71, %dma_start3A_72] : memref<10112x128xf32, #tpu.memory_space<vmem_shared>> -> memref<10112x128xf32, #tpu.memory_space<vmem_shared>>
      tpu.enqueue_indirect_dma source(%arg10 : memref<128x128xf32, #tpu.memory_space<vmem>>) target(%dma_start3A_73 : memref<10112x128xf32, #tpu.memory_space<vmem_shared>>) offsets(%dma_start3A_70 : memref<128xi32, #tpu.memory_space<vmem>>) semaphore(%arg12 : memref<!tpu.dma_semaphore, #tpu.memory_space<semaphore_mem>>) {add = true}
      %dma_wait3A_74 = arith.constant 0 : i32
      %dma_wait3A_75 = arith.constant 0 : i32
      %dma_wait3A_76 = tpu.memref_slice %arg7[%dma_wait3A_74, %dma_wait3A_75] : memref<40x128xi32, #tpu.memory_space<vmem>> -> memref<1x128xi32, #tpu.memory_space<vmem>>
      %dma_wait3A_77 = tpu.memref_squeeze %dma_wait3A_76 : memref<1x128xi32, #tpu.memory_space<vmem>> -> memref<128xi32, #tpu.memory_space<vmem>>
      %dma_wait3A_78 = arith.constant 0 : i32
      %dma_wait3A_79 = arith.constant 0 : i32
      %dma_wait3A_80 = tpu.memref_slice %arg2[%dma_wait3A_78, %dma_wait3A_79] : memref<10000x128xf32, #tpu.memory_space<hbm>> -> memref<10000x128xf32, #tpu.memory_space<hbm>>
      tpu.wait_indirect_dma semaphore(%arg12 : memref<!tpu.dma_semaphore, #tpu.memory_space<semaphore_mem>>) src(%dma_wait3A_80 : memref<10000x128xf32, #tpu.memory_space<hbm>>) dst(%arg10 : memref<128x128xf32, #tpu.memory_space<vmem>>)
      %dma_start3A_81 = arith.constant 3 : i32
      %dma_start3A_82 = arith.constant 0 : i32
      %dma_start3A_83 = tpu.memref_slice %arg7[%dma_start3A_81, %dma_start3A_82] : memref<40x128xi32, #tpu.memory_space<vmem>> -> memref<1x128xi32, #tpu.memory_space<vmem>>
      %dma_start3A_84 = tpu.memref_squeeze %dma_start3A_83 : memref<1x128xi32, #tpu.memory_space<vmem>> -> memref<128xi32, #tpu.memory_space<vmem>>
      %dma_start3A_85 = arith.constant 0 : i32
      %dma_start3A_86 = arith.constant 0 : i32
      %dma_start3A_87 = tpu.memref_slice %arg2[%dma_start3A_85, %dma_start3A_86] : memref<10000x128xf32, #tpu.memory_space<hbm>> -> memref<10000x128xf32, #tpu.memory_space<hbm>>
      tpu.enqueue_indirect_dma source(%dma_start3A_87 : memref<10000x128xf32, #tpu.memory_space<hbm>>) target(%arg10 : memref<128x128xf32, #tpu.memory_space<vmem>>) offsets(%dma_start3A_84 : memref<128xi32, #tpu.memory_space<vmem>>) semaphore(%arg14 : memref<!tpu.dma_semaphore, #tpu.memory_space<semaphore_mem>>)
      %dma_wait3A_88 = arith.constant 0 : i32
      %dma_wait3A_89 = arith.constant 0 : i32
      %dma_wait3A_90 = tpu.memref_slice %arg7[%dma_wait3A_88, %dma_wait3A_89] : memref<40x128xi32, #tpu.memory_space<vmem>> -> memref<1x128xi32, #tpu.memory_space<vmem>>
      %dma_wait3A_91 = tpu.memref_squeeze %dma_wait3A_90 : memref<1x128xi32, #tpu.memory_space<vmem>> -> memref<128xi32, #tpu.memory_space<vmem>>
      %dma_wait3A_92 = arith.constant 0 : i32
      %dma_wait3A_93 = arith.constant 0 : i32
      %dma_wait3A_94 = tpu.memref_slice %arg2[%dma_wait3A_92, %dma_wait3A_93] : memref<10000x128xf32, #tpu.memory_space<hbm>> -> memref<10000x128xf32, #tpu.memory_space<hbm>>
      tpu.wait_indirect_dma semaphore(%arg13 : memref<!tpu.dma_semaphore, #tpu.memory_space<semaphore_mem>>) src(%dma_wait3A_94 : memref<10000x128xf32, #tpu.memory_space<hbm>>) dst(%arg9 : memref<128x128xf32, #tpu.memory_space<vmem>>)
      %dma_start3A_95 = arith.constant 2 : i32
      %dma_start3A_96 = arith.constant 0 : i32
      %dma_start3A_97 = tpu.memref_slice %arg8[%dma_start3A_95, %dma_start3A_96] : memref<40x128xi32, #tpu.memory_space<vmem>> -> memref<1x128xi32, #tpu.memory_space<vmem>>
      %dma_start3A_98 = tpu.memref_squeeze %dma_start3A_97 : memref<1x128xi32, #tpu.memory_space<vmem>> -> memref<128xi32, #tpu.memory_space<vmem>>
      %dma_start3A_99 = arith.constant 0 : i32
      %dma_start3A_100 = arith.constant 0 : i32
      %dma_start3A_101 = tpu.memref_slice %arg11[%dma_start3A_99, %dma_start3A_100] : memref<10112x128xf32, #tpu.memory_space<vmem_shared>> -> memref<10112x128xf32, #tpu.memory_space<vmem_shared>>
      tpu.enqueue_indirect_dma source(%arg9 : memref<128x128xf32, #tpu.memory_space<vmem>>) target(%dma_start3A_101 : memref<10112x128xf32, #tpu.memory_space<vmem_shared>>) offsets(%dma_start3A_98 : memref<128xi32, #tpu.memory_space<vmem>>) semaphore(%arg12 : memref<!tpu.dma_semaphore, #tpu.memory_space<semaphore_mem>>) {add = true}
      %dma_wait3A_102 = arith.constant 0 : i32
      %dma_wait3A_103 = arith.constant 0 : i32
      %dma_wait3A_104 = tpu.memref_slice %arg7[%dma_wait3A_102, %dma_wait3A_103] : memref<40x128xi32, #tpu.memory_space<vmem>> -> memref<1x128xi32, #tpu.memory_space<vmem>>
      %dma_wait3A_105 = tpu.memref_squeeze %dma_wait3A_104 : memref<1x128xi32, #tpu.memory_space<vmem>> -> memref<128xi32, #tpu.memory_space<vmem>>
      %dma_wait3A_106 = arith.constant 0 : i32
      %dma_wait3A_107 = arith.constant 0 : i32
      %dma_wait3A_108 = tpu.memref_slice %arg2[%dma_wait3A_106, %dma_wait3A_107] : memref<10000x128xf32, #tpu.memory_space<hbm>> -> memref<10000x128xf32, #tpu.memory_space<hbm>>
      tpu.wait_indirect_dma semaphore(%arg14 : memref<!tpu.dma_semaphore, #tpu.memory_space<semaphore_mem>>) src(%dma_wait3A_108 : memref<10000x128xf32, #tpu.memory_space<hbm>>) dst(%arg10 : memref<128x128xf32, #tpu.memory_space<vmem>>)
      %dma_wait3A_109 = arith.constant 0 : i32
      %dma_wait3A_110 = arith.constant 0 : i32
      %dma_wait3A_111 = tpu.memref_slice %arg7[%dma_wait3A_109, %dma_wait3A_110] : memref<40x128xi32, #tpu.memory_space<vmem>> -> memref<1x128xi32, #tpu.memory_space<vmem>>
      %dma_wait3A_112 = tpu.memref_squeeze %dma_wait3A_111 : memref<1x128xi32, #tpu.memory_space<vmem>> -> memref<128xi32, #tpu.memory_space<vmem>>
      %dma_wait3A_113 = arith.constant 0 : i32
      %dma_wait3A_114 = arith.constant 0 : i32
      %dma_wait3A_115 = tpu.memref_slice %arg2[%dma_wait3A_113, %dma_wait3A_114] : memref<10000x128xf32, #tpu.memory_space<hbm>> -> memref<10000x128xf32, #tpu.memory_space<hbm>>
      tpu.wait_indirect_dma semaphore(%arg12 : memref<!tpu.dma_semaphore, #tpu.memory_space<semaphore_mem>>) src(%dma_wait3A_115 : memref<10000x128xf32, #tpu.memory_space<hbm>>) dst(%arg9 : memref<128x128xf32, #tpu.memory_space<vmem>>)
      %dma_start3A_116 = arith.constant 4 : i32
      %dma_start3A_117 = arith.constant 0 : i32
      %dma_start3A_118 = tpu.memref_slice %arg7[%dma_start3A_116, %dma_start3A_117] : memref<40x128xi32, #tpu.memory_space<vmem>> -> memref<1x128xi32, #tpu.memory_space<vmem>>
      %dma_start3A_119 = tpu.memref_squeeze %dma_start3A_118 : memref<1x128xi32, #tpu.memory_space<vmem>> -> memref<128xi32, #tpu.memory_space<vmem>>
      %dma_start3A_120 = arith.constant 0 : i32
      %dma_start3A_121 = arith.constant 0 : i32
      %dma_start3A_122 = tpu.memref_slice %arg2[%dma_start3A_120, %dma_start3A_121] : memref<10000x128xf32, #tpu.memory_space<hbm>> -> memref<10000x128xf32, #tpu.memory_space<hbm>>
      tpu.enqueue_indirect_dma source(%dma_start3A_122 : memref<10000x128xf32, #tpu.memory_space<hbm>>) target(%arg9 : memref<128x128xf32, #tpu.memory_space<vmem>>) offsets(%dma_start3A_119 : memref<128xi32, #tpu.memory_space<vmem>>) semaphore(%arg13 : memref<!tpu.dma_semaphore, #tpu.memory_space<semaphore_mem>>)
      %dma_start3A_123 = arith.constant 3 : i32
      %dma_start3A_124 = arith.constant 0 : i32
      %dma_start3A_125 = tpu.memref_slice %arg8[%dma_start3A_123, %dma_start3A_124] : memref<40x128xi32, #tpu.memory_space<vmem>> -> memref<1x128xi32, #tpu.memory_space<vmem>>
      %dma_start3A_126 = tpu.memref_squeeze %dma_start3A_125 : memref<1x128xi32, #tpu.memory_space<vmem>> -> memref<128xi32, #tpu.memory_space<vmem>>
      %dma_start3A_127 = arith.constant 0 : i32
      %dma_start3A_128 = arith.constant 0 : i32
      %dma_start3A_129 = tpu.memref_slice %arg11[%dma_start3A_127, %dma_start3A_128] : memref<10112x128xf32, #tpu.memory_space<vmem_shared>> -> memref<10112x128xf32, #tpu.memory_space<vmem_shared>>
      tpu.enqueue_indirect_dma source(%arg10 : memref<128x128xf32, #tpu.memory_space<vmem>>) target(%dma_start3A_129 : memref<10112x128xf32, #tpu.memory_space<vmem_shared>>) offsets(%dma_start3A_126 : memref<128xi32, #tpu.memory_space<vmem>>) semaphore(%arg12 : memref<!tpu.dma_semaphore, #tpu.memory_space<semaphore_mem>>) {add = true}
      %dma_wait3A_130 = arith.constant 0 : i32
      %dma_wait3A_131 = arith.constant 0 : i32
      %dma_wait3A_132 = tpu.memref_slice %arg7[%dma_wait3A_130, %dma_wait3A_131] : memref<40x128xi32, #tpu.memory_space<vmem>> -> memref<1x128xi32, #tpu.memory_space<vmem>>
      %dma_wait3A_133 = tpu.memref_squeeze %dma_wait3A_132 : memref<1x128xi32, #tpu.memory_space<vmem>> -> memref<128xi32, #tpu.memory_space<vmem>>
      %dma_wait3A_134 = arith.constant 0 : i32
      %dma_wait3A_135 = arith.constant 0 : i32
      %dma_wait3A_136 = tpu.memref_slice %arg2[%dma_wait3A_134, %dma_wait3A_135] : memref<10000x128xf32, #tpu.memory_space<hbm>> -> memref<10000x128xf32, #tpu.memory_space<hbm>>
      tpu.wait_indirect_dma semaphore(%arg12 : memref<!tpu.dma_semaphore, #tpu.memory_space<semaphore_mem>>) src(%dma_wait3A_136 : memref<10000x128xf32, #tpu.memory_space<hbm>>) dst(%arg10 : memref<128x128xf32, #tpu.memory_space<vmem>>)
      %dma_start3A_137 = arith.constant 5 : i32
      %dma_start3A_138 = arith.constant 0 : i32
      %dma_start3A_139 = tpu.memref_slice %arg7[%dma_start3A_137, %dma_start3A_138] : memref<40x128xi32, #tpu.memory_space<vmem>> -> memref<1x128xi32, #tpu.memory_space<vmem>>
      %dma_start3A_140 = tpu.memref_squeeze %dma_start3A_139 : memref<1x128xi32, #tpu.memory_space<vmem>> -> memref<128xi32, #tpu.memory_space<vmem>>
      %dma_start3A_141 = arith.constant 0 : i32
      %dma_start3A_142 = arith.constant 0 : i32
      %dma_start3A_143 = tpu.memref_slice %arg2[%dma_start3A_141, %dma_start3A_142] : memref<10000x128xf32, #tpu.memory_space<hbm>> -> memref<10000x128xf32, #tpu.memory_space<hbm>>
      tpu.enqueue_indirect_dma source(%dma_start3A_143 : memref<10000x128xf32, #tpu.memory_space<hbm>>) target(%arg10 : memref<128x128xf32, #tpu.memory_space<vmem>>) offsets(%dma_start3A_140 : memref<128xi32, #tpu.memory_space<vmem>>) semaphore(%arg14 : memref<!tpu.dma_semaphore, #tpu.memory_space<semaphore_mem>>)
      %dma_wait3A_144 = arith.constant 0 : i32
      %dma_wait3A_145 = arith.constant 0 : i32
      %dma_wait3A_146 = tpu.memref_slice %arg7[%dma_wait3A_144, %dma_wait3A_145] : memref<40x128xi32, #tpu.memory_space<vmem>> -> memref<1x128xi32, #tpu.memory_space<vmem>>
      %dma_wait3A_147 = tpu.memref_squeeze %dma_wait3A_146 : memref<1x128xi32, #tpu.memory_space<vmem>> -> memref<128xi32, #tpu.memory_space<vmem>>
      %dma_wait3A_148 = arith.constant 0 : i32
      %dma_wait3A_149 = arith.constant 0 : i32
      %dma_wait3A_150 = tpu.memref_slice %arg2[%dma_wait3A_148, %dma_wait3A_149] : memref<10000x128xf32, #tpu.memory_space<hbm>> -> memref<10000x128xf32, #tpu.memory_space<hbm>>
      tpu.wait_indirect_dma semaphore(%arg13 : memref<!tpu.dma_semaphore, #tpu.memory_space<semaphore_mem>>) src(%dma_wait3A_150 : memref<10000x128xf32, #tpu.memory_space<hbm>>) dst(%arg9 : memref<128x128xf32, #tpu.memory_space<vmem>>)
      %dma_start3A_151 = arith.constant 4 : i32
      %dma_start3A_152 = arith.constant 0 : i32
      %dma_start3A_153 = tpu.memref_slice %arg8[%dma_start3A_151, %dma_start3A_152] : memref<40x128xi32, #tpu.memory_space<vmem>> -> memref<1x128xi32, #tpu.memory_space<vmem>>
      %dma_start3A_154 = tpu.memref_squeeze %dma_start3A_153 : memref<1x128xi32, #tpu.memory_space<vmem>> -> memref<128xi32, #tpu.memory_space<vmem>>
      %dma_start3A_155 = arith.constant 0 : i32
      %dma_start3A_156 = arith.constant 0 : i32
      %dma_start3A_157 = tpu.memref_slice %arg11[%dma_start3A_155, %dma_start3A_156] : memref<10112x128xf32, #tpu.memory_space<vmem_shared>> -> memref<10112x128xf32, #tpu.memory_space<vmem_shared>>
      tpu.enqueue_indirect_dma source(%arg9 : memref<128x128xf32, #tpu.memory_space<vmem>>) target(%dma_start3A_157 : memref<10112x128xf32, #tpu.memory_space<vmem_shared>>) offsets(%dma_start3A_154 : memref<128xi32, #tpu.memory_space<vmem>>) semaphore(%arg12 : memref<!tpu.dma_semaphore, #tpu.memory_space<semaphore_mem>>) {add = true}
      %dma_wait3A_158 = arith.constant 0 : i32
      %dma_wait3A_159 = arith.constant 0 : i32
      %dma_wait3A_160 = tpu.memref_slice %arg7[%dma_wait3A_158, %dma_wait3A_159] : memref<40x128xi32, #tpu.memory_space<vmem>> -> memref<1x128xi32, #tpu.memory_space<vmem>>
      %dma_wait3A_161 = tpu.memref_squeeze %dma_wait3A_160 : memref<1x128xi32, #tpu.memory_space<vmem>> -> memref<128xi32, #tpu.memory_space<vmem>>
      %dma_wait3A_162 = arith.constant 0 : i32
      %dma_wait3A_163 = arith.constant 0 : i32
      %dma_wait3A_164 = tpu.memref_slice %arg2[%dma_wait3A_162, %dma_wait3A_163] : memref<10000x128xf32, #tpu.memory_space<hbm>> -> memref<10000x128xf32, #tpu.memory_space<hbm>>
      tpu.wait_indirect_dma semaphore(%arg14 : memref<!tpu.dma_semaphore, #tpu.memory_space<semaphore_mem>>) src(%dma_wait3A_164 : memref<10000x128xf32, #tpu.memory_space<hbm>>) dst(%arg10 : memref<128x128xf32, #tpu.memory_space<vmem>>)
      %dma_wait3A_165 = arith.constant 0 : i32
      %dma_wait3A_166 = arith.constant 0 : i32
      %dma_wait3A_167 = tpu.memref_slice %arg7[%dma_wait3A_165, %dma_wait3A_166] : memref<40x128xi32, #tpu.memory_space<vmem>> -> memref<1x128xi32, #tpu.memory_space<vmem>>
      %dma_wait3A_168 = tpu.memref_squeeze %dma_wait3A_167 : memref<1x128xi32, #tpu.memory_space<vmem>> -> memref<128xi32, #tpu.memory_space<vmem>>
      %dma_wait3A_169 = arith.constant 0 : i32
      %dma_wait3A_170 = arith.constant 0 : i32
      %dma_wait3A_171 = tpu.memref_slice %arg2[%dma_wait3A_169, %dma_wait3A_170] : memref<10000x128xf32, #tpu.memory_space<hbm>> -> memref<10000x128xf32, #tpu.memory_space<hbm>>
      tpu.wait_indirect_dma semaphore(%arg12 : memref<!tpu.dma_semaphore, #tpu.memory_space<semaphore_mem>>) src(%dma_wait3A_171 : memref<10000x128xf32, #tpu.memory_space<hbm>>) dst(%arg9 : memref<128x128xf32, #tpu.memory_space<vmem>>)
      %dma_start3A_172 = arith.constant 6 : i32
      %dma_start3A_173 = arith.constant 0 : i32
      %dma_start3A_174 = tpu.memref_slice %arg7[%dma_start3A_172, %dma_start3A_173] : memref<40x128xi32, #tpu.memory_space<vmem>> -> memref<1x128xi32, #tpu.memory_space<vmem>>
      %dma_start3A_175 = tpu.memref_squeeze %dma_start3A_174 : memref<1x128xi32, #tpu.memory_space<vmem>> -> memref<128xi32, #tpu.memory_space<vmem>>
      %dma_start3A_176 = arith.constant 0 : i32
      %dma_start3A_177 = arith.constant 0 : i32
      %dma_start3A_178 = tpu.memref_slice %arg2[%dma_start3A_176, %dma_start3A_177] : memref<10000x128xf32, #tpu.memory_space<hbm>> -> memref<10000x128xf32, #tpu.memory_space<hbm>>
      tpu.enqueue_indirect_dma source(%dma_start3A_178 : memref<10000x128xf32, #tpu.memory_space<hbm>>) target(%arg9 : memref<128x128xf32, #tpu.memory_space<vmem>>) offsets(%dma_start3A_175 : memref<128xi32, #tpu.memory_space<vmem>>) semaphore(%arg13 : memref<!tpu.dma_semaphore, #tpu.memory_space<semaphore_mem>>)
      %dma_start3A_179 = arith.constant 5 : i32
      %dma_start3A_180 = arith.constant 0 : i32
      %dma_start3A_181 = tpu.memref_slice %arg8[%dma_start3A_179, %dma_start3A_180] : memref<40x128xi32, #tpu.memory_space<vmem>> -> memref<1x128xi32, #tpu.memory_space<vmem>>
      %dma_start3A_182 = tpu.memref_squeeze %dma_start3A_181 : memref<1x128xi32, #tpu.memory_space<vmem>> -> memref<128xi32, #tpu.memory_space<vmem>>
      %dma_start3A_183 = arith.constant 0 : i32
      %dma_start3A_184 = arith.constant 0 : i32
      %dma_start3A_185 = tpu.memref_slice %arg11[%dma_start3A_183, %dma_start3A_184] : memref<10112x128xf32, #tpu.memory_space<vmem_shared>> -> memref<10112x128xf32, #tpu.memory_space<vmem_shared>>
      tpu.enqueue_indirect_dma source(%arg10 : memref<128x128xf32, #tpu.memory_space<vmem>>) target(%dma_start3A_185 : memref<10112x128xf32, #tpu.memory_space<vmem_shared>>) offsets(%dma_start3A_182 : memref<128xi32, #tpu.memory_space<vmem>>) semaphore(%arg12 : memref<!tpu.dma_semaphore, #tpu.memory_space<semaphore_mem>>) {add = true}
      %dma_wait3A_186 = arith.constant 0 : i32
      %dma_wait3A_187 = arith.constant 0 : i32
      %dma_wait3A_188 = tpu.memref_slice %arg7[%dma_wait3A_186, %dma_wait3A_187] : memref<40x128xi32, #tpu.memory_space<vmem>> -> memref<1x128xi32, #tpu.memory_space<vmem>>
      %dma_wait3A_189 = tpu.memref_squeeze %dma_wait3A_188 : memref<1x128xi32, #tpu.memory_space<vmem>> -> memref<128xi32, #tpu.memory_space<vmem>>
      %dma_wait3A_190 = arith.constant 0 : i32
      %dma_wait3A_191 = arith.constant 0 : i32
      %dma_wait3A_192 = tpu.memref_slice %arg2[%dma_wait3A_190, %dma_wait3A_191] : memref<10000x128xf32, #tpu.memory_space<hbm>> -> memref<10000x128xf32, #tpu.memory_space<hbm>>
      tpu.wait_indirect_dma semaphore(%arg12 : memref<!tpu.dma_semaphore, #tpu.memory_space<semaphore_mem>>) src(%dma_wait3A_192 : memref<10000x128xf32, #tpu.memory_space<hbm>>) dst(%arg10 : memref<128x128xf32, #tpu.memory_space<vmem>>)
      %dma_start3A_193 = arith.constant 7 : i32
      %dma_start3A_194 = arith.constant 0 : i32
      %dma_start3A_195 = tpu.memref_slice %arg7[%dma_start3A_193, %dma_start3A_194] : memref<40x128xi32, #tpu.memory_space<vmem>> -> memref<1x128xi32, #tpu.memory_space<vmem>>
      %dma_start3A_196 = tpu.memref_squeeze %dma_start3A_195 : memref<1x128xi32, #tpu.memory_space<vmem>> -> memref<128xi32, #tpu.memory_space<vmem>>
      %dma_start3A_197 = arith.constant 0 : i32
      %dma_start3A_198 = arith.constant 0 : i32
      %dma_start3A_199 = tpu.memref_slice %arg2[%dma_start3A_197, %dma_start3A_198] : memref<10000x128xf32, #tpu.memory_space<hbm>> -> memref<10000x128xf32, #tpu.memory_space<hbm>>
      tpu.enqueue_indirect_dma source(%dma_start3A_199 : memref<10000x128xf32, #tpu.memory_space<hbm>>) target(%arg10 : memref<128x128xf32, #tpu.memory_space<vmem>>) offsets(%dma_start3A_196 : memref<128xi32, #tpu.memory_space<vmem>>) semaphore(%arg14 : memref<!tpu.dma_semaphore, #tpu.memory_space<semaphore_mem>>)
      %dma_wait3A_200 = arith.constant 0 : i32
      %dma_wait3A_201 = arith.constant 0 : i32
      %dma_wait3A_202 = tpu.memref_slice %arg7[%dma_wait3A_200, %dma_wait3A_201] : memref<40x128xi32, #tpu.memory_space<vmem>> -> memref<1x128xi32, #tpu.memory_space<vmem>>
      %dma_wait3A_203 = tpu.memref_squeeze %dma_wait3A_202 : memref<1x128xi32, #tpu.memory_space<vmem>> -> memref<128xi32, #tpu.memory_space<vmem>>
      %dma_wait3A_204 = arith.constant 0 : i32
      %dma_wait3A_205 = arith.constant 0 : i32
      %dma_wait3A_206 = tpu.memref_slice %arg2[%dma_wait3A_204, %dma_wait3A_205] : memref<10000x128xf32, #tpu.memory_space<hbm>> -> memref<10000x128xf32, #tpu.memory_space<hbm>>
      tpu.wait_indirect_dma semaphore(%arg13 : memref<!tpu.dma_semaphore, #tpu.memory_space<semaphore_mem>>) src(%dma_wait3A_206 : memref<10000x128xf32, #tpu.memory_space<hbm>>) dst(%arg9 : memref<128x128xf32, #tpu.memory_space<vmem>>)
      %dma_start3A_207 = arith.constant 6 : i32
      %dma_start3A_208 = arith.constant 0 : i32
      %dma_start3A_209 = tpu.memref_slice %arg8[%dma_start3A_207, %dma_start3A_208] : memref<40x128xi32, #tpu.memory_space<vmem>> -> memref<1x128xi32, #tpu.memory_space<vmem>>
      %dma_start3A_210 = tpu.memref_squeeze %dma_start3A_209 : memref<1x128xi32, #tpu.memory_space<vmem>> -> memref<128xi32, #tpu.memory_space<vmem>>
      %dma_start3A_211 = arith.constant 0 : i32
      %dma_start3A_212 = arith.constant 0 : i32
      %dma_start3A_213 = tpu.memref_slice %arg11[%dma_start3A_211, %dma_start3A_212] : memref<10112x128xf32, #tpu.memory_space<vmem_shared>> -> memref<10112x128xf32, #tpu.memory_space<vmem_shared>>
      tpu.enqueue_indirect_dma source(%arg9 : memref<128x128xf32, #tpu.memory_space<vmem>>) target(%dma_start3A_213 : memref<10112x128xf32, #tpu.memory_space<vmem_shared>>) offsets(%dma_start3A_210 : memref<128xi32, #tpu.memory_space<vmem>>) semaphore(%arg12 : memref<!tpu.dma_semaphore, #tpu.memory_space<semaphore_mem>>) {add = true}
      %dma_wait3A_214 = arith.constant 0 : i32
      %dma_wait3A_215 = arith.constant 0 : i32
      %dma_wait3A_216 = tpu.memref_slice %arg7[%dma_wait3A_214, %dma_wait3A_215] : memref<40x128xi32, #tpu.memory_space<vmem>> -> memref<1x128xi32, #tpu.memory_space<vmem>>
      %dma_wait3A_217 = tpu.memref_squeeze %dma_wait3A_216 : memref<1x128xi32, #tpu.memory_space<vmem>> -> memref<128xi32, #tpu.memory_space<vmem>>
      %dma_wait3A_218 = arith.constant 0 : i32
      %dma_wait3A_219 = arith.constant 0 : i32
      %dma_wait3A_220 = tpu.memref_slice %arg2[%dma_wait3A_218, %dma_wait3A_219] : memref<10000x128xf32, #tpu.memory_space<hbm>> -> memref<10000x128xf32, #tpu.memory_space<hbm>>
      tpu.wait_indirect_dma semaphore(%arg14 : memref<!tpu.dma_semaphore, #tpu.memory_space<semaphore_mem>>) src(%dma_wait3A_220 : memref<10000x128xf32, #tpu.memory_space<hbm>>) dst(%arg10 : memref<128x128xf32, #tpu.memory_space<vmem>>)
      %dma_wait3A_221 = arith.constant 0 : i32
      %dma_wait3A_222 = arith.constant 0 : i32
      %dma_wait3A_223 = tpu.memref_slice %arg7[%dma_wait3A_221, %dma_wait3A_222] : memref<40x128xi32, #tpu.memory_space<vmem>> -> memref<1x128xi32, #tpu.memory_space<vmem>>
      %dma_wait3A_224 = tpu.memref_squeeze %dma_wait3A_223 : memref<1x128xi32, #tpu.memory_space<vmem>> -> memref<128xi32, #tpu.memory_space<vmem>>
      %dma_wait3A_225 = arith.constant 0 : i32
      %dma_wait3A_226 = arith.constant 0 : i32
      %dma_wait3A_227 = tpu.memref_slice %arg2[%dma_wait3A_225, %dma_wait3A_226] : memref<10000x128xf32, #tpu.memory_space<hbm>> -> memref<10000x128xf32, #tpu.memory_space<hbm>>
      tpu.wait_indirect_dma semaphore(%arg12 : memref<!tpu.dma_semaphore, #tpu.memory_space<semaphore_mem>>) src(%dma_wait3A_227 : memref<10000x128xf32, #tpu.memory_space<hbm>>) dst(%arg9 : memref<128x128xf32, #tpu.memory_space<vmem>>)
      %dma_start3A_228 = arith.constant 8 : i32
      %dma_start3A_229 = arith.constant 0 : i32
      %dma_start3A_230 = tpu.memref_slice %arg7[%dma_start3A_228, %dma_start3A_229] : memref<40x128xi32, #tpu.memory_space<vmem>> -> memref<1x128xi32, #tpu.memory_space<vmem>>
      %dma_start3A_231 = tpu.memref_squeeze %dma_start3A_230 : memref<1x128xi32, #tpu.memory_space<vmem>> -> memref<128xi32, #tpu.memory_space<vmem>>
      %dma_start3A_232 = arith.constant 0 : i32
      %dma_start3A_233 = arith.constant 0 : i32
      %dma_start3A_234 = tpu.memref_slice %arg2[%dma_start3A_232, %dma_start3A_233] : memref<10000x128xf32, #tpu.memory_space<hbm>> -> memref<10000x128xf32, #tpu.memory_space<hbm>>
      tpu.enqueue_indirect_dma source(%dma_start3A_234 : memref<10000x128xf32, #tpu.memory_space<hbm>>) target(%arg9 : memref<128x128xf32, #tpu.memory_space<vmem>>) offsets(%dma_start3A_231 : memref<128xi32, #tpu.memory_space<vmem>>) semaphore(%arg13 : memref<!tpu.dma_semaphore, #tpu.memory_space<semaphore_mem>>)
      %dma_start3A_235 = arith.constant 7 : i32
      %dma_start3A_236 = arith.constant 0 : i32
      %dma_start3A_237 = tpu.memref_slice %arg8[%dma_start3A_235, %dma_start3A_236] : memref<40x128xi32, #tpu.memory_space<vmem>> -> memref<1x128xi32, #tpu.memory_space<vmem>>
      %dma_start3A_238 = tpu.memref_squeeze %dma_start3A_237 : memref<1x128xi32, #tpu.memory_space<vmem>> -> memref<128xi32, #tpu.memory_space<vmem>>
      %dma_start3A_239 = arith.constant 0 : i32
      %dma_start3A_240 = arith.constant 0 : i32
      %dma_start3A_241 = tpu.memref_slice %arg11[%dma_start3A_239, %dma_start3A_240] : memref<10112x128xf32, #tpu.memory_space<vmem_shared>> -> memref<10112x128xf32, #tpu.memory_space<vmem_shared>>
      tpu.enqueue_indirect_dma source(%arg10 : memref<128x128xf32, #tpu.memory_space<vmem>>) target(%dma_start3A_241 : memref<10112x128xf32, #tpu.memory_space<vmem_shared>>) offsets(%dma_start3A_238 : memref<128xi32, #tpu.memory_space<vmem>>) semaphore(%arg12 : memref<!tpu.dma_semaphore, #tpu.memory_space<semaphore_mem>>) {add = true}
      %dma_wait3A_242 = arith.constant 0 : i32
      %dma_wait3A_243 = arith.constant 0 : i32
      %dma_wait3A_244 = tpu.memref_slice %arg7[%dma_wait3A_242, %dma_wait3A_243] : memref<40x128xi32, #tpu.memory_space<vmem>> -> memref<1x128xi32, #tpu.memory_space<vmem>>
      %dma_wait3A_245 = tpu.memref_squeeze %dma_wait3A_244 : memref<1x128xi32, #tpu.memory_space<vmem>> -> memref<128xi32, #tpu.memory_space<vmem>>
      %dma_wait3A_246 = arith.constant 0 : i32
      %dma_wait3A_247 = arith.constant 0 : i32
      %dma_wait3A_248 = tpu.memref_slice %arg2[%dma_wait3A_246, %dma_wait3A_247] : memref<10000x128xf32, #tpu.memory_space<hbm>> -> memref<10000x128xf32, #tpu.memory_space<hbm>>
      tpu.wait_indirect_dma semaphore(%arg12 : memref<!tpu.dma_semaphore, #tpu.memory_space<semaphore_mem>>) src(%dma_wait3A_248 : memref<10000x128xf32, #tpu.memory_space<hbm>>) dst(%arg10 : memref<128x128xf32, #tpu.memory_space<vmem>>)
      %dma_start3A_249 = arith.constant 9 : i32
      %dma_start3A_250 = arith.constant 0 : i32
      %dma_start3A_251 = tpu.memref_slice %arg7[%dma_start3A_249, %dma_start3A_250] : memref<40x128xi32, #tpu.memory_space<vmem>> -> memref<1x128xi32, #tpu.memory_space<vmem>>
      %dma_start3A_252 = tpu.memref_squeeze %dma_start3A_251 : memref<1x128xi32, #tpu.memory_space<vmem>> -> memref<128xi32, #tpu.memory_space<vmem>>
      %dma_start3A_253 = arith.constant 0 : i32
      %dma_start3A_254 = arith.constant 0 : i32
      %dma_start3A_255 = tpu.memref_slice %arg2[%dma_start3A_253, %dma_start3A_254] : memref<10000x128xf32, #tpu.memory_space<hbm>> -> memref<10000x128xf32, #tpu.memory_space<hbm>>
      tpu.enqueue_indirect_dma source(%dma_start3A_255 : memref<10000x128xf32, #tpu.memory_space<hbm>>) target(%arg10 : memref<128x128xf32, #tpu.memory_space<vmem>>) offsets(%dma_start3A_252 : memref<128xi32, #tpu.memory_space<vmem>>) semaphore(%arg14 : memref<!tpu.dma_semaphore, #tpu.memory_space<semaphore_mem>>)
      %dma_wait3A_256 = arith.constant 0 : i32
      %dma_wait3A_257 = arith.constant 0 : i32
      %dma_wait3A_258 = tpu.memref_slice %arg7[%dma_wait3A_256, %dma_wait3A_257] : memref<40x128xi32, #tpu.memory_space<vmem>> -> memref<1x128xi32, #tpu.memory_space<vmem>>
      %dma_wait3A_259 = tpu.memref_squeeze %dma_wait3A_258 : memref<1x128xi32, #tpu.memory_space<vmem>> -> memref<128xi32, #tpu.memory_space<vmem>>
      %dma_wait3A_260 = arith.constant 0 : i32
      %dma_wait3A_261 = arith.constant 0 : i32
      %dma_wait3A_262 = tpu.memref_slice %arg2[%dma_wait3A_260, %dma_wait3A_261] : memref<10000x128xf32, #tpu.memory_space<hbm>> -> memref<10000x128xf32, #tpu.memory_space<hbm>>
      tpu.wait_indirect_dma semaphore(%arg13 : memref<!tpu.dma_semaphore, #tpu.memory_space<semaphore_mem>>) src(%dma_wait3A_262 : memref<10000x128xf32, #tpu.memory_space<hbm>>) dst(%arg9 : memref<128x128xf32, #tpu.memory_space<vmem>>)
      %dma_start3A_263 = arith.constant 8 : i32
      %dma_start3A_264 = arith.constant 0 : i32
      %dma_start3A_265 = tpu.memref_slice %arg8[%dma_start3A_263, %dma_start3A_264] : memref<40x128xi32, #tpu.memory_space<vmem>> -> memref<1x128xi32, #tpu.memory_space<vmem>>
      %dma_start3A_266 = tpu.memref_squeeze %dma_start3A_265 : memref<1x128xi32, #tpu.memory_space<vmem>> -> memref<128xi32, #tpu.memory_space<vmem>>
      %dma_start3A_267 = arith.constant 0 : i32
      %dma_start3A_268 = arith.constant 0 : i32
      %dma_start3A_269 = tpu.memref_slice %arg11[%dma_start3A_267, %dma_start3A_268] : memref<10112x128xf32, #tpu.memory_space<vmem_shared>> -> memref<10112x128xf32, #tpu.memory_space<vmem_shared>>
      tpu.enqueue_indirect_dma source(%arg9 : memref<128x128xf32, #tpu.memory_space<vmem>>) target(%dma_start3A_269 : memref<10112x128xf32, #tpu.memory_space<vmem_shared>>) offsets(%dma_start3A_266 : memref<128xi32, #tpu.memory_space<vmem>>) semaphore(%arg12 : memref<!tpu.dma_semaphore, #tpu.memory_space<semaphore_mem>>) {add = true}
      %dma_wait3A_270 = arith.constant 0 : i32
      %dma_wait3A_271 = arith.constant 0 : i32
      %dma_wait3A_272 = tpu.memref_slice %arg7[%dma_wait3A_270, %dma_wait3A_271] : memref<40x128xi32, #tpu.memory_space<vmem>> -> memref<1x128xi32, #tpu.memory_space<vmem>>
      %dma_wait3A_273 = tpu.memref_squeeze %dma_wait3A_272 : memref<1x128xi32, #tpu.memory_space<vmem>> -> memref<128xi32, #tpu.memory_space<vmem>>
      %dma_wait3A_274 = arith.constant 0 : i32
      %dma_wait3A_275 = arith.constant 0 : i32
      %dma_wait3A_276 = tpu.memref_slice %arg2[%dma_wait3A_274, %dma_wait3A_275] : memref<10000x128xf32, #tpu.memory_space<hbm>> -> memref<10000x128xf32, #tpu.memory_space<hbm>>
      tpu.wait_indirect_dma semaphore(%arg14 : memref<!tpu.dma_semaphore, #tpu.memory_space<semaphore_mem>>) src(%dma_wait3A_276 : memref<10000x128xf32, #tpu.memory_space<hbm>>) dst(%arg10 : memref<128x128xf32, #tpu.memory_space<vmem>>)
      %dma_wait3A_277 = arith.constant 0 : i32
      %dma_wait3A_278 = arith.constant 0 : i32
      %dma_wait3A_279 = tpu.memref_slice %arg7[%dma_wait3A_277, %dma_wait3A_278] : memref<40x128xi32, #tpu.memory_space<vmem>> -> memref<1x128xi32, #tpu.memory_space<vmem>>
      %dma_wait3A_280 = tpu.memref_squeeze %dma_wait3A_279 : memref<1x128xi32, #tpu.memory_space<vmem>> -> memref<128xi32, #tpu.memory_space<vmem>>
      %dma_wait3A_281 = arith.constant 0 : i32
      %dma_wait3A_282 = arith.constant 0 : i32
      %dma_wait3A_283 = tpu.memref_slice %arg2[%dma_wait3A_281, %dma_wait3A_282] : memref<10000x128xf32, #tpu.memory_space<hbm>> -> memref<10000x128xf32, #tpu.memory_space<hbm>>
      tpu.wait_indirect_dma semaphore(%arg12 : memref<!tpu.dma_semaphore, #tpu.memory_space<semaphore_mem>>) src(%dma_wait3A_283 : memref<10000x128xf32, #tpu.memory_space<hbm>>) dst(%arg9 : memref<128x128xf32, #tpu.memory_space<vmem>>)
      %dma_start3A_284 = arith.constant 10 : i32
      %dma_start3A_285 = arith.constant 0 : i32
      %dma_start3A_286 = tpu.memref_slice %arg7[%dma_start3A_284, %dma_start3A_285] : memref<40x128xi32, #tpu.memory_space<vmem>> -> memref<1x128xi32, #tpu.memory_space<vmem>>
      %dma_start3A_287 = tpu.memref_squeeze %dma_start3A_286 : memref<1x128xi32, #tpu.memory_space<vmem>> -> memref<128xi32, #tpu.memory_space<vmem>>
      %dma_start3A_288 = arith.constant 0 : i32
      %dma_start3A_289 = arith.constant 0 : i32
      %dma_start3A_290 = tpu.memref_slice %arg2[%dma_start3A_288, %dma_start3A_289] : memref<10000x128xf32, #tpu.memory_space<hbm>> -> memref<10000x128xf32, #tpu.memory_space<hbm>>
      tpu.enqueue_indirect_dma source(%dma_start3A_290 : memref<10000x128xf32, #tpu.memory_space<hbm>>) target(%arg9 : memref<128x128xf32, #tpu.memory_space<vmem>>) offsets(%dma_start3A_287 : memref<128xi32, #tpu.memory_space<vmem>>) semaphore(%arg13 : memref<!tpu.dma_semaphore, #tpu.memory_space<semaphore_mem>>)
      %dma_start3A_291 = arith.constant 9 : i32
      %dma_start3A_292 = arith.constant 0 : i32
      %dma_start3A_293 = tpu.memref_slice %arg8[%dma_start3A_291, %dma_start3A_292] : memref<40x128xi32, #tpu.memory_space<vmem>> -> memref<1x128xi32, #tpu.memory_space<vmem>>
      %dma_start3A_294 = tpu.memref_squeeze %dma_start3A_293 : memref<1x128xi32, #tpu.memory_space<vmem>> -> memref<128xi32, #tpu.memory_space<vmem>>
      %dma_start3A_295 = arith.constant 0 : i32
      %dma_start3A_296 = arith.constant 0 : i32
      %dma_start3A_297 = tpu.memref_slice %arg11[%dma_start3A_295, %dma_start3A_296] : memref<10112x128xf32, #tpu.memory_space<vmem_shared>> -> memref<10112x128xf32, #tpu.memory_space<vmem_shared>>
      tpu.enqueue_indirect_dma source(%arg10 : memref<128x128xf32, #tpu.memory_space<vmem>>) target(%dma_start3A_297 : memref<10112x128xf32, #tpu.memory_space<vmem_shared>>) offsets(%dma_start3A_294 : memref<128xi32, #tpu.memory_space<vmem>>) semaphore(%arg12 : memref<!tpu.dma_semaphore, #tpu.memory_space<semaphore_mem>>) {add = true}
      %dma_wait3A_298 = arith.constant 0 : i32
      %dma_wait3A_299 = arith.constant 0 : i32
      %dma_wait3A_300 = tpu.memref_slice %arg7[%dma_wait3A_298, %dma_wait3A_299] : memref<40x128xi32, #tpu.memory_space<vmem>> -> memref<1x128xi32, #tpu.memory_space<vmem>>
      %dma_wait3A_301 = tpu.memref_squeeze %dma_wait3A_300 : memref<1x128xi32, #tpu.memory_space<vmem>> -> memref<128xi32, #tpu.memory_space<vmem>>
      %dma_wait3A_302 = arith.constant 0 : i32
      %dma_wait3A_303 = arith.constant 0 : i32
      %dma_wait3A_304 = tpu.memref_slice %arg2[%dma_wait3A_302, %dma_wait3A_303] : memref<10000x128xf32, #tpu.memory_space<hbm>> -> memref<10000x128xf32, #tpu.memory_space<hbm>>
      tpu.wait_indirect_dma semaphore(%arg12 : memref<!tpu.dma_semaphore, #tpu.memory_space<semaphore_mem>>) src(%dma_wait3A_304 : memref<10000x128xf32, #tpu.memory_space<hbm>>) dst(%arg10 : memref<128x128xf32, #tpu.memory_space<vmem>>)
      %dma_start3A_305 = arith.constant 11 : i32
      %dma_start3A_306 = arith.constant 0 : i32
      %dma_start3A_307 = tpu.memref_slice %arg7[%dma_start3A_305, %dma_start3A_306] : memref<40x128xi32, #tpu.memory_space<vmem>> -> memref<1x128xi32, #tpu.memory_space<vmem>>
      %dma_start3A_308 = tpu.memref_squeeze %dma_start3A_307 : memref<1x128xi32, #tpu.memory_space<vmem>> -> memref<128xi32, #tpu.memory_space<vmem>>
      %dma_start3A_309 = arith.constant 0 : i32
      %dma_start3A_310 = arith.constant 0 : i32
      %dma_start3A_311 = tpu.memref_slice %arg2[%dma_start3A_309, %dma_start3A_310] : memref<10000x128xf32, #tpu.memory_space<hbm>> -> memref<10000x128xf32, #tpu.memory_space<hbm>>
      tpu.enqueue_indirect_dma source(%dma_start3A_311 : memref<10000x128xf32, #tpu.memory_space<hbm>>) target(%arg10 : memref<128x128xf32, #tpu.memory_space<vmem>>) offsets(%dma_start3A_308 : memref<128xi32, #tpu.memory_space<vmem>>) semaphore(%arg14 : memref<!tpu.dma_semaphore, #tpu.memory_space<semaphore_mem>>)
      %dma_wait3A_312 = arith.constant 0 : i32
      %dma_wait3A_313 = arith.constant 0 : i32
      %dma_wait3A_314 = tpu.memref_slice %arg7[%dma_wait3A_312, %dma_wait3A_313] : memref<40x128xi32, #tpu.memory_space<vmem>> -> memref<1x128xi32, #tpu.memory_space<vmem>>
      %dma_wait3A_315 = tpu.memref_squeeze %dma_wait3A_314 : memref<1x128xi32, #tpu.memory_space<vmem>> -> memref<128xi32, #tpu.memory_space<vmem>>
      %dma_wait3A_316 = arith.constant 0 : i32
      %dma_wait3A_317 = arith.constant 0 : i32
      %dma_wait3A_318 = tpu.memref_slice %arg2[%dma_wait3A_316, %dma_wait3A_317] : memref<10000x128xf32, #tpu.memory_space<hbm>> -> memref<10000x128xf32, #tpu.memory_space<hbm>>
      tpu.wait_indirect_dma semaphore(%arg13 : memref<!tpu.dma_semaphore, #tpu.memory_space<semaphore_mem>>) src(%dma_wait3A_318 : memref<10000x128xf32, #tpu.memory_space<hbm>>) dst(%arg9 : memref<128x128xf32, #tpu.memory_space<vmem>>)
      %dma_start3A_319 = arith.constant 10 : i32
      %dma_start3A_320 = arith.constant 0 : i32
      %dma_start3A_321 = tpu.memref_slice %arg8[%dma_start3A_319, %dma_start3A_320] : memref<40x128xi32, #tpu.memory_space<vmem>> -> memref<1x128xi32, #tpu.memory_space<vmem>>
      %dma_start3A_322 = tpu.memref_squeeze %dma_start3A_321 : memref<1x128xi32, #tpu.memory_space<vmem>> -> memref<128xi32, #tpu.memory_space<vmem>>
      %dma_start3A_323 = arith.constant 0 : i32
      %dma_start3A_324 = arith.constant 0 : i32
      %dma_start3A_325 = tpu.memref_slice %arg11[%dma_start3A_323, %dma_start3A_324] : memref<10112x128xf32, #tpu.memory_space<vmem_shared>> -> memref<10112x128xf32, #tpu.memory_space<vmem_shared>>
      tpu.enqueue_indirect_dma source(%arg9 : memref<128x128xf32, #tpu.memory_space<vmem>>) target(%dma_start3A_325 : memref<10112x128xf32, #tpu.memory_space<vmem_shared>>) offsets(%dma_start3A_322 : memref<128xi32, #tpu.memory_space<vmem>>) semaphore(%arg12 : memref<!tpu.dma_semaphore, #tpu.memory_space<semaphore_mem>>) {add = true}
      %dma_wait3A_326 = arith.constant 0 : i32
      %dma_wait3A_327 = arith.constant 0 : i32
      %dma_wait3A_328 = tpu.memref_slice %arg7[%dma_wait3A_326, %dma_wait3A_327] : memref<40x128xi32, #tpu.memory_space<vmem>> -> memref<1x128xi32, #tpu.memory_space<vmem>>
      %dma_wait3A_329 = tpu.memref_squeeze %dma_wait3A_328 : memref<1x128xi32, #tpu.memory_space<vmem>> -> memref<128xi32, #tpu.memory_space<vmem>>
      %dma_wait3A_330 = arith.constant 0 : i32
      %dma_wait3A_331 = arith.constant 0 : i32
      %dma_wait3A_332 = tpu.memref_slice %arg2[%dma_wait3A_330, %dma_wait3A_331] : memref<10000x128xf32, #tpu.memory_space<hbm>> -> memref<10000x128xf32, #tpu.memory_space<hbm>>
      tpu.wait_indirect_dma semaphore(%arg14 : memref<!tpu.dma_semaphore, #tpu.memory_space<semaphore_mem>>) src(%dma_wait3A_332 : memref<10000x128xf32, #tpu.memory_space<hbm>>) dst(%arg10 : memref<128x128xf32, #tpu.memory_space<vmem>>)
      %dma_wait3A_333 = arith.constant 0 : i32
      %dma_wait3A_334 = arith.constant 0 : i32
      %dma_wait3A_335 = tpu.memref_slice %arg7[%dma_wait3A_333, %dma_wait3A_334] : memref<40x128xi32, #tpu.memory_space<vmem>> -> memref<1x128xi32, #tpu.memory_space<vmem>>
      %dma_wait3A_336 = tpu.memref_squeeze %dma_wait3A_335 : memref<1x128xi32, #tpu.memory_space<vmem>> -> memref<128xi32, #tpu.memory_space<vmem>>
      %dma_wait3A_337 = arith.constant 0 : i32
      %dma_wait3A_338 = arith.constant 0 : i32
      %dma_wait3A_339 = tpu.memref_slice %arg2[%dma_wait3A_337, %dma_wait3A_338] : memref<10000x128xf32, #tpu.memory_space<hbm>> -> memref<10000x128xf32, #tpu.memory_space<hbm>>
      tpu.wait_indirect_dma semaphore(%arg12 : memref<!tpu.dma_semaphore, #tpu.memory_space<semaphore_mem>>) src(%dma_wait3A_339 : memref<10000x128xf32, #tpu.memory_space<hbm>>) dst(%arg9 : memref<128x128xf32, #tpu.memory_space<vmem>>)
      %dma_start3A_340 = arith.constant 12 : i32
      %dma_start3A_341 = arith.constant 0 : i32
      %dma_start3A_342 = tpu.memref_slice %arg7[%dma_start3A_340, %dma_start3A_341] : memref<40x128xi32, #tpu.memory_space<vmem>> -> memref<1x128xi32, #tpu.memory_space<vmem>>
      %dma_start3A_343 = tpu.memref_squeeze %dma_start3A_342 : memref<1x128xi32, #tpu.memory_space<vmem>> -> memref<128xi32, #tpu.memory_space<vmem>>
      %dma_start3A_344 = arith.constant 0 : i32
      %dma_start3A_345 = arith.constant 0 : i32
      %dma_start3A_346 = tpu.memref_slice %arg2[%dma_start3A_344, %dma_start3A_345] : memref<10000x128xf32, #tpu.memory_space<hbm>> -> memref<10000x128xf32, #tpu.memory_space<hbm>>
      tpu.enqueue_indirect_dma source(%dma_start3A_346 : memref<10000x128xf32, #tpu.memory_space<hbm>>) target(%arg9 : memref<128x128xf32, #tpu.memory_space<vmem>>) offsets(%dma_start3A_343 : memref<128xi32, #tpu.memory_space<vmem>>) semaphore(%arg13 : memref<!tpu.dma_semaphore, #tpu.memory_space<semaphore_mem>>)
      %dma_start3A_347 = arith.constant 11 : i32
      %dma_start3A_348 = arith.constant 0 : i32
      %dma_start3A_349 = tpu.memref_slice %arg8[%dma_start3A_347, %dma_start3A_348] : memref<40x128xi32, #tpu.memory_space<vmem>> -> memref<1x128xi32, #tpu.memory_space<vmem>>
      %dma_start3A_350 = tpu.memref_squeeze %dma_start3A_349 : memref<1x128xi32, #tpu.memory_space<vmem>> -> memref<128xi32, #tpu.memory_space<vmem>>
      %dma_start3A_351 = arith.constant 0 : i32
      %dma_start3A_352 = arith.constant 0 : i32
      %dma_start3A_353 = tpu.memref_slice %arg11[%dma_start3A_351, %dma_start3A_352] : memref<10112x128xf32, #tpu.memory_space<vmem_shared>> -> memref<10112x128xf32, #tpu.memory_space<vmem_shared>>
      tpu.enqueue_indirect_dma source(%arg10 : memref<128x128xf32, #tpu.memory_space<vmem>>) target(%dma_start3A_353 : memref<10112x128xf32, #tpu.memory_space<vmem_shared>>) offsets(%dma_start3A_350 : memref<128xi32, #tpu.memory_space<vmem>>) semaphore(%arg12 : memref<!tpu.dma_semaphore, #tpu.memory_space<semaphore_mem>>) {add = true}
      %dma_wait3A_354 = arith.constant 0 : i32
      %dma_wait3A_355 = arith.constant 0 : i32
      %dma_wait3A_356 = tpu.memref_slice %arg7[%dma_wait3A_354, %dma_wait3A_355] : memref<40x128xi32, #tpu.memory_space<vmem>> -> memref<1x128xi32, #tpu.memory_space<vmem>>
      %dma_wait3A_357 = tpu.memref_squeeze %dma_wait3A_356 : memref<1x128xi32, #tpu.memory_space<vmem>> -> memref<128xi32, #tpu.memory_space<vmem>>
      %dma_wait3A_358 = arith.constant 0 : i32
      %dma_wait3A_359 = arith.constant 0 : i32
      %dma_wait3A_360 = tpu.memref_slice %arg2[%dma_wait3A_358, %dma_wait3A_359] : memref<10000x128xf32, #tpu.memory_space<hbm>> -> memref<10000x128xf32, #tpu.memory_space<hbm>>
      tpu.wait_indirect_dma semaphore(%arg12 : memref<!tpu.dma_semaphore, #tpu.memory_space<semaphore_mem>>) src(%dma_wait3A_360 : memref<10000x128xf32, #tpu.memory_space<hbm>>) dst(%arg10 : memref<128x128xf32, #tpu.memory_space<vmem>>)
      %dma_start3A_361 = arith.constant 13 : i32
      %dma_start3A_362 = arith.constant 0 : i32
      %dma_start3A_363 = tpu.memref_slice %arg7[%dma_start3A_361, %dma_start3A_362] : memref<40x128xi32, #tpu.memory_space<vmem>> -> memref<1x128xi32, #tpu.memory_space<vmem>>
      %dma_start3A_364 = tpu.memref_squeeze %dma_start3A_363 : memref<1x128xi32, #tpu.memory_space<vmem>> -> memref<128xi32, #tpu.memory_space<vmem>>
      %dma_start3A_365 = arith.constant 0 : i32
      %dma_start3A_366 = arith.constant 0 : i32
      %dma_start3A_367 = tpu.memref_slice %arg2[%dma_start3A_365, %dma_start3A_366] : memref<10000x128xf32, #tpu.memory_space<hbm>> -> memref<10000x128xf32, #tpu.memory_space<hbm>>
      tpu.enqueue_indirect_dma source(%dma_start3A_367 : memref<10000x128xf32, #tpu.memory_space<hbm>>) target(%arg10 : memref<128x128xf32, #tpu.memory_space<vmem>>) offsets(%dma_start3A_364 : memref<128xi32, #tpu.memory_space<vmem>>) semaphore(%arg14 : memref<!tpu.dma_semaphore, #tpu.memory_space<semaphore_mem>>)
      %dma_wait3A_368 = arith.constant 0 : i32
      %dma_wait3A_369 = arith.constant 0 : i32
      %dma_wait3A_370 = tpu.memref_slice %arg7[%dma_wait3A_368, %dma_wait3A_369] : memref<40x128xi32, #tpu.memory_space<vmem>> -> memref<1x128xi32, #tpu.memory_space<vmem>>
      %dma_wait3A_371 = tpu.memref_squeeze %dma_wait3A_370 : memref<1x128xi32, #tpu.memory_space<vmem>> -> memref<128xi32, #tpu.memory_space<vmem>>
      %dma_wait3A_372 = arith.constant 0 : i32
      %dma_wait3A_373 = arith.constant 0 : i32
      %dma_wait3A_374 = tpu.memref_slice %arg2[%dma_wait3A_372, %dma_wait3A_373] : memref<10000x128xf32, #tpu.memory_space<hbm>> -> memref<10000x128xf32, #tpu.memory_space<hbm>>
      tpu.wait_indirect_dma semaphore(%arg13 : memref<!tpu.dma_semaphore, #tpu.memory_space<semaphore_mem>>) src(%dma_wait3A_374 : memref<10000x128xf32, #tpu.memory_space<hbm>>) dst(%arg9 : memref<128x128xf32, #tpu.memory_space<vmem>>)
      %dma_start3A_375 = arith.constant 12 : i32
      %dma_start3A_376 = arith.constant 0 : i32
      %dma_start3A_377 = tpu.memref_slice %arg8[%dma_start3A_375, %dma_start3A_376] : memref<40x128xi32, #tpu.memory_space<vmem>> -> memref<1x128xi32, #tpu.memory_space<vmem>>
      %dma_start3A_378 = tpu.memref_squeeze %dma_start3A_377 : memref<1x128xi32, #tpu.memory_space<vmem>> -> memref<128xi32, #tpu.memory_space<vmem>>
      %dma_start3A_379 = arith.constant 0 : i32
      %dma_start3A_380 = arith.constant 0 : i32
      %dma_start3A_381 = tpu.memref_slice %arg11[%dma_start3A_379, %dma_start3A_380] : memref<10112x128xf32, #tpu.memory_space<vmem_shared>> -> memref<10112x128xf32, #tpu.memory_space<vmem_shared>>
      tpu.enqueue_indirect_dma source(%arg9 : memref<128x128xf32, #tpu.memory_space<vmem>>) target(%dma_start3A_381 : memref<10112x128xf32, #tpu.memory_space<vmem_shared>>) offsets(%dma_start3A_378 : memref<128xi32, #tpu.memory_space<vmem>>) semaphore(%arg12 : memref<!tpu.dma_semaphore, #tpu.memory_space<semaphore_mem>>) {add = true}
      %dma_wait3A_382 = arith.constant 0 : i32
      %dma_wait3A_383 = arith.constant 0 : i32
      %dma_wait3A_384 = tpu.memref_slice %arg7[%dma_wait3A_382, %dma_wait3A_383] : memref<40x128xi32, #tpu.memory_space<vmem>> -> memref<1x128xi32, #tpu.memory_space<vmem>>
      %dma_wait3A_385 = tpu.memref_squeeze %dma_wait3A_384 : memref<1x128xi32, #tpu.memory_space<vmem>> -> memref<128xi32, #tpu.memory_space<vmem>>
      %dma_wait3A_386 = arith.constant 0 : i32
      %dma_wait3A_387 = arith.constant 0 : i32
      %dma_wait3A_388 = tpu.memref_slice %arg2[%dma_wait3A_386, %dma_wait3A_387] : memref<10000x128xf32, #tpu.memory_space<hbm>> -> memref<10000x128xf32, #tpu.memory_space<hbm>>
      tpu.wait_indirect_dma semaphore(%arg14 : memref<!tpu.dma_semaphore, #tpu.memory_space<semaphore_mem>>) src(%dma_wait3A_388 : memref<10000x128xf32, #tpu.memory_space<hbm>>) dst(%arg10 : memref<128x128xf32, #tpu.memory_space<vmem>>)
      %dma_wait3A_389 = arith.constant 0 : i32
      %dma_wait3A_390 = arith.constant 0 : i32
      %dma_wait3A_391 = tpu.memref_slice %arg7[%dma_wait3A_389, %dma_wait3A_390] : memref<40x128xi32, #tpu.memory_space<vmem>> -> memref<1x128xi32, #tpu.memory_space<vmem>>
      %dma_wait3A_392 = tpu.memref_squeeze %dma_wait3A_391 : memref<1x128xi32, #tpu.memory_space<vmem>> -> memref<128xi32, #tpu.memory_space<vmem>>
      %dma_wait3A_393 = arith.constant 0 : i32
      %dma_wait3A_394 = arith.constant 0 : i32
      %dma_wait3A_395 = tpu.memref_slice %arg2[%dma_wait3A_393, %dma_wait3A_394] : memref<10000x128xf32, #tpu.memory_space<hbm>> -> memref<10000x128xf32, #tpu.memory_space<hbm>>
      tpu.wait_indirect_dma semaphore(%arg12 : memref<!tpu.dma_semaphore, #tpu.memory_space<semaphore_mem>>) src(%dma_wait3A_395 : memref<10000x128xf32, #tpu.memory_space<hbm>>) dst(%arg9 : memref<128x128xf32, #tpu.memory_space<vmem>>)
      %dma_start3A_396 = arith.constant 14 : i32
      %dma_start3A_397 = arith.constant 0 : i32
      %dma_start3A_398 = tpu.memref_slice %arg7[%dma_start3A_396, %dma_start3A_397] : memref<40x128xi32, #tpu.memory_space<vmem>> -> memref<1x128xi32, #tpu.memory_space<vmem>>
      %dma_start3A_399 = tpu.memref_squeeze %dma_start3A_398 : memref<1x128xi32, #tpu.memory_space<vmem>> -> memref<128xi32, #tpu.memory_space<vmem>>
      %dma_start3A_400 = arith.constant 0 : i32
      %dma_start3A_401 = arith.constant 0 : i32
      %dma_start3A_402 = tpu.memref_slice %arg2[%dma_start3A_400, %dma_start3A_401] : memref<10000x128xf32, #tpu.memory_space<hbm>> -> memref<10000x128xf32, #tpu.memory_space<hbm>>
      tpu.enqueue_indirect_dma source(%dma_start3A_402 : memref<10000x128xf32, #tpu.memory_space<hbm>>) target(%arg9 : memref<128x128xf32, #tpu.memory_space<vmem>>) offsets(%dma_start3A_399 : memref<128xi32, #tpu.memory_space<vmem>>) semaphore(%arg13 : memref<!tpu.dma_semaphore, #tpu.memory_space<semaphore_mem>>)
      %dma_start3A_403 = arith.constant 13 : i32
      %dma_start3A_404 = arith.constant 0 : i32
      %dma_start3A_405 = tpu.memref_slice %arg8[%dma_start3A_403, %dma_start3A_404] : memref<40x128xi32, #tpu.memory_space<vmem>> -> memref<1x128xi32, #tpu.memory_space<vmem>>
      %dma_start3A_406 = tpu.memref_squeeze %dma_start3A_405 : memref<1x128xi32, #tpu.memory_space<vmem>> -> memref<128xi32, #tpu.memory_space<vmem>>
      %dma_start3A_407 = arith.constant 0 : i32
      %dma_start3A_408 = arith.constant 0 : i32
      %dma_start3A_409 = tpu.memref_slice %arg11[%dma_start3A_407, %dma_start3A_408] : memref<10112x128xf32, #tpu.memory_space<vmem_shared>> -> memref<10112x128xf32, #tpu.memory_space<vmem_shared>>
      tpu.enqueue_indirect_dma source(%arg10 : memref<128x128xf32, #tpu.memory_space<vmem>>) target(%dma_start3A_409 : memref<10112x128xf32, #tpu.memory_space<vmem_shared>>) offsets(%dma_start3A_406 : memref<128xi32, #tpu.memory_space<vmem>>) semaphore(%arg12 : memref<!tpu.dma_semaphore, #tpu.memory_space<semaphore_mem>>) {add = true}
      %dma_wait3A_410 = arith.constant 0 : i32
      %dma_wait3A_411 = arith.constant 0 : i32
      %dma_wait3A_412 = tpu.memref_slice %arg7[%dma_wait3A_410, %dma_wait3A_411] : memref<40x128xi32, #tpu.memory_space<vmem>> -> memref<1x128xi32, #tpu.memory_space<vmem>>
      %dma_wait3A_413 = tpu.memref_squeeze %dma_wait3A_412 : memref<1x128xi32, #tpu.memory_space<vmem>> -> memref<128xi32, #tpu.memory_space<vmem>>
      %dma_wait3A_414 = arith.constant 0 : i32
      %dma_wait3A_415 = arith.constant 0 : i32
      %dma_wait3A_416 = tpu.memref_slice %arg2[%dma_wait3A_414, %dma_wait3A_415] : memref<10000x128xf32, #tpu.memory_space<hbm>> -> memref<10000x128xf32, #tpu.memory_space<hbm>>
      tpu.wait_indirect_dma semaphore(%arg12 : memref<!tpu.dma_semaphore, #tpu.memory_space<semaphore_mem>>) src(%dma_wait3A_416 : memref<10000x128xf32, #tpu.memory_space<hbm>>) dst(%arg10 : memref<128x128xf32, #tpu.memory_space<vmem>>)
      %dma_start3A_417 = arith.constant 15 : i32
      %dma_start3A_418 = arith.constant 0 : i32
      %dma_start3A_419 = tpu.memref_slice %arg7[%dma_start3A_417, %dma_start3A_418] : memref<40x128xi32, #tpu.memory_space<vmem>> -> memref<1x128xi32, #tpu.memory_space<vmem>>
      %dma_start3A_420 = tpu.memref_squeeze %dma_start3A_419 : memref<1x128xi32, #tpu.memory_space<vmem>> -> memref<128xi32, #tpu.memory_space<vmem>>
      %dma_start3A_421 = arith.constant 0 : i32
      %dma_start3A_422 = arith.constant 0 : i32
      %dma_start3A_423 = tpu.memref_slice %arg2[%dma_start3A_421, %dma_start3A_422] : memref<10000x128xf32, #tpu.memory_space<hbm>> -> memref<10000x128xf32, #tpu.memory_space<hbm>>
      tpu.enqueue_indirect_dma source(%dma_start3A_423 : memref<10000x128xf32, #tpu.memory_space<hbm>>) target(%arg10 : memref<128x128xf32, #tpu.memory_space<vmem>>) offsets(%dma_start3A_420 : memref<128xi32, #tpu.memory_space<vmem>>) semaphore(%arg14 : memref<!tpu.dma_semaphore, #tpu.memory_space<semaphore_mem>>)
      %dma_wait3A_424 = arith.constant 0 : i32
      %dma_wait3A_425 = arith.constant 0 : i32
      %dma_wait3A_426 = tpu.memref_slice %arg7[%dma_wait3A_424, %dma_wait3A_425] : memref<40x128xi32, #tpu.memory_space<vmem>> -> memref<1x128xi32, #tpu.memory_space<vmem>>
      %dma_wait3A_427 = tpu.memref_squeeze %dma_wait3A_426 : memref<1x128xi32, #tpu.memory_space<vmem>> -> memref<128xi32, #tpu.memory_space<vmem>>
      %dma_wait3A_428 = arith.constant 0 : i32
      %dma_wait3A_429 = arith.constant 0 : i32
      %dma_wait3A_430 = tpu.memref_slice %arg2[%dma_wait3A_428, %dma_wait3A_429] : memref<10000x128xf32, #tpu.memory_space<hbm>> -> memref<10000x128xf32, #tpu.memory_space<hbm>>
      tpu.wait_indirect_dma semaphore(%arg13 : memref<!tpu.dma_semaphore, #tpu.memory_space<semaphore_mem>>) src(%dma_wait3A_430 : memref<10000x128xf32, #tpu.memory_space<hbm>>) dst(%arg9 : memref<128x128xf32, #tpu.memory_space<vmem>>)
      %dma_start3A_431 = arith.constant 14 : i32
      %dma_start3A_432 = arith.constant 0 : i32
      %dma_start3A_433 = tpu.memref_slice %arg8[%dma_start3A_431, %dma_start3A_432] : memref<40x128xi32, #tpu.memory_space<vmem>> -> memref<1x128xi32, #tpu.memory_space<vmem>>
      %dma_start3A_434 = tpu.memref_squeeze %dma_start3A_433 : memref<1x128xi32, #tpu.memory_space<vmem>> -> memref<128xi32, #tpu.memory_space<vmem>>
      %dma_start3A_435 = arith.constant 0 : i32
      %dma_start3A_436 = arith.constant 0 : i32
      %dma_start3A_437 = tpu.memref_slice %arg11[%dma_start3A_435, %dma_start3A_436] : memref<10112x128xf32, #tpu.memory_space<vmem_shared>> -> memref<10112x128xf32, #tpu.memory_space<vmem_shared>>
      tpu.enqueue_indirect_dma source(%arg9 : memref<128x128xf32, #tpu.memory_space<vmem>>) target(%dma_start3A_437 : memref<10112x128xf32, #tpu.memory_space<vmem_shared>>) offsets(%dma_start3A_434 : memref<128xi32, #tpu.memory_space<vmem>>) semaphore(%arg12 : memref<!tpu.dma_semaphore, #tpu.memory_space<semaphore_mem>>) {add = true}
      %dma_wait3A_438 = arith.constant 0 : i32
      %dma_wait3A_439 = arith.constant 0 : i32
      %dma_wait3A_440 = tpu.memref_slice %arg7[%dma_wait3A_438, %dma_wait3A_439] : memref<40x128xi32, #tpu.memory_space<vmem>> -> memref<1x128xi32, #tpu.memory_space<vmem>>
      %dma_wait3A_441 = tpu.memref_squeeze %dma_wait3A_440 : memref<1x128xi32, #tpu.memory_space<vmem>> -> memref<128xi32, #tpu.memory_space<vmem>>
      %dma_wait3A_442 = arith.constant 0 : i32
      %dma_wait3A_443 = arith.constant 0 : i32
      %dma_wait3A_444 = tpu.memref_slice %arg2[%dma_wait3A_442, %dma_wait3A_443] : memref<10000x128xf32, #tpu.memory_space<hbm>> -> memref<10000x128xf32, #tpu.memory_space<hbm>>
      tpu.wait_indirect_dma semaphore(%arg14 : memref<!tpu.dma_semaphore, #tpu.memory_space<semaphore_mem>>) src(%dma_wait3A_444 : memref<10000x128xf32, #tpu.memory_space<hbm>>) dst(%arg10 : memref<128x128xf32, #tpu.memory_space<vmem>>)
      %dma_wait3A_445 = arith.constant 0 : i32
      %dma_wait3A_446 = arith.constant 0 : i32
      %dma_wait3A_447 = tpu.memref_slice %arg7[%dma_wait3A_445, %dma_wait3A_446] : memref<40x128xi32, #tpu.memory_space<vmem>> -> memref<1x128xi32, #tpu.memory_space<vmem>>
      %dma_wait3A_448 = tpu.memref_squeeze %dma_wait3A_447 : memref<1x128xi32, #tpu.memory_space<vmem>> -> memref<128xi32, #tpu.memory_space<vmem>>
      %dma_wait3A_449 = arith.constant 0 : i32
      %dma_wait3A_450 = arith.constant 0 : i32
      %dma_wait3A_451 = tpu.memref_slice %arg2[%dma_wait3A_449, %dma_wait3A_450] : memref<10000x128xf32, #tpu.memory_space<hbm>> -> memref<10000x128xf32, #tpu.memory_space<hbm>>
      tpu.wait_indirect_dma semaphore(%arg12 : memref<!tpu.dma_semaphore, #tpu.memory_space<semaphore_mem>>) src(%dma_wait3A_451 : memref<10000x128xf32, #tpu.memory_space<hbm>>) dst(%arg9 : memref<128x128xf32, #tpu.memory_space<vmem>>)
      %dma_start3A_452 = arith.constant 16 : i32
      %dma_start3A_453 = arith.constant 0 : i32
      %dma_start3A_454 = tpu.memref_slice %arg7[%dma_start3A_452, %dma_start3A_453] : memref<40x128xi32, #tpu.memory_space<vmem>> -> memref<1x128xi32, #tpu.memory_space<vmem>>
      %dma_start3A_455 = tpu.memref_squeeze %dma_start3A_454 : memref<1x128xi32, #tpu.memory_space<vmem>> -> memref<128xi32, #tpu.memory_space<vmem>>
      %dma_start3A_456 = arith.constant 0 : i32
      %dma_start3A_457 = arith.constant 0 : i32
      %dma_start3A_458 = tpu.memref_slice %arg2[%dma_start3A_456, %dma_start3A_457] : memref<10000x128xf32, #tpu.memory_space<hbm>> -> memref<10000x128xf32, #tpu.memory_space<hbm>>
      tpu.enqueue_indirect_dma source(%dma_start3A_458 : memref<10000x128xf32, #tpu.memory_space<hbm>>) target(%arg9 : memref<128x128xf32, #tpu.memory_space<vmem>>) offsets(%dma_start3A_455 : memref<128xi32, #tpu.memory_space<vmem>>) semaphore(%arg13 : memref<!tpu.dma_semaphore, #tpu.memory_space<semaphore_mem>>)
      %dma_start3A_459 = arith.constant 15 : i32
      %dma_start3A_460 = arith.constant 0 : i32
      %dma_start3A_461 = tpu.memref_slice %arg8[%dma_start3A_459, %dma_start3A_460] : memref<40x128xi32, #tpu.memory_space<vmem>> -> memref<1x128xi32, #tpu.memory_space<vmem>>
      %dma_start3A_462 = tpu.memref_squeeze %dma_start3A_461 : memref<1x128xi32, #tpu.memory_space<vmem>> -> memref<128xi32, #tpu.memory_space<vmem>>
      %dma_start3A_463 = arith.constant 0 : i32
      %dma_start3A_464 = arith.constant 0 : i32
      %dma_start3A_465 = tpu.memref_slice %arg11[%dma_start3A_463, %dma_start3A_464] : memref<10112x128xf32, #tpu.memory_space<vmem_shared>> -> memref<10112x128xf32, #tpu.memory_space<vmem_shared>>
      tpu.enqueue_indirect_dma source(%arg10 : memref<128x128xf32, #tpu.memory_space<vmem>>) target(%dma_start3A_465 : memref<10112x128xf32, #tpu.memory_space<vmem_shared>>) offsets(%dma_start3A_462 : memref<128xi32, #tpu.memory_space<vmem>>) semaphore(%arg12 : memref<!tpu.dma_semaphore, #tpu.memory_space<semaphore_mem>>) {add = true}
      %dma_wait3A_466 = arith.constant 0 : i32
      %dma_wait3A_467 = arith.constant 0 : i32
      %dma_wait3A_468 = tpu.memref_slice %arg7[%dma_wait3A_466, %dma_wait3A_467] : memref<40x128xi32, #tpu.memory_space<vmem>> -> memref<1x128xi32, #tpu.memory_space<vmem>>
      %dma_wait3A_469 = tpu.memref_squeeze %dma_wait3A_468 : memref<1x128xi32, #tpu.memory_space<vmem>> -> memref<128xi32, #tpu.memory_space<vmem>>
      %dma_wait3A_470 = arith.constant 0 : i32
      %dma_wait3A_471 = arith.constant 0 : i32
      %dma_wait3A_472 = tpu.memref_slice %arg2[%dma_wait3A_470, %dma_wait3A_471] : memref<10000x128xf32, #tpu.memory_space<hbm>> -> memref<10000x128xf32, #tpu.memory_space<hbm>>
      tpu.wait_indirect_dma semaphore(%arg12 : memref<!tpu.dma_semaphore, #tpu.memory_space<semaphore_mem>>) src(%dma_wait3A_472 : memref<10000x128xf32, #tpu.memory_space<hbm>>) dst(%arg10 : memref<128x128xf32, #tpu.memory_space<vmem>>)
      %dma_start3A_473 = arith.constant 17 : i32
      %dma_start3A_474 = arith.constant 0 : i32
      %dma_start3A_475 = tpu.memref_slice %arg7[%dma_start3A_473, %dma_start3A_474] : memref<40x128xi32, #tpu.memory_space<vmem>> -> memref<1x128xi32, #tpu.memory_space<vmem>>
      %dma_start3A_476 = tpu.memref_squeeze %dma_start3A_475 : memref<1x128xi32, #tpu.memory_space<vmem>> -> memref<128xi32, #tpu.memory_space<vmem>>
      %dma_start3A_477 = arith.constant 0 : i32
      %dma_start3A_478 = arith.constant 0 : i32
      %dma_start3A_479 = tpu.memref_slice %arg2[%dma_start3A_477, %dma_start3A_478] : memref<10000x128xf32, #tpu.memory_space<hbm>> -> memref<10000x128xf32, #tpu.memory_space<hbm>>
      tpu.enqueue_indirect_dma source(%dma_start3A_479 : memref<10000x128xf32, #tpu.memory_space<hbm>>) target(%arg10 : memref<128x128xf32, #tpu.memory_space<vmem>>) offsets(%dma_start3A_476 : memref<128xi32, #tpu.memory_space<vmem>>) semaphore(%arg14 : memref<!tpu.dma_semaphore, #tpu.memory_space<semaphore_mem>>)
      %dma_wait3A_480 = arith.constant 0 : i32
      %dma_wait3A_481 = arith.constant 0 : i32
      %dma_wait3A_482 = tpu.memref_slice %arg7[%dma_wait3A_480, %dma_wait3A_481] : memref<40x128xi32, #tpu.memory_space<vmem>> -> memref<1x128xi32, #tpu.memory_space<vmem>>
      %dma_wait3A_483 = tpu.memref_squeeze %dma_wait3A_482 : memref<1x128xi32, #tpu.memory_space<vmem>> -> memref<128xi32, #tpu.memory_space<vmem>>
      %dma_wait3A_484 = arith.constant 0 : i32
      %dma_wait3A_485 = arith.constant 0 : i32
      %dma_wait3A_486 = tpu.memref_slice %arg2[%dma_wait3A_484, %dma_wait3A_485] : memref<10000x128xf32, #tpu.memory_space<hbm>> -> memref<10000x128xf32, #tpu.memory_space<hbm>>
      tpu.wait_indirect_dma semaphore(%arg13 : memref<!tpu.dma_semaphore, #tpu.memory_space<semaphore_mem>>) src(%dma_wait3A_486 : memref<10000x128xf32, #tpu.memory_space<hbm>>) dst(%arg9 : memref<128x128xf32, #tpu.memory_space<vmem>>)
      %dma_start3A_487 = arith.constant 16 : i32
      %dma_start3A_488 = arith.constant 0 : i32
      %dma_start3A_489 = tpu.memref_slice %arg8[%dma_start3A_487, %dma_start3A_488] : memref<40x128xi32, #tpu.memory_space<vmem>> -> memref<1x128xi32, #tpu.memory_space<vmem>>
      %dma_start3A_490 = tpu.memref_squeeze %dma_start3A_489 : memref<1x128xi32, #tpu.memory_space<vmem>> -> memref<128xi32, #tpu.memory_space<vmem>>
      %dma_start3A_491 = arith.constant 0 : i32
      %dma_start3A_492 = arith.constant 0 : i32
      %dma_start3A_493 = tpu.memref_slice %arg11[%dma_start3A_491, %dma_start3A_492] : memref<10112x128xf32, #tpu.memory_space<vmem_shared>> -> memref<10112x128xf32, #tpu.memory_space<vmem_shared>>
      tpu.enqueue_indirect_dma source(%arg9 : memref<128x128xf32, #tpu.memory_space<vmem>>) target(%dma_start3A_493 : memref<10112x128xf32, #tpu.memory_space<vmem_shared>>) offsets(%dma_start3A_490 : memref<128xi32, #tpu.memory_space<vmem>>) semaphore(%arg12 : memref<!tpu.dma_semaphore, #tpu.memory_space<semaphore_mem>>) {add = true}
      %dma_wait3A_494 = arith.constant 0 : i32
      %dma_wait3A_495 = arith.constant 0 : i32
      %dma_wait3A_496 = tpu.memref_slice %arg7[%dma_wait3A_494, %dma_wait3A_495] : memref<40x128xi32, #tpu.memory_space<vmem>> -> memref<1x128xi32, #tpu.memory_space<vmem>>
      %dma_wait3A_497 = tpu.memref_squeeze %dma_wait3A_496 : memref<1x128xi32, #tpu.memory_space<vmem>> -> memref<128xi32, #tpu.memory_space<vmem>>
      %dma_wait3A_498 = arith.constant 0 : i32
      %dma_wait3A_499 = arith.constant 0 : i32
      %dma_wait3A_500 = tpu.memref_slice %arg2[%dma_wait3A_498, %dma_wait3A_499] : memref<10000x128xf32, #tpu.memory_space<hbm>> -> memref<10000x128xf32, #tpu.memory_space<hbm>>
      tpu.wait_indirect_dma semaphore(%arg14 : memref<!tpu.dma_semaphore, #tpu.memory_space<semaphore_mem>>) src(%dma_wait3A_500 : memref<10000x128xf32, #tpu.memory_space<hbm>>) dst(%arg10 : memref<128x128xf32, #tpu.memory_space<vmem>>)
      %dma_wait3A_501 = arith.constant 0 : i32
      %dma_wait3A_502 = arith.constant 0 : i32
      %dma_wait3A_503 = tpu.memref_slice %arg7[%dma_wait3A_501, %dma_wait3A_502] : memref<40x128xi32, #tpu.memory_space<vmem>> -> memref<1x128xi32, #tpu.memory_space<vmem>>
      %dma_wait3A_504 = tpu.memref_squeeze %dma_wait3A_503 : memref<1x128xi32, #tpu.memory_space<vmem>> -> memref<128xi32, #tpu.memory_space<vmem>>
      %dma_wait3A_505 = arith.constant 0 : i32
      %dma_wait3A_506 = arith.constant 0 : i32
      %dma_wait3A_507 = tpu.memref_slice %arg2[%dma_wait3A_505, %dma_wait3A_506] : memref<10000x128xf32, #tpu.memory_space<hbm>> -> memref<10000x128xf32, #tpu.memory_space<hbm>>
      tpu.wait_indirect_dma semaphore(%arg12 : memref<!tpu.dma_semaphore, #tpu.memory_space<semaphore_mem>>) src(%dma_wait3A_507 : memref<10000x128xf32, #tpu.memory_space<hbm>>) dst(%arg9 : memref<128x128xf32, #tpu.memory_space<vmem>>)
      %dma_start3A_508 = arith.constant 18 : i32
      %dma_start3A_509 = arith.constant 0 : i32
      %dma_start3A_510 = tpu.memref_slice %arg7[%dma_start3A_508, %dma_start3A_509] : memref<40x128xi32, #tpu.memory_space<vmem>> -> memref<1x128xi32, #tpu.memory_space<vmem>>
      %dma_start3A_511 = tpu.memref_squeeze %dma_start3A_510 : memref<1x128xi32, #tpu.memory_space<vmem>> -> memref<128xi32, #tpu.memory_space<vmem>>
      %dma_start3A_512 = arith.constant 0 : i32
      %dma_start3A_513 = arith.constant 0 : i32
      %dma_start3A_514 = tpu.memref_slice %arg2[%dma_start3A_512, %dma_start3A_513] : memref<10000x128xf32, #tpu.memory_space<hbm>> -> memref<10000x128xf32, #tpu.memory_space<hbm>>
      tpu.enqueue_indirect_dma source(%dma_start3A_514 : memref<10000x128xf32, #tpu.memory_space<hbm>>) target(%arg9 : memref<128x128xf32, #tpu.memory_space<vmem>>) offsets(%dma_start3A_511 : memref<128xi32, #tpu.memory_space<vmem>>) semaphore(%arg13 : memref<!tpu.dma_semaphore, #tpu.memory_space<semaphore_mem>>)
      %dma_start3A_515 = arith.constant 17 : i32
      %dma_start3A_516 = arith.constant 0 : i32
      %dma_start3A_517 = tpu.memref_slice %arg8[%dma_start3A_515, %dma_start3A_516] : memref<40x128xi32, #tpu.memory_space<vmem>> -> memref<1x128xi32, #tpu.memory_space<vmem>>
      %dma_start3A_518 = tpu.memref_squeeze %dma_start3A_517 : memref<1x128xi32, #tpu.memory_space<vmem>> -> memref<128xi32, #tpu.memory_space<vmem>>
      %dma_start3A_519 = arith.constant 0 : i32
      %dma_start3A_520 = arith.constant 0 : i32
      %dma_start3A_521 = tpu.memref_slice %arg11[%dma_start3A_519, %dma_start3A_520] : memref<10112x128xf32, #tpu.memory_space<vmem_shared>> -> memref<10112x128xf32, #tpu.memory_space<vmem_shared>>
      tpu.enqueue_indirect_dma source(%arg10 : memref<128x128xf32, #tpu.memory_space<vmem>>) target(%dma_start3A_521 : memref<10112x128xf32, #tpu.memory_space<vmem_shared>>) offsets(%dma_start3A_518 : memref<128xi32, #tpu.memory_space<vmem>>) semaphore(%arg12 : memref<!tpu.dma_semaphore, #tpu.memory_space<semaphore_mem>>) {add = true}
      %dma_wait3A_522 = arith.constant 0 : i32
      %dma_wait3A_523 = arith.constant 0 : i32
      %dma_wait3A_524 = tpu.memref_slice %arg7[%dma_wait3A_522, %dma_wait3A_523] : memref<40x128xi32, #tpu.memory_space<vmem>> -> memref<1x128xi32, #tpu.memory_space<vmem>>
      %dma_wait3A_525 = tpu.memref_squeeze %dma_wait3A_524 : memref<1x128xi32, #tpu.memory_space<vmem>> -> memref<128xi32, #tpu.memory_space<vmem>>
      %dma_wait3A_526 = arith.constant 0 : i32
      %dma_wait3A_527 = arith.constant 0 : i32
      %dma_wait3A_528 = tpu.memref_slice %arg2[%dma_wait3A_526, %dma_wait3A_527] : memref<10000x128xf32, #tpu.memory_space<hbm>> -> memref<10000x128xf32, #tpu.memory_space<hbm>>
      tpu.wait_indirect_dma semaphore(%arg12 : memref<!tpu.dma_semaphore, #tpu.memory_space<semaphore_mem>>) src(%dma_wait3A_528 : memref<10000x128xf32, #tpu.memory_space<hbm>>) dst(%arg10 : memref<128x128xf32, #tpu.memory_space<vmem>>)
      %dma_start3A_529 = arith.constant 19 : i32
      %dma_start3A_530 = arith.constant 0 : i32
      %dma_start3A_531 = tpu.memref_slice %arg7[%dma_start3A_529, %dma_start3A_530] : memref<40x128xi32, #tpu.memory_space<vmem>> -> memref<1x128xi32, #tpu.memory_space<vmem>>
      %dma_start3A_532 = tpu.memref_squeeze %dma_start3A_531 : memref<1x128xi32, #tpu.memory_space<vmem>> -> memref<128xi32, #tpu.memory_space<vmem>>
      %dma_start3A_533 = arith.constant 0 : i32
      %dma_start3A_534 = arith.constant 0 : i32
      %dma_start3A_535 = tpu.memref_slice %arg2[%dma_start3A_533, %dma_start3A_534] : memref<10000x128xf32, #tpu.memory_space<hbm>> -> memref<10000x128xf32, #tpu.memory_space<hbm>>
      tpu.enqueue_indirect_dma source(%dma_start3A_535 : memref<10000x128xf32, #tpu.memory_space<hbm>>) target(%arg10 : memref<128x128xf32, #tpu.memory_space<vmem>>) offsets(%dma_start3A_532 : memref<128xi32, #tpu.memory_space<vmem>>) semaphore(%arg14 : memref<!tpu.dma_semaphore, #tpu.memory_space<semaphore_mem>>)
      %dma_wait3A_536 = arith.constant 0 : i32
      %dma_wait3A_537 = arith.constant 0 : i32
      %dma_wait3A_538 = tpu.memref_slice %arg7[%dma_wait3A_536, %dma_wait3A_537] : memref<40x128xi32, #tpu.memory_space<vmem>> -> memref<1x128xi32, #tpu.memory_space<vmem>>
      %dma_wait3A_539 = tpu.memref_squeeze %dma_wait3A_538 : memref<1x128xi32, #tpu.memory_space<vmem>> -> memref<128xi32, #tpu.memory_space<vmem>>
      %dma_wait3A_540 = arith.constant 0 : i32
      %dma_wait3A_541 = arith.constant 0 : i32
      %dma_wait3A_542 = tpu.memref_slice %arg2[%dma_wait3A_540, %dma_wait3A_541] : memref<10000x128xf32, #tpu.memory_space<hbm>> -> memref<10000x128xf32, #tpu.memory_space<hbm>>
      tpu.wait_indirect_dma semaphore(%arg13 : memref<!tpu.dma_semaphore, #tpu.memory_space<semaphore_mem>>) src(%dma_wait3A_542 : memref<10000x128xf32, #tpu.memory_space<hbm>>) dst(%arg9 : memref<128x128xf32, #tpu.memory_space<vmem>>)
      %dma_start3A_543 = arith.constant 18 : i32
      %dma_start3A_544 = arith.constant 0 : i32
      %dma_start3A_545 = tpu.memref_slice %arg8[%dma_start3A_543, %dma_start3A_544] : memref<40x128xi32, #tpu.memory_space<vmem>> -> memref<1x128xi32, #tpu.memory_space<vmem>>
      %dma_start3A_546 = tpu.memref_squeeze %dma_start3A_545 : memref<1x128xi32, #tpu.memory_space<vmem>> -> memref<128xi32, #tpu.memory_space<vmem>>
      %dma_start3A_547 = arith.constant 0 : i32
      %dma_start3A_548 = arith.constant 0 : i32
      %dma_start3A_549 = tpu.memref_slice %arg11[%dma_start3A_547, %dma_start3A_548] : memref<10112x128xf32, #tpu.memory_space<vmem_shared>> -> memref<10112x128xf32, #tpu.memory_space<vmem_shared>>
      tpu.enqueue_indirect_dma source(%arg9 : memref<128x128xf32, #tpu.memory_space<vmem>>) target(%dma_start3A_549 : memref<10112x128xf32, #tpu.memory_space<vmem_shared>>) offsets(%dma_start3A_546 : memref<128xi32, #tpu.memory_space<vmem>>) semaphore(%arg12 : memref<!tpu.dma_semaphore, #tpu.memory_space<semaphore_mem>>) {add = true}
      %dma_wait3A_550 = arith.constant 0 : i32
      %dma_wait3A_551 = arith.constant 0 : i32
      %dma_wait3A_552 = tpu.memref_slice %arg7[%dma_wait3A_550, %dma_wait3A_551] : memref<40x128xi32, #tpu.memory_space<vmem>> -> memref<1x128xi32, #tpu.memory_space<vmem>>
      %dma_wait3A_553 = tpu.memref_squeeze %dma_wait3A_552 : memref<1x128xi32, #tpu.memory_space<vmem>> -> memref<128xi32, #tpu.memory_space<vmem>>
      %dma_wait3A_554 = arith.constant 0 : i32
      %dma_wait3A_555 = arith.constant 0 : i32
      %dma_wait3A_556 = tpu.memref_slice %arg2[%dma_wait3A_554, %dma_wait3A_555] : memref<10000x128xf32, #tpu.memory_space<hbm>> -> memref<10000x128xf32, #tpu.memory_space<hbm>>
      tpu.wait_indirect_dma semaphore(%arg14 : memref<!tpu.dma_semaphore, #tpu.memory_space<semaphore_mem>>) src(%dma_wait3A_556 : memref<10000x128xf32, #tpu.memory_space<hbm>>) dst(%arg10 : memref<128x128xf32, #tpu.memory_space<vmem>>)
      %dma_wait3A_557 = arith.constant 0 : i32
      %dma_wait3A_558 = arith.constant 0 : i32
      %dma_wait3A_559 = tpu.memref_slice %arg7[%dma_wait3A_557, %dma_wait3A_558] : memref<40x128xi32, #tpu.memory_space<vmem>> -> memref<1x128xi32, #tpu.memory_space<vmem>>
      %dma_wait3A_560 = tpu.memref_squeeze %dma_wait3A_559 : memref<1x128xi32, #tpu.memory_space<vmem>> -> memref<128xi32, #tpu.memory_space<vmem>>
      %dma_wait3A_561 = arith.constant 0 : i32
      %dma_wait3A_562 = arith.constant 0 : i32
      %dma_wait3A_563 = tpu.memref_slice %arg2[%dma_wait3A_561, %dma_wait3A_562] : memref<10000x128xf32, #tpu.memory_space<hbm>> -> memref<10000x128xf32, #tpu.memory_space<hbm>>
      tpu.wait_indirect_dma semaphore(%arg12 : memref<!tpu.dma_semaphore, #tpu.memory_space<semaphore_mem>>) src(%dma_wait3A_563 : memref<10000x128xf32, #tpu.memory_space<hbm>>) dst(%arg9 : memref<128x128xf32, #tpu.memory_space<vmem>>)
      %dma_start3A_564 = arith.constant 20 : i32
      %dma_start3A_565 = arith.constant 0 : i32
      %dma_start3A_566 = tpu.memref_slice %arg7[%dma_start3A_564, %dma_start3A_565] : memref<40x128xi32, #tpu.memory_space<vmem>> -> memref<1x128xi32, #tpu.memory_space<vmem>>
      %dma_start3A_567 = tpu.memref_squeeze %dma_start3A_566 : memref<1x128xi32, #tpu.memory_space<vmem>> -> memref<128xi32, #tpu.memory_space<vmem>>
      %dma_start3A_568 = arith.constant 0 : i32
      %dma_start3A_569 = arith.constant 0 : i32
      %dma_start3A_570 = tpu.memref_slice %arg2[%dma_start3A_568, %dma_start3A_569] : memref<10000x128xf32, #tpu.memory_space<hbm>> -> memref<10000x128xf32, #tpu.memory_space<hbm>>
      tpu.enqueue_indirect_dma source(%dma_start3A_570 : memref<10000x128xf32, #tpu.memory_space<hbm>>) target(%arg9 : memref<128x128xf32, #tpu.memory_space<vmem>>) offsets(%dma_start3A_567 : memref<128xi32, #tpu.memory_space<vmem>>) semaphore(%arg13 : memref<!tpu.dma_semaphore, #tpu.memory_space<semaphore_mem>>)
      %dma_start3A_571 = arith.constant 19 : i32
      %dma_start3A_572 = arith.constant 0 : i32
      %dma_start3A_573 = tpu.memref_slice %arg8[%dma_start3A_571, %dma_start3A_572] : memref<40x128xi32, #tpu.memory_space<vmem>> -> memref<1x128xi32, #tpu.memory_space<vmem>>
      %dma_start3A_574 = tpu.memref_squeeze %dma_start3A_573 : memref<1x128xi32, #tpu.memory_space<vmem>> -> memref<128xi32, #tpu.memory_space<vmem>>
      %dma_start3A_575 = arith.constant 0 : i32
      %dma_start3A_576 = arith.constant 0 : i32
      %dma_start3A_577 = tpu.memref_slice %arg11[%dma_start3A_575, %dma_start3A_576] : memref<10112x128xf32, #tpu.memory_space<vmem_shared>> -> memref<10112x128xf32, #tpu.memory_space<vmem_shared>>
      tpu.enqueue_indirect_dma source(%arg10 : memref<128x128xf32, #tpu.memory_space<vmem>>) target(%dma_start3A_577 : memref<10112x128xf32, #tpu.memory_space<vmem_shared>>) offsets(%dma_start3A_574 : memref<128xi32, #tpu.memory_space<vmem>>) semaphore(%arg12 : memref<!tpu.dma_semaphore, #tpu.memory_space<semaphore_mem>>) {add = true}
      %dma_wait3A_578 = arith.constant 0 : i32
      %dma_wait3A_579 = arith.constant 0 : i32
      %dma_wait3A_580 = tpu.memref_slice %arg7[%dma_wait3A_578, %dma_wait3A_579] : memref<40x128xi32, #tpu.memory_space<vmem>> -> memref<1x128xi32, #tpu.memory_space<vmem>>
      %dma_wait3A_581 = tpu.memref_squeeze %dma_wait3A_580 : memref<1x128xi32, #tpu.memory_space<vmem>> -> memref<128xi32, #tpu.memory_space<vmem>>
      %dma_wait3A_582 = arith.constant 0 : i32
      %dma_wait3A_583 = arith.constant 0 : i32
      %dma_wait3A_584 = tpu.memref_slice %arg2[%dma_wait3A_582, %dma_wait3A_583] : memref<10000x128xf32, #tpu.memory_space<hbm>> -> memref<10000x128xf32, #tpu.memory_space<hbm>>
      tpu.wait_indirect_dma semaphore(%arg12 : memref<!tpu.dma_semaphore, #tpu.memory_space<semaphore_mem>>) src(%dma_wait3A_584 : memref<10000x128xf32, #tpu.memory_space<hbm>>) dst(%arg10 : memref<128x128xf32, #tpu.memory_space<vmem>>)
      %dma_start3A_585 = arith.constant 21 : i32
      %dma_start3A_586 = arith.constant 0 : i32
      %dma_start3A_587 = tpu.memref_slice %arg7[%dma_start3A_585, %dma_start3A_586] : memref<40x128xi32, #tpu.memory_space<vmem>> -> memref<1x128xi32, #tpu.memory_space<vmem>>
      %dma_start3A_588 = tpu.memref_squeeze %dma_start3A_587 : memref<1x128xi32, #tpu.memory_space<vmem>> -> memref<128xi32, #tpu.memory_space<vmem>>
      %dma_start3A_589 = arith.constant 0 : i32
      %dma_start3A_590 = arith.constant 0 : i32
      %dma_start3A_591 = tpu.memref_slice %arg2[%dma_start3A_589, %dma_start3A_590] : memref<10000x128xf32, #tpu.memory_space<hbm>> -> memref<10000x128xf32, #tpu.memory_space<hbm>>
      tpu.enqueue_indirect_dma source(%dma_start3A_591 : memref<10000x128xf32, #tpu.memory_space<hbm>>) target(%arg10 : memref<128x128xf32, #tpu.memory_space<vmem>>) offsets(%dma_start3A_588 : memref<128xi32, #tpu.memory_space<vmem>>) semaphore(%arg14 : memref<!tpu.dma_semaphore, #tpu.memory_space<semaphore_mem>>)
      %dma_wait3A_592 = arith.constant 0 : i32
      %dma_wait3A_593 = arith.constant 0 : i32
      %dma_wait3A_594 = tpu.memref_slice %arg7[%dma_wait3A_592, %dma_wait3A_593] : memref<40x128xi32, #tpu.memory_space<vmem>> -> memref<1x128xi32, #tpu.memory_space<vmem>>
      %dma_wait3A_595 = tpu.memref_squeeze %dma_wait3A_594 : memref<1x128xi32, #tpu.memory_space<vmem>> -> memref<128xi32, #tpu.memory_space<vmem>>
      %dma_wait3A_596 = arith.constant 0 : i32
      %dma_wait3A_597 = arith.constant 0 : i32
      %dma_wait3A_598 = tpu.memref_slice %arg2[%dma_wait3A_596, %dma_wait3A_597] : memref<10000x128xf32, #tpu.memory_space<hbm>> -> memref<10000x128xf32, #tpu.memory_space<hbm>>
      tpu.wait_indirect_dma semaphore(%arg13 : memref<!tpu.dma_semaphore, #tpu.memory_space<semaphore_mem>>) src(%dma_wait3A_598 : memref<10000x128xf32, #tpu.memory_space<hbm>>) dst(%arg9 : memref<128x128xf32, #tpu.memory_space<vmem>>)
      %dma_start3A_599 = arith.constant 20 : i32
      %dma_start3A_600 = arith.constant 0 : i32
      %dma_start3A_601 = tpu.memref_slice %arg8[%dma_start3A_599, %dma_start3A_600] : memref<40x128xi32, #tpu.memory_space<vmem>> -> memref<1x128xi32, #tpu.memory_space<vmem>>
      %dma_start3A_602 = tpu.memref_squeeze %dma_start3A_601 : memref<1x128xi32, #tpu.memory_space<vmem>> -> memref<128xi32, #tpu.memory_space<vmem>>
      %dma_start3A_603 = arith.constant 0 : i32
      %dma_start3A_604 = arith.constant 0 : i32
      %dma_start3A_605 = tpu.memref_slice %arg11[%dma_start3A_603, %dma_start3A_604] : memref<10112x128xf32, #tpu.memory_space<vmem_shared>> -> memref<10112x128xf32, #tpu.memory_space<vmem_shared>>
      tpu.enqueue_indirect_dma source(%arg9 : memref<128x128xf32, #tpu.memory_space<vmem>>) target(%dma_start3A_605 : memref<10112x128xf32, #tpu.memory_space<vmem_shared>>) offsets(%dma_start3A_602 : memref<128xi32, #tpu.memory_space<vmem>>) semaphore(%arg12 : memref<!tpu.dma_semaphore, #tpu.memory_space<semaphore_mem>>) {add = true}
      %dma_wait3A_606 = arith.constant 0 : i32
      %dma_wait3A_607 = arith.constant 0 : i32
      %dma_wait3A_608 = tpu.memref_slice %arg7[%dma_wait3A_606, %dma_wait3A_607] : memref<40x128xi32, #tpu.memory_space<vmem>> -> memref<1x128xi32, #tpu.memory_space<vmem>>
      %dma_wait3A_609 = tpu.memref_squeeze %dma_wait3A_608 : memref<1x128xi32, #tpu.memory_space<vmem>> -> memref<128xi32, #tpu.memory_space<vmem>>
      %dma_wait3A_610 = arith.constant 0 : i32
      %dma_wait3A_611 = arith.constant 0 : i32
      %dma_wait3A_612 = tpu.memref_slice %arg2[%dma_wait3A_610, %dma_wait3A_611] : memref<10000x128xf32, #tpu.memory_space<hbm>> -> memref<10000x128xf32, #tpu.memory_space<hbm>>
      tpu.wait_indirect_dma semaphore(%arg14 : memref<!tpu.dma_semaphore, #tpu.memory_space<semaphore_mem>>) src(%dma_wait3A_612 : memref<10000x128xf32, #tpu.memory_space<hbm>>) dst(%arg10 : memref<128x128xf32, #tpu.memory_space<vmem>>)
      %dma_wait3A_613 = arith.constant 0 : i32
      %dma_wait3A_614 = arith.constant 0 : i32
      %dma_wait3A_615 = tpu.memref_slice %arg7[%dma_wait3A_613, %dma_wait3A_614] : memref<40x128xi32, #tpu.memory_space<vmem>> -> memref<1x128xi32, #tpu.memory_space<vmem>>
      %dma_wait3A_616 = tpu.memref_squeeze %dma_wait3A_615 : memref<1x128xi32, #tpu.memory_space<vmem>> -> memref<128xi32, #tpu.memory_space<vmem>>
      %dma_wait3A_617 = arith.constant 0 : i32
      %dma_wait3A_618 = arith.constant 0 : i32
      %dma_wait3A_619 = tpu.memref_slice %arg2[%dma_wait3A_617, %dma_wait3A_618] : memref<10000x128xf32, #tpu.memory_space<hbm>> -> memref<10000x128xf32, #tpu.memory_space<hbm>>
      tpu.wait_indirect_dma semaphore(%arg12 : memref<!tpu.dma_semaphore, #tpu.memory_space<semaphore_mem>>) src(%dma_wait3A_619 : memref<10000x128xf32, #tpu.memory_space<hbm>>) dst(%arg9 : memref<128x128xf32, #tpu.memory_space<vmem>>)
      %dma_start3A_620 = arith.constant 22 : i32
      %dma_start3A_621 = arith.constant 0 : i32
      %dma_start3A_622 = tpu.memref_slice %arg7[%dma_start3A_620, %dma_start3A_621] : memref<40x128xi32, #tpu.memory_space<vmem>> -> memref<1x128xi32, #tpu.memory_space<vmem>>
      %dma_start3A_623 = tpu.memref_squeeze %dma_start3A_622 : memref<1x128xi32, #tpu.memory_space<vmem>> -> memref<128xi32, #tpu.memory_space<vmem>>
      %dma_start3A_624 = arith.constant 0 : i32
      %dma_start3A_625 = arith.constant 0 : i32
      %dma_start3A_626 = tpu.memref_slice %arg2[%dma_start3A_624, %dma_start3A_625] : memref<10000x128xf32, #tpu.memory_space<hbm>> -> memref<10000x128xf32, #tpu.memory_space<hbm>>
      tpu.enqueue_indirect_dma source(%dma_start3A_626 : memref<10000x128xf32, #tpu.memory_space<hbm>>) target(%arg9 : memref<128x128xf32, #tpu.memory_space<vmem>>) offsets(%dma_start3A_623 : memref<128xi32, #tpu.memory_space<vmem>>) semaphore(%arg13 : memref<!tpu.dma_semaphore, #tpu.memory_space<semaphore_mem>>)
      %dma_start3A_627 = arith.constant 21 : i32
      %dma_start3A_628 = arith.constant 0 : i32
      %dma_start3A_629 = tpu.memref_slice %arg8[%dma_start3A_627, %dma_start3A_628] : memref<40x128xi32, #tpu.memory_space<vmem>> -> memref<1x128xi32, #tpu.memory_space<vmem>>
      %dma_start3A_630 = tpu.memref_squeeze %dma_start3A_629 : memref<1x128xi32, #tpu.memory_space<vmem>> -> memref<128xi32, #tpu.memory_space<vmem>>
      %dma_start3A_631 = arith.constant 0 : i32
      %dma_start3A_632 = arith.constant 0 : i32
      %dma_start3A_633 = tpu.memref_slice %arg11[%dma_start3A_631, %dma_start3A_632] : memref<10112x128xf32, #tpu.memory_space<vmem_shared>> -> memref<10112x128xf32, #tpu.memory_space<vmem_shared>>
      tpu.enqueue_indirect_dma source(%arg10 : memref<128x128xf32, #tpu.memory_space<vmem>>) target(%dma_start3A_633 : memref<10112x128xf32, #tpu.memory_space<vmem_shared>>) offsets(%dma_start3A_630 : memref<128xi32, #tpu.memory_space<vmem>>) semaphore(%arg12 : memref<!tpu.dma_semaphore, #tpu.memory_space<semaphore_mem>>) {add = true}
      %dma_wait3A_634 = arith.constant 0 : i32
      %dma_wait3A_635 = arith.constant 0 : i32
      %dma_wait3A_636 = tpu.memref_slice %arg7[%dma_wait3A_634, %dma_wait3A_635] : memref<40x128xi32, #tpu.memory_space<vmem>> -> memref<1x128xi32, #tpu.memory_space<vmem>>
      %dma_wait3A_637 = tpu.memref_squeeze %dma_wait3A_636 : memref<1x128xi32, #tpu.memory_space<vmem>> -> memref<128xi32, #tpu.memory_space<vmem>>
      %dma_wait3A_638 = arith.constant 0 : i32
      %dma_wait3A_639 = arith.constant 0 : i32
      %dma_wait3A_640 = tpu.memref_slice %arg2[%dma_wait3A_638, %dma_wait3A_639] : memref<10000x128xf32, #tpu.memory_space<hbm>> -> memref<10000x128xf32, #tpu.memory_space<hbm>>
      tpu.wait_indirect_dma semaphore(%arg12 : memref<!tpu.dma_semaphore, #tpu.memory_space<semaphore_mem>>) src(%dma_wait3A_640 : memref<10000x128xf32, #tpu.memory_space<hbm>>) dst(%arg10 : memref<128x128xf32, #tpu.memory_space<vmem>>)
      %dma_start3A_641 = arith.constant 23 : i32
      %dma_start3A_642 = arith.constant 0 : i32
      %dma_start3A_643 = tpu.memref_slice %arg7[%dma_start3A_641, %dma_start3A_642] : memref<40x128xi32, #tpu.memory_space<vmem>> -> memref<1x128xi32, #tpu.memory_space<vmem>>
      %dma_start3A_644 = tpu.memref_squeeze %dma_start3A_643 : memref<1x128xi32, #tpu.memory_space<vmem>> -> memref<128xi32, #tpu.memory_space<vmem>>
      %dma_start3A_645 = arith.constant 0 : i32
      %dma_start3A_646 = arith.constant 0 : i32
      %dma_start3A_647 = tpu.memref_slice %arg2[%dma_start3A_645, %dma_start3A_646] : memref<10000x128xf32, #tpu.memory_space<hbm>> -> memref<10000x128xf32, #tpu.memory_space<hbm>>
      tpu.enqueue_indirect_dma source(%dma_start3A_647 : memref<10000x128xf32, #tpu.memory_space<hbm>>) target(%arg10 : memref<128x128xf32, #tpu.memory_space<vmem>>) offsets(%dma_start3A_644 : memref<128xi32, #tpu.memory_space<vmem>>) semaphore(%arg14 : memref<!tpu.dma_semaphore, #tpu.memory_space<semaphore_mem>>)
      %dma_wait3A_648 = arith.constant 0 : i32
      %dma_wait3A_649 = arith.constant 0 : i32
      %dma_wait3A_650 = tpu.memref_slice %arg7[%dma_wait3A_648, %dma_wait3A_649] : memref<40x128xi32, #tpu.memory_space<vmem>> -> memref<1x128xi32, #tpu.memory_space<vmem>>
      %dma_wait3A_651 = tpu.memref_squeeze %dma_wait3A_650 : memref<1x128xi32, #tpu.memory_space<vmem>> -> memref<128xi32, #tpu.memory_space<vmem>>
      %dma_wait3A_652 = arith.constant 0 : i32
      %dma_wait3A_653 = arith.constant 0 : i32
      %dma_wait3A_654 = tpu.memref_slice %arg2[%dma_wait3A_652, %dma_wait3A_653] : memref<10000x128xf32, #tpu.memory_space<hbm>> -> memref<10000x128xf32, #tpu.memory_space<hbm>>
      tpu.wait_indirect_dma semaphore(%arg13 : memref<!tpu.dma_semaphore, #tpu.memory_space<semaphore_mem>>) src(%dma_wait3A_654 : memref<10000x128xf32, #tpu.memory_space<hbm>>) dst(%arg9 : memref<128x128xf32, #tpu.memory_space<vmem>>)
      %dma_start3A_655 = arith.constant 22 : i32
      %dma_start3A_656 = arith.constant 0 : i32
      %dma_start3A_657 = tpu.memref_slice %arg8[%dma_start3A_655, %dma_start3A_656] : memref<40x128xi32, #tpu.memory_space<vmem>> -> memref<1x128xi32, #tpu.memory_space<vmem>>
      %dma_start3A_658 = tpu.memref_squeeze %dma_start3A_657 : memref<1x128xi32, #tpu.memory_space<vmem>> -> memref<128xi32, #tpu.memory_space<vmem>>
      %dma_start3A_659 = arith.constant 0 : i32
      %dma_start3A_660 = arith.constant 0 : i32
      %dma_start3A_661 = tpu.memref_slice %arg11[%dma_start3A_659, %dma_start3A_660] : memref<10112x128xf32, #tpu.memory_space<vmem_shared>> -> memref<10112x128xf32, #tpu.memory_space<vmem_shared>>
      tpu.enqueue_indirect_dma source(%arg9 : memref<128x128xf32, #tpu.memory_space<vmem>>) target(%dma_start3A_661 : memref<10112x128xf32, #tpu.memory_space<vmem_shared>>) offsets(%dma_start3A_658 : memref<128xi32, #tpu.memory_space<vmem>>) semaphore(%arg12 : memref<!tpu.dma_semaphore, #tpu.memory_space<semaphore_mem>>) {add = true}
      %dma_wait3A_662 = arith.constant 0 : i32
      %dma_wait3A_663 = arith.constant 0 : i32
      %dma_wait3A_664 = tpu.memref_slice %arg7[%dma_wait3A_662, %dma_wait3A_663] : memref<40x128xi32, #tpu.memory_space<vmem>> -> memref<1x128xi32, #tpu.memory_space<vmem>>
      %dma_wait3A_665 = tpu.memref_squeeze %dma_wait3A_664 : memref<1x128xi32, #tpu.memory_space<vmem>> -> memref<128xi32, #tpu.memory_space<vmem>>
      %dma_wait3A_666 = arith.constant 0 : i32
      %dma_wait3A_667 = arith.constant 0 : i32
      %dma_wait3A_668 = tpu.memref_slice %arg2[%dma_wait3A_666, %dma_wait3A_667] : memref<10000x128xf32, #tpu.memory_space<hbm>> -> memref<10000x128xf32, #tpu.memory_space<hbm>>
      tpu.wait_indirect_dma semaphore(%arg14 : memref<!tpu.dma_semaphore, #tpu.memory_space<semaphore_mem>>) src(%dma_wait3A_668 : memref<10000x128xf32, #tpu.memory_space<hbm>>) dst(%arg10 : memref<128x128xf32, #tpu.memory_space<vmem>>)
      %dma_wait3A_669 = arith.constant 0 : i32
      %dma_wait3A_670 = arith.constant 0 : i32
      %dma_wait3A_671 = tpu.memref_slice %arg7[%dma_wait3A_669, %dma_wait3A_670] : memref<40x128xi32, #tpu.memory_space<vmem>> -> memref<1x128xi32, #tpu.memory_space<vmem>>
      %dma_wait3A_672 = tpu.memref_squeeze %dma_wait3A_671 : memref<1x128xi32, #tpu.memory_space<vmem>> -> memref<128xi32, #tpu.memory_space<vmem>>
      %dma_wait3A_673 = arith.constant 0 : i32
      %dma_wait3A_674 = arith.constant 0 : i32
      %dma_wait3A_675 = tpu.memref_slice %arg2[%dma_wait3A_673, %dma_wait3A_674] : memref<10000x128xf32, #tpu.memory_space<hbm>> -> memref<10000x128xf32, #tpu.memory_space<hbm>>
      tpu.wait_indirect_dma semaphore(%arg12 : memref<!tpu.dma_semaphore, #tpu.memory_space<semaphore_mem>>) src(%dma_wait3A_675 : memref<10000x128xf32, #tpu.memory_space<hbm>>) dst(%arg9 : memref<128x128xf32, #tpu.memory_space<vmem>>)
      %dma_start3A_676 = arith.constant 24 : i32
      %dma_start3A_677 = arith.constant 0 : i32
      %dma_start3A_678 = tpu.memref_slice %arg7[%dma_start3A_676, %dma_start3A_677] : memref<40x128xi32, #tpu.memory_space<vmem>> -> memref<1x128xi32, #tpu.memory_space<vmem>>
      %dma_start3A_679 = tpu.memref_squeeze %dma_start3A_678 : memref<1x128xi32, #tpu.memory_space<vmem>> -> memref<128xi32, #tpu.memory_space<vmem>>
      %dma_start3A_680 = arith.constant 0 : i32
      %dma_start3A_681 = arith.constant 0 : i32
      %dma_start3A_682 = tpu.memref_slice %arg2[%dma_start3A_680, %dma_start3A_681] : memref<10000x128xf32, #tpu.memory_space<hbm>> -> memref<10000x128xf32, #tpu.memory_space<hbm>>
      tpu.enqueue_indirect_dma source(%dma_start3A_682 : memref<10000x128xf32, #tpu.memory_space<hbm>>) target(%arg9 : memref<128x128xf32, #tpu.memory_space<vmem>>) offsets(%dma_start3A_679 : memref<128xi32, #tpu.memory_space<vmem>>) semaphore(%arg13 : memref<!tpu.dma_semaphore, #tpu.memory_space<semaphore_mem>>)
      %dma_start3A_683 = arith.constant 23 : i32
      %dma_start3A_684 = arith.constant 0 : i32
      %dma_start3A_685 = tpu.memref_slice %arg8[%dma_start3A_683, %dma_start3A_684] : memref<40x128xi32, #tpu.memory_space<vmem>> -> memref<1x128xi32, #tpu.memory_space<vmem>>
      %dma_start3A_686 = tpu.memref_squeeze %dma_start3A_685 : memref<1x128xi32, #tpu.memory_space<vmem>> -> memref<128xi32, #tpu.memory_space<vmem>>
      %dma_start3A_687 = arith.constant 0 : i32
      %dma_start3A_688 = arith.constant 0 : i32
      %dma_start3A_689 = tpu.memref_slice %arg11[%dma_start3A_687, %dma_start3A_688] : memref<10112x128xf32, #tpu.memory_space<vmem_shared>> -> memref<10112x128xf32, #tpu.memory_space<vmem_shared>>
      tpu.enqueue_indirect_dma source(%arg10 : memref<128x128xf32, #tpu.memory_space<vmem>>) target(%dma_start3A_689 : memref<10112x128xf32, #tpu.memory_space<vmem_shared>>) offsets(%dma_start3A_686 : memref<128xi32, #tpu.memory_space<vmem>>) semaphore(%arg12 : memref<!tpu.dma_semaphore, #tpu.memory_space<semaphore_mem>>) {add = true}
      %dma_wait3A_690 = arith.constant 0 : i32
      %dma_wait3A_691 = arith.constant 0 : i32
      %dma_wait3A_692 = tpu.memref_slice %arg7[%dma_wait3A_690, %dma_wait3A_691] : memref<40x128xi32, #tpu.memory_space<vmem>> -> memref<1x128xi32, #tpu.memory_space<vmem>>
      %dma_wait3A_693 = tpu.memref_squeeze %dma_wait3A_692 : memref<1x128xi32, #tpu.memory_space<vmem>> -> memref<128xi32, #tpu.memory_space<vmem>>
      %dma_wait3A_694 = arith.constant 0 : i32
      %dma_wait3A_695 = arith.constant 0 : i32
      %dma_wait3A_696 = tpu.memref_slice %arg2[%dma_wait3A_694, %dma_wait3A_695] : memref<10000x128xf32, #tpu.memory_space<hbm>> -> memref<10000x128xf32, #tpu.memory_space<hbm>>
      tpu.wait_indirect_dma semaphore(%arg12 : memref<!tpu.dma_semaphore, #tpu.memory_space<semaphore_mem>>) src(%dma_wait3A_696 : memref<10000x128xf32, #tpu.memory_space<hbm>>) dst(%arg10 : memref<128x128xf32, #tpu.memory_space<vmem>>)
      %dma_start3A_697 = arith.constant 25 : i32
      %dma_start3A_698 = arith.constant 0 : i32
      %dma_start3A_699 = tpu.memref_slice %arg7[%dma_start3A_697, %dma_start3A_698] : memref<40x128xi32, #tpu.memory_space<vmem>> -> memref<1x128xi32, #tpu.memory_space<vmem>>
      %dma_start3A_700 = tpu.memref_squeeze %dma_start3A_699 : memref<1x128xi32, #tpu.memory_space<vmem>> -> memref<128xi32, #tpu.memory_space<vmem>>
      %dma_start3A_701 = arith.constant 0 : i32
      %dma_start3A_702 = arith.constant 0 : i32
      %dma_start3A_703 = tpu.memref_slice %arg2[%dma_start3A_701, %dma_start3A_702] : memref<10000x128xf32, #tpu.memory_space<hbm>> -> memref<10000x128xf32, #tpu.memory_space<hbm>>
      tpu.enqueue_indirect_dma source(%dma_start3A_703 : memref<10000x128xf32, #tpu.memory_space<hbm>>) target(%arg10 : memref<128x128xf32, #tpu.memory_space<vmem>>) offsets(%dma_start3A_700 : memref<128xi32, #tpu.memory_space<vmem>>) semaphore(%arg14 : memref<!tpu.dma_semaphore, #tpu.memory_space<semaphore_mem>>)
      %dma_wait3A_704 = arith.constant 0 : i32
      %dma_wait3A_705 = arith.constant 0 : i32
      %dma_wait3A_706 = tpu.memref_slice %arg7[%dma_wait3A_704, %dma_wait3A_705] : memref<40x128xi32, #tpu.memory_space<vmem>> -> memref<1x128xi32, #tpu.memory_space<vmem>>
      %dma_wait3A_707 = tpu.memref_squeeze %dma_wait3A_706 : memref<1x128xi32, #tpu.memory_space<vmem>> -> memref<128xi32, #tpu.memory_space<vmem>>
      %dma_wait3A_708 = arith.constant 0 : i32
      %dma_wait3A_709 = arith.constant 0 : i32
      %dma_wait3A_710 = tpu.memref_slice %arg2[%dma_wait3A_708, %dma_wait3A_709] : memref<10000x128xf32, #tpu.memory_space<hbm>> -> memref<10000x128xf32, #tpu.memory_space<hbm>>
      tpu.wait_indirect_dma semaphore(%arg13 : memref<!tpu.dma_semaphore, #tpu.memory_space<semaphore_mem>>) src(%dma_wait3A_710 : memref<10000x128xf32, #tpu.memory_space<hbm>>) dst(%arg9 : memref<128x128xf32, #tpu.memory_space<vmem>>)
      %dma_start3A_711 = arith.constant 24 : i32
      %dma_start3A_712 = arith.constant 0 : i32
      %dma_start3A_713 = tpu.memref_slice %arg8[%dma_start3A_711, %dma_start3A_712] : memref<40x128xi32, #tpu.memory_space<vmem>> -> memref<1x128xi32, #tpu.memory_space<vmem>>
      %dma_start3A_714 = tpu.memref_squeeze %dma_start3A_713 : memref<1x128xi32, #tpu.memory_space<vmem>> -> memref<128xi32, #tpu.memory_space<vmem>>
      %dma_start3A_715 = arith.constant 0 : i32
      %dma_start3A_716 = arith.constant 0 : i32
      %dma_start3A_717 = tpu.memref_slice %arg11[%dma_start3A_715, %dma_start3A_716] : memref<10112x128xf32, #tpu.memory_space<vmem_shared>> -> memref<10112x128xf32, #tpu.memory_space<vmem_shared>>
      tpu.enqueue_indirect_dma source(%arg9 : memref<128x128xf32, #tpu.memory_space<vmem>>) target(%dma_start3A_717 : memref<10112x128xf32, #tpu.memory_space<vmem_shared>>) offsets(%dma_start3A_714 : memref<128xi32, #tpu.memory_space<vmem>>) semaphore(%arg12 : memref<!tpu.dma_semaphore, #tpu.memory_space<semaphore_mem>>) {add = true}
      %dma_wait3A_718 = arith.constant 0 : i32
      %dma_wait3A_719 = arith.constant 0 : i32
      %dma_wait3A_720 = tpu.memref_slice %arg7[%dma_wait3A_718, %dma_wait3A_719] : memref<40x128xi32, #tpu.memory_space<vmem>> -> memref<1x128xi32, #tpu.memory_space<vmem>>
      %dma_wait3A_721 = tpu.memref_squeeze %dma_wait3A_720 : memref<1x128xi32, #tpu.memory_space<vmem>> -> memref<128xi32, #tpu.memory_space<vmem>>
      %dma_wait3A_722 = arith.constant 0 : i32
      %dma_wait3A_723 = arith.constant 0 : i32
      %dma_wait3A_724 = tpu.memref_slice %arg2[%dma_wait3A_722, %dma_wait3A_723] : memref<10000x128xf32, #tpu.memory_space<hbm>> -> memref<10000x128xf32, #tpu.memory_space<hbm>>
      tpu.wait_indirect_dma semaphore(%arg14 : memref<!tpu.dma_semaphore, #tpu.memory_space<semaphore_mem>>) src(%dma_wait3A_724 : memref<10000x128xf32, #tpu.memory_space<hbm>>) dst(%arg10 : memref<128x128xf32, #tpu.memory_space<vmem>>)
      %dma_wait3A_725 = arith.constant 0 : i32
      %dma_wait3A_726 = arith.constant 0 : i32
      %dma_wait3A_727 = tpu.memref_slice %arg7[%dma_wait3A_725, %dma_wait3A_726] : memref<40x128xi32, #tpu.memory_space<vmem>> -> memref<1x128xi32, #tpu.memory_space<vmem>>
      %dma_wait3A_728 = tpu.memref_squeeze %dma_wait3A_727 : memref<1x128xi32, #tpu.memory_space<vmem>> -> memref<128xi32, #tpu.memory_space<vmem>>
      %dma_wait3A_729 = arith.constant 0 : i32
      %dma_wait3A_730 = arith.constant 0 : i32
      %dma_wait3A_731 = tpu.memref_slice %arg2[%dma_wait3A_729, %dma_wait3A_730] : memref<10000x128xf32, #tpu.memory_space<hbm>> -> memref<10000x128xf32, #tpu.memory_space<hbm>>
      tpu.wait_indirect_dma semaphore(%arg12 : memref<!tpu.dma_semaphore, #tpu.memory_space<semaphore_mem>>) src(%dma_wait3A_731 : memref<10000x128xf32, #tpu.memory_space<hbm>>) dst(%arg9 : memref<128x128xf32, #tpu.memory_space<vmem>>)
      %dma_start3A_732 = arith.constant 26 : i32
      %dma_start3A_733 = arith.constant 0 : i32
      %dma_start3A_734 = tpu.memref_slice %arg7[%dma_start3A_732, %dma_start3A_733] : memref<40x128xi32, #tpu.memory_space<vmem>> -> memref<1x128xi32, #tpu.memory_space<vmem>>
      %dma_start3A_735 = tpu.memref_squeeze %dma_start3A_734 : memref<1x128xi32, #tpu.memory_space<vmem>> -> memref<128xi32, #tpu.memory_space<vmem>>
      %dma_start3A_736 = arith.constant 0 : i32
      %dma_start3A_737 = arith.constant 0 : i32
      %dma_start3A_738 = tpu.memref_slice %arg2[%dma_start3A_736, %dma_start3A_737] : memref<10000x128xf32, #tpu.memory_space<hbm>> -> memref<10000x128xf32, #tpu.memory_space<hbm>>
      tpu.enqueue_indirect_dma source(%dma_start3A_738 : memref<10000x128xf32, #tpu.memory_space<hbm>>) target(%arg9 : memref<128x128xf32, #tpu.memory_space<vmem>>) offsets(%dma_start3A_735 : memref<128xi32, #tpu.memory_space<vmem>>) semaphore(%arg13 : memref<!tpu.dma_semaphore, #tpu.memory_space<semaphore_mem>>)
      %dma_start3A_739 = arith.constant 25 : i32
      %dma_start3A_740 = arith.constant 0 : i32
      %dma_start3A_741 = tpu.memref_slice %arg8[%dma_start3A_739, %dma_start3A_740] : memref<40x128xi32, #tpu.memory_space<vmem>> -> memref<1x128xi32, #tpu.memory_space<vmem>>
      %dma_start3A_742 = tpu.memref_squeeze %dma_start3A_741 : memref<1x128xi32, #tpu.memory_space<vmem>> -> memref<128xi32, #tpu.memory_space<vmem>>
      %dma_start3A_743 = arith.constant 0 : i32
      %dma_start3A_744 = arith.constant 0 : i32
      %dma_start3A_745 = tpu.memref_slice %arg11[%dma_start3A_743, %dma_start3A_744] : memref<10112x128xf32, #tpu.memory_space<vmem_shared>> -> memref<10112x128xf32, #tpu.memory_space<vmem_shared>>
      tpu.enqueue_indirect_dma source(%arg10 : memref<128x128xf32, #tpu.memory_space<vmem>>) target(%dma_start3A_745 : memref<10112x128xf32, #tpu.memory_space<vmem_shared>>) offsets(%dma_start3A_742 : memref<128xi32, #tpu.memory_space<vmem>>) semaphore(%arg12 : memref<!tpu.dma_semaphore, #tpu.memory_space<semaphore_mem>>) {add = true}
      %dma_wait3A_746 = arith.constant 0 : i32
      %dma_wait3A_747 = arith.constant 0 : i32
      %dma_wait3A_748 = tpu.memref_slice %arg7[%dma_wait3A_746, %dma_wait3A_747] : memref<40x128xi32, #tpu.memory_space<vmem>> -> memref<1x128xi32, #tpu.memory_space<vmem>>
      %dma_wait3A_749 = tpu.memref_squeeze %dma_wait3A_748 : memref<1x128xi32, #tpu.memory_space<vmem>> -> memref<128xi32, #tpu.memory_space<vmem>>
      %dma_wait3A_750 = arith.constant 0 : i32
      %dma_wait3A_751 = arith.constant 0 : i32
      %dma_wait3A_752 = tpu.memref_slice %arg2[%dma_wait3A_750, %dma_wait3A_751] : memref<10000x128xf32, #tpu.memory_space<hbm>> -> memref<10000x128xf32, #tpu.memory_space<hbm>>
      tpu.wait_indirect_dma semaphore(%arg12 : memref<!tpu.dma_semaphore, #tpu.memory_space<semaphore_mem>>) src(%dma_wait3A_752 : memref<10000x128xf32, #tpu.memory_space<hbm>>) dst(%arg10 : memref<128x128xf32, #tpu.memory_space<vmem>>)
      %dma_start3A_753 = arith.constant 27 : i32
      %dma_start3A_754 = arith.constant 0 : i32
      %dma_start3A_755 = tpu.memref_slice %arg7[%dma_start3A_753, %dma_start3A_754] : memref<40x128xi32, #tpu.memory_space<vmem>> -> memref<1x128xi32, #tpu.memory_space<vmem>>
      %dma_start3A_756 = tpu.memref_squeeze %dma_start3A_755 : memref<1x128xi32, #tpu.memory_space<vmem>> -> memref<128xi32, #tpu.memory_space<vmem>>
      %dma_start3A_757 = arith.constant 0 : i32
      %dma_start3A_758 = arith.constant 0 : i32
      %dma_start3A_759 = tpu.memref_slice %arg2[%dma_start3A_757, %dma_start3A_758] : memref<10000x128xf32, #tpu.memory_space<hbm>> -> memref<10000x128xf32, #tpu.memory_space<hbm>>
      tpu.enqueue_indirect_dma source(%dma_start3A_759 : memref<10000x128xf32, #tpu.memory_space<hbm>>) target(%arg10 : memref<128x128xf32, #tpu.memory_space<vmem>>) offsets(%dma_start3A_756 : memref<128xi32, #tpu.memory_space<vmem>>) semaphore(%arg14 : memref<!tpu.dma_semaphore, #tpu.memory_space<semaphore_mem>>)
      %dma_wait3A_760 = arith.constant 0 : i32
      %dma_wait3A_761 = arith.constant 0 : i32
      %dma_wait3A_762 = tpu.memref_slice %arg7[%dma_wait3A_760, %dma_wait3A_761] : memref<40x128xi32, #tpu.memory_space<vmem>> -> memref<1x128xi32, #tpu.memory_space<vmem>>
      %dma_wait3A_763 = tpu.memref_squeeze %dma_wait3A_762 : memref<1x128xi32, #tpu.memory_space<vmem>> -> memref<128xi32, #tpu.memory_space<vmem>>
      %dma_wait3A_764 = arith.constant 0 : i32
      %dma_wait3A_765 = arith.constant 0 : i32
      %dma_wait3A_766 = tpu.memref_slice %arg2[%dma_wait3A_764, %dma_wait3A_765] : memref<10000x128xf32, #tpu.memory_space<hbm>> -> memref<10000x128xf32, #tpu.memory_space<hbm>>
      tpu.wait_indirect_dma semaphore(%arg13 : memref<!tpu.dma_semaphore, #tpu.memory_space<semaphore_mem>>) src(%dma_wait3A_766 : memref<10000x128xf32, #tpu.memory_space<hbm>>) dst(%arg9 : memref<128x128xf32, #tpu.memory_space<vmem>>)
      %dma_start3A_767 = arith.constant 26 : i32
      %dma_start3A_768 = arith.constant 0 : i32
      %dma_start3A_769 = tpu.memref_slice %arg8[%dma_start3A_767, %dma_start3A_768] : memref<40x128xi32, #tpu.memory_space<vmem>> -> memref<1x128xi32, #tpu.memory_space<vmem>>
      %dma_start3A_770 = tpu.memref_squeeze %dma_start3A_769 : memref<1x128xi32, #tpu.memory_space<vmem>> -> memref<128xi32, #tpu.memory_space<vmem>>
      %dma_start3A_771 = arith.constant 0 : i32
      %dma_start3A_772 = arith.constant 0 : i32
      %dma_start3A_773 = tpu.memref_slice %arg11[%dma_start3A_771, %dma_start3A_772] : memref<10112x128xf32, #tpu.memory_space<vmem_shared>> -> memref<10112x128xf32, #tpu.memory_space<vmem_shared>>
      tpu.enqueue_indirect_dma source(%arg9 : memref<128x128xf32, #tpu.memory_space<vmem>>) target(%dma_start3A_773 : memref<10112x128xf32, #tpu.memory_space<vmem_shared>>) offsets(%dma_start3A_770 : memref<128xi32, #tpu.memory_space<vmem>>) semaphore(%arg12 : memref<!tpu.dma_semaphore, #tpu.memory_space<semaphore_mem>>) {add = true}
      %dma_wait3A_774 = arith.constant 0 : i32
      %dma_wait3A_775 = arith.constant 0 : i32
      %dma_wait3A_776 = tpu.memref_slice %arg7[%dma_wait3A_774, %dma_wait3A_775] : memref<40x128xi32, #tpu.memory_space<vmem>> -> memref<1x128xi32, #tpu.memory_space<vmem>>
      %dma_wait3A_777 = tpu.memref_squeeze %dma_wait3A_776 : memref<1x128xi32, #tpu.memory_space<vmem>> -> memref<128xi32, #tpu.memory_space<vmem>>
      %dma_wait3A_778 = arith.constant 0 : i32
      %dma_wait3A_779 = arith.constant 0 : i32
      %dma_wait3A_780 = tpu.memref_slice %arg2[%dma_wait3A_778, %dma_wait3A_779] : memref<10000x128xf32, #tpu.memory_space<hbm>> -> memref<10000x128xf32, #tpu.memory_space<hbm>>
      tpu.wait_indirect_dma semaphore(%arg14 : memref<!tpu.dma_semaphore, #tpu.memory_space<semaphore_mem>>) src(%dma_wait3A_780 : memref<10000x128xf32, #tpu.memory_space<hbm>>) dst(%arg10 : memref<128x128xf32, #tpu.memory_space<vmem>>)
      %dma_wait3A_781 = arith.constant 0 : i32
      %dma_wait3A_782 = arith.constant 0 : i32
      %dma_wait3A_783 = tpu.memref_slice %arg7[%dma_wait3A_781, %dma_wait3A_782] : memref<40x128xi32, #tpu.memory_space<vmem>> -> memref<1x128xi32, #tpu.memory_space<vmem>>
      %dma_wait3A_784 = tpu.memref_squeeze %dma_wait3A_783 : memref<1x128xi32, #tpu.memory_space<vmem>> -> memref<128xi32, #tpu.memory_space<vmem>>
      %dma_wait3A_785 = arith.constant 0 : i32
      %dma_wait3A_786 = arith.constant 0 : i32
      %dma_wait3A_787 = tpu.memref_slice %arg2[%dma_wait3A_785, %dma_wait3A_786] : memref<10000x128xf32, #tpu.memory_space<hbm>> -> memref<10000x128xf32, #tpu.memory_space<hbm>>
      tpu.wait_indirect_dma semaphore(%arg12 : memref<!tpu.dma_semaphore, #tpu.memory_space<semaphore_mem>>) src(%dma_wait3A_787 : memref<10000x128xf32, #tpu.memory_space<hbm>>) dst(%arg9 : memref<128x128xf32, #tpu.memory_space<vmem>>)
      %dma_start3A_788 = arith.constant 28 : i32
      %dma_start3A_789 = arith.constant 0 : i32
      %dma_start3A_790 = tpu.memref_slice %arg7[%dma_start3A_788, %dma_start3A_789] : memref<40x128xi32, #tpu.memory_space<vmem>> -> memref<1x128xi32, #tpu.memory_space<vmem>>
      %dma_start3A_791 = tpu.memref_squeeze %dma_start3A_790 : memref<1x128xi32, #tpu.memory_space<vmem>> -> memref<128xi32, #tpu.memory_space<vmem>>
      %dma_start3A_792 = arith.constant 0 : i32
      %dma_start3A_793 = arith.constant 0 : i32
      %dma_start3A_794 = tpu.memref_slice %arg2[%dma_start3A_792, %dma_start3A_793] : memref<10000x128xf32, #tpu.memory_space<hbm>> -> memref<10000x128xf32, #tpu.memory_space<hbm>>
      tpu.enqueue_indirect_dma source(%dma_start3A_794 : memref<10000x128xf32, #tpu.memory_space<hbm>>) target(%arg9 : memref<128x128xf32, #tpu.memory_space<vmem>>) offsets(%dma_start3A_791 : memref<128xi32, #tpu.memory_space<vmem>>) semaphore(%arg13 : memref<!tpu.dma_semaphore, #tpu.memory_space<semaphore_mem>>)
      %dma_start3A_795 = arith.constant 27 : i32
      %dma_start3A_796 = arith.constant 0 : i32
      %dma_start3A_797 = tpu.memref_slice %arg8[%dma_start3A_795, %dma_start3A_796] : memref<40x128xi32, #tpu.memory_space<vmem>> -> memref<1x128xi32, #tpu.memory_space<vmem>>
      %dma_start3A_798 = tpu.memref_squeeze %dma_start3A_797 : memref<1x128xi32, #tpu.memory_space<vmem>> -> memref<128xi32, #tpu.memory_space<vmem>>
      %dma_start3A_799 = arith.constant 0 : i32
      %dma_start3A_800 = arith.constant 0 : i32
      %dma_start3A_801 = tpu.memref_slice %arg11[%dma_start3A_799, %dma_start3A_800] : memref<10112x128xf32, #tpu.memory_space<vmem_shared>> -> memref<10112x128xf32, #tpu.memory_space<vmem_shared>>
      tpu.enqueue_indirect_dma source(%arg10 : memref<128x128xf32, #tpu.memory_space<vmem>>) target(%dma_start3A_801 : memref<10112x128xf32, #tpu.memory_space<vmem_shared>>) offsets(%dma_start3A_798 : memref<128xi32, #tpu.memory_space<vmem>>) semaphore(%arg12 : memref<!tpu.dma_semaphore, #tpu.memory_space<semaphore_mem>>) {add = true}
      %dma_wait3A_802 = arith.constant 0 : i32
      %dma_wait3A_803 = arith.constant 0 : i32
      %dma_wait3A_804 = tpu.memref_slice %arg7[%dma_wait3A_802, %dma_wait3A_803] : memref<40x128xi32, #tpu.memory_space<vmem>> -> memref<1x128xi32, #tpu.memory_space<vmem>>
      %dma_wait3A_805 = tpu.memref_squeeze %dma_wait3A_804 : memref<1x128xi32, #tpu.memory_space<vmem>> -> memref<128xi32, #tpu.memory_space<vmem>>
      %dma_wait3A_806 = arith.constant 0 : i32
      %dma_wait3A_807 = arith.constant 0 : i32
      %dma_wait3A_808 = tpu.memref_slice %arg2[%dma_wait3A_806, %dma_wait3A_807] : memref<10000x128xf32, #tpu.memory_space<hbm>> -> memref<10000x128xf32, #tpu.memory_space<hbm>>
      tpu.wait_indirect_dma semaphore(%arg12 : memref<!tpu.dma_semaphore, #tpu.memory_space<semaphore_mem>>) src(%dma_wait3A_808 : memref<10000x128xf32, #tpu.memory_space<hbm>>) dst(%arg10 : memref<128x128xf32, #tpu.memory_space<vmem>>)
      %dma_start3A_809 = arith.constant 29 : i32
      %dma_start3A_810 = arith.constant 0 : i32
      %dma_start3A_811 = tpu.memref_slice %arg7[%dma_start3A_809, %dma_start3A_810] : memref<40x128xi32, #tpu.memory_space<vmem>> -> memref<1x128xi32, #tpu.memory_space<vmem>>
      %dma_start3A_812 = tpu.memref_squeeze %dma_start3A_811 : memref<1x128xi32, #tpu.memory_space<vmem>> -> memref<128xi32, #tpu.memory_space<vmem>>
      %dma_start3A_813 = arith.constant 0 : i32
      %dma_start3A_814 = arith.constant 0 : i32
      %dma_start3A_815 = tpu.memref_slice %arg2[%dma_start3A_813, %dma_start3A_814] : memref<10000x128xf32, #tpu.memory_space<hbm>> -> memref<10000x128xf32, #tpu.memory_space<hbm>>
      tpu.enqueue_indirect_dma source(%dma_start3A_815 : memref<10000x128xf32, #tpu.memory_space<hbm>>) target(%arg10 : memref<128x128xf32, #tpu.memory_space<vmem>>) offsets(%dma_start3A_812 : memref<128xi32, #tpu.memory_space<vmem>>) semaphore(%arg14 : memref<!tpu.dma_semaphore, #tpu.memory_space<semaphore_mem>>)
      %dma_wait3A_816 = arith.constant 0 : i32
      %dma_wait3A_817 = arith.constant 0 : i32
      %dma_wait3A_818 = tpu.memref_slice %arg7[%dma_wait3A_816, %dma_wait3A_817] : memref<40x128xi32, #tpu.memory_space<vmem>> -> memref<1x128xi32, #tpu.memory_space<vmem>>
      %dma_wait3A_819 = tpu.memref_squeeze %dma_wait3A_818 : memref<1x128xi32, #tpu.memory_space<vmem>> -> memref<128xi32, #tpu.memory_space<vmem>>
      %dma_wait3A_820 = arith.constant 0 : i32
      %dma_wait3A_821 = arith.constant 0 : i32
      %dma_wait3A_822 = tpu.memref_slice %arg2[%dma_wait3A_820, %dma_wait3A_821] : memref<10000x128xf32, #tpu.memory_space<hbm>> -> memref<10000x128xf32, #tpu.memory_space<hbm>>
      tpu.wait_indirect_dma semaphore(%arg13 : memref<!tpu.dma_semaphore, #tpu.memory_space<semaphore_mem>>) src(%dma_wait3A_822 : memref<10000x128xf32, #tpu.memory_space<hbm>>) dst(%arg9 : memref<128x128xf32, #tpu.memory_space<vmem>>)
      %dma_start3A_823 = arith.constant 28 : i32
      %dma_start3A_824 = arith.constant 0 : i32
      %dma_start3A_825 = tpu.memref_slice %arg8[%dma_start3A_823, %dma_start3A_824] : memref<40x128xi32, #tpu.memory_space<vmem>> -> memref<1x128xi32, #tpu.memory_space<vmem>>
      %dma_start3A_826 = tpu.memref_squeeze %dma_start3A_825 : memref<1x128xi32, #tpu.memory_space<vmem>> -> memref<128xi32, #tpu.memory_space<vmem>>
      %dma_start3A_827 = arith.constant 0 : i32
      %dma_start3A_828 = arith.constant 0 : i32
      %dma_start3A_829 = tpu.memref_slice %arg11[%dma_start3A_827, %dma_start3A_828] : memref<10112x128xf32, #tpu.memory_space<vmem_shared>> -> memref<10112x128xf32, #tpu.memory_space<vmem_shared>>
      tpu.enqueue_indirect_dma source(%arg9 : memref<128x128xf32, #tpu.memory_space<vmem>>) target(%dma_start3A_829 : memref<10112x128xf32, #tpu.memory_space<vmem_shared>>) offsets(%dma_start3A_826 : memref<128xi32, #tpu.memory_space<vmem>>) semaphore(%arg12 : memref<!tpu.dma_semaphore, #tpu.memory_space<semaphore_mem>>) {add = true}
      %dma_wait3A_830 = arith.constant 0 : i32
      %dma_wait3A_831 = arith.constant 0 : i32
      %dma_wait3A_832 = tpu.memref_slice %arg7[%dma_wait3A_830, %dma_wait3A_831] : memref<40x128xi32, #tpu.memory_space<vmem>> -> memref<1x128xi32, #tpu.memory_space<vmem>>
      %dma_wait3A_833 = tpu.memref_squeeze %dma_wait3A_832 : memref<1x128xi32, #tpu.memory_space<vmem>> -> memref<128xi32, #tpu.memory_space<vmem>>
      %dma_wait3A_834 = arith.constant 0 : i32
      %dma_wait3A_835 = arith.constant 0 : i32
      %dma_wait3A_836 = tpu.memref_slice %arg2[%dma_wait3A_834, %dma_wait3A_835] : memref<10000x128xf32, #tpu.memory_space<hbm>> -> memref<10000x128xf32, #tpu.memory_space<hbm>>
      tpu.wait_indirect_dma semaphore(%arg14 : memref<!tpu.dma_semaphore, #tpu.memory_space<semaphore_mem>>) src(%dma_wait3A_836 : memref<10000x128xf32, #tpu.memory_space<hbm>>) dst(%arg10 : memref<128x128xf32, #tpu.memory_space<vmem>>)
      %dma_wait3A_837 = arith.constant 0 : i32
      %dma_wait3A_838 = arith.constant 0 : i32
      %dma_wait3A_839 = tpu.memref_slice %arg7[%dma_wait3A_837, %dma_wait3A_838] : memref<40x128xi32, #tpu.memory_space<vmem>> -> memref<1x128xi32, #tpu.memory_space<vmem>>
      %dma_wait3A_840 = tpu.memref_squeeze %dma_wait3A_839 : memref<1x128xi32, #tpu.memory_space<vmem>> -> memref<128xi32, #tpu.memory_space<vmem>>
      %dma_wait3A_841 = arith.constant 0 : i32
      %dma_wait3A_842 = arith.constant 0 : i32
      %dma_wait3A_843 = tpu.memref_slice %arg2[%dma_wait3A_841, %dma_wait3A_842] : memref<10000x128xf32, #tpu.memory_space<hbm>> -> memref<10000x128xf32, #tpu.memory_space<hbm>>
      tpu.wait_indirect_dma semaphore(%arg12 : memref<!tpu.dma_semaphore, #tpu.memory_space<semaphore_mem>>) src(%dma_wait3A_843 : memref<10000x128xf32, #tpu.memory_space<hbm>>) dst(%arg9 : memref<128x128xf32, #tpu.memory_space<vmem>>)
      %dma_start3A_844 = arith.constant 30 : i32
      %dma_start3A_845 = arith.constant 0 : i32
      %dma_start3A_846 = tpu.memref_slice %arg7[%dma_start3A_844, %dma_start3A_845] : memref<40x128xi32, #tpu.memory_space<vmem>> -> memref<1x128xi32, #tpu.memory_space<vmem>>
      %dma_start3A_847 = tpu.memref_squeeze %dma_start3A_846 : memref<1x128xi32, #tpu.memory_space<vmem>> -> memref<128xi32, #tpu.memory_space<vmem>>
      %dma_start3A_848 = arith.constant 0 : i32
      %dma_start3A_849 = arith.constant 0 : i32
      %dma_start3A_850 = tpu.memref_slice %arg2[%dma_start3A_848, %dma_start3A_849] : memref<10000x128xf32, #tpu.memory_space<hbm>> -> memref<10000x128xf32, #tpu.memory_space<hbm>>
      tpu.enqueue_indirect_dma source(%dma_start3A_850 : memref<10000x128xf32, #tpu.memory_space<hbm>>) target(%arg9 : memref<128x128xf32, #tpu.memory_space<vmem>>) offsets(%dma_start3A_847 : memref<128xi32, #tpu.memory_space<vmem>>) semaphore(%arg13 : memref<!tpu.dma_semaphore, #tpu.memory_space<semaphore_mem>>)
      %dma_start3A_851 = arith.constant 29 : i32
      %dma_start3A_852 = arith.constant 0 : i32
      %dma_start3A_853 = tpu.memref_slice %arg8[%dma_start3A_851, %dma_start3A_852] : memref<40x128xi32, #tpu.memory_space<vmem>> -> memref<1x128xi32, #tpu.memory_space<vmem>>
      %dma_start3A_854 = tpu.memref_squeeze %dma_start3A_853 : memref<1x128xi32, #tpu.memory_space<vmem>> -> memref<128xi32, #tpu.memory_space<vmem>>
      %dma_start3A_855 = arith.constant 0 : i32
      %dma_start3A_856 = arith.constant 0 : i32
      %dma_start3A_857 = tpu.memref_slice %arg11[%dma_start3A_855, %dma_start3A_856] : memref<10112x128xf32, #tpu.memory_space<vmem_shared>> -> memref<10112x128xf32, #tpu.memory_space<vmem_shared>>
      tpu.enqueue_indirect_dma source(%arg10 : memref<128x128xf32, #tpu.memory_space<vmem>>) target(%dma_start3A_857 : memref<10112x128xf32, #tpu.memory_space<vmem_shared>>) offsets(%dma_start3A_854 : memref<128xi32, #tpu.memory_space<vmem>>) semaphore(%arg12 : memref<!tpu.dma_semaphore, #tpu.memory_space<semaphore_mem>>) {add = true}
      %dma_wait3A_858 = arith.constant 0 : i32
      %dma_wait3A_859 = arith.constant 0 : i32
      %dma_wait3A_860 = tpu.memref_slice %arg7[%dma_wait3A_858, %dma_wait3A_859] : memref<40x128xi32, #tpu.memory_space<vmem>> -> memref<1x128xi32, #tpu.memory_space<vmem>>
      %dma_wait3A_861 = tpu.memref_squeeze %dma_wait3A_860 : memref<1x128xi32, #tpu.memory_space<vmem>> -> memref<128xi32, #tpu.memory_space<vmem>>
      %dma_wait3A_862 = arith.constant 0 : i32
      %dma_wait3A_863 = arith.constant 0 : i32
      %dma_wait3A_864 = tpu.memref_slice %arg2[%dma_wait3A_862, %dma_wait3A_863] : memref<10000x128xf32, #tpu.memory_space<hbm>> -> memref<10000x128xf32, #tpu.memory_space<hbm>>
      tpu.wait_indirect_dma semaphore(%arg12 : memref<!tpu.dma_semaphore, #tpu.memory_space<semaphore_mem>>) src(%dma_wait3A_864 : memref<10000x128xf32, #tpu.memory_space<hbm>>) dst(%arg10 : memref<128x128xf32, #tpu.memory_space<vmem>>)
      %dma_start3A_865 = arith.constant 31 : i32
      %dma_start3A_866 = arith.constant 0 : i32
      %dma_start3A_867 = tpu.memref_slice %arg7[%dma_start3A_865, %dma_start3A_866] : memref<40x128xi32, #tpu.memory_space<vmem>> -> memref<1x128xi32, #tpu.memory_space<vmem>>
      %dma_start3A_868 = tpu.memref_squeeze %dma_start3A_867 : memref<1x128xi32, #tpu.memory_space<vmem>> -> memref<128xi32, #tpu.memory_space<vmem>>
      %dma_start3A_869 = arith.constant 0 : i32
      %dma_start3A_870 = arith.constant 0 : i32
      %dma_start3A_871 = tpu.memref_slice %arg2[%dma_start3A_869, %dma_start3A_870] : memref<10000x128xf32, #tpu.memory_space<hbm>> -> memref<10000x128xf32, #tpu.memory_space<hbm>>
      tpu.enqueue_indirect_dma source(%dma_start3A_871 : memref<10000x128xf32, #tpu.memory_space<hbm>>) target(%arg10 : memref<128x128xf32, #tpu.memory_space<vmem>>) offsets(%dma_start3A_868 : memref<128xi32, #tpu.memory_space<vmem>>) semaphore(%arg14 : memref<!tpu.dma_semaphore, #tpu.memory_space<semaphore_mem>>)
      %dma_wait3A_872 = arith.constant 0 : i32
      %dma_wait3A_873 = arith.constant 0 : i32
      %dma_wait3A_874 = tpu.memref_slice %arg7[%dma_wait3A_872, %dma_wait3A_873] : memref<40x128xi32, #tpu.memory_space<vmem>> -> memref<1x128xi32, #tpu.memory_space<vmem>>
      %dma_wait3A_875 = tpu.memref_squeeze %dma_wait3A_874 : memref<1x128xi32, #tpu.memory_space<vmem>> -> memref<128xi32, #tpu.memory_space<vmem>>
      %dma_wait3A_876 = arith.constant 0 : i32
      %dma_wait3A_877 = arith.constant 0 : i32
      %dma_wait3A_878 = tpu.memref_slice %arg2[%dma_wait3A_876, %dma_wait3A_877] : memref<10000x128xf32, #tpu.memory_space<hbm>> -> memref<10000x128xf32, #tpu.memory_space<hbm>>
      tpu.wait_indirect_dma semaphore(%arg13 : memref<!tpu.dma_semaphore, #tpu.memory_space<semaphore_mem>>) src(%dma_wait3A_878 : memref<10000x128xf32, #tpu.memory_space<hbm>>) dst(%arg9 : memref<128x128xf32, #tpu.memory_space<vmem>>)
      %dma_start3A_879 = arith.constant 30 : i32
      %dma_start3A_880 = arith.constant 0 : i32
      %dma_start3A_881 = tpu.memref_slice %arg8[%dma_start3A_879, %dma_start3A_880] : memref<40x128xi32, #tpu.memory_space<vmem>> -> memref<1x128xi32, #tpu.memory_space<vmem>>
      %dma_start3A_882 = tpu.memref_squeeze %dma_start3A_881 : memref<1x128xi32, #tpu.memory_space<vmem>> -> memref<128xi32, #tpu.memory_space<vmem>>
      %dma_start3A_883 = arith.constant 0 : i32
      %dma_start3A_884 = arith.constant 0 : i32
      %dma_start3A_885 = tpu.memref_slice %arg11[%dma_start3A_883, %dma_start3A_884] : memref<10112x128xf32, #tpu.memory_space<vmem_shared>> -> memref<10112x128xf32, #tpu.memory_space<vmem_shared>>
      tpu.enqueue_indirect_dma source(%arg9 : memref<128x128xf32, #tpu.memory_space<vmem>>) target(%dma_start3A_885 : memref<10112x128xf32, #tpu.memory_space<vmem_shared>>) offsets(%dma_start3A_882 : memref<128xi32, #tpu.memory_space<vmem>>) semaphore(%arg12 : memref<!tpu.dma_semaphore, #tpu.memory_space<semaphore_mem>>) {add = true}
      %dma_wait3A_886 = arith.constant 0 : i32
      %dma_wait3A_887 = arith.constant 0 : i32
      %dma_wait3A_888 = tpu.memref_slice %arg7[%dma_wait3A_886, %dma_wait3A_887] : memref<40x128xi32, #tpu.memory_space<vmem>> -> memref<1x128xi32, #tpu.memory_space<vmem>>
      %dma_wait3A_889 = tpu.memref_squeeze %dma_wait3A_888 : memref<1x128xi32, #tpu.memory_space<vmem>> -> memref<128xi32, #tpu.memory_space<vmem>>
      %dma_wait3A_890 = arith.constant 0 : i32
      %dma_wait3A_891 = arith.constant 0 : i32
      %dma_wait3A_892 = tpu.memref_slice %arg2[%dma_wait3A_890, %dma_wait3A_891] : memref<10000x128xf32, #tpu.memory_space<hbm>> -> memref<10000x128xf32, #tpu.memory_space<hbm>>
      tpu.wait_indirect_dma semaphore(%arg14 : memref<!tpu.dma_semaphore, #tpu.memory_space<semaphore_mem>>) src(%dma_wait3A_892 : memref<10000x128xf32, #tpu.memory_space<hbm>>) dst(%arg10 : memref<128x128xf32, #tpu.memory_space<vmem>>)
      %dma_wait3A_893 = arith.constant 0 : i32
      %dma_wait3A_894 = arith.constant 0 : i32
      %dma_wait3A_895 = tpu.memref_slice %arg7[%dma_wait3A_893, %dma_wait3A_894] : memref<40x128xi32, #tpu.memory_space<vmem>> -> memref<1x128xi32, #tpu.memory_space<vmem>>
      %dma_wait3A_896 = tpu.memref_squeeze %dma_wait3A_895 : memref<1x128xi32, #tpu.memory_space<vmem>> -> memref<128xi32, #tpu.memory_space<vmem>>
      %dma_wait3A_897 = arith.constant 0 : i32
      %dma_wait3A_898 = arith.constant 0 : i32
      %dma_wait3A_899 = tpu.memref_slice %arg2[%dma_wait3A_897, %dma_wait3A_898] : memref<10000x128xf32, #tpu.memory_space<hbm>> -> memref<10000x128xf32, #tpu.memory_space<hbm>>
      tpu.wait_indirect_dma semaphore(%arg12 : memref<!tpu.dma_semaphore, #tpu.memory_space<semaphore_mem>>) src(%dma_wait3A_899 : memref<10000x128xf32, #tpu.memory_space<hbm>>) dst(%arg9 : memref<128x128xf32, #tpu.memory_space<vmem>>)
      %dma_start3A_900 = arith.constant 32 : i32
      %dma_start3A_901 = arith.constant 0 : i32
      %dma_start3A_902 = tpu.memref_slice %arg7[%dma_start3A_900, %dma_start3A_901] : memref<40x128xi32, #tpu.memory_space<vmem>> -> memref<1x128xi32, #tpu.memory_space<vmem>>
      %dma_start3A_903 = tpu.memref_squeeze %dma_start3A_902 : memref<1x128xi32, #tpu.memory_space<vmem>> -> memref<128xi32, #tpu.memory_space<vmem>>
      %dma_start3A_904 = arith.constant 0 : i32
      %dma_start3A_905 = arith.constant 0 : i32
      %dma_start3A_906 = tpu.memref_slice %arg2[%dma_start3A_904, %dma_start3A_905] : memref<10000x128xf32, #tpu.memory_space<hbm>> -> memref<10000x128xf32, #tpu.memory_space<hbm>>
      tpu.enqueue_indirect_dma source(%dma_start3A_906 : memref<10000x128xf32, #tpu.memory_space<hbm>>) target(%arg9 : memref<128x128xf32, #tpu.memory_space<vmem>>) offsets(%dma_start3A_903 : memref<128xi32, #tpu.memory_space<vmem>>) semaphore(%arg13 : memref<!tpu.dma_semaphore, #tpu.memory_space<semaphore_mem>>)
      %dma_start3A_907 = arith.constant 31 : i32
      %dma_start3A_908 = arith.constant 0 : i32
      %dma_start3A_909 = tpu.memref_slice %arg8[%dma_start3A_907, %dma_start3A_908] : memref<40x128xi32, #tpu.memory_space<vmem>> -> memref<1x128xi32, #tpu.memory_space<vmem>>
      %dma_start3A_910 = tpu.memref_squeeze %dma_start3A_909 : memref<1x128xi32, #tpu.memory_space<vmem>> -> memref<128xi32, #tpu.memory_space<vmem>>
      %dma_start3A_911 = arith.constant 0 : i32
      %dma_start3A_912 = arith.constant 0 : i32
      %dma_start3A_913 = tpu.memref_slice %arg11[%dma_start3A_911, %dma_start3A_912] : memref<10112x128xf32, #tpu.memory_space<vmem_shared>> -> memref<10112x128xf32, #tpu.memory_space<vmem_shared>>
      tpu.enqueue_indirect_dma source(%arg10 : memref<128x128xf32, #tpu.memory_space<vmem>>) target(%dma_start3A_913 : memref<10112x128xf32, #tpu.memory_space<vmem_shared>>) offsets(%dma_start3A_910 : memref<128xi32, #tpu.memory_space<vmem>>) semaphore(%arg12 : memref<!tpu.dma_semaphore, #tpu.memory_space<semaphore_mem>>) {add = true}
      %dma_wait3A_914 = arith.constant 0 : i32
      %dma_wait3A_915 = arith.constant 0 : i32
      %dma_wait3A_916 = tpu.memref_slice %arg7[%dma_wait3A_914, %dma_wait3A_915] : memref<40x128xi32, #tpu.memory_space<vmem>> -> memref<1x128xi32, #tpu.memory_space<vmem>>
      %dma_wait3A_917 = tpu.memref_squeeze %dma_wait3A_916 : memref<1x128xi32, #tpu.memory_space<vmem>> -> memref<128xi32, #tpu.memory_space<vmem>>
      %dma_wait3A_918 = arith.constant 0 : i32
      %dma_wait3A_919 = arith.constant 0 : i32
      %dma_wait3A_920 = tpu.memref_slice %arg2[%dma_wait3A_918, %dma_wait3A_919] : memref<10000x128xf32, #tpu.memory_space<hbm>> -> memref<10000x128xf32, #tpu.memory_space<hbm>>
      tpu.wait_indirect_dma semaphore(%arg12 : memref<!tpu.dma_semaphore, #tpu.memory_space<semaphore_mem>>) src(%dma_wait3A_920 : memref<10000x128xf32, #tpu.memory_space<hbm>>) dst(%arg10 : memref<128x128xf32, #tpu.memory_space<vmem>>)
      %dma_start3A_921 = arith.constant 33 : i32
      %dma_start3A_922 = arith.constant 0 : i32
      %dma_start3A_923 = tpu.memref_slice %arg7[%dma_start3A_921, %dma_start3A_922] : memref<40x128xi32, #tpu.memory_space<vmem>> -> memref<1x128xi32, #tpu.memory_space<vmem>>
      %dma_start3A_924 = tpu.memref_squeeze %dma_start3A_923 : memref<1x128xi32, #tpu.memory_space<vmem>> -> memref<128xi32, #tpu.memory_space<vmem>>
      %dma_start3A_925 = arith.constant 0 : i32
      %dma_start3A_926 = arith.constant 0 : i32
      %dma_start3A_927 = tpu.memref_slice %arg2[%dma_start3A_925, %dma_start3A_926] : memref<10000x128xf32, #tpu.memory_space<hbm>> -> memref<10000x128xf32, #tpu.memory_space<hbm>>
      tpu.enqueue_indirect_dma source(%dma_start3A_927 : memref<10000x128xf32, #tpu.memory_space<hbm>>) target(%arg10 : memref<128x128xf32, #tpu.memory_space<vmem>>) offsets(%dma_start3A_924 : memref<128xi32, #tpu.memory_space<vmem>>) semaphore(%arg14 : memref<!tpu.dma_semaphore, #tpu.memory_space<semaphore_mem>>)
      %dma_wait3A_928 = arith.constant 0 : i32
      %dma_wait3A_929 = arith.constant 0 : i32
      %dma_wait3A_930 = tpu.memref_slice %arg7[%dma_wait3A_928, %dma_wait3A_929] : memref<40x128xi32, #tpu.memory_space<vmem>> -> memref<1x128xi32, #tpu.memory_space<vmem>>
      %dma_wait3A_931 = tpu.memref_squeeze %dma_wait3A_930 : memref<1x128xi32, #tpu.memory_space<vmem>> -> memref<128xi32, #tpu.memory_space<vmem>>
      %dma_wait3A_932 = arith.constant 0 : i32
      %dma_wait3A_933 = arith.constant 0 : i32
      %dma_wait3A_934 = tpu.memref_slice %arg2[%dma_wait3A_932, %dma_wait3A_933] : memref<10000x128xf32, #tpu.memory_space<hbm>> -> memref<10000x128xf32, #tpu.memory_space<hbm>>
      tpu.wait_indirect_dma semaphore(%arg13 : memref<!tpu.dma_semaphore, #tpu.memory_space<semaphore_mem>>) src(%dma_wait3A_934 : memref<10000x128xf32, #tpu.memory_space<hbm>>) dst(%arg9 : memref<128x128xf32, #tpu.memory_space<vmem>>)
      %dma_start3A_935 = arith.constant 32 : i32
      %dma_start3A_936 = arith.constant 0 : i32
      %dma_start3A_937 = tpu.memref_slice %arg8[%dma_start3A_935, %dma_start3A_936] : memref<40x128xi32, #tpu.memory_space<vmem>> -> memref<1x128xi32, #tpu.memory_space<vmem>>
      %dma_start3A_938 = tpu.memref_squeeze %dma_start3A_937 : memref<1x128xi32, #tpu.memory_space<vmem>> -> memref<128xi32, #tpu.memory_space<vmem>>
      %dma_start3A_939 = arith.constant 0 : i32
      %dma_start3A_940 = arith.constant 0 : i32
      %dma_start3A_941 = tpu.memref_slice %arg11[%dma_start3A_939, %dma_start3A_940] : memref<10112x128xf32, #tpu.memory_space<vmem_shared>> -> memref<10112x128xf32, #tpu.memory_space<vmem_shared>>
      tpu.enqueue_indirect_dma source(%arg9 : memref<128x128xf32, #tpu.memory_space<vmem>>) target(%dma_start3A_941 : memref<10112x128xf32, #tpu.memory_space<vmem_shared>>) offsets(%dma_start3A_938 : memref<128xi32, #tpu.memory_space<vmem>>) semaphore(%arg12 : memref<!tpu.dma_semaphore, #tpu.memory_space<semaphore_mem>>) {add = true}
      %dma_wait3A_942 = arith.constant 0 : i32
      %dma_wait3A_943 = arith.constant 0 : i32
      %dma_wait3A_944 = tpu.memref_slice %arg7[%dma_wait3A_942, %dma_wait3A_943] : memref<40x128xi32, #tpu.memory_space<vmem>> -> memref<1x128xi32, #tpu.memory_space<vmem>>
      %dma_wait3A_945 = tpu.memref_squeeze %dma_wait3A_944 : memref<1x128xi32, #tpu.memory_space<vmem>> -> memref<128xi32, #tpu.memory_space<vmem>>
      %dma_wait3A_946 = arith.constant 0 : i32
      %dma_wait3A_947 = arith.constant 0 : i32
      %dma_wait3A_948 = tpu.memref_slice %arg2[%dma_wait3A_946, %dma_wait3A_947] : memref<10000x128xf32, #tpu.memory_space<hbm>> -> memref<10000x128xf32, #tpu.memory_space<hbm>>
      tpu.wait_indirect_dma semaphore(%arg14 : memref<!tpu.dma_semaphore, #tpu.memory_space<semaphore_mem>>) src(%dma_wait3A_948 : memref<10000x128xf32, #tpu.memory_space<hbm>>) dst(%arg10 : memref<128x128xf32, #tpu.memory_space<vmem>>)
      %dma_wait3A_949 = arith.constant 0 : i32
      %dma_wait3A_950 = arith.constant 0 : i32
      %dma_wait3A_951 = tpu.memref_slice %arg7[%dma_wait3A_949, %dma_wait3A_950] : memref<40x128xi32, #tpu.memory_space<vmem>> -> memref<1x128xi32, #tpu.memory_space<vmem>>
      %dma_wait3A_952 = tpu.memref_squeeze %dma_wait3A_951 : memref<1x128xi32, #tpu.memory_space<vmem>> -> memref<128xi32, #tpu.memory_space<vmem>>
      %dma_wait3A_953 = arith.constant 0 : i32
      %dma_wait3A_954 = arith.constant 0 : i32
      %dma_wait3A_955 = tpu.memref_slice %arg2[%dma_wait3A_953, %dma_wait3A_954] : memref<10000x128xf32, #tpu.memory_space<hbm>> -> memref<10000x128xf32, #tpu.memory_space<hbm>>
      tpu.wait_indirect_dma semaphore(%arg12 : memref<!tpu.dma_semaphore, #tpu.memory_space<semaphore_mem>>) src(%dma_wait3A_955 : memref<10000x128xf32, #tpu.memory_space<hbm>>) dst(%arg9 : memref<128x128xf32, #tpu.memory_space<vmem>>)
      %dma_start3A_956 = arith.constant 34 : i32
      %dma_start3A_957 = arith.constant 0 : i32
      %dma_start3A_958 = tpu.memref_slice %arg7[%dma_start3A_956, %dma_start3A_957] : memref<40x128xi32, #tpu.memory_space<vmem>> -> memref<1x128xi32, #tpu.memory_space<vmem>>
      %dma_start3A_959 = tpu.memref_squeeze %dma_start3A_958 : memref<1x128xi32, #tpu.memory_space<vmem>> -> memref<128xi32, #tpu.memory_space<vmem>>
      %dma_start3A_960 = arith.constant 0 : i32
      %dma_start3A_961 = arith.constant 0 : i32
      %dma_start3A_962 = tpu.memref_slice %arg2[%dma_start3A_960, %dma_start3A_961] : memref<10000x128xf32, #tpu.memory_space<hbm>> -> memref<10000x128xf32, #tpu.memory_space<hbm>>
      tpu.enqueue_indirect_dma source(%dma_start3A_962 : memref<10000x128xf32, #tpu.memory_space<hbm>>) target(%arg9 : memref<128x128xf32, #tpu.memory_space<vmem>>) offsets(%dma_start3A_959 : memref<128xi32, #tpu.memory_space<vmem>>) semaphore(%arg13 : memref<!tpu.dma_semaphore, #tpu.memory_space<semaphore_mem>>)
      %dma_start3A_963 = arith.constant 33 : i32
      %dma_start3A_964 = arith.constant 0 : i32
      %dma_start3A_965 = tpu.memref_slice %arg8[%dma_start3A_963, %dma_start3A_964] : memref<40x128xi32, #tpu.memory_space<vmem>> -> memref<1x128xi32, #tpu.memory_space<vmem>>
      %dma_start3A_966 = tpu.memref_squeeze %dma_start3A_965 : memref<1x128xi32, #tpu.memory_space<vmem>> -> memref<128xi32, #tpu.memory_space<vmem>>
      %dma_start3A_967 = arith.constant 0 : i32
      %dma_start3A_968 = arith.constant 0 : i32
      %dma_start3A_969 = tpu.memref_slice %arg11[%dma_start3A_967, %dma_start3A_968] : memref<10112x128xf32, #tpu.memory_space<vmem_shared>> -> memref<10112x128xf32, #tpu.memory_space<vmem_shared>>
      tpu.enqueue_indirect_dma source(%arg10 : memref<128x128xf32, #tpu.memory_space<vmem>>) target(%dma_start3A_969 : memref<10112x128xf32, #tpu.memory_space<vmem_shared>>) offsets(%dma_start3A_966 : memref<128xi32, #tpu.memory_space<vmem>>) semaphore(%arg12 : memref<!tpu.dma_semaphore, #tpu.memory_space<semaphore_mem>>) {add = true}
      %dma_wait3A_970 = arith.constant 0 : i32
      %dma_wait3A_971 = arith.constant 0 : i32
      %dma_wait3A_972 = tpu.memref_slice %arg7[%dma_wait3A_970, %dma_wait3A_971] : memref<40x128xi32, #tpu.memory_space<vmem>> -> memref<1x128xi32, #tpu.memory_space<vmem>>
      %dma_wait3A_973 = tpu.memref_squeeze %dma_wait3A_972 : memref<1x128xi32, #tpu.memory_space<vmem>> -> memref<128xi32, #tpu.memory_space<vmem>>
      %dma_wait3A_974 = arith.constant 0 : i32
      %dma_wait3A_975 = arith.constant 0 : i32
      %dma_wait3A_976 = tpu.memref_slice %arg2[%dma_wait3A_974, %dma_wait3A_975] : memref<10000x128xf32, #tpu.memory_space<hbm>> -> memref<10000x128xf32, #tpu.memory_space<hbm>>
      tpu.wait_indirect_dma semaphore(%arg12 : memref<!tpu.dma_semaphore, #tpu.memory_space<semaphore_mem>>) src(%dma_wait3A_976 : memref<10000x128xf32, #tpu.memory_space<hbm>>) dst(%arg10 : memref<128x128xf32, #tpu.memory_space<vmem>>)
      %dma_start3A_977 = arith.constant 35 : i32
      %dma_start3A_978 = arith.constant 0 : i32
      %dma_start3A_979 = tpu.memref_slice %arg7[%dma_start3A_977, %dma_start3A_978] : memref<40x128xi32, #tpu.memory_space<vmem>> -> memref<1x128xi32, #tpu.memory_space<vmem>>
      %dma_start3A_980 = tpu.memref_squeeze %dma_start3A_979 : memref<1x128xi32, #tpu.memory_space<vmem>> -> memref<128xi32, #tpu.memory_space<vmem>>
      %dma_start3A_981 = arith.constant 0 : i32
      %dma_start3A_982 = arith.constant 0 : i32
      %dma_start3A_983 = tpu.memref_slice %arg2[%dma_start3A_981, %dma_start3A_982] : memref<10000x128xf32, #tpu.memory_space<hbm>> -> memref<10000x128xf32, #tpu.memory_space<hbm>>
      tpu.enqueue_indirect_dma source(%dma_start3A_983 : memref<10000x128xf32, #tpu.memory_space<hbm>>) target(%arg10 : memref<128x128xf32, #tpu.memory_space<vmem>>) offsets(%dma_start3A_980 : memref<128xi32, #tpu.memory_space<vmem>>) semaphore(%arg14 : memref<!tpu.dma_semaphore, #tpu.memory_space<semaphore_mem>>)
      %dma_wait3A_984 = arith.constant 0 : i32
      %dma_wait3A_985 = arith.constant 0 : i32
      %dma_wait3A_986 = tpu.memref_slice %arg7[%dma_wait3A_984, %dma_wait3A_985] : memref<40x128xi32, #tpu.memory_space<vmem>> -> memref<1x128xi32, #tpu.memory_space<vmem>>
      %dma_wait3A_987 = tpu.memref_squeeze %dma_wait3A_986 : memref<1x128xi32, #tpu.memory_space<vmem>> -> memref<128xi32, #tpu.memory_space<vmem>>
      %dma_wait3A_988 = arith.constant 0 : i32
      %dma_wait3A_989 = arith.constant 0 : i32
      %dma_wait3A_990 = tpu.memref_slice %arg2[%dma_wait3A_988, %dma_wait3A_989] : memref<10000x128xf32, #tpu.memory_space<hbm>> -> memref<10000x128xf32, #tpu.memory_space<hbm>>
      tpu.wait_indirect_dma semaphore(%arg13 : memref<!tpu.dma_semaphore, #tpu.memory_space<semaphore_mem>>) src(%dma_wait3A_990 : memref<10000x128xf32, #tpu.memory_space<hbm>>) dst(%arg9 : memref<128x128xf32, #tpu.memory_space<vmem>>)
      %dma_start3A_991 = arith.constant 34 : i32
      %dma_start3A_992 = arith.constant 0 : i32
      %dma_start3A_993 = tpu.memref_slice %arg8[%dma_start3A_991, %dma_start3A_992] : memref<40x128xi32, #tpu.memory_space<vmem>> -> memref<1x128xi32, #tpu.memory_space<vmem>>
      %dma_start3A_994 = tpu.memref_squeeze %dma_start3A_993 : memref<1x128xi32, #tpu.memory_space<vmem>> -> memref<128xi32, #tpu.memory_space<vmem>>
      %dma_start3A_995 = arith.constant 0 : i32
      %dma_start3A_996 = arith.constant 0 : i32
      %dma_start3A_997 = tpu.memref_slice %arg11[%dma_start3A_995, %dma_start3A_996] : memref<10112x128xf32, #tpu.memory_space<vmem_shared>> -> memref<10112x128xf32, #tpu.memory_space<vmem_shared>>
      tpu.enqueue_indirect_dma source(%arg9 : memref<128x128xf32, #tpu.memory_space<vmem>>) target(%dma_start3A_997 : memref<10112x128xf32, #tpu.memory_space<vmem_shared>>) offsets(%dma_start3A_994 : memref<128xi32, #tpu.memory_space<vmem>>) semaphore(%arg12 : memref<!tpu.dma_semaphore, #tpu.memory_space<semaphore_mem>>) {add = true}
      %dma_wait3A_998 = arith.constant 0 : i32
      %dma_wait3A_999 = arith.constant 0 : i32
      %dma_wait3A_1000 = tpu.memref_slice %arg7[%dma_wait3A_998, %dma_wait3A_999] : memref<40x128xi32, #tpu.memory_space<vmem>> -> memref<1x128xi32, #tpu.memory_space<vmem>>
      %dma_wait3A_1001 = tpu.memref_squeeze %dma_wait3A_1000 : memref<1x128xi32, #tpu.memory_space<vmem>> -> memref<128xi32, #tpu.memory_space<vmem>>
      %dma_wait3A_1002 = arith.constant 0 : i32
      %dma_wait3A_1003 = arith.constant 0 : i32
      %dma_wait3A_1004 = tpu.memref_slice %arg2[%dma_wait3A_1002, %dma_wait3A_1003] : memref<10000x128xf32, #tpu.memory_space<hbm>> -> memref<10000x128xf32, #tpu.memory_space<hbm>>
      tpu.wait_indirect_dma semaphore(%arg14 : memref<!tpu.dma_semaphore, #tpu.memory_space<semaphore_mem>>) src(%dma_wait3A_1004 : memref<10000x128xf32, #tpu.memory_space<hbm>>) dst(%arg10 : memref<128x128xf32, #tpu.memory_space<vmem>>)
      %dma_wait3A_1005 = arith.constant 0 : i32
      %dma_wait3A_1006 = arith.constant 0 : i32
      %dma_wait3A_1007 = tpu.memref_slice %arg7[%dma_wait3A_1005, %dma_wait3A_1006] : memref<40x128xi32, #tpu.memory_space<vmem>> -> memref<1x128xi32, #tpu.memory_space<vmem>>
      %dma_wait3A_1008 = tpu.memref_squeeze %dma_wait3A_1007 : memref<1x128xi32, #tpu.memory_space<vmem>> -> memref<128xi32, #tpu.memory_space<vmem>>
      %dma_wait3A_1009 = arith.constant 0 : i32
      %dma_wait3A_1010 = arith.constant 0 : i32
      %dma_wait3A_1011 = tpu.memref_slice %arg2[%dma_wait3A_1009, %dma_wait3A_1010] : memref<10000x128xf32, #tpu.memory_space<hbm>> -> memref<10000x128xf32, #tpu.memory_space<hbm>>
      tpu.wait_indirect_dma semaphore(%arg12 : memref<!tpu.dma_semaphore, #tpu.memory_space<semaphore_mem>>) src(%dma_wait3A_1011 : memref<10000x128xf32, #tpu.memory_space<hbm>>) dst(%arg9 : memref<128x128xf32, #tpu.memory_space<vmem>>)
      %dma_start3A_1012 = arith.constant 36 : i32
      %dma_start3A_1013 = arith.constant 0 : i32
      %dma_start3A_1014 = tpu.memref_slice %arg7[%dma_start3A_1012, %dma_start3A_1013] : memref<40x128xi32, #tpu.memory_space<vmem>> -> memref<1x128xi32, #tpu.memory_space<vmem>>
      %dma_start3A_1015 = tpu.memref_squeeze %dma_start3A_1014 : memref<1x128xi32, #tpu.memory_space<vmem>> -> memref<128xi32, #tpu.memory_space<vmem>>
      %dma_start3A_1016 = arith.constant 0 : i32
      %dma_start3A_1017 = arith.constant 0 : i32
      %dma_start3A_1018 = tpu.memref_slice %arg2[%dma_start3A_1016, %dma_start3A_1017] : memref<10000x128xf32, #tpu.memory_space<hbm>> -> memref<10000x128xf32, #tpu.memory_space<hbm>>
      tpu.enqueue_indirect_dma source(%dma_start3A_1018 : memref<10000x128xf32, #tpu.memory_space<hbm>>) target(%arg9 : memref<128x128xf32, #tpu.memory_space<vmem>>) offsets(%dma_start3A_1015 : memref<128xi32, #tpu.memory_space<vmem>>) semaphore(%arg13 : memref<!tpu.dma_semaphore, #tpu.memory_space<semaphore_mem>>)
      %dma_start3A_1019 = arith.constant 35 : i32
      %dma_start3A_1020 = arith.constant 0 : i32
      %dma_start3A_1021 = tpu.memref_slice %arg8[%dma_start3A_1019, %dma_start3A_1020] : memref<40x128xi32, #tpu.memory_space<vmem>> -> memref<1x128xi32, #tpu.memory_space<vmem>>
      %dma_start3A_1022 = tpu.memref_squeeze %dma_start3A_1021 : memref<1x128xi32, #tpu.memory_space<vmem>> -> memref<128xi32, #tpu.memory_space<vmem>>
      %dma_start3A_1023 = arith.constant 0 : i32
      %dma_start3A_1024 = arith.constant 0 : i32
      %dma_start3A_1025 = tpu.memref_slice %arg11[%dma_start3A_1023, %dma_start3A_1024] : memref<10112x128xf32, #tpu.memory_space<vmem_shared>> -> memref<10112x128xf32, #tpu.memory_space<vmem_shared>>
      tpu.enqueue_indirect_dma source(%arg10 : memref<128x128xf32, #tpu.memory_space<vmem>>) target(%dma_start3A_1025 : memref<10112x128xf32, #tpu.memory_space<vmem_shared>>) offsets(%dma_start3A_1022 : memref<128xi32, #tpu.memory_space<vmem>>) semaphore(%arg12 : memref<!tpu.dma_semaphore, #tpu.memory_space<semaphore_mem>>) {add = true}
      %dma_wait3A_1026 = arith.constant 0 : i32
      %dma_wait3A_1027 = arith.constant 0 : i32
      %dma_wait3A_1028 = tpu.memref_slice %arg7[%dma_wait3A_1026, %dma_wait3A_1027] : memref<40x128xi32, #tpu.memory_space<vmem>> -> memref<1x128xi32, #tpu.memory_space<vmem>>
      %dma_wait3A_1029 = tpu.memref_squeeze %dma_wait3A_1028 : memref<1x128xi32, #tpu.memory_space<vmem>> -> memref<128xi32, #tpu.memory_space<vmem>>
      %dma_wait3A_1030 = arith.constant 0 : i32
      %dma_wait3A_1031 = arith.constant 0 : i32
      %dma_wait3A_1032 = tpu.memref_slice %arg2[%dma_wait3A_1030, %dma_wait3A_1031] : memref<10000x128xf32, #tpu.memory_space<hbm>> -> memref<10000x128xf32, #tpu.memory_space<hbm>>
      tpu.wait_indirect_dma semaphore(%arg12 : memref<!tpu.dma_semaphore, #tpu.memory_space<semaphore_mem>>) src(%dma_wait3A_1032 : memref<10000x128xf32, #tpu.memory_space<hbm>>) dst(%arg10 : memref<128x128xf32, #tpu.memory_space<vmem>>)
      %dma_start3A_1033 = arith.constant 37 : i32
      %dma_start3A_1034 = arith.constant 0 : i32
      %dma_start3A_1035 = tpu.memref_slice %arg7[%dma_start3A_1033, %dma_start3A_1034] : memref<40x128xi32, #tpu.memory_space<vmem>> -> memref<1x128xi32, #tpu.memory_space<vmem>>
      %dma_start3A_1036 = tpu.memref_squeeze %dma_start3A_1035 : memref<1x128xi32, #tpu.memory_space<vmem>> -> memref<128xi32, #tpu.memory_space<vmem>>
      %dma_start3A_1037 = arith.constant 0 : i32
      %dma_start3A_1038 = arith.constant 0 : i32
      %dma_start3A_1039 = tpu.memref_slice %arg2[%dma_start3A_1037, %dma_start3A_1038] : memref<10000x128xf32, #tpu.memory_space<hbm>> -> memref<10000x128xf32, #tpu.memory_space<hbm>>
      tpu.enqueue_indirect_dma source(%dma_start3A_1039 : memref<10000x128xf32, #tpu.memory_space<hbm>>) target(%arg10 : memref<128x128xf32, #tpu.memory_space<vmem>>) offsets(%dma_start3A_1036 : memref<128xi32, #tpu.memory_space<vmem>>) semaphore(%arg14 : memref<!tpu.dma_semaphore, #tpu.memory_space<semaphore_mem>>)
      %dma_wait3A_1040 = arith.constant 0 : i32
      %dma_wait3A_1041 = arith.constant 0 : i32
      %dma_wait3A_1042 = tpu.memref_slice %arg7[%dma_wait3A_1040, %dma_wait3A_1041] : memref<40x128xi32, #tpu.memory_space<vmem>> -> memref<1x128xi32, #tpu.memory_space<vmem>>
      %dma_wait3A_1043 = tpu.memref_squeeze %dma_wait3A_1042 : memref<1x128xi32, #tpu.memory_space<vmem>> -> memref<128xi32, #tpu.memory_space<vmem>>
      %dma_wait3A_1044 = arith.constant 0 : i32
      %dma_wait3A_1045 = arith.constant 0 : i32
      %dma_wait3A_1046 = tpu.memref_slice %arg2[%dma_wait3A_1044, %dma_wait3A_1045] : memref<10000x128xf32, #tpu.memory_space<hbm>> -> memref<10000x128xf32, #tpu.memory_space<hbm>>
      tpu.wait_indirect_dma semaphore(%arg13 : memref<!tpu.dma_semaphore, #tpu.memory_space<semaphore_mem>>) src(%dma_wait3A_1046 : memref<10000x128xf32, #tpu.memory_space<hbm>>) dst(%arg9 : memref<128x128xf32, #tpu.memory_space<vmem>>)
      %dma_start3A_1047 = arith.constant 36 : i32
      %dma_start3A_1048 = arith.constant 0 : i32
      %dma_start3A_1049 = tpu.memref_slice %arg8[%dma_start3A_1047, %dma_start3A_1048] : memref<40x128xi32, #tpu.memory_space<vmem>> -> memref<1x128xi32, #tpu.memory_space<vmem>>
      %dma_start3A_1050 = tpu.memref_squeeze %dma_start3A_1049 : memref<1x128xi32, #tpu.memory_space<vmem>> -> memref<128xi32, #tpu.memory_space<vmem>>
      %dma_start3A_1051 = arith.constant 0 : i32
      %dma_start3A_1052 = arith.constant 0 : i32
      %dma_start3A_1053 = tpu.memref_slice %arg11[%dma_start3A_1051, %dma_start3A_1052] : memref<10112x128xf32, #tpu.memory_space<vmem_shared>> -> memref<10112x128xf32, #tpu.memory_space<vmem_shared>>
      tpu.enqueue_indirect_dma source(%arg9 : memref<128x128xf32, #tpu.memory_space<vmem>>) target(%dma_start3A_1053 : memref<10112x128xf32, #tpu.memory_space<vmem_shared>>) offsets(%dma_start3A_1050 : memref<128xi32, #tpu.memory_space<vmem>>) semaphore(%arg12 : memref<!tpu.dma_semaphore, #tpu.memory_space<semaphore_mem>>) {add = true}
      %dma_wait3A_1054 = arith.constant 0 : i32
      %dma_wait3A_1055 = arith.constant 0 : i32
      %dma_wait3A_1056 = tpu.memref_slice %arg7[%dma_wait3A_1054, %dma_wait3A_1055] : memref<40x128xi32, #tpu.memory_space<vmem>> -> memref<1x128xi32, #tpu.memory_space<vmem>>
      %dma_wait3A_1057 = tpu.memref_squeeze %dma_wait3A_1056 : memref<1x128xi32, #tpu.memory_space<vmem>> -> memref<128xi32, #tpu.memory_space<vmem>>
      %dma_wait3A_1058 = arith.constant 0 : i32
      %dma_wait3A_1059 = arith.constant 0 : i32
      %dma_wait3A_1060 = tpu.memref_slice %arg2[%dma_wait3A_1058, %dma_wait3A_1059] : memref<10000x128xf32, #tpu.memory_space<hbm>> -> memref<10000x128xf32, #tpu.memory_space<hbm>>
      tpu.wait_indirect_dma semaphore(%arg14 : memref<!tpu.dma_semaphore, #tpu.memory_space<semaphore_mem>>) src(%dma_wait3A_1060 : memref<10000x128xf32, #tpu.memory_space<hbm>>) dst(%arg10 : memref<128x128xf32, #tpu.memory_space<vmem>>)
      %dma_wait3A_1061 = arith.constant 0 : i32
      %dma_wait3A_1062 = arith.constant 0 : i32
      %dma_wait3A_1063 = tpu.memref_slice %arg7[%dma_wait3A_1061, %dma_wait3A_1062] : memref<40x128xi32, #tpu.memory_space<vmem>> -> memref<1x128xi32, #tpu.memory_space<vmem>>
      %dma_wait3A_1064 = tpu.memref_squeeze %dma_wait3A_1063 : memref<1x128xi32, #tpu.memory_space<vmem>> -> memref<128xi32, #tpu.memory_space<vmem>>
      %dma_wait3A_1065 = arith.constant 0 : i32
      %dma_wait3A_1066 = arith.constant 0 : i32
      %dma_wait3A_1067 = tpu.memref_slice %arg2[%dma_wait3A_1065, %dma_wait3A_1066] : memref<10000x128xf32, #tpu.memory_space<hbm>> -> memref<10000x128xf32, #tpu.memory_space<hbm>>
      tpu.wait_indirect_dma semaphore(%arg12 : memref<!tpu.dma_semaphore, #tpu.memory_space<semaphore_mem>>) src(%dma_wait3A_1067 : memref<10000x128xf32, #tpu.memory_space<hbm>>) dst(%arg9 : memref<128x128xf32, #tpu.memory_space<vmem>>)
      %dma_start3A_1068 = arith.constant 38 : i32
      %dma_start3A_1069 = arith.constant 0 : i32
      %dma_start3A_1070 = tpu.memref_slice %arg7[%dma_start3A_1068, %dma_start3A_1069] : memref<40x128xi32, #tpu.memory_space<vmem>> -> memref<1x128xi32, #tpu.memory_space<vmem>>
      %dma_start3A_1071 = tpu.memref_squeeze %dma_start3A_1070 : memref<1x128xi32, #tpu.memory_space<vmem>> -> memref<128xi32, #tpu.memory_space<vmem>>
      %dma_start3A_1072 = arith.constant 0 : i32
      %dma_start3A_1073 = arith.constant 0 : i32
      %dma_start3A_1074 = tpu.memref_slice %arg2[%dma_start3A_1072, %dma_start3A_1073] : memref<10000x128xf32, #tpu.memory_space<hbm>> -> memref<10000x128xf32, #tpu.memory_space<hbm>>
      tpu.enqueue_indirect_dma source(%dma_start3A_1074 : memref<10000x128xf32, #tpu.memory_space<hbm>>) target(%arg9 : memref<128x128xf32, #tpu.memory_space<vmem>>) offsets(%dma_start3A_1071 : memref<128xi32, #tpu.memory_space<vmem>>) semaphore(%arg13 : memref<!tpu.dma_semaphore, #tpu.memory_space<semaphore_mem>>)
      %dma_start3A_1075 = arith.constant 37 : i32
      %dma_start3A_1076 = arith.constant 0 : i32
      %dma_start3A_1077 = tpu.memref_slice %arg8[%dma_start3A_1075, %dma_start3A_1076] : memref<40x128xi32, #tpu.memory_space<vmem>> -> memref<1x128xi32, #tpu.memory_space<vmem>>
      %dma_start3A_1078 = tpu.memref_squeeze %dma_start3A_1077 : memref<1x128xi32, #tpu.memory_space<vmem>> -> memref<128xi32, #tpu.memory_space<vmem>>
      %dma_start3A_1079 = arith.constant 0 : i32
      %dma_start3A_1080 = arith.constant 0 : i32
      %dma_start3A_1081 = tpu.memref_slice %arg11[%dma_start3A_1079, %dma_start3A_1080] : memref<10112x128xf32, #tpu.memory_space<vmem_shared>> -> memref<10112x128xf32, #tpu.memory_space<vmem_shared>>
      tpu.enqueue_indirect_dma source(%arg10 : memref<128x128xf32, #tpu.memory_space<vmem>>) target(%dma_start3A_1081 : memref<10112x128xf32, #tpu.memory_space<vmem_shared>>) offsets(%dma_start3A_1078 : memref<128xi32, #tpu.memory_space<vmem>>) semaphore(%arg12 : memref<!tpu.dma_semaphore, #tpu.memory_space<semaphore_mem>>) {add = true}
      %dma_wait3A_1082 = arith.constant 0 : i32
      %dma_wait3A_1083 = arith.constant 0 : i32
      %dma_wait3A_1084 = tpu.memref_slice %arg7[%dma_wait3A_1082, %dma_wait3A_1083] : memref<40x128xi32, #tpu.memory_space<vmem>> -> memref<1x128xi32, #tpu.memory_space<vmem>>
      %dma_wait3A_1085 = tpu.memref_squeeze %dma_wait3A_1084 : memref<1x128xi32, #tpu.memory_space<vmem>> -> memref<128xi32, #tpu.memory_space<vmem>>
      %dma_wait3A_1086 = arith.constant 0 : i32
      %dma_wait3A_1087 = arith.constant 0 : i32
      %dma_wait3A_1088 = tpu.memref_slice %arg2[%dma_wait3A_1086, %dma_wait3A_1087] : memref<10000x128xf32, #tpu.memory_space<hbm>> -> memref<10000x128xf32, #tpu.memory_space<hbm>>
      tpu.wait_indirect_dma semaphore(%arg12 : memref<!tpu.dma_semaphore, #tpu.memory_space<semaphore_mem>>) src(%dma_wait3A_1088 : memref<10000x128xf32, #tpu.memory_space<hbm>>) dst(%arg10 : memref<128x128xf32, #tpu.memory_space<vmem>>)
      %dma_start3A_1089 = arith.constant 39 : i32
      %dma_start3A_1090 = arith.constant 0 : i32
      %dma_start3A_1091 = tpu.memref_slice %arg7[%dma_start3A_1089, %dma_start3A_1090] : memref<40x128xi32, #tpu.memory_space<vmem>> -> memref<1x128xi32, #tpu.memory_space<vmem>>
      %dma_start3A_1092 = tpu.memref_squeeze %dma_start3A_1091 : memref<1x128xi32, #tpu.memory_space<vmem>> -> memref<128xi32, #tpu.memory_space<vmem>>
      %dma_start3A_1093 = arith.constant 0 : i32
      %dma_start3A_1094 = arith.constant 0 : i32
      %dma_start3A_1095 = tpu.memref_slice %arg2[%dma_start3A_1093, %dma_start3A_1094] : memref<10000x128xf32, #tpu.memory_space<hbm>> -> memref<10000x128xf32, #tpu.memory_space<hbm>>
      tpu.enqueue_indirect_dma source(%dma_start3A_1095 : memref<10000x128xf32, #tpu.memory_space<hbm>>) target(%arg10 : memref<128x128xf32, #tpu.memory_space<vmem>>) offsets(%dma_start3A_1092 : memref<128xi32, #tpu.memory_space<vmem>>) semaphore(%arg14 : memref<!tpu.dma_semaphore, #tpu.memory_space<semaphore_mem>>)
      %dma_wait3A_1096 = arith.constant 0 : i32
      %dma_wait3A_1097 = arith.constant 0 : i32
      %dma_wait3A_1098 = tpu.memref_slice %arg7[%dma_wait3A_1096, %dma_wait3A_1097] : memref<40x128xi32, #tpu.memory_space<vmem>> -> memref<1x128xi32, #tpu.memory_space<vmem>>
      %dma_wait3A_1099 = tpu.memref_squeeze %dma_wait3A_1098 : memref<1x128xi32, #tpu.memory_space<vmem>> -> memref<128xi32, #tpu.memory_space<vmem>>
      %dma_wait3A_1100 = arith.constant 0 : i32
      %dma_wait3A_1101 = arith.constant 0 : i32
      %dma_wait3A_1102 = tpu.memref_slice %arg2[%dma_wait3A_1100, %dma_wait3A_1101] : memref<10000x128xf32, #tpu.memory_space<hbm>> -> memref<10000x128xf32, #tpu.memory_space<hbm>>
      tpu.wait_indirect_dma semaphore(%arg13 : memref<!tpu.dma_semaphore, #tpu.memory_space<semaphore_mem>>) src(%dma_wait3A_1102 : memref<10000x128xf32, #tpu.memory_space<hbm>>) dst(%arg9 : memref<128x128xf32, #tpu.memory_space<vmem>>)
      %dma_start3A_1103 = arith.constant 38 : i32
      %dma_start3A_1104 = arith.constant 0 : i32
      %dma_start3A_1105 = tpu.memref_slice %arg8[%dma_start3A_1103, %dma_start3A_1104] : memref<40x128xi32, #tpu.memory_space<vmem>> -> memref<1x128xi32, #tpu.memory_space<vmem>>
      %dma_start3A_1106 = tpu.memref_squeeze %dma_start3A_1105 : memref<1x128xi32, #tpu.memory_space<vmem>> -> memref<128xi32, #tpu.memory_space<vmem>>
      %dma_start3A_1107 = arith.constant 0 : i32
      %dma_start3A_1108 = arith.constant 0 : i32
      %dma_start3A_1109 = tpu.memref_slice %arg11[%dma_start3A_1107, %dma_start3A_1108] : memref<10112x128xf32, #tpu.memory_space<vmem_shared>> -> memref<10112x128xf32, #tpu.memory_space<vmem_shared>>
      tpu.enqueue_indirect_dma source(%arg9 : memref<128x128xf32, #tpu.memory_space<vmem>>) target(%dma_start3A_1109 : memref<10112x128xf32, #tpu.memory_space<vmem_shared>>) offsets(%dma_start3A_1106 : memref<128xi32, #tpu.memory_space<vmem>>) semaphore(%arg12 : memref<!tpu.dma_semaphore, #tpu.memory_space<semaphore_mem>>) {add = true}
      %dma_wait3A_1110 = arith.constant 0 : i32
      %dma_wait3A_1111 = arith.constant 0 : i32
      %dma_wait3A_1112 = tpu.memref_slice %arg7[%dma_wait3A_1110, %dma_wait3A_1111] : memref<40x128xi32, #tpu.memory_space<vmem>> -> memref<1x128xi32, #tpu.memory_space<vmem>>
      %dma_wait3A_1113 = tpu.memref_squeeze %dma_wait3A_1112 : memref<1x128xi32, #tpu.memory_space<vmem>> -> memref<128xi32, #tpu.memory_space<vmem>>
      %dma_wait3A_1114 = arith.constant 0 : i32
      %dma_wait3A_1115 = arith.constant 0 : i32
      %dma_wait3A_1116 = tpu.memref_slice %arg2[%dma_wait3A_1114, %dma_wait3A_1115] : memref<10000x128xf32, #tpu.memory_space<hbm>> -> memref<10000x128xf32, #tpu.memory_space<hbm>>
      tpu.wait_indirect_dma semaphore(%arg14 : memref<!tpu.dma_semaphore, #tpu.memory_space<semaphore_mem>>) src(%dma_wait3A_1116 : memref<10000x128xf32, #tpu.memory_space<hbm>>) dst(%arg10 : memref<128x128xf32, #tpu.memory_space<vmem>>)
      %dma_wait3A_1117 = arith.constant 0 : i32
      %dma_wait3A_1118 = arith.constant 0 : i32
      %dma_wait3A_1119 = tpu.memref_slice %arg7[%dma_wait3A_1117, %dma_wait3A_1118] : memref<40x128xi32, #tpu.memory_space<vmem>> -> memref<1x128xi32, #tpu.memory_space<vmem>>
      %dma_wait3A_1120 = tpu.memref_squeeze %dma_wait3A_1119 : memref<1x128xi32, #tpu.memory_space<vmem>> -> memref<128xi32, #tpu.memory_space<vmem>>
      %dma_wait3A_1121 = arith.constant 0 : i32
      %dma_wait3A_1122 = arith.constant 0 : i32
      %dma_wait3A_1123 = tpu.memref_slice %arg2[%dma_wait3A_1121, %dma_wait3A_1122] : memref<10000x128xf32, #tpu.memory_space<hbm>> -> memref<10000x128xf32, #tpu.memory_space<hbm>>
      tpu.wait_indirect_dma semaphore(%arg12 : memref<!tpu.dma_semaphore, #tpu.memory_space<semaphore_mem>>) src(%dma_wait3A_1123 : memref<10000x128xf32, #tpu.memory_space<hbm>>) dst(%arg9 : memref<128x128xf32, #tpu.memory_space<vmem>>)
      %dma_start3A_1124 = arith.constant 39 : i32
      %dma_start3A_1125 = arith.constant 0 : i32
      %dma_start3A_1126 = tpu.memref_slice %arg8[%dma_start3A_1124, %dma_start3A_1125] : memref<40x128xi32, #tpu.memory_space<vmem>> -> memref<1x128xi32, #tpu.memory_space<vmem>>
      %dma_start3A_1127 = tpu.memref_squeeze %dma_start3A_1126 : memref<1x128xi32, #tpu.memory_space<vmem>> -> memref<128xi32, #tpu.memory_space<vmem>>
      %dma_start3A_1128 = arith.constant 0 : i32
      %dma_start3A_1129 = arith.constant 0 : i32
      %dma_start3A_1130 = tpu.memref_slice %arg11[%dma_start3A_1128, %dma_start3A_1129] : memref<10112x128xf32, #tpu.memory_space<vmem_shared>> -> memref<10112x128xf32, #tpu.memory_space<vmem_shared>>
      tpu.enqueue_indirect_dma source(%arg10 : memref<128x128xf32, #tpu.memory_space<vmem>>) target(%dma_start3A_1130 : memref<10112x128xf32, #tpu.memory_space<vmem_shared>>) offsets(%dma_start3A_1127 : memref<128xi32, #tpu.memory_space<vmem>>) semaphore(%arg12 : memref<!tpu.dma_semaphore, #tpu.memory_space<semaphore_mem>>) {add = true}
      %dma_wait3A_1131 = arith.constant 0 : i32
      %dma_wait3A_1132 = arith.constant 0 : i32
      %dma_wait3A_1133 = tpu.memref_slice %arg7[%dma_wait3A_1131, %dma_wait3A_1132] : memref<40x128xi32, #tpu.memory_space<vmem>> -> memref<1x128xi32, #tpu.memory_space<vmem>>
      %dma_wait3A_1134 = tpu.memref_squeeze %dma_wait3A_1133 : memref<1x128xi32, #tpu.memory_space<vmem>> -> memref<128xi32, #tpu.memory_space<vmem>>
      %dma_wait3A_1135 = arith.constant 0 : i32
      %dma_wait3A_1136 = arith.constant 0 : i32
      %dma_wait3A_1137 = tpu.memref_slice %arg2[%dma_wait3A_1135, %dma_wait3A_1136] : memref<10000x128xf32, #tpu.memory_space<hbm>> -> memref<10000x128xf32, #tpu.memory_space<hbm>>
      tpu.wait_indirect_dma semaphore(%arg12 : memref<!tpu.dma_semaphore, #tpu.memory_space<semaphore_mem>>) src(%dma_wait3A_1137 : memref<10000x128xf32, #tpu.memory_space<hbm>>) dst(%arg10 : memref<128x128xf32, #tpu.memory_space<vmem>>)
      %scan3A_1138 = arith.constant 0 : i32
      scf.yield %scan3A_1138 : i32
    }
    %scan3A_8 = arith.constant 2 : i32
    %barrier3A_9 = arith.constant 0 : index
    tpu.barrier barrier_id(%barrier3A_9)
    %mul3A_10 = arith.constant 632 : i32
    %mul3A_11 = arith.muli %arg1, %mul3A_10 : i32
    %mul3A_12 = arith.constant 632 : i32
    %mul3A_13 = arith.muli %arg1, %mul3A_12 : i32
    "tpu.region"() ({
      %run_scoped3A = tpu.sem_alloc : memref<!tpu.dma_semaphore, #tpu.memory_space<semaphore_mem>>
      %dma_start3A = arith.constant 0 : i32
      %dma_start3A_14 = tpu.memref_slice %arg6[%arg0, %mul3A_13, %dma_start3A] : memref<2x10112x128xf32, #tpu.memory_space<hbm>> -> memref<1x632x128xf32, #tpu.memory_space<hbm>>
      %dma_start3A_15 = tpu.memref_squeeze %dma_start3A_14 : memref<1x632x128xf32, #tpu.memory_space<hbm>> -> memref<632x128xf32, #tpu.memory_space<hbm>>
      %dma_start3A_16 = arith.constant 0 : i32
      %dma_start3A_17 = tpu.memref_slice %arg11[%mul3A_11, %dma_start3A_16] : memref<10112x128xf32, #tpu.memory_space<vmem_shared>> -> memref<632x128xf32, #tpu.memory_space<vmem_shared>>
      tpu.enqueue_dma source(%dma_start3A_17 : memref<632x128xf32, #tpu.memory_space<vmem_shared>>) target(%dma_start3A_15 : memref<632x128xf32, #tpu.memory_space<hbm>>) target_semaphore(%run_scoped3A : memref<!tpu.dma_semaphore, #tpu.memory_space<semaphore_mem>>)
      %dma_wait3A = arith.constant 0 : i32
      %dma_wait3A_18 = tpu.memref_slice %arg6[%arg0, %mul3A_13, %dma_wait3A] : memref<2x10112x128xf32, #tpu.memory_space<hbm>> -> memref<1x632x128xf32, #tpu.memory_space<hbm>>
      %dma_wait3A_19 = tpu.memref_squeeze %dma_wait3A_18 : memref<1x632x128xf32, #tpu.memory_space<hbm>> -> memref<632x128xf32, #tpu.memory_space<hbm>>
      %dma_wait3A_20 = arith.constant 0 : i32
      %dma_wait3A_21 = tpu.memref_slice %arg11[%mul3A_11, %dma_wait3A_20] : memref<10112x128xf32, #tpu.memory_space<vmem_shared>> -> memref<632x128xf32, #tpu.memory_space<vmem_shared>>
      tpu.wait_dma2 semaphore(%run_scoped3A : memref<!tpu.dma_semaphore, #tpu.memory_space<semaphore_mem>>) src(%dma_wait3A_21 : memref<632x128xf32, #tpu.memory_space<vmem_shared>>) dst(%dma_wait3A_19 : memref<632x128xf32, #tpu.memory_space<hbm>>)
      tpu.yield
    }) : () -> ()
    return
  }
}

#map = affine_map<(d0, d1) -> (0)>
module attributes {stable_mosaic.version = 14 : i64} {
  func.func @_k1_hist(%arg0: i32, %arg1: i32, %arg2: memref<320000xi32, #tpu.memory_space<hbm>>, %arg3: memref<320000xi32, #tpu.memory_space<hbm>>, %arg4: memref<320000xf32, #tpu.memory_space<hbm>>, %arg5: memref<320000xf32, #tpu.memory_space<hbm>>, %arg6: memref<10000xi32, #tpu.memory_space<vmem>>, %arg7: memref<10000xi32, #tpu.memory_space<vmem>>, %arg8: memref<10000xf32, #tpu.memory_space<vmem>>, %arg9: memref<10000xf32, #tpu.memory_space<vmem>>) attributes {dimension_semantics = [#tpu.dimension_semantics<core_parallel>, #tpu.dimension_semantics<subcore_parallel>], iteration_bounds = array<i64: 2, 16>, scalar_prefetch = 0 : i64, scratch_operands = 4 : i64, tpu.core_type = #tpu.core_type<sc_vector_subcore>, window_params = [{transform_indices = #map}, {transform_indices = #map}, {transform_indices = #map}, {transform_indices = #map}]} {
    %mul3A = arith.constant 2 : i32
    %mul3A_0 = arith.muli %arg1, %mul3A : i32
    %add3A = arith.addi %mul3A_0, %arg0 : i32
    %mul3A_1 = arith.constant 10000 : i32
    %mul3A_2 = arith.muli %add3A, %mul3A_1 : i32
    "tpu.region"() ({
      %run_scoped3A = tpu.sem_alloc : memref<!tpu.dma_semaphore, #tpu.memory_space<semaphore_mem>>
      %dma_start3A = tpu.memref_slice %arg2[%mul3A_2] : memref<320000xi32, #tpu.memory_space<hbm>> -> memref<10000xi32, #tpu.memory_space<hbm>>
      %dma_start3A_25 = tpu.memref_slice %arg2[%mul3A_2] : memref<320000xi32, #tpu.memory_space<hbm>> -> memref<10000xi32, #tpu.memory_space<hbm>>
      tpu.enqueue_dma source(%dma_start3A_25 : memref<10000xi32, #tpu.memory_space<hbm>>) target(%arg6 : memref<10000xi32, #tpu.memory_space<vmem>>) target_semaphore(%run_scoped3A : memref<!tpu.dma_semaphore, #tpu.memory_space<semaphore_mem>>)
      %dma_wait3A = tpu.memref_slice %arg2[%mul3A_2] : memref<320000xi32, #tpu.memory_space<hbm>> -> memref<10000xi32, #tpu.memory_space<hbm>>
      %dma_wait3A_26 = tpu.memref_slice %arg2[%mul3A_2] : memref<320000xi32, #tpu.memory_space<hbm>> -> memref<10000xi32, #tpu.memory_space<hbm>>
      tpu.wait_dma2 semaphore(%run_scoped3A : memref<!tpu.dma_semaphore, #tpu.memory_space<semaphore_mem>>) src(%dma_wait3A_26 : memref<10000xi32, #tpu.memory_space<hbm>>) dst(%arg6 : memref<10000xi32, #tpu.memory_space<vmem>>)
      tpu.yield
    }) : () -> ()
    %mul3A_3 = arith.constant 10000 : i32
    %mul3A_4 = arith.muli %add3A, %mul3A_3 : i32
    "tpu.region"() ({
      %run_scoped3A = tpu.sem_alloc : memref<!tpu.dma_semaphore, #tpu.memory_space<semaphore_mem>>
      %dma_start3A = tpu.memref_slice %arg3[%mul3A_4] : memref<320000xi32, #tpu.memory_space<hbm>> -> memref<10000xi32, #tpu.memory_space<hbm>>
      %dma_start3A_25 = tpu.memref_slice %arg3[%mul3A_4] : memref<320000xi32, #tpu.memory_space<hbm>> -> memref<10000xi32, #tpu.memory_space<hbm>>
      tpu.enqueue_dma source(%dma_start3A_25 : memref<10000xi32, #tpu.memory_space<hbm>>) target(%arg7 : memref<10000xi32, #tpu.memory_space<vmem>>) target_semaphore(%run_scoped3A : memref<!tpu.dma_semaphore, #tpu.memory_space<semaphore_mem>>)
      %dma_wait3A = tpu.memref_slice %arg3[%mul3A_4] : memref<320000xi32, #tpu.memory_space<hbm>> -> memref<10000xi32, #tpu.memory_space<hbm>>
      %dma_wait3A_26 = tpu.memref_slice %arg3[%mul3A_4] : memref<320000xi32, #tpu.memory_space<hbm>> -> memref<10000xi32, #tpu.memory_space<hbm>>
      tpu.wait_dma2 semaphore(%run_scoped3A : memref<!tpu.dma_semaphore, #tpu.memory_space<semaphore_mem>>) src(%dma_wait3A_26 : memref<10000xi32, #tpu.memory_space<hbm>>) dst(%arg7 : memref<10000xi32, #tpu.memory_space<vmem>>)
      tpu.yield
    }) : () -> ()
    %broadcast_in_dim3A = arith.constant 0.000000e+00 : f32
    %broadcast_in_dim3A_5 = vector.broadcast %broadcast_in_dim3A : f32 to vector<16xf32>
    %scan3A = arith.constant 0 : i32
    %scan3A_6 = arith.constant 0 : i32
    %scan3A_7 = arith.constant 625 : i32
    %scan3A_8 = arith.addi %scan3A_6, %scan3A_7 : i32
    %scan3A_9 = arith.constant 1 : i32
    %scan3A_10 = scf.for %scan3A_25 = %scan3A_6 to %scan3A_8 step %scan3A_9 iter_args(%scan3A_26 = %scan3A) -> (i32)  : i32 {
      %mul3A_27 = arith.constant 16 : i32
      %mul3A_28 = arith.muli %scan3A_25, %mul3A_27 : i32
      %swap3A = arith.index_cast %mul3A_28 : i32 to index
      %swap3A_29 = tpu.vector_load %arg8[%swap3A] {strides = array<i32>} : memref<10000xf32, #tpu.memory_space<vmem>>, vector<16xf32>,
      tpu.vector_store %arg8[%swap3A], %broadcast_in_dim3A_5 {strides = array<i32>} : memref<10000xf32, #tpu.memory_space<vmem>>, vector<16xf32>,
      %mul3A_30 = arith.constant 16 : i32
      %mul3A_31 = arith.muli %scan3A_25, %mul3A_30 : i32
      %swap3A_32 = arith.index_cast %mul3A_31 : i32 to index
      %swap3A_33 = tpu.vector_load %arg9[%swap3A_32] {strides = array<i32>} : memref<10000xf32, #tpu.memory_space<vmem>>, vector<16xf32>,
      tpu.vector_store %arg9[%swap3A_32], %broadcast_in_dim3A_5 {strides = array<i32>} : memref<10000xf32, #tpu.memory_space<vmem>>, vector<16xf32>,
      %scan3A_34 = arith.constant 0 : i32
      scf.yield %scan3A_34 : i32
    }
    %scan3A_11 = arith.constant 625 : i32
    %broadcast_in_dim3A_12 = arith.constant 1.000000e+00 : f32
    %broadcast_in_dim3A_13 = vector.broadcast %broadcast_in_dim3A_12 : f32 to vector<16xf32>
    %scan3A_14 = arith.constant 0 : i32
    %scan3A_15 = arith.constant 0 : i32
    %scan3A_16 = arith.constant 625 : i32
    %scan3A_17 = arith.addi %scan3A_15, %scan3A_16 : i32
    %scan3A_18 = arith.constant 1 : i32
    %scan3A_19 = scf.for %scan3A_25 = %scan3A_15 to %scan3A_17 step %scan3A_18 iter_args(%scan3A_26 = %scan3A_14) -> (i32)  : i32 {
      %mul3A_27 = arith.constant 16 : i32
      %mul3A_28 = arith.muli %scan3A_25, %mul3A_27 : i32
      %get3A = arith.index_cast %mul3A_28 : i32 to index
      %get3A_29 = tpu.vector_load %arg6[%get3A] {strides = array<i32>} : memref<10000xi32, #tpu.memory_space<vmem>>, vector<16xi32>,
      %mul3A_30 = arith.constant 16 : i32
      %mul3A_31 = arith.muli %scan3A_25, %mul3A_30 : i32
      %get3A_32 = arith.index_cast %mul3A_31 : i32 to index
      %get3A_33 = tpu.vector_load %arg7[%get3A_32] {strides = array<i32>} : memref<10000xi32, #tpu.memory_space<vmem>>, vector<16xi32>,
      tpu.vector_store_idx %arg8[%get3A_29], %broadcast_in_dim3A_13 {add = true} : memref<10000xf32, #tpu.memory_space<vmem>>[vector<16xi32>], vector<16xf32>,
      tpu.vector_store_idx %arg9[%get3A_33], %broadcast_in_dim3A_13 {add = true} : memref<10000xf32, #tpu.memory_space<vmem>>[vector<16xi32>], vector<16xf32>,
      %scan3A_34 = arith.constant 0 : i32
      scf.yield %scan3A_34 : i32
    }
    %scan3A_20 = arith.constant 625 : i32
    %mul3A_21 = arith.constant 10000 : i32
    %mul3A_22 = arith.muli %add3A, %mul3A_21 : i32
    "tpu.region"() ({
      %run_scoped3A = tpu.sem_alloc : memref<!tpu.dma_semaphore, #tpu.memory_space<semaphore_mem>>
      %dma_start3A = tpu.memref_slice %arg4[%mul3A_22] : memref<320000xf32, #tpu.memory_space<hbm>> -> memref<10000xf32, #tpu.memory_space<hbm>>
      %dma_start3A_25 = tpu.memref_slice %arg4[%mul3A_22] : memref<320000xf32, #tpu.memory_space<hbm>> -> memref<10000xf32, #tpu.memory_space<hbm>>
      tpu.enqueue_dma source(%arg8 : memref<10000xf32, #tpu.memory_space<vmem>>) target(%dma_start3A_25 : memref<10000xf32, #tpu.memory_space<hbm>>) target_semaphore(%run_scoped3A : memref<!tpu.dma_semaphore, #tpu.memory_space<semaphore_mem>>)
      %dma_wait3A = tpu.memref_slice %arg4[%mul3A_22] : memref<320000xf32, #tpu.memory_space<hbm>> -> memref<10000xf32, #tpu.memory_space<hbm>>
      %dma_wait3A_26 = tpu.memref_slice %arg4[%mul3A_22] : memref<320000xf32, #tpu.memory_space<hbm>> -> memref<10000xf32, #tpu.memory_space<hbm>>
      tpu.wait_dma2 semaphore(%run_scoped3A : memref<!tpu.dma_semaphore, #tpu.memory_space<semaphore_mem>>) src(%arg8 : memref<10000xf32, #tpu.memory_space<vmem>>) dst(%dma_wait3A_26 : memref<10000xf32, #tpu.memory_space<hbm>>)
      tpu.yield
    }) : () -> ()
    %mul3A_23 = arith.constant 10000 : i32
    %mul3A_24 = arith.muli %add3A, %mul3A_23 : i32
    "tpu.region"() ({
      %run_scoped3A = tpu.sem_alloc : memref<!tpu.dma_semaphore, #tpu.memory_space<semaphore_mem>>
      %dma_start3A = tpu.memref_slice %arg5[%mul3A_24] : memref<320000xf32, #tpu.memory_space<hbm>> -> memref<10000xf32, #tpu.memory_space<hbm>>
      %dma_start3A_25 = tpu.memref_slice %arg5[%mul3A_24] : memref<320000xf32, #tpu.memory_space<hbm>> -> memref<10000xf32, #tpu.memory_space<hbm>>
      tpu.enqueue_dma source(%arg9 : memref<10000xf32, #tpu.memory_space<vmem>>) target(%dma_start3A_25 : memref<10000xf32, #tpu.memory_space<hbm>>) target_semaphore(%run_scoped3A : memref<!tpu.dma_semaphore, #tpu.memory_space<semaphore_mem>>)
      %dma_wait3A = tpu.memref_slice %arg5[%mul3A_24] : memref<320000xf32, #tpu.memory_space<hbm>> -> memref<10000xf32, #tpu.memory_space<hbm>>
      %dma_wait3A_26 = tpu.memref_slice %arg5[%mul3A_24] : memref<320000xf32, #tpu.memory_space<hbm>> -> memref<10000xf32, #tpu.memory_space<hbm>>
      tpu.wait_dma2 semaphore(%run_scoped3A : memref<!tpu.dma_semaphore, #tpu.memory_space<semaphore_mem>>) src(%arg9 : memref<10000xf32, #tpu.memory_space<vmem>>) dst(%dma_wait3A_26 : memref<10000xf32, #tpu.memory_space<hbm>>)
      tpu.yield
    }) : () -> ()
    return
  }
}

#map = affine_map<(d0, d1) -> (0)>
module attributes {stable_mosaic.version = 14 : i64} {
  func.func @_k7_classify(%arg0: i32, %arg1: i32, %arg2: memref<40000xf32, #tpu.memory_space<hbm>>, %arg3: memref<320000xi32, #tpu.memory_space<hbm>>, %arg4: memref<320000xi32, #tpu.memory_space<hbm>>, %arg5: memref<640000xf32, #tpu.memory_space<hbm>>, %arg6: memref<40000xf32, #tpu.memory_space<vmem>>, %arg7: memref<10000xi32, #tpu.memory_space<vmem>>, %arg8: memref<10000xi32, #tpu.memory_space<vmem>>, %arg9: memref<20000xf32, #tpu.memory_space<vmem>>) attributes {dimension_semantics = [#tpu.dimension_semantics<core_parallel>, #tpu.dimension_semantics<subcore_parallel>], iteration_bounds = array<i64: 2, 16>, scalar_prefetch = 0 : i64, scratch_operands = 4 : i64, tpu.core_type = #tpu.core_type<sc_vector_subcore>, window_params = [{transform_indices = #map}, {transform_indices = #map}, {transform_indices = #map}, {transform_indices = #map}]} {
    %mul3A = arith.constant 2 : i32
    %mul3A_0 = arith.muli %arg1, %mul3A : i32
    %add3A = arith.addi %mul3A_0, %arg0 : i32
    "tpu.region"() ({
      %run_scoped3A = tpu.sem_alloc : memref<!tpu.dma_semaphore, #tpu.memory_space<semaphore_mem>>
      tpu.enqueue_dma source(%arg2 : memref<40000xf32, #tpu.memory_space<hbm>>) target(%arg6 : memref<40000xf32, #tpu.memory_space<vmem>>) target_semaphore(%run_scoped3A : memref<!tpu.dma_semaphore, #tpu.memory_space<semaphore_mem>>)
      tpu.wait_dma2 semaphore(%run_scoped3A : memref<!tpu.dma_semaphore, #tpu.memory_space<semaphore_mem>>) src(%arg2 : memref<40000xf32, #tpu.memory_space<hbm>>) dst(%arg6 : memref<40000xf32, #tpu.memory_space<vmem>>)
      tpu.yield
    }) : () -> ()
    %mul3A_1 = arith.constant 10000 : i32
    %mul3A_2 = arith.muli %add3A, %mul3A_1 : i32
    "tpu.region"() ({
      %run_scoped3A = tpu.sem_alloc : memref<!tpu.dma_semaphore, #tpu.memory_space<semaphore_mem>>
      %dma_start3A = tpu.memref_slice %arg3[%mul3A_2] : memref<320000xi32, #tpu.memory_space<hbm>> -> memref<10000xi32, #tpu.memory_space<hbm>>
      %dma_start3A_18 = tpu.memref_slice %arg3[%mul3A_2] : memref<320000xi32, #tpu.memory_space<hbm>> -> memref<10000xi32, #tpu.memory_space<hbm>>
      tpu.enqueue_dma source(%dma_start3A_18 : memref<10000xi32, #tpu.memory_space<hbm>>) target(%arg7 : memref<10000xi32, #tpu.memory_space<vmem>>) target_semaphore(%run_scoped3A : memref<!tpu.dma_semaphore, #tpu.memory_space<semaphore_mem>>)
      %dma_wait3A = tpu.memref_slice %arg3[%mul3A_2] : memref<320000xi32, #tpu.memory_space<hbm>> -> memref<10000xi32, #tpu.memory_space<hbm>>
      %dma_wait3A_19 = tpu.memref_slice %arg3[%mul3A_2] : memref<320000xi32, #tpu.memory_space<hbm>> -> memref<10000xi32, #tpu.memory_space<hbm>>
      tpu.wait_dma2 semaphore(%run_scoped3A : memref<!tpu.dma_semaphore, #tpu.memory_space<semaphore_mem>>) src(%dma_wait3A_19 : memref<10000xi32, #tpu.memory_space<hbm>>) dst(%arg7 : memref<10000xi32, #tpu.memory_space<vmem>>)
      tpu.yield
    }) : () -> ()
    %mul3A_3 = arith.constant 10000 : i32
    %mul3A_4 = arith.muli %add3A, %mul3A_3 : i32
    "tpu.region"() ({
      %run_scoped3A = tpu.sem_alloc : memref<!tpu.dma_semaphore, #tpu.memory_space<semaphore_mem>>
      %dma_start3A = tpu.memref_slice %arg4[%mul3A_4] : memref<320000xi32, #tpu.memory_space<hbm>> -> memref<10000xi32, #tpu.memory_space<hbm>>
      %dma_start3A_18 = tpu.memref_slice %arg4[%mul3A_4] : memref<320000xi32, #tpu.memory_space<hbm>> -> memref<10000xi32, #tpu.memory_space<hbm>>
      tpu.enqueue_dma source(%dma_start3A_18 : memref<10000xi32, #tpu.memory_space<hbm>>) target(%arg8 : memref<10000xi32, #tpu.memory_space<vmem>>) target_semaphore(%run_scoped3A : memref<!tpu.dma_semaphore, #tpu.memory_space<semaphore_mem>>)
      %dma_wait3A = tpu.memref_slice %arg4[%mul3A_4] : memref<320000xi32, #tpu.memory_space<hbm>> -> memref<10000xi32, #tpu.memory_space<hbm>>
      %dma_wait3A_19 = tpu.memref_slice %arg4[%mul3A_4] : memref<320000xi32, #tpu.memory_space<hbm>> -> memref<10000xi32, #tpu.memory_space<hbm>>
      tpu.wait_dma2 semaphore(%run_scoped3A : memref<!tpu.dma_semaphore, #tpu.memory_space<semaphore_mem>>) src(%dma_wait3A_19 : memref<10000xi32, #tpu.memory_space<hbm>>) dst(%arg8 : memref<10000xi32, #tpu.memory_space<vmem>>)
      tpu.yield
    }) : () -> ()
    %broadcast_in_dim3A = arith.constant 1.000000e+00 : f32
    %broadcast_in_dim3A_5 = vector.broadcast %broadcast_in_dim3A : f32 to vector<16xf32>
    %scan3A = arith.constant 0 : i32
    %scan3A_6 = arith.constant 0 : i32
    %scan3A_7 = arith.constant 625 : i32
    %scan3A_8 = arith.addi %scan3A_6, %scan3A_7 : i32
    %scan3A_9 = arith.constant 1 : i32
    %scan3A_10 = scf.for %scan3A_18 = %scan3A_6 to %scan3A_8 step %scan3A_9 iter_args(%scan3A_19 = %scan3A) -> (i32)  : i32 {
      %mul3A_20 = arith.constant 16 : i32
      %mul3A_21 = arith.muli %scan3A_18, %mul3A_20 : i32
      %get3A = arith.index_cast %mul3A_21 : i32 to index
      %get3A_22 = tpu.vector_load %arg7[%get3A] {strides = array<i32>} : memref<10000xi32, #tpu.memory_space<vmem>>, vector<16xi32>,
      %mul3A_23 = arith.constant 4 : i32
      %mul3A_24 = vector.broadcast %mul3A_23 : i32 to vector<16xi32>
      %mul3A_25 = arith.muli %get3A_22, %mul3A_24 : vector<16xi32>
      %mul3A_26 = arith.constant 16 : i32
      %mul3A_27 = arith.muli %scan3A_18, %mul3A_26 : i32
      %get3A_28 = arith.index_cast %mul3A_27 : i32 to index
      %get3A_29 = tpu.vector_load %arg8[%get3A_28] {strides = array<i32>} : memref<10000xi32, #tpu.memory_space<vmem>>, vector<16xi32>,
      %mul3A_30 = arith.constant 4 : i32
      %mul3A_31 = vector.broadcast %mul3A_30 : i32 to vector<16xi32>
      %mul3A_32 = arith.muli %get3A_29, %mul3A_31 : vector<16xi32>
      %gather3A = tpu.vector_load_idx %arg6[%mul3A_25] : memref<40000xf32, #tpu.memory_space<vmem>>[vector<16xi32>], vector<16xf32>,
      %add3A_33 = arith.constant 1 : i32
      %add3A_34 = vector.broadcast %add3A_33 : i32 to vector<16xi32>
      %add3A_35 = arith.addi %mul3A_25, %add3A_34 : vector<16xi32>
      %gather3A_36 = tpu.vector_load_idx %arg6[%add3A_35] : memref<40000xf32, #tpu.memory_space<vmem>>[vector<16xi32>], vector<16xf32>,
      %add3A_37 = arith.constant 2 : i32
      %add3A_38 = vector.broadcast %add3A_37 : i32 to vector<16xi32>
      %add3A_39 = arith.addi %mul3A_32, %add3A_38 : vector<16xi32>
      %gather3A_40 = tpu.vector_load_idx %arg6[%add3A_39] : memref<40000xf32, #tpu.memory_space<vmem>>[vector<16xi32>], vector<16xf32>,
      %add3A_41 = arith.constant 3 : i32
      %add3A_42 = vector.broadcast %add3A_41 : i32 to vector<16xi32>
      %add3A_43 = arith.addi %mul3A_32, %add3A_42 : vector<16xi32>
      %gather3A_44 = tpu.vector_load_idx %arg6[%add3A_43] : memref<40000xf32, #tpu.memory_space<vmem>>[vector<16xi32>], vector<16xf32>,
      %add3A_45 = arith.addf %gather3A, %gather3A_40 : vector<16xf32>
      %neg3A = arith.constant 0.000000e+00 : f32
      %neg3A_46 = vector.broadcast %neg3A : f32 to vector<16xf32>
      %neg3A_47 = arith.subf %neg3A_46, %add3A_45 : vector<16xf32>
      %exp3A = math.exp %neg3A_47 : vector<16xf32>
      %add3A_48 = arith.addf %broadcast_in_dim3A_5, %exp3A : vector<16xf32>
      %div3A = arith.divf %broadcast_in_dim3A_5, %add3A_48 : vector<16xf32>
      %mul3A_49 = arith.constant 16 : i32
      %mul3A_50 = arith.muli %scan3A_18, %mul3A_49 : i32
      %swap3A = arith.index_cast %mul3A_50 : i32 to index
      %swap3A_51 = tpu.vector_load %arg9[%swap3A] {strides = array<i32>} : memref<20000xf32, #tpu.memory_space<vmem>>, vector<16xf32>,
      tpu.vector_store %arg9[%swap3A], %div3A {strides = array<i32>} : memref<20000xf32, #tpu.memory_space<vmem>>, vector<16xf32>,
      %add3A_52 = arith.addf %gather3A_36, %gather3A_44 : vector<16xf32>
      %neg3A_53 = arith.constant 0.000000e+00 : f32
      %neg3A_54 = vector.broadcast %neg3A_53 : f32 to vector<16xf32>
      %neg3A_55 = arith.subf %neg3A_54, %add3A_52 : vector<16xf32>
      %exp3A_56 = math.exp %neg3A_55 : vector<16xf32>
      %add3A_57 = arith.addf %broadcast_in_dim3A_5, %exp3A_56 : vector<16xf32>
      %div3A_58 = arith.divf %broadcast_in_dim3A_5, %add3A_57 : vector<16xf32>
      %mul3A_59 = arith.constant 16 : i32
      %mul3A_60 = arith.muli %scan3A_18, %mul3A_59 : i32
      %add3A_61 = arith.constant 10000 : i32
      %add3A_62 = arith.addi %add3A_61, %mul3A_60 : i32
      %swap3A_63 = arith.index_cast %add3A_62 : i32 to index
      %swap3A_64 = tpu.vector_load %arg9[%swap3A_63] {strides = array<i32>} : memref<20000xf32, #tpu.memory_space<vmem>>, vector<16xf32>,
      tpu.vector_store %arg9[%swap3A_63], %div3A_58 {strides = array<i32>} : memref<20000xf32, #tpu.memory_space<vmem>>, vector<16xf32>,
      %scan3A_65 = arith.constant 0 : i32
      scf.yield %scan3A_65 : i32
    }
    %scan3A_11 = arith.constant 625 : i32
    %mul3A_12 = arith.constant 10000 : i32
    %mul3A_13 = arith.muli %add3A, %mul3A_12 : i32
    "tpu.region"() ({
      %run_scoped3A = tpu.sem_alloc : memref<!tpu.dma_semaphore, #tpu.memory_space<semaphore_mem>>
      %dma_start3A = arith.constant 0 : i32
      %dma_start3A_18 = tpu.memref_slice %arg9[%dma_start3A] : memref<20000xf32, #tpu.memory_space<vmem>> -> memref<10000xf32, #tpu.memory_space<vmem>>
      %dma_start3A_19 = tpu.memref_slice %arg5[%mul3A_13] : memref<640000xf32, #tpu.memory_space<hbm>> -> memref<10000xf32, #tpu.memory_space<hbm>>
      %dma_start3A_20 = tpu.memref_slice %arg5[%mul3A_13] : memref<640000xf32, #tpu.memory_space<hbm>> -> memref<10000xf32, #tpu.memory_space<hbm>>
      %dma_start3A_21 = arith.constant 0 : i32
      %dma_start3A_22 = tpu.memref_slice %arg9[%dma_start3A_21] : memref<20000xf32, #tpu.memory_space<vmem>> -> memref<10000xf32, #tpu.memory_space<vmem>>
      tpu.enqueue_dma source(%dma_start3A_22 : memref<10000xf32, #tpu.memory_space<vmem>>) target(%dma_start3A_20 : memref<10000xf32, #tpu.memory_space<hbm>>) target_semaphore(%run_scoped3A : memref<!tpu.dma_semaphore, #tpu.memory_space<semaphore_mem>>)
      %dma_wait3A = arith.constant 0 : i32
      %dma_wait3A_23 = tpu.memref_slice %arg9[%dma_wait3A] : memref<20000xf32, #tpu.memory_space<vmem>> -> memref<10000xf32, #tpu.memory_space<vmem>>
      %dma_wait3A_24 = tpu.memref_slice %arg5[%mul3A_13] : memref<640000xf32, #tpu.memory_space<hbm>> -> memref<10000xf32, #tpu.memory_space<hbm>>
      %dma_wait3A_25 = tpu.memref_slice %arg5[%mul3A_13] : memref<640000xf32, #tpu.memory_space<hbm>> -> memref<10000xf32, #tpu.memory_space<hbm>>
      %dma_wait3A_26 = arith.constant 0 : i32
      %dma_wait3A_27 = tpu.memref_slice %arg9[%dma_wait3A_26] : memref<20000xf32, #tpu.memory_space<vmem>> -> memref<10000xf32, #tpu.memory_space<vmem>>
      tpu.wait_dma2 semaphore(%run_scoped3A : memref<!tpu.dma_semaphore, #tpu.memory_space<semaphore_mem>>) src(%dma_wait3A_27 : memref<10000xf32, #tpu.memory_space<vmem>>) dst(%dma_wait3A_25 : memref<10000xf32, #tpu.memory_space<hbm>>)
      tpu.yield
    }) : () -> ()
    %mul3A_14 = arith.constant 10000 : i32
    %mul3A_15 = arith.muli %add3A, %mul3A_14 : i32
    %add3A_16 = arith.constant 320000 : i32
    %add3A_17 = arith.addi %add3A_16, %mul3A_15 : i32
    "tpu.region"() ({
      %run_scoped3A = tpu.sem_alloc : memref<!tpu.dma_semaphore, #tpu.memory_space<semaphore_mem>>
      %dma_start3A = arith.constant 10000 : i32
      %dma_start3A_18 = tpu.memref_slice %arg9[%dma_start3A] : memref<20000xf32, #tpu.memory_space<vmem>> -> memref<10000xf32, #tpu.memory_space<vmem>>
      %dma_start3A_19 = tpu.memref_slice %arg5[%add3A_17] : memref<640000xf32, #tpu.memory_space<hbm>> -> memref<10000xf32, #tpu.memory_space<hbm>>
      %dma_start3A_20 = tpu.memref_slice %arg5[%add3A_17] : memref<640000xf32, #tpu.memory_space<hbm>> -> memref<10000xf32, #tpu.memory_space<hbm>>
      %dma_start3A_21 = arith.constant 10000 : i32
      %dma_start3A_22 = tpu.memref_slice %arg9[%dma_start3A_21] : memref<20000xf32, #tpu.memory_space<vmem>> -> memref<10000xf32, #tpu.memory_space<vmem>>
      tpu.enqueue_dma source(%dma_start3A_22 : memref<10000xf32, #tpu.memory_space<vmem>>) target(%dma_start3A_20 : memref<10000xf32, #tpu.memory_space<hbm>>) target_semaphore(%run_scoped3A : memref<!tpu.dma_semaphore, #tpu.memory_space<semaphore_mem>>)
      %dma_wait3A = arith.constant 10000 : i32
      %dma_wait3A_23 = tpu.memref_slice %arg9[%dma_wait3A] : memref<20000xf32, #tpu.memory_space<vmem>> -> memref<10000xf32, #tpu.memory_space<vmem>>
      %dma_wait3A_24 = tpu.memref_slice %arg5[%add3A_17] : memref<640000xf32, #tpu.memory_space<hbm>> -> memref<10000xf32, #tpu.memory_space<hbm>>
      %dma_wait3A_25 = tpu.memref_slice %arg5[%add3A_17] : memref<640000xf32, #tpu.memory_space<hbm>> -> memref<10000xf32, #tpu.memory_space<hbm>>
      %dma_wait3A_26 = arith.constant 10000 : i32
      %dma_wait3A_27 = tpu.memref_slice %arg9[%dma_wait3A_26] : memref<20000xf32, #tpu.memory_space<vmem>> -> memref<10000xf32, #tpu.memory_space<vmem>>
      tpu.wait_dma2 semaphore(%run_scoped3A : memref<!tpu.dma_semaphore, #tpu.memory_space<semaphore_mem>>) src(%dma_wait3A_27 : memref<10000xf32, #tpu.memory_space<vmem>>) dst(%dma_wait3A_25 : memref<10000xf32, #tpu.memory_space<hbm>>)
      tpu.yield
    }) : () -> ()
    return
  }
}

module attributes {stable_mosaic.version = 14 : i64} {
  func.func @_k2_body(%arg0: i32, %arg1: memref<2000x128xf32, #tpu.memory_space<vmem>>, %arg2: memref<1x32x2000xf32, #tpu.memory_space<vmem>>, %arg3: memref<128x128xf32, #tpu.memory_space<vmem>>, %arg4: memref<2000x128xf32, #tpu.memory_space<vmem>>) attributes {dimension_semantics = [#tpu.dimension_semantics<arbitrary>], iteration_bounds = array<i64: 5>, scalar_prefetch = 0 : i64, scratch_operands = 0 : i64, tpu.core_type = #tpu.core_type<tc>, window_params = [{transform_indices = @transform_0, window_bounds = array<i64: 2000, 128>}, {transform_indices = @transform_1, window_bounds = array<i64: 1, 32, 2000>}, {pipeline_mode = #tpu.pipeline_mode<synchronous>, transform_indices = @transform_2, window_bounds = array<i64: 128, 128>}, {transform_indices = @transform_3, window_bounds = array<i64: 2000, 128>}]} {
    %get3A = arith.constant 0 : index
    %get3A_0 = arith.constant 0 : index
    %get3A_1 = arith.constant 0 : index
    %get3A_2 = vector.load %arg2[%get3A, %get3A_0, %get3A_1] : memref<1x32x2000xf32, #tpu.memory_space<vmem>>, vector<1x32x2000xf32>
    %squeeze3A = vector.shape_cast %get3A_2 : vector<1x32x2000xf32> to vector<32x2000xf32>
    %reduce_sum3A = arith.constant dense<0.000000e+00> : vector<2000xf32>
    %reduce_sum3A_3 = vector.multi_reduction <add>, %squeeze3A, %reduce_sum3A [0] : vector<32x2000xf32> to vector<2000xf32>
    %jit3A = arith.constant 1.000000e+00 : f32
    %max3A = vector.broadcast %jit3A : f32 to vector<2000xf32>
    %max3A_4 = arith.maximumf %max3A, %reduce_sum3A_3 : vector<2000xf32>
    %rsqrt3A = math.rsqrt %max3A_4 : vector<2000xf32>
    %get3A_5 = arith.constant 0 : index
    %get3A_6 = arith.constant 0 : index
    %get3A_7 = vector.load %arg1[%get3A_5, %get3A_6] : memref<2000x128xf32, #tpu.memory_space<vmem>>, vector<2000x128xf32>
    %broadcast_in_dim3A = vector.shape_cast %rsqrt3A : vector<2000xf32> to vector<2000x1xf32>
    %mul3A = vector.broadcast %broadcast_in_dim3A : vector<2000x1xf32> to vector<2000x128xf32>
    %mul3A_8 = arith.mulf %get3A_7, %mul3A : vector<2000x128xf32>
    %get3A_9 = arith.constant 0 : index
    %get3A_10 = arith.constant 0 : index
    %get3A_11 = vector.load %arg3[%get3A_9, %get3A_10] : memref<128x128xf32, #tpu.memory_space<vmem>>, vector<128x128xf32>
    %dot_general3A = arith.constant dense<0.000000e+00> : vector<2000x128xf32>
    %dot_general3A_12 = tpu.matmul %mul3A_8, %get3A_11, %dot_general3A {dimension_numbers = #tpu.dot_dimension_numbers<[1], [0], [0], [1], [0, 0, 1, 1], [], []>, transpose_lhs_hint = false} : vector<2000x128xf32>, vector<128x128xf32>, vector<2000x128xf32> -> vector<2000x128xf32>
    %swap3A = arith.constant 0 : index
    %swap3A_13 = arith.constant 0 : index
    %swap3A_14 = vector.load %arg4[%swap3A, %swap3A_13] : memref<2000x128xf32, #tpu.memory_space<vmem>>, vector<2000x128xf32>
    tpu.vector_store %arg4[%swap3A, %swap3A_13], %dot_general3A_12 {strides = array<i32>} : memref<2000x128xf32, #tpu.memory_space<vmem>>, vector<2000x128xf32>,
    return
  }
  func.func @transform_0(%arg0: i32) -> (i32, i32) {
    %c0_i32 = arith.constant 0 : i32
    %c0_i32_0 = arith.constant 0 : i32
    return %arg0, %c0_i32 : i32, i32
  }
  func.func @transform_1(%arg0: i32) -> (i32, i32, i32) {
    %c0_i32 = arith.constant 0 : i32
    %c0_i32_0 = arith.constant 0 : i32
    %c0_i32_1 = arith.constant 0 : i32
    return %arg0, %c0_i32, %c0_i32_0 : i32, i32, i32
  }
  func.func @transform_2(%arg0: i32) -> (i32, i32) {
    %c0_i32 = arith.constant 0 : i32
    %c0_i32_0 = arith.constant 0 : i32
    %c0_i32_1 = arith.constant 0 : i32
    return %c0_i32, %c0_i32_0 : i32, i32
  }
  func.func @transform_3(%arg0: i32) -> (i32, i32) {
    %c0_i32 = arith.constant 0 : i32
    %c0_i32_0 = arith.constant 0 : i32
    return %arg0, %c0_i32 : i32, i32
  }
}

module attributes {stable_mosaic.version = 14 : i64} {
  func.func @_k4_body(%arg0: i32, %arg1: memref<2x2000x128xf32, #tpu.memory_space<vmem>>, %arg2: memref<1x32x2000xf32, #tpu.memory_space<vmem>>, %arg3: memref<1x32x2000xf32, #tpu.memory_space<vmem>>, %arg4: memref<1x128xf32, #tpu.memory_space<vmem>>, %arg5: memref<128x128xf32, #tpu.memory_space<vmem>>, %arg6: memref<2000x128xf32, #tpu.memory_space<vmem>>) attributes {dimension_semantics = [#tpu.dimension_semantics<arbitrary>], iteration_bounds = array<i64: 5>, scalar_prefetch = 0 : i64, scratch_operands = 0 : i64, tpu.core_type = #tpu.core_type<tc>, window_params = [{transform_indices = @transform_0, window_bounds = array<i64: 2, 2000, 128>}, {transform_indices = @transform_1, window_bounds = array<i64: 1, 32, 2000>}, {transform_indices = @transform_2, window_bounds = array<i64: 1, 32, 2000>}, {pipeline_mode = #tpu.pipeline_mode<synchronous>, transform_indices = @transform_3, window_bounds = array<i64: 1, 128>}, {pipeline_mode = #tpu.pipeline_mode<synchronous>, transform_indices = @transform_4, window_bounds = array<i64: 128, 128>}, {transform_indices = @transform_5, window_bounds = array<i64: 2000, 128>}]} {
    %get3A = arith.constant 0 : index
    %get3A_0 = arith.constant 0 : index
    %get3A_1 = arith.constant 0 : index
    %get3A_2 = vector.load %arg1[%get3A, %get3A_0, %get3A_1] : memref<2x2000x128xf32, #tpu.memory_space<vmem>>, vector<1x2000x128xf32>
    %get3A_3 = vector.shape_cast %get3A_2 : vector<1x2000x128xf32> to vector<2000x128xf32>
    %get3A_4 = arith.constant 1 : index
    %get3A_5 = arith.constant 0 : index
    %get3A_6 = arith.constant 0 : index
    %get3A_7 = vector.load %arg1[%get3A_4, %get3A_5, %get3A_6] : memref<2x2000x128xf32, #tpu.memory_space<vmem>>, vector<1x2000x128xf32>
    %get3A_8 = vector.shape_cast %get3A_7 : vector<1x2000x128xf32> to vector<2000x128xf32>
    %add3A = arith.addf %get3A_3, %get3A_8 : vector<2000x128xf32>
    %get3A_9 = arith.constant 0 : index
    %get3A_10 = arith.constant 0 : index
    %get3A_11 = arith.constant 0 : index
    %get3A_12 = vector.load %arg2[%get3A_9, %get3A_10, %get3A_11] : memref<1x32x2000xf32, #tpu.memory_space<vmem>>, vector<1x32x2000xf32>
    %squeeze3A = vector.shape_cast %get3A_12 : vector<1x32x2000xf32> to vector<32x2000xf32>
    %reduce_sum3A = arith.constant dense<0.000000e+00> : vector<2000xf32>
    %reduce_sum3A_13 = vector.multi_reduction <add>, %squeeze3A, %reduce_sum3A [0] : vector<32x2000xf32> to vector<2000xf32>
    %jit3A = arith.constant 1.000000e+00 : f32
    %max3A = vector.broadcast %jit3A : f32 to vector<2000xf32>
    %max3A_14 = arith.maximumf %max3A, %reduce_sum3A_13 : vector<2000xf32>
    %rsqrt3A = math.rsqrt %max3A_14 : vector<2000xf32>
    %broadcast_in_dim3A = vector.shape_cast %rsqrt3A : vector<2000xf32> to vector<2000x1xf32>
    %mul3A = vector.broadcast %broadcast_in_dim3A : vector<2000x1xf32> to vector<2000x128xf32>
    %mul3A_15 = arith.mulf %add3A, %mul3A : vector<2000x128xf32>
    %get3A_16 = arith.constant 0 : index
    %get3A_17 = arith.constant 0 : index
    %get3A_18 = vector.load %arg4[%get3A_16, %get3A_17] : memref<1x128xf32, #tpu.memory_space<vmem>>, vector<1x128xf32>
    %add3A_19 = vector.broadcast %get3A_18 : vector<1x128xf32> to vector<2000x128xf32>
    %add3A_20 = arith.addf %mul3A_15, %add3A_19 : vector<2000x128xf32>
    %max3A_21 = arith.constant 0.000000e+00 : f32
    %max3A_22 = vector.broadcast %max3A_21 : f32 to vector<2000x128xf32>
    %max3A_23 = arith.maximumf %add3A_20, %max3A_22 : vector<2000x128xf32>
    %get3A_24 = arith.constant 0 : index
    %get3A_25 = arith.constant 0 : index
    %get3A_26 = arith.constant 0 : index
    %get3A_27 = vector.load %arg3[%get3A_24, %get3A_25, %get3A_26] : memref<1x32x2000xf32, #tpu.memory_space<vmem>>, vector<1x32x2000xf32>
    %squeeze3A_28 = vector.shape_cast %get3A_27 : vector<1x32x2000xf32> to vector<32x2000xf32>
    %reduce_sum3A_29 = arith.constant dense<0.000000e+00> : vector<2000xf32>
    %reduce_sum3A_30 = vector.multi_reduction <add>, %squeeze3A_28, %reduce_sum3A_29 [0] : vector<32x2000xf32> to vector<2000xf32>
    %jit3A_31 = arith.constant 1.000000e+00 : f32
    %max3A_32 = vector.broadcast %jit3A_31 : f32 to vector<2000xf32>
    %max3A_33 = arith.maximumf %max3A_32, %reduce_sum3A_30 : vector<2000xf32>
    %rsqrt3A_34 = math.rsqrt %max3A_33 : vector<2000xf32>
    %broadcast_in_dim3A_35 = vector.shape_cast %rsqrt3A_34 : vector<2000xf32> to vector<2000x1xf32>
    %mul3A_36 = vector.broadcast %broadcast_in_dim3A_35 : vector<2000x1xf32> to vector<2000x128xf32>
    %mul3A_37 = arith.mulf %max3A_23, %mul3A_36 : vector<2000x128xf32>
    %get3A_38 = arith.constant 0 : index
    %get3A_39 = arith.constant 0 : index
    %get3A_40 = vector.load %arg5[%get3A_38, %get3A_39] : memref<128x128xf32, #tpu.memory_space<vmem>>, vector<128x128xf32>
    %dot_general3A = arith.constant dense<0.000000e+00> : vector<2000x128xf32>
    %dot_general3A_41 = tpu.matmul %mul3A_37, %get3A_40, %dot_general3A {dimension_numbers = #tpu.dot_dimension_numbers<[1], [0], [0], [1], [0, 0, 1, 1], [], []>, transpose_lhs_hint = false} : vector<2000x128xf32>, vector<128x128xf32>, vector<2000x128xf32> -> vector<2000x128xf32>
    %swap3A = arith.constant 0 : index
    %swap3A_42 = arith.constant 0 : index
    %swap3A_43 = vector.load %arg6[%swap3A, %swap3A_42] : memref<2000x128xf32, #tpu.memory_space<vmem>>, vector<2000x128xf32>
    tpu.vector_store %arg6[%swap3A, %swap3A_42], %dot_general3A_41 {strides = array<i32>} : memref<2000x128xf32, #tpu.memory_space<vmem>>, vector<2000x128xf32>,
    return
  }
  func.func @transform_0(%arg0: i32) -> (i32, i32, i32) {
    %c0_i32 = arith.constant 0 : i32
    %c0_i32_0 = arith.constant 0 : i32
    %c0_i32_1 = arith.constant 0 : i32
    return %c0_i32, %arg0, %c0_i32_0 : i32, i32, i32
  }
  func.func @transform_1(%arg0: i32) -> (i32, i32, i32) {
    %c0_i32 = arith.constant 0 : i32
    %c0_i32_0 = arith.constant 0 : i32
    %c0_i32_1 = arith.constant 0 : i32
    return %arg0, %c0_i32, %c0_i32_0 : i32, i32, i32
  }
  func.func @transform_2(%arg0: i32) -> (i32, i32, i32) {
    %c0_i32 = arith.constant 0 : i32
    %c0_i32_0 = arith.constant 0 : i32
    %c0_i32_1 = arith.constant 0 : i32
    return %arg0, %c0_i32, %c0_i32_0 : i32, i32, i32
  }
  func.func @transform_3(%arg0: i32) -> (i32, i32) {
    %c0_i32 = arith.constant 0 : i32
    %c0_i32_0 = arith.constant 0 : i32
    %c0_i32_1 = arith.constant 0 : i32
    return %c0_i32, %c0_i32_0 : i32, i32
  }
  func.func @transform_4(%arg0: i32) -> (i32, i32) {
    %c0_i32 = arith.constant 0 : i32
    %c0_i32_0 = arith.constant 0 : i32
    %c0_i32_1 = arith.constant 0 : i32
    return %c0_i32, %c0_i32_0 : i32, i32
  }
  func.func @transform_5(%arg0: i32) -> (i32, i32) {
    %c0_i32 = arith.constant 0 : i32
    %c0_i32_0 = arith.constant 0 : i32
    return %arg0, %c0_i32 : i32, i32
  }
}

module attributes {stable_mosaic.version = 14 : i64} {
  func.func @_k6_body(%arg0: i32, %arg1: memref<2x2000x128xf32, #tpu.memory_space<vmem>>, %arg2: memref<1x32x2000xf32, #tpu.memory_space<vmem>>, %arg3: memref<1x128xf32, #tpu.memory_space<vmem>>, %arg4: memref<128x2xf32, #tpu.memory_space<vmem>>, %arg5: memref<128x2xf32, #tpu.memory_space<vmem>>, %arg6: memref<1x2xf32, #tpu.memory_space<vmem>>, %arg7: memref<2000x128xf32, #tpu.memory_space<vmem>>, %arg8: memref<2000x4xf32, #tpu.memory_space<vmem>>) attributes {dimension_semantics = [#tpu.dimension_semantics<arbitrary>], iteration_bounds = array<i64: 5>, scalar_prefetch = 0 : i64, scratch_operands = 0 : i64, tpu.core_type = #tpu.core_type<tc>, window_params = [{transform_indices = @transform_0, window_bounds = array<i64: 2, 2000, 128>}, {transform_indices = @transform_1, window_bounds = array<i64: 1, 32, 2000>}, {pipeline_mode = #tpu.pipeline_mode<synchronous>, transform_indices = @transform_2, window_bounds = array<i64: 1, 128>}, {pipeline_mode = #tpu.pipeline_mode<synchronous>, transform_indices = @transform_3, window_bounds = array<i64: 128, 2>}, {pipeline_mode = #tpu.pipeline_mode<synchronous>, transform_indices = @transform_4, window_bounds = array<i64: 128, 2>}, {pipeline_mode = #tpu.pipeline_mode<synchronous>, transform_indices = @transform_5, window_bounds = array<i64: 1, 2>}, {transform_indices = @transform_6, window_bounds = array<i64: 2000, 128>}, {transform_indices = @transform_7, window_bounds = array<i64: 2000, 4>}]} {
    %get3A = arith.constant 0 : index
    %get3A_0 = arith.constant 0 : index
    %get3A_1 = arith.constant 0 : index
    %get3A_2 = vector.load %arg1[%get3A, %get3A_0, %get3A_1] : memref<2x2000x128xf32, #tpu.memory_space<vmem>>, vector<1x2000x128xf32>
    %get3A_3 = vector.shape_cast %get3A_2 : vector<1x2000x128xf32> to vector<2000x128xf32>
    %get3A_4 = arith.constant 1 : index
    %get3A_5 = arith.constant 0 : index
    %get3A_6 = arith.constant 0 : index
    %get3A_7 = vector.load %arg1[%get3A_4, %get3A_5, %get3A_6] : memref<2x2000x128xf32, #tpu.memory_space<vmem>>, vector<1x2000x128xf32>
    %get3A_8 = vector.shape_cast %get3A_7 : vector<1x2000x128xf32> to vector<2000x128xf32>
    %add3A = arith.addf %get3A_3, %get3A_8 : vector<2000x128xf32>
    %get3A_9 = arith.constant 0 : index
    %get3A_10 = arith.constant 0 : index
    %get3A_11 = arith.constant 0 : index
    %get3A_12 = vector.load %arg2[%get3A_9, %get3A_10, %get3A_11] : memref<1x32x2000xf32, #tpu.memory_space<vmem>>, vector<1x32x2000xf32>
    %squeeze3A = vector.shape_cast %get3A_12 : vector<1x32x2000xf32> to vector<32x2000xf32>
    %reduce_sum3A = arith.constant dense<0.000000e+00> : vector<2000xf32>
    %reduce_sum3A_13 = vector.multi_reduction <add>, %squeeze3A, %reduce_sum3A [0] : vector<32x2000xf32> to vector<2000xf32>
    %jit3A = arith.constant 1.000000e+00 : f32
    %max3A = vector.broadcast %jit3A : f32 to vector<2000xf32>
    %max3A_14 = arith.maximumf %max3A, %reduce_sum3A_13 : vector<2000xf32>
    %rsqrt3A = math.rsqrt %max3A_14 : vector<2000xf32>
    %broadcast_in_dim3A = vector.shape_cast %rsqrt3A : vector<2000xf32> to vector<2000x1xf32>
    %mul3A = vector.broadcast %broadcast_in_dim3A : vector<2000x1xf32> to vector<2000x128xf32>
    %mul3A_15 = arith.mulf %add3A, %mul3A : vector<2000x128xf32>
    %get3A_16 = arith.constant 0 : index
    %get3A_17 = arith.constant 0 : index
    %get3A_18 = vector.load %arg3[%get3A_16, %get3A_17] : memref<1x128xf32, #tpu.memory_space<vmem>>, vector<1x128xf32>
    %add3A_19 = vector.broadcast %get3A_18 : vector<1x128xf32> to vector<2000x128xf32>
    %add3A_20 = arith.addf %mul3A_15, %add3A_19 : vector<2000x128xf32>
    %max3A_21 = arith.constant 0.000000e+00 : f32
    %max3A_22 = vector.broadcast %max3A_21 : f32 to vector<2000x128xf32>
    %max3A_23 = arith.maximumf %add3A_20, %max3A_22 : vector<2000x128xf32>
    %swap3A = arith.constant 0 : index
    %swap3A_24 = arith.constant 0 : index
    %swap3A_25 = vector.load %arg7[%swap3A, %swap3A_24] : memref<2000x128xf32, #tpu.memory_space<vmem>>, vector<2000x128xf32>
    tpu.vector_store %arg7[%swap3A, %swap3A_24], %max3A_23 {strides = array<i32>} : memref<2000x128xf32, #tpu.memory_space<vmem>>, vector<2000x128xf32>,
    %get3A_26 = arith.constant 0 : index
    %get3A_27 = arith.constant 0 : index
    %get3A_28 = vector.load %arg4[%get3A_26, %get3A_27] : memref<128x2xf32, #tpu.memory_space<vmem>>, vector<128x2xf32>
    %dot_general3A = arith.constant dense<0.000000e+00> : vector<2000x2xf32>
    %dot_general3A_29 = tpu.matmul %max3A_23, %get3A_28, %dot_general3A {dimension_numbers = #tpu.dot_dimension_numbers<[1], [0], [0], [1], [0, 0, 1, 1], [], []>, transpose_lhs_hint = false} : vector<2000x128xf32>, vector<128x2xf32>, vector<2000x2xf32> -> vector<2000x2xf32>
    %get3A_30 = arith.constant 0 : index
    %get3A_31 = arith.constant 0 : index
    %get3A_32 = vector.load %arg6[%get3A_30, %get3A_31] : memref<1x2xf32, #tpu.memory_space<vmem>>, vector<1x2xf32>
    %add3A_33 = vector.broadcast %get3A_32 : vector<1x2xf32> to vector<2000x2xf32>
    %add3A_34 = arith.addf %dot_general3A_29, %add3A_33 : vector<2000x2xf32>
    %get3A_35 = arith.constant 0 : index
    %get3A_36 = arith.constant 0 : index
    %get3A_37 = vector.load %arg5[%get3A_35, %get3A_36] : memref<128x2xf32, #tpu.memory_space<vmem>>, vector<128x2xf32>
    %dot_general3A_38 = arith.constant dense<0.000000e+00> : vector<2000x2xf32>
    %dot_general3A_39 = tpu.matmul %max3A_23, %get3A_37, %dot_general3A_38 {dimension_numbers = #tpu.dot_dimension_numbers<[1], [0], [0], [1], [0, 0, 1, 1], [], []>, transpose_lhs_hint = false} : vector<2000x128xf32>, vector<128x2xf32>, vector<2000x2xf32> -> vector<2000x2xf32>
    %concatenate3A = tpu.concatenate %add3A_34, %dot_general3A_39 in 1 : vector<2000x2xf32>, vector<2000x2xf32> -> vector<2000x4xf32>
    %swap3A_40 = arith.constant 0 : index
    %swap3A_41 = arith.constant 0 : index
    %swap3A_42 = vector.load %arg8[%swap3A_40, %swap3A_41] : memref<2000x4xf32, #tpu.memory_space<vmem>>, vector<2000x4xf32>
    tpu.vector_store %arg8[%swap3A_40, %swap3A_41], %concatenate3A {strides = array<i32>} : memref<2000x4xf32, #tpu.memory_space<vmem>>, vector<2000x4xf32>,
    return
  }
  func.func @transform_0(%arg0: i32) -> (i32, i32, i32) {
    %c0_i32 = arith.constant 0 : i32
    %c0_i32_0 = arith.constant 0 : i32
    %c0_i32_1 = arith.constant 0 : i32
    return %c0_i32, %arg0, %c0_i32_0 : i32, i32, i32
  }
  func.func @transform_1(%arg0: i32) -> (i32, i32, i32) {
    %c0_i32 = arith.constant 0 : i32
    %c0_i32_0 = arith.constant 0 : i32
    %c0_i32_1 = arith.constant 0 : i32
    return %arg0, %c0_i32, %c0_i32_0 : i32, i32, i32
  }
  func.func @transform_2(%arg0: i32) -> (i32, i32) {
    %c0_i32 = arith.constant 0 : i32
    %c0_i32_0 = arith.constant 0 : i32
    %c0_i32_1 = arith.constant 0 : i32
    return %c0_i32, %c0_i32_0 : i32, i32
  }
  func.func @transform_3(%arg0: i32) -> (i32, i32) {
    %c0_i32 = arith.constant 0 : i32
    %c0_i32_0 = arith.constant 0 : i32
    %c0_i32_1 = arith.constant 0 : i32
    return %c0_i32, %c0_i32_0 : i32, i32
  }
  func.func @transform_4(%arg0: i32) -> (i32, i32) {
    %c0_i32 = arith.constant 0 : i32
    %c0_i32_0 = arith.constant 0 : i32
    %c0_i32_1 = arith.constant 0 : i32
    return %c0_i32, %c0_i32_0 : i32, i32
  }
  func.func @transform_5(%arg0: i32) -> (i32, i32) {
    %c0_i32 = arith.constant 0 : i32
    %c0_i32_0 = arith.constant 0 : i32
    %c0_i32_1 = arith.constant 0 : i32
    return %c0_i32, %c0_i32_0 : i32, i32
  }
  func.func @transform_6(%arg0: i32) -> (i32, i32) {
    %c0_i32 = arith.constant 0 : i32
    %c0_i32_0 = arith.constant 0 : i32
    return %arg0, %c0_i32 : i32, i32
  }
  func.func @transform_7(%arg0: i32) -> (i32, i32) {
    %c0_i32 = arith.constant 0 : i32
    %c0_i32_0 = arith.constant 0 : i32
    return %arg0, %c0_i32 : i32, i32
  }
}

</mosaic_0001>

<sc_bundles>
// kernel: kernel.12.cloned.1.call-start
scs
__scs_entry_jumppad:
0x0: {  	(pc) =	sbr.rel $0x88, $3  }
0x1: {  	(tag) =	ssettag $0x0;
	lr =	simm.s32 $0x1  }
0x2: {  	[smem:$0x3F98] =	sst lr;
	_ =	strace $0xD0000000  }
0x3: {  	_ = 	snop  }
0x4: {  	_ = 	snop  }
0x5: {  	_ = 	snop  }
0x6: {  	_ = 	snop  }
0x7: {  	_ = 	snop  }
__scs_overlays_trampoline_lowered:
0x8: {  	[smem:$0x3FA7] =	sst s0  }
0x9: {  	[smem:$0x3FA8] =	sst s1  }
0xa: {  	[smem:$0x3FA9] =	sst s2  }
0xb: {  	[smem:$0x3FAA] =	sst s3  }
0xc: {  	[smem:$0x3FAB] =	sst s4  }
0xd: {  	[smem:$0x3FAC] =	sst s5  }
0xe: {  	[smem:$0x3FAD] =	sst s6  }
0xf: {  	[smem:$0x3FAE] =	sst s7  }
0x10: {  	[smem:$0x3FAF] =	sst s8  }
0x11: {  	[smem:$0x3FB0] =	sst s9;
	s0 =	simm.s32 @!p0 $0x0  }
0x12: {  	s1 =	sld [smem:$0x3F96];
	s0 =	simm.s32 @p0 $0x1  }
0x13: {  	[smem:$0x3FB1] =	sst s0;
	s0 =	simm.s32 @!p1 $0x0  }
0x14: {  	s2 =	sld [smem:$0x3F95];
	s0 =	simm.s32 @p1 $0x1  }
0x15: {  	[smem:$0x3FB2] =	sst s0;
	s0 =	simm.s32 @!p2 $0x0  }
0x16: {  	s3 =	sld [smem:$0x3FDB];
	s0 =	simm.s32 @p2 $0x1  }
0x17: {  	s4 =	simm.s32 $0x1BF5;
	[smem:$0x3FB4] =	sst s0  }
0x18: {  	s0 =	sld [smem:$0x3F97];
	_ =	swait.ge [sflag:s4], $0x0  }
0x19: {  	s7 =	sld [smem:$0x3F98]  }
0x1a: {  	s8 =	sadd.s32 $0xFFFFE003, lr  }
0x1b: {  	s9 =	sadd.s32 $0xFFFFFEF7, lr;
	s5 =	simm.s32 $0xFFFFFFFF;
	p2 =	slt.u32 s8, $0xFFFFF086  }
0x1c: {  	p1 =	slt.u32 s9, $0xF7A;
	s5 =	simm.s32 @!p2 $0x0  }
0x1d: {  	s5 =	simm.s32 @p1 $0x1;
	p0 =	seq.s32 s7, s2  }
0x1e: {  	s7 =	smul.u32 @!p0 $0xF7A, s2;
	p2 =	seq.s32 @!p0 s5, $0x0  }
0x1f: {  	s9 =	smul.u32 $0xF7A, s1;
	s8 =	simm.s32 @!p0 $0x1BF5;
	p2 =	por !p2, p0  }
0x20: {  	[sflag:s8] =	ssyncset.s32 @!p0 $0xFFFFF086;
	s6 =	sadd.s32 @!p0 s3, s7;
	s7 =	simm.s32 @!p0 $0x108  }
0x21: {  	s3 =	sadd.s32 s3, s9;
	s6 =	sadd.s32 @!p0 $0x88, s6;
	s7 =	simm.s32 @p2 $0x1082  }
0x22: {  	[simem:s7], [sflag:s8] =	dma.local @!p0 [hbm:s6], $0xF7A  }
0x23: {  	s9 =	sor.u32 $0xD0000000, s2;
	s6 =	simm.s32 $0x108;
	_ =	swait.ge @!p0 [sflag:s8], $0x0  }
0x24: {  	s3 =	sadd.s32 $0x88, s3;
	s6 =	simm.s32 @!p1 $0x1082;
	[sflag:s4] =	ssyncset.s32 $0xFFFFF086  }
0x25: {  	[simem:s6], [sflag:s4] =	dma.local [hbm:s3], $0xF7A  }
0x26: {  	[smem:$0x3F98] =	sst s1;
	(tag) =	ssettag s2;
	_ =	strace s9  }
0x27: {  	s1 =	sld [smem:$0x3FA8]  }
0x28: {  	s2 =	sld [smem:$0x3FA9]  }
0x29: {  	s4 =	sld [smem:$0x3FAB]  }
0x2a: {  	p0 =	seq.s32 s5, $0x0;
	s5 =	sld [smem:$0x3FAC]  }
0x2b: {  	s6 =	sld [smem:$0x3FAD]  }
0x2c: {  	s7 =	sld [smem:$0x3FAE]  }
0x2d: {  	s3 =	simm.s32 $0x108;
	s8 =	sld [smem:$0x3FAF]  }
0x2e: {  	s3 =	simm.s32 @!p0 $0x1082;
	s9 =	sld [smem:$0x3FB0]  }
0x2f: {  	lr =	sadd.s32 s0, s3;
	s0 =	sld [smem:$0x3FA7]  }
0x30: {  	s3 =	sld [smem:$0x3FAA]  }
0x31: {  	[smem:$0x3FB3] =	sst s10  }
0x32: {  	s10 =	sld [smem:$0x3FB1];
	_ =	sdelay $0x3  }
0x33: {  	p0 =	seq.s32 s10, $0x1;
	s10 =	sld [smem:$0x3FB3];
	_ =	sdelay $0x3  }
0x34: {  	[smem:$0x3FB3] =	sst s10  }
0x35: {  	s10 =	sld [smem:$0x3FB2];
	_ =	sdelay $0x3  }
0x36: {  	p1 =	seq.s32 s10, $0x1;
	s10 =	sld [smem:$0x3FB3];
	_ =	sdelay $0x3  }
0x37: {  	[smem:$0x3FB3] =	sst s10  }
0x38: {  	s10 =	sld [smem:$0x3FB4]  }
0x39: {  	_ = 	snop;
	(pc) =	sbr.ind lr, $3  }
0x3a: {  	_ = 	snop  }
0x3b: {  	_ = 	snop  }
0x3c: {  	p2 =	seq.s32 s10, $0x1;
	s10 =	sld [smem:$0x3FB3]  }
0x3d: {  	_ =	shalt  }
0x3e: {  	_ =	shalt  }
0x3f: {  	_ =	shalt  }
0x40: {  	_ =	shalt  }
0x41: {  	_ =	shalt  }
0x42: {  	_ =	shalt  }
0x43: {  	_ =	shalt  }
0x44: {  	_ =	shalt  }
0x45: {  	_ =	shalt  }
0x46: {  	_ =	shalt  }
0x47: {  	_ =	shalt  }
0x48: {  	_ =	shalt  }
0x49: {  	_ =	shalt  }
0x4a: {  	_ =	shalt  }
0x4b: {  	_ =	shalt  }
0x4c: {  	_ =	shalt  }
0x4d: {  	_ =	shalt  }
0x4e: {  	_ =	shalt  }
0x4f: {  	_ =	shalt  }
0x50: {  	_ =	shalt  }
0x51: {  	_ =	shalt  }
0x52: {  	_ =	shalt  }
0x53: {  	_ =	shalt  }
0x54: {  	_ =	shalt  }
0x55: {  	_ =	shalt  }
0x56: {  	_ =	shalt  }
0x57: {  	_ =	shalt  }
0x58: {  	_ =	shalt  }
0x59: {  	_ =	shalt  }
0x5a: {  	_ =	shalt  }
0x5b: {  	_ =	shalt  }
0x5c: {  	_ =	shalt  }
0x5d: {  	_ =	shalt  }
0x5e: {  	_ =	shalt  }
0x5f: {  	_ =	shalt  }
0x60: {  	_ =	shalt  }
0x61: {  	_ =	shalt  }
0x62: {  	_ =	shalt  }
0x63: {  	_ =	shalt  }
0x64: {  	_ =	shalt  }
0x65: {  	_ =	shalt  }
0x66: {  	_ =	shalt  }
0x67: {  	_ =	shalt  }
0x68: {  	_ =	shalt  }
0x69: {  	_ =	shalt  }
0x6a: {  	_ =	shalt  }
0x6b: {  	_ =	shalt  }
0x6c: {  	_ =	shalt  }
0x6d: {  	_ =	shalt  }
0x6e: {  	_ =	shalt  }
0x6f: {  	_ =	shalt  }
0x70: {  	_ =	shalt  }
0x71: {  	_ =	shalt  }
0x72: {  	_ =	shalt  }
0x73: {  	_ =	shalt  }
0x74: {  	_ =	shalt  }
0x75: {  	_ =	shalt  }
0x76: {  	_ =	shalt  }
0x77: {  	_ =	shalt  }
0x78: {  	_ =	shalt  }
0x79: {  	_ =	shalt  }
0x7a: {  	_ =	shalt  }
0x7b: {  	_ =	shalt  }
0x7c: {  	_ =	shalt  }
0x7d: {  	_ =	shalt  }
0x7e: {  	_ =	shalt  }
0x7f: {  	_ =	shalt  }
0x80: {  	_ =	shalt  }
0x81: {  	_ =	shalt  }
0x82: {  	_ =	shalt  }
0x83: {  	_ =	shalt  }
0x84: {  	_ =	shalt  }
0x85: {  	_ =	shalt  }
0x86: {  	_ =	shalt  }
0x87: {  	_ =	shalt  }
.Lfunc_end0:
.L_simem_size_0:
called_computation.1_lowered:
.L_overlay_start_0:
0x88: {  	s2 =	sld [smem:$0x3FD9]  }
0x89: {  	s3 =	sld [smem:$0x3FFE];
	_ =	sdelay $0x1  }
0x8a: {  	s1 =	srdreg.scid  }
0x8b: {  	s0 =	sand.u32 $0x1, s1  }
0x8c: {  	s14 =	sshll.u32 s0, $0xA;
	s2 =	sadd.s32 s3, s2  }
0x8d: {  	s2 =	sadd.s32 s2, s14  }
0x8e: {  	[smem:$0x3FBF] =	sst s2  }
0x8f: {  	_ = 	snop  }
0x90: {  	s2 =	sld [smem:$0x3FD0];
	_ =	sdelay $0x2  }
0x91: {  	s15 =	simm.s32 $0xA;
	s4 =	simm.s32 $0x10  }
0x92: {  	[smem:s4], [sflag:s15] =	dma.local [hbm:s2], $0x1  }
0x93: {  	_ =	swait.eq [sflag:s15], $0x1  }
0x94: {  	[sflag:s15] =	ssyncset.done $0x0  }
0x95: {  	s16 =	sld [smem:$0x10];
	[sflag:s15] =	ssyncadd.s32 $0xFFFFFFFF  }
0x96: {  	s17 =	sld [smem:$0x11];
	(tm) =	ssettm $0x1  }
0x97: {  	s18 =	sld [smem:$0x3FFB];
	_ =	sdelay $0x3  }
0x98: {  	_ =	strace s18  }
0x99: {  	s4 =	sld [smem:$0x3FFC];
	_ =	sdelay $0x3  }
0x9a: {  	_ =	strace s4  }
0x9b: {  	s4 =	sld [smem:$0x3FFD];
	_ =	sdelay $0x3  }
0x9c: {  	_ =	strace s4  }
0x9d: {  	_ =	strace $0x8FFFFFFF  }
0x9e: {  	s19 =	sld [smem:$0x3FDB];
	_ =	sdelay $0x1  }
0x9f: {  	s5 =	simm.s32 $_scs_section_size  }
0xa0: {  	s6 =	simm.s32 $_size__tile_overlayer_lowered;
	s7 =	simm.s32 $_tile_overlayer_lowered  }
0xa1: {  	s22 =	simm.s32 $0x1BFF;
	s21 =	sshll.u32 s7, $0x1;
	s4 =	sadd.s32 s5, s19  }
0xa2: {  	s8 =	simm.s32 $0x0;
	s20 =	sshll.u32 s6, $0x1;
	s6 =	sadd.s32 s21, s4  }
0xa3: {  	[timem:s8], [sflag:s22] =	dma.local [hbm:s6], s20  }
0xa4: {  	_ =	swait.ge [sflag:s22], s20  }
0xa5: {  	s5 =	ssub.s32 $0x0, s20;
	[sflag:s22] =	ssyncset.done $0x0  }
0xa6: {  	[sflag:s22] =	ssyncadd.s32 s5;
	_ =	sdelay $0x1  }
0xa7: {  	s23 =	simm.s32 $0x1B8B  }
0xa8: {  	_ =	swait.ge [sflag:s23], $0x1  }
0xa9: {  	[sflag:s23] =	ssyncset.done $0x0  }
0xaa: {  	s25 =	simm.s32 $0x1B8E;
	s24 =	sld [smem:$0x3FFE];
	[sflag:s23] =	ssyncadd.s32 $0xFFFFFFFF  }
0xab: {  	s26 =	simm.s32 $execute0_lowered;
	[smem:$0x3FD2] =	sst s25  }
0xac: {  	s6 =	sshll.u32 s26, $0x1;
	_ =	strace $0x80000049;
	[dreg:$0x1] =	wrdreg $0xFFFFFFFF  }
0xad: {  	s28 =	simm.s32 $_size_execute0_lowered;
	s4 =	sadd.s32 s4, s6;
	[dreg:$0x0] =	wrdreg $0x0  }
0xae: {  	s6 =	sshll.u32 s28, $0x1;
	[dreg:$0x2] =	wrdreg s4  }
0xaf: {  	[dreg:$0x3] =	wrdreg s6  }
0xb0: {  	[dreg:$0x4] =	wrdreg $0xC0  }
0xb1: {  	_ =	task [dreg:s8], $0x5FFFF  }
0xb2: {  	[dreg:$0x1] =	wrdreg $0xFFFFFFFF  }
0xb3: {  	[dreg:$0x0] =	wrdreg $0x60  }
0xb4: {  	[dreg:$0x2] =	wrdreg s16  }
0xb5: {  	[dreg:$0x3] =	wrdreg s17  }
0xb6: {  	[dreg:$0x4] =	wrdreg s24  }
0xb7: {  	[dreg:$0x5] =	wrdreg $0xA8000  }
0xb8: {  	[dreg:$0x6] =	wrdreg $0x9  }
0xb9: {  	_ =	task.clear_ibuf [dreg:s8], $0x7FFFF;
	_ =	strace $0x90000049  }
0xba: {  	s29 =	simm.s32 $0x9;
	_ =	strace $0x8000004B  }
0xbb: {  	_ =	swait.ge [sflag:s29], $0x1  }
0xbc: {  	[sflag:s29] =	ssyncadd.s32 $0xFFFFFFFF  }
0xbd: {  	_ =	strace $0x9000004B  }
0xbe: {  	_ =	sfence  }
0xbf: {  	s30 =	sld [smem:$0x0];
	_ =	sdelay $0x2  }
0xc0: {  	s31 =	sshll.u32 s1, $0xD;
	s1 =	sshrl.u32 s1, $0x2  }
0xc1: {  	s3 =	sand.u32 $0x4000, s31;
	s1 =	sadd.s32 s1, s30  }
0xc2: {  	s0 =	sor.u32 s3, s0;
	s1 =	sshll.u32 s1, $0x11  }
0xc3: {  	s0 =	sor.u32 s1, s0  }
0xc4: {  	s0 =	sadd.s32 $0x8F2B, s0  }
0xc5: {  	[sflag:s0] =	ssyncadd.remote.s32 $0x1  }
0xc6: {  	_ =	sfence.sel $0xFFFF  }
0xc7: {  	[dreg:$0x0] =	wrdreg $0xFFFFFFFF;
	(pc) =	sbr.abs _section_cstart, $3  }
0xc8: {  	[dreg:$0x1] =	wrdreg $0xFFFFFFFF  }
0xc9: {  	_ =	task.clear_ibuf [dreg:s8], $0x2FFFF;
	_ =	strace $0x9FFFFFFF  }
0xca: {  	(tm) =	ssettm $0x7FFFFFFF  }
0xcb: {  	_ =	shalt  }
tec
execute0_lowered:
.L_overlay_start_1:
0x0: {  	(tag) =	ssettag $0x1  }
0x1: {  	s0 =	rddreg [dreg:$0x0]  }
0x2: {  	s22 =	rddreg [dreg:$0x1]  }
0x3: {  	s1 =	rddreg [dreg:$0x2];
	s2 =	srdreg.scid  }
0x4: {  	s4 =	rddreg [dreg:$0x3];
	s9 =	stileid.u32;
	s5 =	simm.s32 $0x0  }
0x5: {  	s13 =	simm.s32 $0x4;
	s14 =	simm.s32 $0x80;
	s15 =	simm.s32 $0x2800  }
0x6: {  	s16 =	simm.s32 $0x6800;
	s17 =	simm.s32 $0x2;
	s18 =	simm.s32 $0x3  }
0x7: {  	s19 =	simm.s32 $0x1;
	s12 =	simm.s32 $0x2380;
	s28 =	simm.s32 $0x2500  }
0x8: {  	s29 =	simm.s32 $0x1200;
	s30 =	simm.s32 $0x2580;
	s31 =	simm.s32 $0x1280  }
0x9: {  	s11 =	simm.s32 $0x2700;
	s2 =	sand.u32 $0x1, s2;
	s7 =	smul.u32 $0x13C00, s9  }
0xa: {  	[smem:$0x7FF] =	sst s5;
	s6 =	sadd.s32 $0x20800, s1;
	s8 =	smul.u32 $0x4F000, s9  }
0xb: {  	s10 =	sadd.s32 $0x2E00, s1;
	s23 =	sshll.u32 s9, $0x1;
	s25 =	sshll.u32 s9, $0x6  }
0xc: {  	s3 =	smul.u32 $0x13C000, s2;
	_ =	strace $0x8000004A;
	s20 =	ssub.s32 $0x2, s2  }
0xd: {  	[dreg:$0x5] =	wrdreg s10;
	s2 =	sor.u32 s2, s23;
	s23 =	sor.u32 $0x1C04, s25  }
0xe: {  	s25 =	simm.s32 $0x2480;
	s10 =	simm.s32 $0x1380;
	s21 =	sshrl.u32 s20, $0x1  }
0xf: {  	s8 =	sshrl.u32 s8, $0x2;
	s9 =	smul.u32 $0x2800, s2;
	[dreg:$0x6] =	wrdreg s23  }
0x10: {  	s2 =	simm.s32 $0x2600;
	s3 =	sadd.s32 s7, s3;
	s24 =	sadd.s32 s8, s4  }
0x11: {  	s7 =	simm.s32 $0x2680;
	s8 =	simm.s32 $0x2780;
	s3 =	sshrl.u32 s3, $0x3  }
0x12: {  	s24 =	sshrl.u32 s24, $0x3;
	s1 =	sadd.s32 s3, s1;
	s3 =	ssub.s32 s20, s21  }
0x13: {  	[dreg:$0x9] =	wrdreg s24;
	s20 =	simm.s32 $0x2400;
	s1 =	sadd.s32 $0x2A800, s1  }
0x14: {  	s26 =	smax.u32 s3, $0x1;
	s3 =	simm.s32 $0x1300;
	[dreg:$0x7] =	wrdreg s1  }
0x15: {  	[dreg:$0x8] =	wrdreg s26;
	s1 =	simm.s32 $0x0;
	s26 =	simm.s32 $0x1180  }
.LBB2_1:
0x16: {  	[dreg:$0xa] =	wrdreg s1  }
0x17: {  	s21 =	rddreg [dreg:$0x5]  }
0x18: {  	[spmem:s24], [sflag:s23] =	dma.local [hbm:s21], $0x2780  }
0x19: {  	_ =	swait.ge [sflag:s13], $0x2780  }
0x1a: {  	[sflag:s13] =	ssyncset.done $0x0  }
0x1b: {  	p0 =	por $0x1, $0x1;
	s1 =	simm.s32 $0x1080;
	[sflag:s13] =	ssyncadd.s32 $0xFFFFD880  }
0x1c: {  	s21 =	simm.s32 $0x0;
	s24 =	simm.s32 $0x1100;
	[bflag:$0x0] =	sbarrier.arrive $0xFFFF  }
.LBB2_2:
0x1d: {  	s21 =	sadd.s32 s9, s21  }
0x1e: {  	s21 =	sshrl.u32 s21, $0x3  }
0x1f: {  	s23 =	smov.u32 s22;
	s22 =	sadd.s32 s22, s21  }
0x20: {  	[tilespmem:s5], [sflag:$0x4] =	stream.linear.gather [hbm4b:s22+s5], $0x1400, $0x38;
	[tilespmem:$0x1E400] =	vst v63  }
0x21: {  	_ =	swait.ge [sflag:s13], $0x1400  }
0x22: {  	[sflag:s13] =	ssyncset.done $0x0  }
0x23: {  	s22 =	sadd.s32 s6, s21;
	s21 =	simm.s32 $0x1400;
	[sflag:s13] =	ssyncadd.s32 $0xFFFFEC00  }
0x24: {  	[tilespmem:s21], [sflag:$0x4] =	stream.linear.gather [hbm4b:s22+s5], $0x1400, $0x38;
	[tilespmem:$0x1E400] =	vst v63  }
0x25: {  	_ =	swait.ge [sflag:s13], $0x1400  }
0x26: {  	[sflag:s13] =	ssyncset.done $0x0  }
0x27: {  	[sflag:s13] =	ssyncadd.s32 $0xFFFFEC00  }
0x28: {  	[tilespmem:s15], [sflag:$0x2] =	stream.indirect.gather [hbm4b:s0+s14], $0x80, s5, s14, $0xb8;
	[tilespmem:$0x1E400] =	vst v63  }
0x29: {  	_ = 	snop  }
0x2a: {  	[tilespmem:s16], [sflag:$0x3] =	stream.indirect.gather [hbm4b:s0+s14], $0x80, s14, s14, $0xb8;
	[tilespmem:$0x1E400] =	vst v63  }
0x2b: {  	_ =	swait.ge [sflag:s17], $0x4000  }
0x2c: {  	[sflag:s17] =	ssyncset.done $0x0  }
0x2d: {  	[sflag:s17] =	ssyncadd.s32 $0xFFFFC000  }
0x2e: {  	[spmem:s4] =	stream.indirect.scatter.add.f32 [tilespmem:s15], [sflag:$0x1], $0x80, s21, s14, $0xb8;
	[tilespmem:$0x1E400] =	vst v63  }
0x2f: {  	_ =	swait.ge [sflag:s18], $0x4000  }
0x30: {  	[sflag:s18] =	ssyncset.done $0x0  }
0x31: {  	[sflag:s18] =	ssyncadd.s32 $0xFFFFC000  }
0x32: {  	_ =	swait.ge [sflag:s19], $0x4000  }
0x33: {  	[sflag:s19] =	ssyncset.done $0x0  }
0x34: {  	s22 =	smov.u32 s23;
	s23 =	simm.s32 $0x100;
	[sflag:s19] =	ssyncadd.s32 $0xFFFFC000  }
0x35: {  	[tilespmem:s15], [sflag:$0x2] =	stream.indirect.gather [hbm4b:s0+s14], $0x80, s23, s14, $0xb8;
	[tilespmem:$0x1E400] =	vst v63  }
0x36: {  	s23 =	simm.s32 $0x1480  }
0x37: {  	[spmem:s4] =	stream.indirect.scatter.add.f32 [tilespmem:s16], [sflag:$0x1], $0x80, s23, s14, $0xb8;
	[tilespmem:$0x1E400] =	vst v63  }
0x38: {  	_ =	swait.ge [sflag:s19], $0x4000  }
0x39: {  	[sflag:s19] =	ssyncset.done $0x0  }
0x3a: {  	s23 =	simm.s32 $0x180;
	[sflag:s19] =	ssyncadd.s32 $0xFFFFC000  }
0x3b: {  	[tilespmem:s16], [sflag:$0x3] =	stream.indirect.gather [hbm4b:s0+s14], $0x80, s23, s14, $0xb8;
	[tilespmem:$0x1E400] =	vst v63  }
0x3c: {  	_ =	swait.ge [sflag:s17], $0x4000  }
0x3d: {  	[sflag:s17] =	ssyncset.done $0x0  }
0x3e: {  	s23 =	simm.s32 $0x1500;
	[sflag:s17] =	ssyncadd.s32 $0xFFFFC000  }
0x3f: {  	[spmem:s4] =	stream.indirect.scatter.add.f32 [tilespmem:s15], [sflag:$0x1], $0x80, s23, s14, $0xb8;
	[tilespmem:$0x1E400] =	vst v63  }
0x40: {  	_ =	swait.ge [sflag:s18], $0x4000  }
0x41: {  	[sflag:s18] =	ssyncset.done $0x0  }
0x42: {  	[sflag:s18] =	ssyncadd.s32 $0xFFFFC000  }
0x43: {  	_ =	swait.ge [sflag:s19], $0x4000  }
0x44: {  	[sflag:s19] =	ssyncset.done $0x0  }
0x45: {  	s23 =	simm.s32 $0x200;
	[sflag:s19] =	ssyncadd.s32 $0xFFFFC000  }
0x46: {  	[tilespmem:s15], [sflag:$0x2] =	stream.indirect.gather [hbm4b:s0+s14], $0x80, s23, s14, $0xb8;
	[tilespmem:$0x1E400] =	vst v63  }
0x47: {  	s23 =	simm.s32 $0x1580  }
0x48: {  	[spmem:s4] =	stream.indirect.scatter.add.f32 [tilespmem:s16], [sflag:$0x1], $0x80, s23, s14, $0xb8;
	[tilespmem:$0x1E400] =	vst v63  }
0x49: {  	_ =	swait.ge [sflag:s19], $0x4000  }
0x4a: {  	[sflag:s19] =	ssyncset.done $0x0  }
0x4b: {  	s23 =	simm.s32 $0x280;
	[sflag:s19] =	ssyncadd.s32 $0xFFFFC000  }
0x4c: {  	[tilespmem:s16], [sflag:$0x3] =	stream.indirect.gather [hbm4b:s0+s14], $0x80, s23, s14, $0xb8;
	[tilespmem:$0x1E400] =	vst v63  }
0x4d: {  	_ =	swait.ge [sflag:s17], $0x4000  }
0x4e: {  	[sflag:s17] =	ssyncset.done $0x0  }
0x4f: {  	s23 =	simm.s32 $0x1600;
	[sflag:s17] =	ssyncadd.s32 $0xFFFFC000  }
0x50: {  	[spmem:s4] =	stream.indirect.scatter.add.f32 [tilespmem:s15], [sflag:$0x1], $0x80, s23, s14, $0xb8;
	[tilespmem:$0x1E400] =	vst v63  }
0x51: {  	_ =	swait.ge [sflag:s18], $0x4000  }
0x52: {  	[sflag:s18] =	ssyncset.done $0x0  }
0x53: {  	[sflag:s18] =	ssyncadd.s32 $0xFFFFC000  }
0x54: {  	_ =	swait.ge [sflag:s19], $0x4000  }
0x55: {  	[sflag:s19] =	ssyncset.done $0x0  }
0x56: {  	s23 =	simm.s32 $0x300;
	[sflag:s19] =	ssyncadd.s32 $0xFFFFC000  }
0x57: {  	[tilespmem:s15], [sflag:$0x2] =	stream.indirect.gather [hbm4b:s0+s14], $0x80, s23, s14, $0xb8;
	[tilespmem:$0x1E400] =	vst v63  }
0x58: {  	s23 =	simm.s32 $0x1680  }
0x59: {  	[spmem:s4] =	stream.indirect.scatter.add.f32 [tilespmem:s16], [sflag:$0x1], $0x80, s23, s14, $0xb8;
	[tilespmem:$0x1E400] =	vst v63  }
0x5a: {  	_ =	swait.ge [sflag:s19], $0x4000  }
0x5b: {  	[sflag:s19] =	ssyncset.done $0x0  }
0x5c: {  	s23 =	simm.s32 $0x380;
	[sflag:s19] =	ssyncadd.s32 $0xFFFFC000  }
0x5d: {  	[tilespmem:s16], [sflag:$0x3] =	stream.indirect.gather [hbm4b:s0+s14], $0x80, s23, s14, $0xb8;
	[tilespmem:$0x1E400] =	vst v63  }
0x5e: {  	_ =	swait.ge [sflag:s17], $0x4000  }
0x5f: {  	[sflag:s17] =	ssyncset.done $0x0  }
0x60: {  	s23 =	simm.s32 $0x1700;
	[sflag:s17] =	ssyncadd.s32 $0xFFFFC000  }
0x61: {  	[spmem:s4] =	stream.indirect.scatter.add.f32 [tilespmem:s15], [sflag:$0x1], $0x80, s23, s14, $0xb8;
	[tilespmem:$0x1E400] =	vst v63  }
0x62: {  	_ =	swait.ge [sflag:s18], $0x4000  }
0x63: {  	[sflag:s18] =	ssyncset.done $0x0  }
0x64: {  	[sflag:s18] =	ssyncadd.s32 $0xFFFFC000  }
0x65: {  	_ =	swait.ge [sflag:s19], $0x4000  }
0x66: {  	[sflag:s19] =	ssyncset.done $0x0  }
0x67: {  	s23 =	simm.s32 $0x400;
	[sflag:s19] =	ssyncadd.s32 $0xFFFFC000  }
0x68: {  	[tilespmem:s15], [sflag:$0x2] =	stream.indirect.gather [hbm4b:s0+s14], $0x80, s23, s14, $0xb8;
	[tilespmem:$0x1E400] =	vst v63  }
0x69: {  	s23 =	simm.s32 $0x1780  }
0x6a: {  	[spmem:s4] =	stream.indirect.scatter.add.f32 [tilespmem:s16], [sflag:$0x1], $0x80, s23, s14, $0xb8;
	[tilespmem:$0x1E400] =	vst v63  }
0x6b: {  	_ =	swait.ge [sflag:s19], $0x4000  }
0x6c: {  	[sflag:s19] =	ssyncset.done $0x0  }
0x6d: {  	s23 =	simm.s32 $0x480;
	[sflag:s19] =	ssyncadd.s32 $0xFFFFC000  }
0x6e: {  	[tilespmem:s16], [sflag:$0x3] =	stream.indirect.gather [hbm4b:s0+s14], $0x80, s23, s14, $0xb8;
	[tilespmem:$0x1E400] =	vst v63  }
0x6f: {  	_ =	swait.ge [sflag:s17], $0x4000  }
0x70: {  	[sflag:s17] =	ssyncset.done $0x0  }
0x71: {  	s23 =	simm.s32 $0x1800;
	[sflag:s17] =	ssyncadd.s32 $0xFFFFC000  }
0x72: {  	[spmem:s4] =	stream.indirect.scatter.add.f32 [tilespmem:s15], [sflag:$0x1], $0x80, s23, s14, $0xb8;
	[tilespmem:$0x1E400] =	vst v63  }
0x73: {  	_ =	swait.ge [sflag:s18], $0x4000  }
0x74: {  	[sflag:s18] =	ssyncset.done $0x0  }
0x75: {  	[sflag:s18] =	ssyncadd.s32 $0xFFFFC000  }
0x76: {  	_ =	swait.ge [sflag:s19], $0x4000  }
0x77: {  	[sflag:s19] =	ssyncset.done $0x0  }
0x78: {  	s23 =	simm.s32 $0x500;
	[sflag:s19] =	ssyncadd.s32 $0xFFFFC000  }
0x79: {  	[tilespmem:s15], [sflag:$0x2] =	stream.indirect.gather [hbm4b:s0+s14], $0x80, s23, s14, $0xb8;
	[tilespmem:$0x1E400] =	vst v63  }
0x7a: {  	s23 =	simm.s32 $0x1880  }
0x7b: {  	[spmem:s4] =	stream.indirect.scatter.add.f32 [tilespmem:s16], [sflag:$0x1], $0x80, s23, s14, $0xb8;
	[tilespmem:$0x1E400] =	vst v63  }
0x7c: {  	_ =	swait.ge [sflag:s19], $0x4000  }
0x7d: {  	[sflag:s19] =	ssyncset.done $0x0  }
0x7e: {  	s23 =	simm.s32 $0x580;
	[sflag:s19] =	ssyncadd.s32 $0xFFFFC000  }
0x7f: {  	[tilespmem:s16], [sflag:$0x3] =	stream.indirect.gather [hbm4b:s0+s14], $0x80, s23, s14, $0xb8;
	[tilespmem:$0x1E400] =	vst v63  }
0x80: {  	_ =	swait.ge [sflag:s17], $0x4000  }
0x81: {  	[sflag:s17] =	ssyncset.done $0x0  }
0x82: {  	s23 =	simm.s32 $0x1900;
	[sflag:s17] =	ssyncadd.s32 $0xFFFFC000  }
0x83: {  	[spmem:s4] =	stream.indirect.scatter.add.f32 [tilespmem:s15], [sflag:$0x1], $0x80, s23, s14, $0xb8;
	[tilespmem:$0x1E400] =	vst v63  }
0x84: {  	_ =	swait.ge [sflag:s18], $0x4000  }
0x85: {  	[sflag:s18] =	ssyncset.done $0x0  }
0x86: {  	[sflag:s18] =	ssyncadd.s32 $0xFFFFC000  }
0x87: {  	_ =	swait.ge [sflag:s19], $0x4000  }
0x88: {  	[sflag:s19] =	ssyncset.done $0x0  }
0x89: {  	s23 =	simm.s32 $0x600;
	[sflag:s19] =	ssyncadd.s32 $0xFFFFC000  }
0x8a: {  	[tilespmem:s15], [sflag:$0x2] =	stream.indirect.gather [hbm4b:s0+s14], $0x80, s23, s14, $0xb8;
	[tilespmem:$0x1E400] =	vst v63  }
0x8b: {  	s23 =	simm.s32 $0x1980  }
0x8c: {  	[spmem:s4] =	stream.indirect.scatter.add.f32 [tilespmem:s16], [sflag:$0x1], $0x80, s23, s14, $0xb8;
	[tilespmem:$0x1E400] =	vst v63  }
0x8d: {  	_ =	swait.ge [sflag:s19], $0x4000  }
0x8e: {  	[sflag:s19] =	ssyncset.done $0x0  }
0x8f: {  	s23 =	simm.s32 $0x680;
	[sflag:s19] =	ssyncadd.s32 $0xFFFFC000  }
0x90: {  	[tilespmem:s16], [sflag:$0x3] =	stream.indirect.gather [hbm4b:s0+s14], $0x80, s23, s14, $0xb8;
	[tilespmem:$0x1E400] =	vst v63  }
0x91: {  	_ =	swait.ge [sflag:s17], $0x4000  }
0x92: {  	[sflag:s17] =	ssyncset.done $0x0  }
0x93: {  	s23 =	simm.s32 $0x1A00;
	[sflag:s17] =	ssyncadd.s32 $0xFFFFC000  }
0x94: {  	[spmem:s4] =	stream.indirect.scatter.add.f32 [tilespmem:s15], [sflag:$0x1], $0x80, s23, s14, $0xb8;
	[tilespmem:$0x1E400] =	vst v63  }
0x95: {  	_ =	swait.ge [sflag:s18], $0x4000  }
0x96: {  	[sflag:s18] =	ssyncset.done $0x0  }
0x97: {  	[sflag:s18] =	ssyncadd.s32 $0xFFFFC000  }
0x98: {  	_ =	swait.ge [sflag:s19], $0x4000  }
0x99: {  	[sflag:s19] =	ssyncset.done $0x0  }
0x9a: {  	s23 =	simm.s32 $0x700;
	[sflag:s19] =	ssyncadd.s32 $0xFFFFC000  }
0x9b: {  	[tilespmem:s15], [sflag:$0x2] =	stream.indirect.gather [hbm4b:s0+s14], $0x80, s23, s14, $0xb8;
	[tilespmem:$0x1E400] =	vst v63  }
0x9c: {  	s23 =	simm.s32 $0x1A80  }
0x9d: {  	[spmem:s4] =	stream.indirect.scatter.add.f32 [tilespmem:s16], [sflag:$0x1], $0x80, s23, s14, $0xb8;
	[tilespmem:$0x1E400] =	vst v63  }
0x9e: {  	_ =	swait.ge [sflag:s19], $0x4000  }
0x9f: {  	[sflag:s19] =	ssyncset.done $0x0  }
0xa0: {  	s23 =	simm.s32 $0x780;
	[sflag:s19] =	ssyncadd.s32 $0xFFFFC000  }
0xa1: {  	[tilespmem:s16], [sflag:$0x3] =	stream.indirect.gather [hbm4b:s0+s14], $0x80, s23, s14, $0xb8;
	[tilespmem:$0x1E400] =	vst v63  }
0xa2: {  	_ =	swait.ge [sflag:s17], $0x4000  }
0xa3: {  	[sflag:s17] =	ssyncset.done $0x0  }
0xa4: {  	s23 =	simm.s32 $0x1B00;
	[sflag:s17] =	ssyncadd.s32 $0xFFFFC000  }
0xa5: {  	[spmem:s4] =	stream.indirect.scatter.add.f32 [tilespmem:s15], [sflag:$0x1], $0x80, s23, s14, $0xb8;
	[tilespmem:$0x1E400] =	vst v63  }
0xa6: {  	_ =	swait.ge [sflag:s18], $0x4000  }
0xa7: {  	[sflag:s18] =	ssyncset.done $0x0  }
0xa8: {  	[sflag:s18] =	ssyncadd.s32 $0xFFFFC000  }
0xa9: {  	_ =	swait.ge [sflag:s19], $0x4000  }
0xaa: {  	[sflag:s19] =	ssyncset.done $0x0  }
0xab: {  	s23 =	simm.s32 $0x800;
	[sflag:s19] =	ssyncadd.s32 $0xFFFFC000  }
0xac: {  	[tilespmem:s15], [sflag:$0x2] =	stream.indirect.gather [hbm4b:s0+s14], $0x80, s23, s14, $0xb8;
	[tilespmem:$0x1E400] =	vst v63  }
0xad: {  	s23 =	simm.s32 $0x1B80  }
0xae: {  	[spmem:s4] =	stream.indirect.scatter.add.f32 [tilespmem:s16], [sflag:$0x1], $0x80, s23, s14, $0xb8;
	[tilespmem:$0x1E400] =	vst v63  }
0xaf: {  	_ =	swait.ge [sflag:s19], $0x4000  }
0xb0: {  	[sflag:s19] =	ssyncset.done $0x0  }
0xb1: {  	s23 =	simm.s32 $0x880;
	[sflag:s19] =	ssyncadd.s32 $0xFFFFC000  }
0xb2: {  	[tilespmem:s16], [sflag:$0x3] =	stream.indirect.gather [hbm4b:s0+s14], $0x80, s23, s14, $0xb8;
	[tilespmem:$0x1E400] =	vst v63  }
0xb3: {  	_ =	swait.ge [sflag:s17], $0x4000  }
0xb4: {  	[sflag:s17] =	ssyncset.done $0x0  }
0xb5: {  	s23 =	simm.s32 $0x1C00;
	[sflag:s17] =	ssyncadd.s32 $0xFFFFC000  }
0xb6: {  	[spmem:s4] =	stream.indirect.scatter.add.f32 [tilespmem:s15], [sflag:$0x1], $0x80, s23, s14, $0xb8;
	[tilespmem:$0x1E400] =	vst v63  }
0xb7: {  	_ =	swait.ge [sflag:s18], $0x4000  }
0xb8: {  	[sflag:s18] =	ssyncset.done $0x0  }
0xb9: {  	[sflag:s18] =	ssyncadd.s32 $0xFFFFC000  }
0xba: {  	_ =	swait.ge [sflag:s19], $0x4000  }
0xbb: {  	[sflag:s19] =	ssyncset.done $0x0  }
0xbc: {  	s23 =	simm.s32 $0x900;
	[sflag:s19] =	ssyncadd.s32 $0xFFFFC000  }
0xbd: {  	[tilespmem:s15], [sflag:$0x2] =	stream.indirect.gather [hbm4b:s0+s14], $0x80, s23, s14, $0xb8;
	[tilespmem:$0x1E400] =	vst v63  }
0xbe: {  	s23 =	simm.s32 $0x1C80  }
0xbf: {  	[spmem:s4] =	stream.indirect.scatter.add.f32 [tilespmem:s16], [sflag:$0x1], $0x80, s23, s14, $0xb8;
	[tilespmem:$0x1E400] =	vst v63  }
0xc0: {  	_ =	swait.ge [sflag:s19], $0x4000  }
0xc1: {  	[sflag:s19] =	ssyncset.done $0x0  }
0xc2: {  	s23 =	simm.s32 $0x980;
	[sflag:s19] =	ssyncadd.s32 $0xFFFFC000  }
0xc3: {  	[tilespmem:s16], [sflag:$0x3] =	stream.indirect.gather [hbm4b:s0+s14], $0x80, s23, s14, $0xb8;
	[tilespmem:$0x1E400] =	vst v63  }
0xc4: {  	_ =	swait.ge [sflag:s17], $0x4000  }
0xc5: {  	[sflag:s17] =	ssyncset.done $0x0  }
0xc6: {  	s23 =	simm.s32 $0x1D00;
	[sflag:s17] =	ssyncadd.s32 $0xFFFFC000  }
0xc7: {  	[spmem:s4] =	stream.indirect.scatter.add.f32 [tilespmem:s15], [sflag:$0x1], $0x80, s23, s14, $0xb8;
	[tilespmem:$0x1E400] =	vst v63  }
0xc8: {  	_ =	swait.ge [sflag:s18], $0x4000  }
0xc9: {  	[sflag:s18] =	ssyncset.done $0x0  }
0xca: {  	[sflag:s18] =	ssyncadd.s32 $0xFFFFC000  }
0xcb: {  	_ =	swait.ge [sflag:s19], $0x4000  }
0xcc: {  	[sflag:s19] =	ssyncset.done $0x0  }
0xcd: {  	s23 =	simm.s32 $0xA00;
	[sflag:s19] =	ssyncadd.s32 $0xFFFFC000  }
0xce: {  	[tilespmem:s15], [sflag:$0x2] =	stream.indirect.gather [hbm4b:s0+s14], $0x80, s23, s14, $0xb8;
	[tilespmem:$0x1E400] =	vst v63  }
0xcf: {  	s23 =	simm.s32 $0x1D80  }
0xd0: {  	[spmem:s4] =	stream.indirect.scatter.add.f32 [tilespmem:s16], [sflag:$0x1], $0x80, s23, s14, $0xb8;
	[tilespmem:$0x1E400] =	vst v63  }
0xd1: {  	_ =	swait.ge [sflag:s19], $0x4000  }
0xd2: {  	[sflag:s19] =	ssyncset.done $0x0  }
0xd3: {  	s23 =	simm.s32 $0xA80;
	[sflag:s19] =	ssyncadd.s32 $0xFFFFC000  }
0xd4: {  	[tilespmem:s16], [sflag:$0x3] =	stream.indirect.gather [hbm4b:s0+s14], $0x80, s23, s14, $0xb8;
	[tilespmem:$0x1E400] =	vst v63  }
0xd5: {  	_ =	swait.ge [sflag:s17], $0x4000  }
0xd6: {  	[sflag:s17] =	ssyncset.done $0x0  }
0xd7: {  	s23 =	simm.s32 $0x1E00;
	[sflag:s17] =	ssyncadd.s32 $0xFFFFC000  }
0xd8: {  	[spmem:s4] =	stream.indirect.scatter.add.f32 [tilespmem:s15], [sflag:$0x1], $0x80, s23, s14, $0xb8;
	[tilespmem:$0x1E400] =	vst v63  }
0xd9: {  	_ =	swait.ge [sflag:s18], $0x4000  }
0xda: {  	[sflag:s18] =	ssyncset.done $0x0  }
0xdb: {  	[sflag:s18] =	ssyncadd.s32 $0xFFFFC000  }
0xdc: {  	_ =	swait.ge [sflag:s19], $0x4000  }
0xdd: {  	[sflag:s19] =	ssyncset.done $0x0  }
0xde: {  	s23 =	simm.s32 $0xB00;
	[sflag:s19] =	ssyncadd.s32 $0xFFFFC000  }
0xdf: {  	[tilespmem:s15], [sflag:$0x2] =	stream.indirect.gather [hbm4b:s0+s14], $0x80, s23, s14, $0xb8;
	[tilespmem:$0x1E400] =	vst v63  }
0xe0: {  	s23 =	simm.s32 $0x1E80  }
0xe1: {  	[spmem:s4] =	stream.indirect.scatter.add.f32 [tilespmem:s16], [sflag:$0x1], $0x80, s23, s14, $0xb8;
	[tilespmem:$0x1E400] =	vst v63  }
0xe2: {  	_ =	swait.ge [sflag:s19], $0x4000  }
0xe3: {  	[sflag:s19] =	ssyncset.done $0x0  }
0xe4: {  	s23 =	simm.s32 $0xB80;
	[sflag:s19] =	ssyncadd.s32 $0xFFFFC000  }
0xe5: {  	[tilespmem:s16], [sflag:$0x3] =	stream.indirect.gather [hbm4b:s0+s14], $0x80, s23, s14, $0xb8;
	[tilespmem:$0x1E400] =	vst v63  }
0xe6: {  	_ =	swait.ge [sflag:s17], $0x4000  }
0xe7: {  	[sflag:s17] =	ssyncset.done $0x0  }
0xe8: {  	s23 =	simm.s32 $0x1F00;
	[sflag:s17] =	ssyncadd.s32 $0xFFFFC000  }
0xe9: {  	[spmem:s4] =	stream.indirect.scatter.add.f32 [tilespmem:s15], [sflag:$0x1], $0x80, s23, s14, $0xb8;
	[tilespmem:$0x1E400] =	vst v63  }
0xea: {  	_ =	swait.ge [sflag:s18], $0x4000  }
0xeb: {  	[sflag:s18] =	ssyncset.done $0x0  }
0xec: {  	[sflag:s18] =	ssyncadd.s32 $0xFFFFC000  }
0xed: {  	_ =	swait.ge [sflag:s19], $0x4000  }
0xee: {  	[sflag:s19] =	ssyncset.done $0x0  }
0xef: {  	s23 =	simm.s32 $0xC00;
	[sflag:s19] =	ssyncadd.s32 $0xFFFFC000  }
0xf0: {  	[tilespmem:s15], [sflag:$0x2] =	stream.indirect.gather [hbm4b:s0+s14], $0x80, s23, s14, $0xb8;
	[tilespmem:$0x1E400] =	vst v63  }
0xf1: {  	s23 =	simm.s32 $0x1F80  }
0xf2: {  	[spmem:s4] =	stream.indirect.scatter.add.f32 [tilespmem:s16], [sflag:$0x1], $0x80, s23, s14, $0xb8;
	[tilespmem:$0x1E400] =	vst v63  }
0xf3: {  	_ =	swait.ge [sflag:s19], $0x4000  }
0xf4: {  	[sflag:s19] =	ssyncset.done $0x0  }
0xf5: {  	s23 =	simm.s32 $0xC80;
	[sflag:s19] =	ssyncadd.s32 $0xFFFFC000  }
0xf6: {  	[tilespmem:s16], [sflag:$0x3] =	stream.indirect.gather [hbm4b:s0+s14], $0x80, s23, s14, $0xb8;
	[tilespmem:$0x1E400] =	vst v63  }
0xf7: {  	_ =	swait.ge [sflag:s17], $0x4000  }
0xf8: {  	[sflag:s17] =	ssyncset.done $0x0  }
0xf9: {  	s23 =	simm.s32 $0x2000;
	[sflag:s17] =	ssyncadd.s32 $0xFFFFC000  }
0xfa: {  	[spmem:s4] =	stream.indirect.scatter.add.f32 [tilespmem:s15], [sflag:$0x1], $0x80, s23, s14, $0xb8;
	[tilespmem:$0x1E400] =	vst v63  }
0xfb: {  	_ =	swait.ge [sflag:s18], $0x4000  }
0xfc: {  	[sflag:s18] =	ssyncset.done $0x0  }
0xfd: {  	[sflag:s18] =	ssyncadd.s32 $0xFFFFC000  }
0xfe: {  	_ =	swait.ge [sflag:s19], $0x4000  }
0xff: {  	[sflag:s19] =	ssyncset.done $0x0  }
0x100: {  	s23 =	simm.s32 $0xD00;
	[sflag:s19] =	ssyncadd.s32 $0xFFFFC000  }
0x101: {  	[tilespmem:s15], [sflag:$0x2] =	stream.indirect.gather [hbm4b:s0+s14], $0x80, s23, s14, $0xb8;
	[tilespmem:$0x1E400] =	vst v63  }
0x102: {  	s23 =	simm.s32 $0x2080  }
0x103: {  	[spmem:s4] =	stream.indirect.scatter.add.f32 [tilespmem:s16], [sflag:$0x1], $0x80, s23, s14, $0xb8;
	[tilespmem:$0x1E400] =	vst v63  }
0x104: {  	_ =	swait.ge [sflag:s19], $0x4000  }
0x105: {  	[sflag:s19] =	ssyncset.done $0x0  }
0x106: {  	s23 =	simm.s32 $0xD80;
	[sflag:s19] =	ssyncadd.s32 $0xFFFFC000  }
0x107: {  	[tilespmem:s16], [sflag:$0x3] =	stream.indirect.gather [hbm4b:s0+s14], $0x80, s23, s14, $0xb8;
	[tilespmem:$0x1E400] =	vst v63  }
0x108: {  	_ =	swait.ge [sflag:s17], $0x4000  }
0x109: {  	[sflag:s17] =	ssyncset.done $0x0  }
0x10a: {  	s23 =	simm.s32 $0x2100;
	[sflag:s17] =	ssyncadd.s32 $0xFFFFC000  }
0x10b: {  	[spmem:s4] =	stream.indirect.scatter.add.f32 [tilespmem:s15], [sflag:$0x1], $0x80, s23, s14, $0xb8;
	[tilespmem:$0x1E400] =	vst v63  }
0x10c: {  	_ =	swait.ge [sflag:s18], $0x4000  }
0x10d: {  	[sflag:s18] =	ssyncset.done $0x0  }
0x10e: {  	[sflag:s18] =	ssyncadd.s32 $0xFFFFC000  }
0x10f: {  	_ =	swait.ge [sflag:s19], $0x4000  }
0x110: {  	[sflag:s19] =	ssyncset.done $0x0  }
0x111: {  	s23 =	simm.s32 $0xE00;
	[sflag:s19] =	ssyncadd.s32 $0xFFFFC000  }
0x112: {  	[tilespmem:s15], [sflag:$0x2] =	stream.indirect.gather [hbm4b:s0+s14], $0x80, s23, s14, $0xb8;
	[tilespmem:$0x1E400] =	vst v63  }
0x113: {  	s23 =	simm.s32 $0x2180  }
0x114: {  	[spmem:s4] =	stream.indirect.scatter.add.f32 [tilespmem:s16], [sflag:$0x1], $0x80, s23, s14, $0xb8;
	[tilespmem:$0x1E400] =	vst v63  }
0x115: {  	_ =	swait.ge [sflag:s19], $0x4000  }
0x116: {  	[sflag:s19] =	ssyncset.done $0x0  }
0x117: {  	s23 =	simm.s32 $0xE80;
	[sflag:s19] =	ssyncadd.s32 $0xFFFFC000  }
0x118: {  	[tilespmem:s16], [sflag:$0x3] =	stream.indirect.gather [hbm4b:s0+s14], $0x80, s23, s14, $0xb8;
	[tilespmem:$0x1E400] =	vst v63  }
0x119: {  	_ =	swait.ge [sflag:s17], $0x4000  }
0x11a: {  	[sflag:s17] =	ssyncset.done $0x0  }
0x11b: {  	s23 =	simm.s32 $0x2200;
	[sflag:s17] =	ssyncadd.s32 $0xFFFFC000  }
0x11c: {  	[spmem:s4] =	stream.indirect.scatter.add.f32 [tilespmem:s15], [sflag:$0x1], $0x80, s23, s14, $0xb8;
	[tilespmem:$0x1E400] =	vst v63  }
0x11d: {  	_ =	swait.ge [sflag:s18], $0x4000  }
0x11e: {  	[sflag:s18] =	ssyncset.done $0x0  }
0x11f: {  	[sflag:s18] =	ssyncadd.s32 $0xFFFFC000  }
0x120: {  	_ =	swait.ge [sflag:s19], $0x4000  }
0x121: {  	[sflag:s19] =	ssyncset.done $0x0  }
0x122: {  	s23 =	simm.s32 $0xF00;
	[sflag:s19] =	ssyncadd.s32 $0xFFFFC000  }
0x123: {  	[tilespmem:s15], [sflag:$0x2] =	stream.indirect.gather [hbm4b:s0+s14], $0x80, s23, s14, $0xb8;
	[tilespmem:$0x1E400] =	vst v63  }
0x124: {  	s23 =	simm.s32 $0x2280  }
0x125: {  	[spmem:s4] =	stream.indirect.scatter.add.f32 [tilespmem:s16], [sflag:$0x1], $0x80, s23, s14, $0xb8;
	[tilespmem:$0x1E400] =	vst v63  }
0x126: {  	_ =	swait.ge [sflag:s19], $0x4000  }
0x127: {  	[sflag:s19] =	ssyncset.done $0x0  }
0x128: {  	s23 =	simm.s32 $0xF80;
	[sflag:s19] =	ssyncadd.s32 $0xFFFFC000  }
0x129: {  	[tilespmem:s16], [sflag:$0x3] =	stream.indirect.gather [hbm4b:s0+s14], $0x80, s23, s14, $0xb8;
	[tilespmem:$0x1E400] =	vst v63  }
0x12a: {  	_ =	swait.ge [sflag:s17], $0x4000  }
0x12b: {  	[sflag:s17] =	ssyncset.done $0x0  }
0x12c: {  	s23 =	simm.s32 $0x2300;
	[sflag:s17] =	ssyncadd.s32 $0xFFFFC000  }
0x12d: {  	[spmem:s4] =	stream.indirect.scatter.add.f32 [tilespmem:s15], [sflag:$0x1], $0x80, s23, s14, $0xb8;
	[tilespmem:$0x1E400] =	vst v63  }
0x12e: {  	_ =	swait.ge [sflag:s18], $0x4000  }
0x12f: {  	[sflag:s18] =	ssyncset.done $0x0  }
0x130: {  	[sflag:s18] =	ssyncadd.s32 $0xFFFFC000  }
0x131: {  	_ =	swait.ge [sflag:s19], $0x4000  }
0x132: {  	[sflag:s19] =	ssyncset.done $0x0  }
0x133: {  	s23 =	simm.s32 $0x1000;
	[sflag:s19] =	ssyncadd.s32 $0xFFFFC000  }
0x134: {  	[tilespmem:s15], [sflag:$0x2] =	stream.indirect.gather [hbm4b:s0+s14], $0x80, s23, s14, $0xb8;
	[tilespmem:$0x1E400] =	vst v63  }
0x135: {  	_ = 	snop  }
0x136: {  	[spmem:s4] =	stream.indirect.scatter.add.f32 [tilespmem:s16], [sflag:$0x1], $0x80, s12, s14, $0xb8;
	[tilespmem:$0x1E400] =	vst v63  }
0x137: {  	_ =	swait.ge [sflag:s19], $0x4000  }
0x138: {  	[sflag:s19] =	ssyncset.done $0x0  }
0x139: {  	[sflag:s19] =	ssyncadd.s32 $0xFFFFC000  }
0x13a: {  	[tilespmem:s16], [sflag:$0x3] =	stream.indirect.gather [hbm4b:s0+s14], $0x80, s1, s14, $0xb8;
	[tilespmem:$0x1E400] =	vst v63  }
0x13b: {  	_ =	swait.ge [sflag:s17], $0x4000  }
0x13c: {  	[sflag:s17] =	ssyncset.done $0x0  }
0x13d: {  	[sflag:s17] =	ssyncadd.s32 $0xFFFFC000  }
0x13e: {  	[spmem:s4] =	stream.indirect.scatter.add.f32 [tilespmem:s15], [sflag:$0x1], $0x80, s20, s14, $0xb8;
	[tilespmem:$0x1E400] =	vst v63  }
0x13f: {  	_ =	swait.ge [sflag:s18], $0x4000  }
0x140: {  	[sflag:s18] =	ssyncset.done $0x0  }
0x141: {  	[sflag:s18] =	ssyncadd.s32 $0xFFFFC000  }
0x142: {  	_ =	swait.ge [sflag:s19], $0x4000  }
0x143: {  	[sflag:s19] =	ssyncset.done $0x0  }
0x144: {  	[sflag:s19] =	ssyncadd.s32 $0xFFFFC000  }
0x145: {  	[tilespmem:s15], [sflag:$0x2] =	stream.indirect.gather [hbm4b:s0+s14], $0x80, s24, s14, $0xb8;
	[tilespmem:$0x1E400] =	vst v63  }
0x146: {  	_ = 	snop  }
0x147: {  	[spmem:s4] =	stream.indirect.scatter.add.f32 [tilespmem:s16], [sflag:$0x1], $0x80, s25, s14, $0xb8;
	[tilespmem:$0x1E400] =	vst v63  }
0x148: {  	_ =	swait.ge [sflag:s19], $0x4000  }
0x149: {  	[sflag:s19] =	ssyncset.done $0x0  }
0x14a: {  	[sflag:s19] =	ssyncadd.s32 $0xFFFFC000  }
0x14b: {  	[tilespmem:s16], [sflag:$0x3] =	stream.indirect.gather [hbm4b:s0+s14], $0x80, s26, s14, $0xb8;
	[tilespmem:$0x1E400] =	vst v63  }
0x14c: {  	_ =	swait.ge [sflag:s17], $0x4000  }
0x14d: {  	[sflag:s17] =	ssyncset.done $0x0  }
0x14e: {  	[sflag:s17] =	ssyncadd.s32 $0xFFFFC000  }
0x14f: {  	[spmem:s4] =	stream.indirect.scatter.add.f32 [tilespmem:s15], [sflag:$0x1], $0x80, s28, s14, $0xb8;
	[tilespmem:$0x1E400] =	vst v63  }
0x150: {  	_ =	swait.ge [sflag:s18], $0x4000  }
0x151: {  	[sflag:s18] =	ssyncset.done $0x0  }
0x152: {  	[sflag:s18] =	ssyncadd.s32 $0xFFFFC000  }
0x153: {  	_ =	swait.ge [sflag:s19], $0x4000  }
0x154: {  	[sflag:s19] =	ssyncset.done $0x0  }
0x155: {  	[sflag:s19] =	ssyncadd.s32 $0xFFFFC000  }
0x156: {  	[tilespmem:s15], [sflag:$0x2] =	stream.indirect.gather [hbm4b:s0+s14], $0x80, s29, s14, $0xb8;
	[tilespmem:$0x1E400] =	vst v63  }
0x157: {  	_ = 	snop  }
0x158: {  	[spmem:s4] =	stream.indirect.scatter.add.f32 [tilespmem:s16], [sflag:$0x1], $0x80, s30, s14, $0xb8;
	[tilespmem:$0x1E400] =	vst v63  }
0x159: {  	_ =	swait.ge [sflag:s19], $0x4000  }
0x15a: {  	[sflag:s19] =	ssyncset.done $0x0  }
0x15b: {  	[sflag:s19] =	ssyncadd.s32 $0xFFFFC000  }
0x15c: {  	[tilespmem:s16], [sflag:$0x3] =	stream.indirect.gather [hbm4b:s0+s14], $0x80, s31, s14, $0xb8;
	[tilespmem:$0x1E400] =	vst v63  }
0x15d: {  	_ =	swait.ge [sflag:s17], $0x4000  }
0x15e: {  	[sflag:s17] =	ssyncset.done $0x0  }
0x15f: {  	[sflag:s17] =	ssyncadd.s32 $0xFFFFC000  }
0x160: {  	[spmem:s4] =	stream.indirect.scatter.add.f32 [tilespmem:s15], [sflag:$0x1], $0x80, s2, s14, $0xb8;
	[tilespmem:$0x1E400] =	vst v63  }
0x161: {  	_ =	swait.ge [sflag:s18], $0x4000  }
0x162: {  	[sflag:s18] =	ssyncset.done $0x0  }
0x163: {  	[sflag:s18] =	ssyncadd.s32 $0xFFFFC000  }
0x164: {  	_ =	swait.ge [sflag:s19], $0x4000  }
0x165: {  	[sflag:s19] =	ssyncset.done $0x0  }
0x166: {  	[sflag:s19] =	ssyncadd.s32 $0xFFFFC000  }
0x167: {  	[tilespmem:s15], [sflag:$0x2] =	stream.indirect.gather [hbm4b:s0+s14], $0x80, s3, s14, $0xb8;
	[tilespmem:$0x1E400] =	vst v63  }
0x168: {  	_ = 	snop  }
0x169: {  	[spmem:s4] =	stream.indirect.scatter.add.f32 [tilespmem:s16], [sflag:$0x1], $0x80, s7, s14, $0xb8;
	[tilespmem:$0x1E400] =	vst v63  }
0x16a: {  	_ =	swait.ge [sflag:s19], $0x4000  }
0x16b: {  	[sflag:s19] =	ssyncset.done $0x0  }
0x16c: {  	[sflag:s19] =	ssyncadd.s32 $0xFFFFC000  }
0x16d: {  	[tilespmem:s16], [sflag:$0x3] =	stream.indirect.gather [hbm4b:s0+s14], $0x80, s10, s14, $0xb8;
	[tilespmem:$0x1E400] =	vst v63  }
0x16e: {  	_ =	swait.ge [sflag:s17], $0x4000  }
0x16f: {  	[sflag:s17] =	ssyncset.done $0x0  }
0x170: {  	[sflag:s17] =	ssyncadd.s32 $0xFFFFC000  }
0x171: {  	[spmem:s4] =	stream.indirect.scatter.add.f32 [tilespmem:s15], [sflag:$0x1], $0x80, s11, s14, $0xb8;
	[tilespmem:$0x1E400] =	vst v63  }
0x172: {  	_ =	swait.ge [sflag:s18], $0x4000  }
0x173: {  	[sflag:s18] =	ssyncset.done $0x0  }
0x174: {  	[sflag:s18] =	ssyncadd.s32 $0xFFFFC000  }
0x175: {  	_ =	swait.ge [sflag:s19], $0x4000  }
0x176: {  	p1 =	por p0, p0;
	[sflag:s19] =	ssyncset.done $0x0  }
.Ltmp0:
0x177: {  	[sflag:s19] =	ssyncadd.s32 $0xFFFFC000;
	(pc) =	sbr.rel @p1 .LBB2_2-.Ltmp0, $4  }
0x178: {  	[spmem:s4] =	stream.indirect.scatter.add.f32 [tilespmem:s16], [sflag:$0x1], $0x80, s8, s14, $0xb8;
	[tilespmem:$0x1E400] =	vst v63  }
0x179: {  	_ =	swait.ge [sflag:s19], $0x4000  }
0x17a: {  	[sflag:s19] =	ssyncset.done $0x0  }
0x17b: {  	p0 =	por $0x0, $0x0;
	[sflag:s19] =	ssyncadd.s32 $0xFFFFC000  }
0x17c: {  	[bflag:$0x0] =	sbarrier.arrive $0xFFFF  }
0x17d: {  	s23 =	rddreg [dreg:$0x6]  }
0x17e: {  	s21 =	rddreg [dreg:$0x7]  }
0x17f: {  	s24 =	rddreg [dreg:$0x9]  }
0x180: {  	[hbm:s21], [sflag:s23] =	dma.local [spmem:s24], $0x2780  }
0x181: {  	_ =	swait.ge [sflag:s13], $0x2780  }
0x182: {  	s1 =	rddreg [dreg:$0xa]  }
0x183: {  	s21 =	rddreg [dreg:$0x8];
	s1 =	sadd.s32 $0x1, s1  }
0x184: {  	p0 =	sne.s32 s1, s21  }
.Ltmp1:
0x185: {  	_ = 	snop;
	(pc) =	sbr.rel @p0 .LBB2_1-.Ltmp1, $3  }
0x186: {  	_ =	sdelay $0x1  }
0x187: {  	[sflag:s13] =	ssyncset.done $0x0  }
0x188: {  	[sflag:s13] =	ssyncadd.s32 $0xFFFFD880  }
0x189: {  	_ =	sfence.sel $0x180000  }
0x18a: {  	[bflag:$0x0] =	sbarrier.arrive $0xFFFF  }
0x18b: {  	_ =	strace $0x9000004A  }
0x18c: {  	s0 =	stileid.u32;
	[bflag:$0x2] =	sbarrier.arrive $0xFFFF  }
0x18d: {  	p0 =	sne.s32 s0, $0x0;
	s0 =	rddreg [dreg:$0x4]  }
0x18e: {  	s0 =	sadd.s32 @!p0 $0x100000, s0  }
0x18f: {  	[sflag:s0] =	ssyncadd.tile.s32 @!p0 $0x1;
	_ =	shalt  }
.Lfunc_end2:
_tile_overlayer_lowered:
.L_overlay_start_2:
0x190: {  	(tag) =	ssettag $0x2  }
0x191: {  	s0 =	rddreg [dreg:$0x0];
	s2 =	stileid.u32  }
0x192: {  	s1 =	rddreg [dreg:$0x1];
	p0 =	sne.s32 s2, $0x0  }
0x193: {  	s3 =	rddreg [dreg:$0x2];
	[bflag:$0x3] =	sbarrier.arrive $0xFFFF;
	s2 =	simm.s32 @!p0 $0x1C04  }
0x194: {  	[timem:s3], [sflag:s2] =	dma.local @!p0 [hbm:s0], s1  }
0x195: {  	s0 =	simm.s32 @!p0 $0x4  }
0x196: {  	_ =	swait.ge @!p0 [sflag:s0], s1  }
0x197: {  	s1 =	ssub.s32 @!p0 $0x0, s1;
	[sflag:s0] =	ssyncset.done @!p0 $0x0  }
0x198: {  	[sflag:s0] =	ssyncadd.s32 @!p0 s1  }
0x199: {  	[bflag:$0x3] =	sbarrier.arrive $0xFFFF  }
0x19a: {  	_ =	shalt  }

// kernel: kernel.15.cloned.1.call-start
scs
__scs_entry_jumppad:
0x0: {  	(pc) =	sbr.rel $0x88, $3  }
0x1: {  	(tag) =	ssettag $0x0;
	lr =	simm.s32 $0x1  }
0x2: {  	[smem:$0x3F98] =	sst lr;
	_ =	strace $0xD0000000  }
0x3: {  	_ = 	snop  }
0x4: {  	_ = 	snop  }
0x5: {  	_ = 	snop  }
0x6: {  	_ = 	snop  }
0x7: {  	_ = 	snop  }
__scs_overlays_trampoline_lowered:
0x8: {  	[smem:$0x3FA7] =	sst s0  }
0x9: {  	[smem:$0x3FA8] =	sst s1  }
0xa: {  	[smem:$0x3FA9] =	sst s2  }
0xb: {  	[smem:$0x3FAA] =	sst s3  }
0xc: {  	[smem:$0x3FAB] =	sst s4  }
0xd: {  	[smem:$0x3FAC] =	sst s5  }
0xe: {  	[smem:$0x3FAD] =	sst s6  }
0xf: {  	[smem:$0x3FAE] =	sst s7  }
0x10: {  	[smem:$0x3FAF] =	sst s8  }
0x11: {  	[smem:$0x3FB0] =	sst s9;
	s0 =	simm.s32 @!p0 $0x0  }
0x12: {  	s1 =	sld [smem:$0x3F96];
	s0 =	simm.s32 @p0 $0x1  }
0x13: {  	[smem:$0x3FB1] =	sst s0;
	s0 =	simm.s32 @!p1 $0x0  }
0x14: {  	s2 =	sld [smem:$0x3F95];
	s0 =	simm.s32 @p1 $0x1  }
0x15: {  	[smem:$0x3FB2] =	sst s0;
	s0 =	simm.s32 @!p2 $0x0  }
0x16: {  	s3 =	sld [smem:$0x3FDB];
	s0 =	simm.s32 @p2 $0x1  }
0x17: {  	s4 =	simm.s32 $0x1BF5;
	[smem:$0x3FB4] =	sst s0  }
0x18: {  	s0 =	sld [smem:$0x3F97];
	_ =	swait.ge [sflag:s4], $0x0  }
0x19: {  	s7 =	sld [smem:$0x3F98]  }
0x1a: {  	s8 =	sadd.s32 $0xFFFFE003, lr  }
0x1b: {  	s9 =	sadd.s32 $0xFFFFFEF7, lr;
	s5 =	simm.s32 $0xFFFFFFFF;
	p2 =	slt.u32 s8, $0xFFFFF086  }
0x1c: {  	p1 =	slt.u32 s9, $0xF7A;
	s5 =	simm.s32 @!p2 $0x0  }
0x1d: {  	s5 =	simm.s32 @p1 $0x1;
	p0 =	seq.s32 s7, s2  }
0x1e: {  	s7 =	smul.u32 @!p0 $0xF7A, s2;
	p2 =	seq.s32 @!p0 s5, $0x0  }
0x1f: {  	s9 =	smul.u32 $0xF7A, s1;
	s8 =	simm.s32 @!p0 $0x1BF5;
	p2 =	por !p2, p0  }
0x20: {  	[sflag:s8] =	ssyncset.s32 @!p0 $0xFFFFF086;
	s6 =	sadd.s32 @!p0 s3, s7;
	s7 =	simm.s32 @!p0 $0x108  }
0x21: {  	s3 =	sadd.s32 s3, s9;
	s6 =	sadd.s32 @!p0 $0x88, s6;
	s7 =	simm.s32 @p2 $0x1082  }
0x22: {  	[simem:s7], [sflag:s8] =	dma.local @!p0 [hbm:s6], $0xF7A  }
0x23: {  	s9 =	sor.u32 $0xD0000000, s2;
	s6 =	simm.s32 $0x108;
	_ =	swait.ge @!p0 [sflag:s8], $0x0  }
0x24: {  	s3 =	sadd.s32 $0x88, s3;
	s6 =	simm.s32 @!p1 $0x1082;
	[sflag:s4] =	ssyncset.s32 $0xFFFFF086  }
0x25: {  	[simem:s6], [sflag:s4] =	dma.local [hbm:s3], $0xF7A  }
0x26: {  	[smem:$0x3F98] =	sst s1;
	(tag) =	ssettag s2;
	_ =	strace s9  }
0x27: {  	s1 =	sld [smem:$0x3FA8]  }
0x28: {  	s2 =	sld [smem:$0x3FA9]  }
0x29: {  	s4 =	sld [smem:$0x3FAB]  }
0x2a: {  	p0 =	seq.s32 s5, $0x0;
	s5 =	sld [smem:$0x3FAC]  }
0x2b: {  	s6 =	sld [smem:$0x3FAD]  }
0x2c: {  	s7 =	sld [smem:$0x3FAE]  }
0x2d: {  	s3 =	simm.s32 $0x108;
	s8 =	sld [smem:$0x3FAF]  }
0x2e: {  	s3 =	simm.s32 @!p0 $0x1082;
	s9 =	sld [smem:$0x3FB0]  }
0x2f: {  	lr =	sadd.s32 s0, s3;
	s0 =	sld [smem:$0x3FA7]  }
0x30: {  	s3 =	sld [smem:$0x3FAA]  }
0x31: {  	[smem:$0x3FB3] =	sst s10  }
0x32: {  	s10 =	sld [smem:$0x3FB1];
	_ =	sdelay $0x3  }
0x33: {  	p0 =	seq.s32 s10, $0x1;
	s10 =	sld [smem:$0x3FB3];
	_ =	sdelay $0x3  }
0x34: {  	[smem:$0x3FB3] =	sst s10  }
0x35: {  	s10 =	sld [smem:$0x3FB2];
	_ =	sdelay $0x3  }
0x36: {  	p1 =	seq.s32 s10, $0x1;
	s10 =	sld [smem:$0x3FB3];
	_ =	sdelay $0x3  }
0x37: {  	[smem:$0x3FB3] =	sst s10  }
0x38: {  	s10 =	sld [smem:$0x3FB4]  }
0x39: {  	_ = 	snop;
	(pc) =	sbr.ind lr, $3  }
0x3a: {  	_ = 	snop  }
0x3b: {  	_ = 	snop  }
0x3c: {  	p2 =	seq.s32 s10, $0x1;
	s10 =	sld [smem:$0x3FB3]  }
0x3d: {  	_ =	shalt  }
0x3e: {  	_ =	shalt  }
0x3f: {  	_ =	shalt  }
0x40: {  	_ =	shalt  }
0x41: {  	_ =	shalt  }
0x42: {  	_ =	shalt  }
0x43: {  	_ =	shalt  }
0x44: {  	_ =	shalt  }
0x45: {  	_ =	shalt  }
0x46: {  	_ =	shalt  }
0x47: {  	_ =	shalt  }
0x48: {  	_ =	shalt  }
0x49: {  	_ =	shalt  }
0x4a: {  	_ =	shalt  }
0x4b: {  	_ =	shalt  }
0x4c: {  	_ =	shalt  }
0x4d: {  	_ =	shalt  }
0x4e: {  	_ =	shalt  }
0x4f: {  	_ =	shalt  }
0x50: {  	_ =	shalt  }
0x51: {  	_ =	shalt  }
0x52: {  	_ =	shalt  }
0x53: {  	_ =	shalt  }
0x54: {  	_ =	shalt  }
0x55: {  	_ =	shalt  }
0x56: {  	_ =	shalt  }
0x57: {  	_ =	shalt  }
0x58: {  	_ =	shalt  }
0x59: {  	_ =	shalt  }
0x5a: {  	_ =	shalt  }
0x5b: {  	_ =	shalt  }
0x5c: {  	_ =	shalt  }
0x5d: {  	_ =	shalt  }
0x5e: {  	_ =	shalt  }
0x5f: {  	_ =	shalt  }
0x60: {  	_ =	shalt  }
0x61: {  	_ =	shalt  }
0x62: {  	_ =	shalt  }
0x63: {  	_ =	shalt  }
0x64: {  	_ =	shalt  }
0x65: {  	_ =	shalt  }
0x66: {  	_ =	shalt  }
0x67: {  	_ =	shalt  }
0x68: {  	_ =	shalt  }
0x69: {  	_ =	shalt  }
0x6a: {  	_ =	shalt  }
0x6b: {  	_ =	shalt  }
0x6c: {  	_ =	shalt  }
0x6d: {  	_ =	shalt  }
0x6e: {  	_ =	shalt  }
0x6f: {  	_ =	shalt  }
0x70: {  	_ =	shalt  }
0x71: {  	_ =	shalt  }
0x72: {  	_ =	shalt  }
0x73: {  	_ =	shalt  }
0x74: {  	_ =	shalt  }
0x75: {  	_ =	shalt  }
0x76: {  	_ =	shalt  }
0x77: {  	_ =	shalt  }
0x78: {  	_ =	shalt  }
0x79: {  	_ =	shalt  }
0x7a: {  	_ =	shalt  }
0x7b: {  	_ =	shalt  }
0x7c: {  	_ =	shalt  }
0x7d: {  	_ =	shalt  }
0x7e: {  	_ =	shalt  }
0x7f: {  	_ =	shalt  }
0x80: {  	_ =	shalt  }
0x81: {  	_ =	shalt  }
0x82: {  	_ =	shalt  }
0x83: {  	_ =	shalt  }
0x84: {  	_ =	shalt  }
0x85: {  	_ =	shalt  }
0x86: {  	_ =	shalt  }
0x87: {  	_ =	shalt  }
.Lfunc_end0:
.L_simem_size_0:
called_computation.2_lowered:
.L_overlay_start_0:
0x88: {  	s2 =	sld [smem:$0x3FD9]  }
0x89: {  	s3 =	sld [smem:$0x3FFE];
	_ =	sdelay $0x1  }
0x8a: {  	s1 =	srdreg.scid  }
0x8b: {  	s0 =	sand.u32 $0x1, s1  }
0x8c: {  	s14 =	sshll.u32 s0, $0xA;
	s2 =	sadd.s32 s3, s2  }
0x8d: {  	s2 =	sadd.s32 s2, s14  }
0x8e: {  	[smem:$0x3FBF] =	sst s2  }
0x8f: {  	_ = 	snop  }
0x90: {  	s2 =	sld [smem:$0x3FD0];
	_ =	sdelay $0x2  }
0x91: {  	s15 =	simm.s32 $0xA;
	s4 =	simm.s32 $0x10  }
0x92: {  	[smem:s4], [sflag:s15] =	dma.local [hbm:s2], $0x1  }
0x93: {  	_ =	swait.eq [sflag:s15], $0x1  }
0x94: {  	[sflag:s15] =	ssyncset.done $0x0  }
0x95: {  	s16 =	sld [smem:$0x10];
	[sflag:s15] =	ssyncadd.s32 $0xFFFFFFFF  }
0x96: {  	s17 =	sld [smem:$0x11];
	(tm) =	ssettm $0x1  }
0x97: {  	s18 =	sld [smem:$0x3FFB];
	_ =	sdelay $0x3  }
0x98: {  	_ =	strace s18  }
0x99: {  	s4 =	sld [smem:$0x3FFC];
	_ =	sdelay $0x3  }
0x9a: {  	_ =	strace s4  }
0x9b: {  	s4 =	sld [smem:$0x3FFD];
	_ =	sdelay $0x3  }
0x9c: {  	_ =	strace s4  }
0x9d: {  	_ =	strace $0x8FFFFFFF  }
0x9e: {  	s19 =	sld [smem:$0x3FDB];
	_ =	sdelay $0x1  }
0x9f: {  	s5 =	simm.s32 $_scs_section_size  }
0xa0: {  	s6 =	simm.s32 $_size__tile_overlayer_lowered;
	s7 =	simm.s32 $_tile_overlayer_lowered  }
0xa1: {  	s22 =	simm.s32 $0x1BFF;
	s21 =	sshll.u32 s7, $0x1;
	s4 =	sadd.s32 s5, s19  }
0xa2: {  	s8 =	simm.s32 $0x0;
	s20 =	sshll.u32 s6, $0x1;
	s6 =	sadd.s32 s21, s4  }
0xa3: {  	[timem:s8], [sflag:s22] =	dma.local [hbm:s6], s20  }
0xa4: {  	_ =	swait.ge [sflag:s22], s20  }
0xa5: {  	s5 =	ssub.s32 $0x0, s20;
	[sflag:s22] =	ssyncset.done $0x0  }
0xa6: {  	[sflag:s22] =	ssyncadd.s32 s5;
	_ =	sdelay $0x1  }
0xa7: {  	s23 =	simm.s32 $0x1B8B  }
0xa8: {  	_ =	swait.ge [sflag:s23], $0x1  }
0xa9: {  	[sflag:s23] =	ssyncset.done $0x0  }
0xaa: {  	s25 =	simm.s32 $0x1B8E;
	s24 =	sld [smem:$0x3FFE];
	[sflag:s23] =	ssyncadd.s32 $0xFFFFFFFF  }
0xab: {  	s26 =	simm.s32 $execute0_lowered;
	[smem:$0x3FD2] =	sst s25  }
0xac: {  	s6 =	sshll.u32 s26, $0x1;
	_ =	strace $0x8000004C;
	[dreg:$0x1] =	wrdreg $0xFFFFFFFF  }
0xad: {  	s28 =	simm.s32 $_size_execute0_lowered;
	s4 =	sadd.s32 s4, s6;
	[dreg:$0x0] =	wrdreg $0x0  }
0xae: {  	s6 =	sshll.u32 s28, $0x1;
	[dreg:$0x2] =	wrdreg s4  }
0xaf: {  	[dreg:$0x3] =	wrdreg s6  }
0xb0: {  	[dreg:$0x4] =	wrdreg $0xC0  }
0xb1: {  	_ =	task [dreg:s8], $0x5FFFF  }
0xb2: {  	[dreg:$0x1] =	wrdreg $0xFFFFFFFF  }
0xb3: {  	[dreg:$0x0] =	wrdreg $0x60  }
0xb4: {  	[dreg:$0x2] =	wrdreg s16  }
0xb5: {  	[dreg:$0x3] =	wrdreg s17  }
0xb6: {  	[dreg:$0x4] =	wrdreg s24  }
0xb7: {  	[dreg:$0x5] =	wrdreg $0xA8000  }
0xb8: {  	[dreg:$0x6] =	wrdreg $0x9  }
0xb9: {  	_ =	task.clear_ibuf [dreg:s8], $0x7FFFF;
	_ =	strace $0x9000004C  }
0xba: {  	s29 =	simm.s32 $0x9;
	_ =	strace $0x8000004E  }
0xbb: {  	_ =	swait.ge [sflag:s29], $0x1  }
0xbc: {  	[sflag:s29] =	ssyncadd.s32 $0xFFFFFFFF  }
0xbd: {  	_ =	strace $0x9000004E  }
0xbe: {  	_ =	sfence  }
0xbf: {  	s30 =	sld [smem:$0x0];
	_ =	sdelay $0x2  }
0xc0: {  	s31 =	sshll.u32 s1, $0xD;
	s1 =	sshrl.u32 s1, $0x2  }
0xc1: {  	s3 =	sand.u32 $0x4000, s31;
	s1 =	sadd.s32 s1, s30  }
0xc2: {  	s0 =	sor.u32 s3, s0;
	s1 =	sshll.u32 s1, $0x11  }
0xc3: {  	s0 =	sor.u32 s1, s0  }
0xc4: {  	s0 =	sadd.s32 $0x8F2B, s0  }
0xc5: {  	[sflag:s0] =	ssyncadd.remote.s32 $0x1  }
0xc6: {  	_ =	sfence.sel $0xFFFF  }
0xc7: {  	[dreg:$0x0] =	wrdreg $0xFFFFFFFF;
	(pc) =	sbr.abs _section_cstart, $3  }
0xc8: {  	[dreg:$0x1] =	wrdreg $0xFFFFFFFF  }
0xc9: {  	_ =	task.clear_ibuf [dreg:s8], $0x2FFFF;
	_ =	strace $0x9FFFFFFF  }
0xca: {  	(tm) =	ssettm $0x7FFFFFFF  }
0xcb: {  	_ =	shalt  }
tec
execute0_lowered:
.L_overlay_start_1:
0x0: {  	(tag) =	ssettag $0x1  }
0x1: {  	s0 =	rddreg [dreg:$0x0]  }
0x2: {  	s22 =	rddreg [dreg:$0x1]  }
0x3: {  	s1 =	rddreg [dreg:$0x2];
	s2 =	srdreg.scid  }
0x4: {  	s4 =	rddreg [dreg:$0x3];
	s9 =	stileid.u32;
	s5 =	simm.s32 $0x0  }
0x5: {  	s13 =	simm.s32 $0x4;
	s14 =	simm.s32 $0x80;
	s15 =	simm.s32 $0x2800  }
0x6: {  	s16 =	simm.s32 $0x6800;
	s17 =	simm.s32 $0x2;
	s18 =	simm.s32 $0x3  }
0x7: {  	s19 =	simm.s32 $0x1;
	s12 =	simm.s32 $0x2380;
	s28 =	simm.s32 $0x2500  }
0x8: {  	s29 =	simm.s32 $0x1200;
	s30 =	simm.s32 $0x2580;
	s31 =	simm.s32 $0x1280  }
0x9: {  	s11 =	simm.s32 $0x2700;
	s2 =	sand.u32 $0x1, s2;
	s7 =	smul.u32 $0x13C00, s9  }
0xa: {  	[smem:$0x7FF] =	sst s5;
	s6 =	sadd.s32 $0x20800, s1;
	s8 =	smul.u32 $0x4F000, s9  }
0xb: {  	s10 =	sadd.s32 $0x2E00, s1;
	s23 =	sshll.u32 s9, $0x1;
	s25 =	sshll.u32 s9, $0x6  }
0xc: {  	s3 =	smul.u32 $0x13C000, s2;
	_ =	strace $0x8000004D;
	s20 =	ssub.s32 $0x2, s2  }
0xd: {  	[dreg:$0x5] =	wrdreg s10;
	s2 =	sor.u32 s2, s23;
	s23 =	sor.u32 $0x1C04, s25  }
0xe: {  	s25 =	simm.s32 $0x2480;
	s10 =	simm.s32 $0x1380;
	s21 =	sshrl.u32 s20, $0x1  }
0xf: {  	s8 =	sshrl.u32 s8, $0x2;
	s9 =	smul.u32 $0x2800, s2;
	[dreg:$0x6] =	wrdreg s23  }
0x10: {  	s2 =	simm.s32 $0x2600;
	s3 =	sadd.s32 s7, s3;
	s24 =	sadd.s32 s8, s4  }
0x11: {  	s7 =	simm.s32 $0x2680;
	s8 =	simm.s32 $0x2780;
	s3 =	sshrl.u32 s3, $0x3  }
0x12: {  	s24 =	sshrl.u32 s24, $0x3;
	s1 =	sadd.s32 s3, s1;
	s3 =	ssub.s32 s20, s21  }
0x13: {  	[dreg:$0x9] =	wrdreg s24;
	s20 =	simm.s32 $0x2400;
	s1 =	sadd.s32 $0x2A800, s1  }
0x14: {  	s26 =	smax.u32 s3, $0x1;
	s3 =	simm.s32 $0x1300;
	[dreg:$0x7] =	wrdreg s1  }
0x15: {  	[dreg:$0x8] =	wrdreg s26;
	s1 =	simm.s32 $0x0;
	s26 =	simm.s32 $0x1180  }
.LBB2_1:
0x16: {  	[dreg:$0xa] =	wrdreg s1  }
0x17: {  	s21 =	rddreg [dreg:$0x5]  }
0x18: {  	[spmem:s24], [sflag:s23] =	dma.local [hbm:s21], $0x2780  }
0x19: {  	_ =	swait.ge [sflag:s13], $0x2780  }
0x1a: {  	[sflag:s13] =	ssyncset.done $0x0  }
0x1b: {  	p0 =	por $0x1, $0x1;
	s1 =	simm.s32 $0x1080;
	[sflag:s13] =	ssyncadd.s32 $0xFFFFD880  }
0x1c: {  	s21 =	simm.s32 $0x0;
	s24 =	simm.s32 $0x1100;
	[bflag:$0x0] =	sbarrier.arrive $0xFFFF  }
.LBB2_2:
0x1d: {  	s21 =	sadd.s32 s9, s21  }
0x1e: {  	s21 =	sshrl.u32 s21, $0x3  }
0x1f: {  	s23 =	smov.u32 s22;
	s22 =	sadd.s32 s22, s21  }
0x20: {  	[tilespmem:s5], [sflag:$0x4] =	stream.linear.gather [hbm4b:s22+s5], $0x1400, $0x38;
	[tilespmem:$0x1E400] =	vst v63  }
0x21: {  	_ =	swait.ge [sflag:s13], $0x1400  }
0x22: {  	[sflag:s13] =	ssyncset.done $0x0  }
0x23: {  	s22 =	sadd.s32 s6, s21;
	s21 =	simm.s32 $0x1400;
	[sflag:s13] =	ssyncadd.s32 $0xFFFFEC00  }
0x24: {  	[tilespmem:s21], [sflag:$0x4] =	stream.linear.gather [hbm4b:s22+s5], $0x1400, $0x38;
	[tilespmem:$0x1E400] =	vst v63  }
0x25: {  	_ =	swait.ge [sflag:s13], $0x1400  }
0x26: {  	[sflag:s13] =	ssyncset.done $0x0  }
0x27: {  	[sflag:s13] =	ssyncadd.s32 $0xFFFFEC00  }
0x28: {  	[tilespmem:s15], [sflag:$0x2] =	stream.indirect.gather [hbm4b:s0+s14], $0x80, s5, s14, $0xb8;
	[tilespmem:$0x1E400] =	vst v63  }
0x29: {  	_ = 	snop  }
0x2a: {  	[tilespmem:s16], [sflag:$0x3] =	stream.indirect.gather [hbm4b:s0+s14], $0x80, s14, s14, $0xb8;
	[tilespmem:$0x1E400] =	vst v63  }
0x2b: {  	_ =	swait.ge [sflag:s17], $0x4000  }
0x2c: {  	[sflag:s17] =	ssyncset.done $0x0  }
0x2d: {  	[sflag:s17] =	ssyncadd.s32 $0xFFFFC000  }
0x2e: {  	[spmem:s4] =	stream.indirect.scatter.add.f32 [tilespmem:s15], [sflag:$0x1], $0x80, s21, s14, $0xb8;
	[tilespmem:$0x1E400] =	vst v63  }
0x2f: {  	_ =	swait.ge [sflag:s18], $0x4000  }
0x30: {  	[sflag:s18] =	ssyncset.done $0x0  }
0x31: {  	[sflag:s18] =	ssyncadd.s32 $0xFFFFC000  }
0x32: {  	_ =	swait.ge [sflag:s19], $0x4000  }
0x33: {  	[sflag:s19] =	ssyncset.done $0x0  }
0x34: {  	s22 =	smov.u32 s23;
	s23 =	simm.s32 $0x100;
	[sflag:s19] =	ssyncadd.s32 $0xFFFFC000  }
0x35: {  	[tilespmem:s15], [sflag:$0x2] =	stream.indirect.gather [hbm4b:s0+s14], $0x80, s23, s14, $0xb8;
	[tilespmem:$0x1E400] =	vst v63  }
0x36: {  	s23 =	simm.s32 $0x1480  }
0x37: {  	[spmem:s4] =	stream.indirect.scatter.add.f32 [tilespmem:s16], [sflag:$0x1], $0x80, s23, s14, $0xb8;
	[tilespmem:$0x1E400] =	vst v63  }
0x38: {  	_ =	swait.ge [sflag:s19], $0x4000  }
0x39: {  	[sflag:s19] =	ssyncset.done $0x0  }
0x3a: {  	s23 =	simm.s32 $0x180;
	[sflag:s19] =	ssyncadd.s32 $0xFFFFC000  }
0x3b: {  	[tilespmem:s16], [sflag:$0x3] =	stream.indirect.gather [hbm4b:s0+s14], $0x80, s23, s14, $0xb8;
	[tilespmem:$0x1E400] =	vst v63  }
0x3c: {  	_ =	swait.ge [sflag:s17], $0x4000  }
0x3d: {  	[sflag:s17] =	ssyncset.done $0x0  }
0x3e: {  	s23 =	simm.s32 $0x1500;
	[sflag:s17] =	ssyncadd.s32 $0xFFFFC000  }
0x3f: {  	[spmem:s4] =	stream.indirect.scatter.add.f32 [tilespmem:s15], [sflag:$0x1], $0x80, s23, s14, $0xb8;
	[tilespmem:$0x1E400] =	vst v63  }
0x40: {  	_ =	swait.ge [sflag:s18], $0x4000  }
0x41: {  	[sflag:s18] =	ssyncset.done $0x0  }
0x42: {  	[sflag:s18] =	ssyncadd.s32 $0xFFFFC000  }
0x43: {  	_ =	swait.ge [sflag:s19], $0x4000  }
0x44: {  	[sflag:s19] =	ssyncset.done $0x0  }
0x45: {  	s23 =	simm.s32 $0x200;
	[sflag:s19] =	ssyncadd.s32 $0xFFFFC000  }
0x46: {  	[tilespmem:s15], [sflag:$0x2] =	stream.indirect.gather [hbm4b:s0+s14], $0x80, s23, s14, $0xb8;
	[tilespmem:$0x1E400] =	vst v63  }
0x47: {  	s23 =	simm.s32 $0x1580  }
0x48: {  	[spmem:s4] =	stream.indirect.scatter.add.f32 [tilespmem:s16], [sflag:$0x1], $0x80, s23, s14, $0xb8;
	[tilespmem:$0x1E400] =	vst v63  }
0x49: {  	_ =	swait.ge [sflag:s19], $0x4000  }
0x4a: {  	[sflag:s19] =	ssyncset.done $0x0  }
0x4b: {  	s23 =	simm.s32 $0x280;
	[sflag:s19] =	ssyncadd.s32 $0xFFFFC000  }
0x4c: {  	[tilespmem:s16], [sflag:$0x3] =	stream.indirect.gather [hbm4b:s0+s14], $0x80, s23, s14, $0xb8;
	[tilespmem:$0x1E400] =	vst v63  }
0x4d: {  	_ =	swait.ge [sflag:s17], $0x4000  }
0x4e: {  	[sflag:s17] =	ssyncset.done $0x0  }
0x4f: {  	s23 =	simm.s32 $0x1600;
	[sflag:s17] =	ssyncadd.s32 $0xFFFFC000  }
0x50: {  	[spmem:s4] =	stream.indirect.scatter.add.f32 [tilespmem:s15], [sflag:$0x1], $0x80, s23, s14, $0xb8;
	[tilespmem:$0x1E400] =	vst v63  }
0x51: {  	_ =	swait.ge [sflag:s18], $0x4000  }
0x52: {  	[sflag:s18] =	ssyncset.done $0x0  }
0x53: {  	[sflag:s18] =	ssyncadd.s32 $0xFFFFC000  }
0x54: {  	_ =	swait.ge [sflag:s19], $0x4000  }
0x55: {  	[sflag:s19] =	ssyncset.done $0x0  }
0x56: {  	s23 =	simm.s32 $0x300;
	[sflag:s19] =	ssyncadd.s32 $0xFFFFC000  }
0x57: {  	[tilespmem:s15], [sflag:$0x2] =	stream.indirect.gather [hbm4b:s0+s14], $0x80, s23, s14, $0xb8;
	[tilespmem:$0x1E400] =	vst v63  }
0x58: {  	s23 =	simm.s32 $0x1680  }
0x59: {  	[spmem:s4] =	stream.indirect.scatter.add.f32 [tilespmem:s16], [sflag:$0x1], $0x80, s23, s14, $0xb8;
	[tilespmem:$0x1E400] =	vst v63  }
0x5a: {  	_ =	swait.ge [sflag:s19], $0x4000  }
0x5b: {  	[sflag:s19] =	ssyncset.done $0x0  }
0x5c: {  	s23 =	simm.s32 $0x380;
	[sflag:s19] =	ssyncadd.s32 $0xFFFFC000  }
0x5d: {  	[tilespmem:s16], [sflag:$0x3] =	stream.indirect.gather [hbm4b:s0+s14], $0x80, s23, s14, $0xb8;
	[tilespmem:$0x1E400] =	vst v63  }
0x5e: {  	_ =	swait.ge [sflag:s17], $0x4000  }
0x5f: {  	[sflag:s17] =	ssyncset.done $0x0  }
0x60: {  	s23 =	simm.s32 $0x1700;
	[sflag:s17] =	ssyncadd.s32 $0xFFFFC000  }
0x61: {  	[spmem:s4] =	stream.indirect.scatter.add.f32 [tilespmem:s15], [sflag:$0x1], $0x80, s23, s14, $0xb8;
	[tilespmem:$0x1E400] =	vst v63  }
0x62: {  	_ =	swait.ge [sflag:s18], $0x4000  }
0x63: {  	[sflag:s18] =	ssyncset.done $0x0  }
0x64: {  	[sflag:s18] =	ssyncadd.s32 $0xFFFFC000  }
0x65: {  	_ =	swait.ge [sflag:s19], $0x4000  }
0x66: {  	[sflag:s19] =	ssyncset.done $0x0  }
0x67: {  	s23 =	simm.s32 $0x400;
	[sflag:s19] =	ssyncadd.s32 $0xFFFFC000  }
0x68: {  	[tilespmem:s15], [sflag:$0x2] =	stream.indirect.gather [hbm4b:s0+s14], $0x80, s23, s14, $0xb8;
	[tilespmem:$0x1E400] =	vst v63  }
0x69: {  	s23 =	simm.s32 $0x1780  }
0x6a: {  	[spmem:s4] =	stream.indirect.scatter.add.f32 [tilespmem:s16], [sflag:$0x1], $0x80, s23, s14, $0xb8;
	[tilespmem:$0x1E400] =	vst v63  }
0x6b: {  	_ =	swait.ge [sflag:s19], $0x4000  }
0x6c: {  	[sflag:s19] =	ssyncset.done $0x0  }
0x6d: {  	s23 =	simm.s32 $0x480;
	[sflag:s19] =	ssyncadd.s32 $0xFFFFC000  }
0x6e: {  	[tilespmem:s16], [sflag:$0x3] =	stream.indirect.gather [hbm4b:s0+s14], $0x80, s23, s14, $0xb8;
	[tilespmem:$0x1E400] =	vst v63  }
0x6f: {  	_ =	swait.ge [sflag:s17], $0x4000  }
0x70: {  	[sflag:s17] =	ssyncset.done $0x0  }
0x71: {  	s23 =	simm.s32 $0x1800;
	[sflag:s17] =	ssyncadd.s32 $0xFFFFC000  }
0x72: {  	[spmem:s4] =	stream.indirect.scatter.add.f32 [tilespmem:s15], [sflag:$0x1], $0x80, s23, s14, $0xb8;
	[tilespmem:$0x1E400] =	vst v63  }
0x73: {  	_ =	swait.ge [sflag:s18], $0x4000  }
0x74: {  	[sflag:s18] =	ssyncset.done $0x0  }
0x75: {  	[sflag:s18] =	ssyncadd.s32 $0xFFFFC000  }
0x76: {  	_ =	swait.ge [sflag:s19], $0x4000  }
0x77: {  	[sflag:s19] =	ssyncset.done $0x0  }
0x78: {  	s23 =	simm.s32 $0x500;
	[sflag:s19] =	ssyncadd.s32 $0xFFFFC000  }
0x79: {  	[tilespmem:s15], [sflag:$0x2] =	stream.indirect.gather [hbm4b:s0+s14], $0x80, s23, s14, $0xb8;
	[tilespmem:$0x1E400] =	vst v63  }
0x7a: {  	s23 =	simm.s32 $0x1880  }
0x7b: {  	[spmem:s4] =	stream.indirect.scatter.add.f32 [tilespmem:s16], [sflag:$0x1], $0x80, s23, s14, $0xb8;
	[tilespmem:$0x1E400] =	vst v63  }
0x7c: {  	_ =	swait.ge [sflag:s19], $0x4000  }
0x7d: {  	[sflag:s19] =	ssyncset.done $0x0  }
0x7e: {  	s23 =	simm.s32 $0x580;
	[sflag:s19] =	ssyncadd.s32 $0xFFFFC000  }
0x7f: {  	[tilespmem:s16], [sflag:$0x3] =	stream.indirect.gather [hbm4b:s0+s14], $0x80, s23, s14, $0xb8;
	[tilespmem:$0x1E400] =	vst v63  }
0x80: {  	_ =	swait.ge [sflag:s17], $0x4000  }
0x81: {  	[sflag:s17] =	ssyncset.done $0x0  }
0x82: {  	s23 =	simm.s32 $0x1900;
	[sflag:s17] =	ssyncadd.s32 $0xFFFFC000  }
0x83: {  	[spmem:s4] =	stream.indirect.scatter.add.f32 [tilespmem:s15], [sflag:$0x1], $0x80, s23, s14, $0xb8;
	[tilespmem:$0x1E400] =	vst v63  }
0x84: {  	_ =	swait.ge [sflag:s18], $0x4000  }
0x85: {  	[sflag:s18] =	ssyncset.done $0x0  }
0x86: {  	[sflag:s18] =	ssyncadd.s32 $0xFFFFC000  }
0x87: {  	_ =	swait.ge [sflag:s19], $0x4000  }
0x88: {  	[sflag:s19] =	ssyncset.done $0x0  }
0x89: {  	s23 =	simm.s32 $0x600;
	[sflag:s19] =	ssyncadd.s32 $0xFFFFC000  }
0x8a: {  	[tilespmem:s15], [sflag:$0x2] =	stream.indirect.gather [hbm4b:s0+s14], $0x80, s23, s14, $0xb8;
	[tilespmem:$0x1E400] =	vst v63  }
0x8b: {  	s23 =	simm.s32 $0x1980  }
0x8c: {  	[spmem:s4] =	stream.indirect.scatter.add.f32 [tilespmem:s16], [sflag:$0x1], $0x80, s23, s14, $0xb8;
	[tilespmem:$0x1E400] =	vst v63  }
0x8d: {  	_ =	swait.ge [sflag:s19], $0x4000  }
0x8e: {  	[sflag:s19] =	ssyncset.done $0x0  }
0x8f: {  	s23 =	simm.s32 $0x680;
	[sflag:s19] =	ssyncadd.s32 $0xFFFFC000  }
0x90: {  	[tilespmem:s16], [sflag:$0x3] =	stream.indirect.gather [hbm4b:s0+s14], $0x80, s23, s14, $0xb8;
	[tilespmem:$0x1E400] =	vst v63  }
0x91: {  	_ =	swait.ge [sflag:s17], $0x4000  }
0x92: {  	[sflag:s17] =	ssyncset.done $0x0  }
0x93: {  	s23 =	simm.s32 $0x1A00;
	[sflag:s17] =	ssyncadd.s32 $0xFFFFC000  }
0x94: {  	[spmem:s4] =	stream.indirect.scatter.add.f32 [tilespmem:s15], [sflag:$0x1], $0x80, s23, s14, $0xb8;
	[tilespmem:$0x1E400] =	vst v63  }
0x95: {  	_ =	swait.ge [sflag:s18], $0x4000  }
0x96: {  	[sflag:s18] =	ssyncset.done $0x0  }
0x97: {  	[sflag:s18] =	ssyncadd.s32 $0xFFFFC000  }
0x98: {  	_ =	swait.ge [sflag:s19], $0x4000  }
0x99: {  	[sflag:s19] =	ssyncset.done $0x0  }
0x9a: {  	s23 =	simm.s32 $0x700;
	[sflag:s19] =	ssyncadd.s32 $0xFFFFC000  }
0x9b: {  	[tilespmem:s15], [sflag:$0x2] =	stream.indirect.gather [hbm4b:s0+s14], $0x80, s23, s14, $0xb8;
	[tilespmem:$0x1E400] =	vst v63  }
0x9c: {  	s23 =	simm.s32 $0x1A80  }
0x9d: {  	[spmem:s4] =	stream.indirect.scatter.add.f32 [tilespmem:s16], [sflag:$0x1], $0x80, s23, s14, $0xb8;
	[tilespmem:$0x1E400] =	vst v63  }
0x9e: {  	_ =	swait.ge [sflag:s19], $0x4000  }
0x9f: {  	[sflag:s19] =	ssyncset.done $0x0  }
0xa0: {  	s23 =	simm.s32 $0x780;
	[sflag:s19] =	ssyncadd.s32 $0xFFFFC000  }
0xa1: {  	[tilespmem:s16], [sflag:$0x3] =	stream.indirect.gather [hbm4b:s0+s14], $0x80, s23, s14, $0xb8;
	[tilespmem:$0x1E400] =	vst v63  }
0xa2: {  	_ =	swait.ge [sflag:s17], $0x4000  }
0xa3: {  	[sflag:s17] =	ssyncset.done $0x0  }
0xa4: {  	s23 =	simm.s32 $0x1B00;
	[sflag:s17] =	ssyncadd.s32 $0xFFFFC000  }
0xa5: {  	[spmem:s4] =	stream.indirect.scatter.add.f32 [tilespmem:s15], [sflag:$0x1], $0x80, s23, s14, $0xb8;
	[tilespmem:$0x1E400] =	vst v63  }
0xa6: {  	_ =	swait.ge [sflag:s18], $0x4000  }
0xa7: {  	[sflag:s18] =	ssyncset.done $0x0  }
0xa8: {  	[sflag:s18] =	ssyncadd.s32 $0xFFFFC000  }
0xa9: {  	_ =	swait.ge [sflag:s19], $0x4000  }
0xaa: {  	[sflag:s19] =	ssyncset.done $0x0  }
0xab: {  	s23 =	simm.s32 $0x800;
	[sflag:s19] =	ssyncadd.s32 $0xFFFFC000  }
0xac: {  	[tilespmem:s15], [sflag:$0x2] =	stream.indirect.gather [hbm4b:s0+s14], $0x80, s23, s14, $0xb8;
	[tilespmem:$0x1E400] =	vst v63  }
0xad: {  	s23 =	simm.s32 $0x1B80  }
0xae: {  	[spmem:s4] =	stream.indirect.scatter.add.f32 [tilespmem:s16], [sflag:$0x1], $0x80, s23, s14, $0xb8;
	[tilespmem:$0x1E400] =	vst v63  }
0xaf: {  	_ =	swait.ge [sflag:s19], $0x4000  }
0xb0: {  	[sflag:s19] =	ssyncset.done $0x0  }
0xb1: {  	s23 =	simm.s32 $0x880;
	[sflag:s19] =	ssyncadd.s32 $0xFFFFC000  }
0xb2: {  	[tilespmem:s16], [sflag:$0x3] =	stream.indirect.gather [hbm4b:s0+s14], $0x80, s23, s14, $0xb8;
	[tilespmem:$0x1E400] =	vst v63  }
0xb3: {  	_ =	swait.ge [sflag:s17], $0x4000  }
0xb4: {  	[sflag:s17] =	ssyncset.done $0x0  }
0xb5: {  	s23 =	simm.s32 $0x1C00;
	[sflag:s17] =	ssyncadd.s32 $0xFFFFC000  }
0xb6: {  	[spmem:s4] =	stream.indirect.scatter.add.f32 [tilespmem:s15], [sflag:$0x1], $0x80, s23, s14, $0xb8;
	[tilespmem:$0x1E400] =	vst v63  }
0xb7: {  	_ =	swait.ge [sflag:s18], $0x4000  }
0xb8: {  	[sflag:s18] =	ssyncset.done $0x0  }
0xb9: {  	[sflag:s18] =	ssyncadd.s32 $0xFFFFC000  }
0xba: {  	_ =	swait.ge [sflag:s19], $0x4000  }
0xbb: {  	[sflag:s19] =	ssyncset.done $0x0  }
0xbc: {  	s23 =	simm.s32 $0x900;
	[sflag:s19] =	ssyncadd.s32 $0xFFFFC000  }
0xbd: {  	[tilespmem:s15], [sflag:$0x2] =	stream.indirect.gather [hbm4b:s0+s14], $0x80, s23, s14, $0xb8;
	[tilespmem:$0x1E400] =	vst v63  }
0xbe: {  	s23 =	simm.s32 $0x1C80  }
0xbf: {  	[spmem:s4] =	stream.indirect.scatter.add.f32 [tilespmem:s16], [sflag:$0x1], $0x80, s23, s14, $0xb8;
	[tilespmem:$0x1E400] =	vst v63  }
0xc0: {  	_ =	swait.ge [sflag:s19], $0x4000  }
0xc1: {  	[sflag:s19] =	ssyncset.done $0x0  }
0xc2: {  	s23 =	simm.s32 $0x980;
	[sflag:s19] =	ssyncadd.s32 $0xFFFFC000  }
0xc3: {  	[tilespmem:s16], [sflag:$0x3] =	stream.indirect.gather [hbm4b:s0+s14], $0x80, s23, s14, $0xb8;
	[tilespmem:$0x1E400] =	vst v63  }
0xc4: {  	_ =	swait.ge [sflag:s17], $0x4000  }
0xc5: {  	[sflag:s17] =	ssyncset.done $0x0  }
0xc6: {  	s23 =	simm.s32 $0x1D00;
	[sflag:s17] =	ssyncadd.s32 $0xFFFFC000  }
0xc7: {  	[spmem:s4] =	stream.indirect.scatter.add.f32 [tilespmem:s15], [sflag:$0x1], $0x80, s23, s14, $0xb8;
	[tilespmem:$0x1E400] =	vst v63  }
0xc8: {  	_ =	swait.ge [sflag:s18], $0x4000  }
0xc9: {  	[sflag:s18] =	ssyncset.done $0x0  }
0xca: {  	[sflag:s18] =	ssyncadd.s32 $0xFFFFC000  }
0xcb: {  	_ =	swait.ge [sflag:s19], $0x4000  }
0xcc: {  	[sflag:s19] =	ssyncset.done $0x0  }
0xcd: {  	s23 =	simm.s32 $0xA00;
	[sflag:s19] =	ssyncadd.s32 $0xFFFFC000  }
0xce: {  	[tilespmem:s15], [sflag:$0x2] =	stream.indirect.gather [hbm4b:s0+s14], $0x80, s23, s14, $0xb8;
	[tilespmem:$0x1E400] =	vst v63  }
0xcf: {  	s23 =	simm.s32 $0x1D80  }
0xd0: {  	[spmem:s4] =	stream.indirect.scatter.add.f32 [tilespmem:s16], [sflag:$0x1], $0x80, s23, s14, $0xb8;
	[tilespmem:$0x1E400] =	vst v63  }
0xd1: {  	_ =	swait.ge [sflag:s19], $0x4000  }
0xd2: {  	[sflag:s19] =	ssyncset.done $0x0  }
0xd3: {  	s23 =	simm.s32 $0xA80;
	[sflag:s19] =	ssyncadd.s32 $0xFFFFC000  }
0xd4: {  	[tilespmem:s16], [sflag:$0x3] =	stream.indirect.gather [hbm4b:s0+s14], $0x80, s23, s14, $0xb8;
	[tilespmem:$0x1E400] =	vst v63  }
0xd5: {  	_ =	swait.ge [sflag:s17], $0x4000  }
0xd6: {  	[sflag:s17] =	ssyncset.done $0x0  }
0xd7: {  	s23 =	simm.s32 $0x1E00;
	[sflag:s17] =	ssyncadd.s32 $0xFFFFC000  }
0xd8: {  	[spmem:s4] =	stream.indirect.scatter.add.f32 [tilespmem:s15], [sflag:$0x1], $0x80, s23, s14, $0xb8;
	[tilespmem:$0x1E400] =	vst v63  }
0xd9: {  	_ =	swait.ge [sflag:s18], $0x4000  }
0xda: {  	[sflag:s18] =	ssyncset.done $0x0  }
0xdb: {  	[sflag:s18] =	ssyncadd.s32 $0xFFFFC000  }
0xdc: {  	_ =	swait.ge [sflag:s19], $0x4000  }
0xdd: {  	[sflag:s19] =	ssyncset.done $0x0  }
0xde: {  	s23 =	simm.s32 $0xB00;
	[sflag:s19] =	ssyncadd.s32 $0xFFFFC000  }
0xdf: {  	[tilespmem:s15], [sflag:$0x2] =	stream.indirect.gather [hbm4b:s0+s14], $0x80, s23, s14, $0xb8;
	[tilespmem:$0x1E400] =	vst v63  }
0xe0: {  	s23 =	simm.s32 $0x1E80  }
0xe1: {  	[spmem:s4] =	stream.indirect.scatter.add.f32 [tilespmem:s16], [sflag:$0x1], $0x80, s23, s14, $0xb8;
	[tilespmem:$0x1E400] =	vst v63  }
0xe2: {  	_ =	swait.ge [sflag:s19], $0x4000  }
0xe3: {  	[sflag:s19] =	ssyncset.done $0x0  }
0xe4: {  	s23 =	simm.s32 $0xB80;
	[sflag:s19] =	ssyncadd.s32 $0xFFFFC000  }
0xe5: {  	[tilespmem:s16], [sflag:$0x3] =	stream.indirect.gather [hbm4b:s0+s14], $0x80, s23, s14, $0xb8;
	[tilespmem:$0x1E400] =	vst v63  }
0xe6: {  	_ =	swait.ge [sflag:s17], $0x4000  }
0xe7: {  	[sflag:s17] =	ssyncset.done $0x0  }
0xe8: {  	s23 =	simm.s32 $0x1F00;
	[sflag:s17] =	ssyncadd.s32 $0xFFFFC000  }
0xe9: {  	[spmem:s4] =	stream.indirect.scatter.add.f32 [tilespmem:s15], [sflag:$0x1], $0x80, s23, s14, $0xb8;
	[tilespmem:$0x1E400] =	vst v63  }
0xea: {  	_ =	swait.ge [sflag:s18], $0x4000  }
0xeb: {  	[sflag:s18] =	ssyncset.done $0x0  }
0xec: {  	[sflag:s18] =	ssyncadd.s32 $0xFFFFC000  }
0xed: {  	_ =	swait.ge [sflag:s19], $0x4000  }
0xee: {  	[sflag:s19] =	ssyncset.done $0x0  }
0xef: {  	s23 =	simm.s32 $0xC00;
	[sflag:s19] =	ssyncadd.s32 $0xFFFFC000  }
0xf0: {  	[tilespmem:s15], [sflag:$0x2] =	stream.indirect.gather [hbm4b:s0+s14], $0x80, s23, s14, $0xb8;
	[tilespmem:$0x1E400] =	vst v63  }
0xf1: {  	s23 =	simm.s32 $0x1F80  }
0xf2: {  	[spmem:s4] =	stream.indirect.scatter.add.f32 [tilespmem:s16], [sflag:$0x1], $0x80, s23, s14, $0xb8;
	[tilespmem:$0x1E400] =	vst v63  }
0xf3: {  	_ =	swait.ge [sflag:s19], $0x4000  }
0xf4: {  	[sflag:s19] =	ssyncset.done $0x0  }
0xf5: {  	s23 =	simm.s32 $0xC80;
	[sflag:s19] =	ssyncadd.s32 $0xFFFFC000  }
0xf6: {  	[tilespmem:s16], [sflag:$0x3] =	stream.indirect.gather [hbm4b:s0+s14], $0x80, s23, s14, $0xb8;
	[tilespmem:$0x1E400] =	vst v63  }
0xf7: {  	_ =	swait.ge [sflag:s17], $0x4000  }
0xf8: {  	[sflag:s17] =	ssyncset.done $0x0  }
0xf9: {  	s23 =	simm.s32 $0x2000;
	[sflag:s17] =	ssyncadd.s32 $0xFFFFC000  }
0xfa: {  	[spmem:s4] =	stream.indirect.scatter.add.f32 [tilespmem:s15], [sflag:$0x1], $0x80, s23, s14, $0xb8;
	[tilespmem:$0x1E400] =	vst v63  }
0xfb: {  	_ =	swait.ge [sflag:s18], $0x4000  }
0xfc: {  	[sflag:s18] =	ssyncset.done $0x0  }
0xfd: {  	[sflag:s18] =	ssyncadd.s32 $0xFFFFC000  }
0xfe: {  	_ =	swait.ge [sflag:s19], $0x4000  }
0xff: {  	[sflag:s19] =	ssyncset.done $0x0  }
0x100: {  	s23 =	simm.s32 $0xD00;
	[sflag:s19] =	ssyncadd.s32 $0xFFFFC000  }
0x101: {  	[tilespmem:s15], [sflag:$0x2] =	stream.indirect.gather [hbm4b:s0+s14], $0x80, s23, s14, $0xb8;
	[tilespmem:$0x1E400] =	vst v63  }
0x102: {  	s23 =	simm.s32 $0x2080  }
0x103: {  	[spmem:s4] =	stream.indirect.scatter.add.f32 [tilespmem:s16], [sflag:$0x1], $0x80, s23, s14, $0xb8;
	[tilespmem:$0x1E400] =	vst v63  }
0x104: {  	_ =	swait.ge [sflag:s19], $0x4000  }
0x105: {  	[sflag:s19] =	ssyncset.done $0x0  }
0x106: {  	s23 =	simm.s32 $0xD80;
	[sflag:s19] =	ssyncadd.s32 $0xFFFFC000  }
0x107: {  	[tilespmem:s16], [sflag:$0x3] =	stream.indirect.gather [hbm4b:s0+s14], $0x80, s23, s14, $0xb8;
	[tilespmem:$0x1E400] =	vst v63  }
0x108: {  	_ =	swait.ge [sflag:s17], $0x4000  }
0x109: {  	[sflag:s17] =	ssyncset.done $0x0  }
0x10a: {  	s23 =	simm.s32 $0x2100;
	[sflag:s17] =	ssyncadd.s32 $0xFFFFC000  }
0x10b: {  	[spmem:s4] =	stream.indirect.scatter.add.f32 [tilespmem:s15], [sflag:$0x1], $0x80, s23, s14, $0xb8;
	[tilespmem:$0x1E400] =	vst v63  }
0x10c: {  	_ =	swait.ge [sflag:s18], $0x4000  }
0x10d: {  	[sflag:s18] =	ssyncset.done $0x0  }
0x10e: {  	[sflag:s18] =	ssyncadd.s32 $0xFFFFC000  }
0x10f: {  	_ =	swait.ge [sflag:s19], $0x4000  }
0x110: {  	[sflag:s19] =	ssyncset.done $0x0  }
0x111: {  	s23 =	simm.s32 $0xE00;
	[sflag:s19] =	ssyncadd.s32 $0xFFFFC000  }
0x112: {  	[tilespmem:s15], [sflag:$0x2] =	stream.indirect.gather [hbm4b:s0+s14], $0x80, s23, s14, $0xb8;
	[tilespmem:$0x1E400] =	vst v63  }
0x113: {  	s23 =	simm.s32 $0x2180  }
0x114: {  	[spmem:s4] =	stream.indirect.scatter.add.f32 [tilespmem:s16], [sflag:$0x1], $0x80, s23, s14, $0xb8;
	[tilespmem:$0x1E400] =	vst v63  }
0x115: {  	_ =	swait.ge [sflag:s19], $0x4000  }
0x116: {  	[sflag:s19] =	ssyncset.done $0x0  }
0x117: {  	s23 =	simm.s32 $0xE80;
	[sflag:s19] =	ssyncadd.s32 $0xFFFFC000  }
0x118: {  	[tilespmem:s16], [sflag:$0x3] =	stream.indirect.gather [hbm4b:s0+s14], $0x80, s23, s14, $0xb8;
	[tilespmem:$0x1E400] =	vst v63  }
0x119: {  	_ =	swait.ge [sflag:s17], $0x4000  }
0x11a: {  	[sflag:s17] =	ssyncset.done $0x0  }
0x11b: {  	s23 =	simm.s32 $0x2200;
	[sflag:s17] =	ssyncadd.s32 $0xFFFFC000  }
0x11c: {  	[spmem:s4] =	stream.indirect.scatter.add.f32 [tilespmem:s15], [sflag:$0x1], $0x80, s23, s14, $0xb8;
	[tilespmem:$0x1E400] =	vst v63  }
0x11d: {  	_ =	swait.ge [sflag:s18], $0x4000  }
0x11e: {  	[sflag:s18] =	ssyncset.done $0x0  }
0x11f: {  	[sflag:s18] =	ssyncadd.s32 $0xFFFFC000  }
0x120: {  	_ =	swait.ge [sflag:s19], $0x4000  }
0x121: {  	[sflag:s19] =	ssyncset.done $0x0  }
0x122: {  	s23 =	simm.s32 $0xF00;
	[sflag:s19] =	ssyncadd.s32 $0xFFFFC000  }
0x123: {  	[tilespmem:s15], [sflag:$0x2] =	stream.indirect.gather [hbm4b:s0+s14], $0x80, s23, s14, $0xb8;
	[tilespmem:$0x1E400] =	vst v63  }
0x124: {  	s23 =	simm.s32 $0x2280  }
0x125: {  	[spmem:s4] =	stream.indirect.scatter.add.f32 [tilespmem:s16], [sflag:$0x1], $0x80, s23, s14, $0xb8;
	[tilespmem:$0x1E400] =	vst v63  }
0x126: {  	_ =	swait.ge [sflag:s19], $0x4000  }
0x127: {  	[sflag:s19] =	ssyncset.done $0x0  }
0x128: {  	s23 =	simm.s32 $0xF80;
	[sflag:s19] =	ssyncadd.s32 $0xFFFFC000  }
0x129: {  	[tilespmem:s16], [sflag:$0x3] =	stream.indirect.gather [hbm4b:s0+s14], $0x80, s23, s14, $0xb8;
	[tilespmem:$0x1E400] =	vst v63  }
0x12a: {  	_ =	swait.ge [sflag:s17], $0x4000  }
0x12b: {  	[sflag:s17] =	ssyncset.done $0x0  }
0x12c: {  	s23 =	simm.s32 $0x2300;
	[sflag:s17] =	ssyncadd.s32 $0xFFFFC000  }
0x12d: {  	[spmem:s4] =	stream.indirect.scatter.add.f32 [tilespmem:s15], [sflag:$0x1], $0x80, s23, s14, $0xb8;
	[tilespmem:$0x1E400] =	vst v63  }
0x12e: {  	_ =	swait.ge [sflag:s18], $0x4000  }
0x12f: {  	[sflag:s18] =	ssyncset.done $0x0  }
0x130: {  	[sflag:s18] =	ssyncadd.s32 $0xFFFFC000  }
0x131: {  	_ =	swait.ge [sflag:s19], $0x4000  }
0x132: {  	[sflag:s19] =	ssyncset.done $0x0  }
0x133: {  	s23 =	simm.s32 $0x1000;
	[sflag:s19] =	ssyncadd.s32 $0xFFFFC000  }
0x134: {  	[tilespmem:s15], [sflag:$0x2] =	stream.indirect.gather [hbm4b:s0+s14], $0x80, s23, s14, $0xb8;
	[tilespmem:$0x1E400] =	vst v63  }
0x135: {  	_ = 	snop  }
0x136: {  	[spmem:s4] =	stream.indirect.scatter.add.f32 [tilespmem:s16], [sflag:$0x1], $0x80, s12, s14, $0xb8;
	[tilespmem:$0x1E400] =	vst v63  }
0x137: {  	_ =	swait.ge [sflag:s19], $0x4000  }
0x138: {  	[sflag:s19] =	ssyncset.done $0x0  }
0x139: {  	[sflag:s19] =	ssyncadd.s32 $0xFFFFC000  }
0x13a: {  	[tilespmem:s16], [sflag:$0x3] =	stream.indirect.gather [hbm4b:s0+s14], $0x80, s1, s14, $0xb8;
	[tilespmem:$0x1E400] =	vst v63  }
0x13b: {  	_ =	swait.ge [sflag:s17], $0x4000  }
0x13c: {  	[sflag:s17] =	ssyncset.done $0x0  }
0x13d: {  	[sflag:s17] =	ssyncadd.s32 $0xFFFFC000  }
0x13e: {  	[spmem:s4] =	stream.indirect.scatter.add.f32 [tilespmem:s15], [sflag:$0x1], $0x80, s20, s14, $0xb8;
	[tilespmem:$0x1E400] =	vst v63  }
0x13f: {  	_ =	swait.ge [sflag:s18], $0x4000  }
0x140: {  	[sflag:s18] =	ssyncset.done $0x0  }
0x141: {  	[sflag:s18] =	ssyncadd.s32 $0xFFFFC000  }
0x142: {  	_ =	swait.ge [sflag:s19], $0x4000  }
0x143: {  	[sflag:s19] =	ssyncset.done $0x0  }
0x144: {  	[sflag:s19] =	ssyncadd.s32 $0xFFFFC000  }
0x145: {  	[tilespmem:s15], [sflag:$0x2] =	stream.indirect.gather [hbm4b:s0+s14], $0x80, s24, s14, $0xb8;
	[tilespmem:$0x1E400] =	vst v63  }
0x146: {  	_ = 	snop  }
0x147: {  	[spmem:s4] =	stream.indirect.scatter.add.f32 [tilespmem:s16], [sflag:$0x1], $0x80, s25, s14, $0xb8;
	[tilespmem:$0x1E400] =	vst v63  }
0x148: {  	_ =	swait.ge [sflag:s19], $0x4000  }
0x149: {  	[sflag:s19] =	ssyncset.done $0x0  }
0x14a: {  	[sflag:s19] =	ssyncadd.s32 $0xFFFFC000  }
0x14b: {  	[tilespmem:s16], [sflag:$0x3] =	stream.indirect.gather [hbm4b:s0+s14], $0x80, s26, s14, $0xb8;
	[tilespmem:$0x1E400] =	vst v63  }
0x14c: {  	_ =	swait.ge [sflag:s17], $0x4000  }
0x14d: {  	[sflag:s17] =	ssyncset.done $0x0  }
0x14e: {  	[sflag:s17] =	ssyncadd.s32 $0xFFFFC000  }
0x14f: {  	[spmem:s4] =	stream.indirect.scatter.add.f32 [tilespmem:s15], [sflag:$0x1], $0x80, s28, s14, $0xb8;
	[tilespmem:$0x1E400] =	vst v63  }
0x150: {  	_ =	swait.ge [sflag:s18], $0x4000  }
0x151: {  	[sflag:s18] =	ssyncset.done $0x0  }
0x152: {  	[sflag:s18] =	ssyncadd.s32 $0xFFFFC000  }
0x153: {  	_ =	swait.ge [sflag:s19], $0x4000  }
0x154: {  	[sflag:s19] =	ssyncset.done $0x0  }
0x155: {  	[sflag:s19] =	ssyncadd.s32 $0xFFFFC000  }
0x156: {  	[tilespmem:s15], [sflag:$0x2] =	stream.indirect.gather [hbm4b:s0+s14], $0x80, s29, s14, $0xb8;
	[tilespmem:$0x1E400] =	vst v63  }
0x157: {  	_ = 	snop  }
0x158: {  	[spmem:s4] =	stream.indirect.scatter.add.f32 [tilespmem:s16], [sflag:$0x1], $0x80, s30, s14, $0xb8;
	[tilespmem:$0x1E400] =	vst v63  }
0x159: {  	_ =	swait.ge [sflag:s19], $0x4000  }
0x15a: {  	[sflag:s19] =	ssyncset.done $0x0  }
0x15b: {  	[sflag:s19] =	ssyncadd.s32 $0xFFFFC000  }
0x15c: {  	[tilespmem:s16], [sflag:$0x3] =	stream.indirect.gather [hbm4b:s0+s14], $0x80, s31, s14, $0xb8;
	[tilespmem:$0x1E400] =	vst v63  }
0x15d: {  	_ =	swait.ge [sflag:s17], $0x4000  }
0x15e: {  	[sflag:s17] =	ssyncset.done $0x0  }
0x15f: {  	[sflag:s17] =	ssyncadd.s32 $0xFFFFC000  }
0x160: {  	[spmem:s4] =	stream.indirect.scatter.add.f32 [tilespmem:s15], [sflag:$0x1], $0x80, s2, s14, $0xb8;
	[tilespmem:$0x1E400] =	vst v63  }
0x161: {  	_ =	swait.ge [sflag:s18], $0x4000  }
0x162: {  	[sflag:s18] =	ssyncset.done $0x0  }
0x163: {  	[sflag:s18] =	ssyncadd.s32 $0xFFFFC000  }
0x164: {  	_ =	swait.ge [sflag:s19], $0x4000  }
0x165: {  	[sflag:s19] =	ssyncset.done $0x0  }
0x166: {  	[sflag:s19] =	ssyncadd.s32 $0xFFFFC000  }
0x167: {  	[tilespmem:s15], [sflag:$0x2] =	stream.indirect.gather [hbm4b:s0+s14], $0x80, s3, s14, $0xb8;
	[tilespmem:$0x1E400] =	vst v63  }
0x168: {  	_ = 	snop  }
0x169: {  	[spmem:s4] =	stream.indirect.scatter.add.f32 [tilespmem:s16], [sflag:$0x1], $0x80, s7, s14, $0xb8;
	[tilespmem:$0x1E400] =	vst v63  }
0x16a: {  	_ =	swait.ge [sflag:s19], $0x4000  }
0x16b: {  	[sflag:s19] =	ssyncset.done $0x0  }
0x16c: {  	[sflag:s19] =	ssyncadd.s32 $0xFFFFC000  }
0x16d: {  	[tilespmem:s16], [sflag:$0x3] =	stream.indirect.gather [hbm4b:s0+s14], $0x80, s10, s14, $0xb8;
	[tilespmem:$0x1E400] =	vst v63  }
0x16e: {  	_ =	swait.ge [sflag:s17], $0x4000  }
0x16f: {  	[sflag:s17] =	ssyncset.done $0x0  }
0x170: {  	[sflag:s17] =	ssyncadd.s32 $0xFFFFC000  }
0x171: {  	[spmem:s4] =	stream.indirect.scatter.add.f32 [tilespmem:s15], [sflag:$0x1], $0x80, s11, s14, $0xb8;
	[tilespmem:$0x1E400] =	vst v63  }
0x172: {  	_ =	swait.ge [sflag:s18], $0x4000  }
0x173: {  	[sflag:s18] =	ssyncset.done $0x0  }
0x174: {  	[sflag:s18] =	ssyncadd.s32 $0xFFFFC000  }
0x175: {  	_ =	swait.ge [sflag:s19], $0x4000  }
0x176: {  	p1 =	por p0, p0;
	[sflag:s19] =	ssyncset.done $0x0  }
.Ltmp0:
0x177: {  	[sflag:s19] =	ssyncadd.s32 $0xFFFFC000;
	(pc) =	sbr.rel @p1 .LBB2_2-.Ltmp0, $4  }
0x178: {  	[spmem:s4] =	stream.indirect.scatter.add.f32 [tilespmem:s16], [sflag:$0x1], $0x80, s8, s14, $0xb8;
	[tilespmem:$0x1E400] =	vst v63  }
0x179: {  	_ =	swait.ge [sflag:s19], $0x4000  }
0x17a: {  	[sflag:s19] =	ssyncset.done $0x0  }
0x17b: {  	p0 =	por $0x0, $0x0;
	[sflag:s19] =	ssyncadd.s32 $0xFFFFC000  }
0x17c: {  	[bflag:$0x0] =	sbarrier.arrive $0xFFFF  }
0x17d: {  	s23 =	rddreg [dreg:$0x6]  }
0x17e: {  	s21 =	rddreg [dreg:$0x7]  }
0x17f: {  	s24 =	rddreg [dreg:$0x9]  }
0x180: {  	[hbm:s21], [sflag:s23] =	dma.local [spmem:s24], $0x2780  }
0x181: {  	_ =	swait.ge [sflag:s13], $0x2780  }
0x182: {  	s1 =	rddreg [dreg:$0xa]  }
0x183: {  	s21 =	rddreg [dreg:$0x8];
	s1 =	sadd.s32 $0x1, s1  }
0x184: {  	p0 =	sne.s32 s1, s21  }
.Ltmp1:
0x185: {  	_ = 	snop;
	(pc) =	sbr.rel @p0 .LBB2_1-.Ltmp1, $3  }
0x186: {  	_ =	sdelay $0x1  }
0x187: {  	[sflag:s13] =	ssyncset.done $0x0  }
0x188: {  	[sflag:s13] =	ssyncadd.s32 $0xFFFFD880  }
0x189: {  	_ =	sfence.sel $0x180000  }
0x18a: {  	[bflag:$0x0] =	sbarrier.arrive $0xFFFF  }
0x18b: {  	_ =	strace $0x9000004D  }
0x18c: {  	s0 =	stileid.u32;
	[bflag:$0x2] =	sbarrier.arrive $0xFFFF  }
0x18d: {  	p0 =	sne.s32 s0, $0x0;
	s0 =	rddreg [dreg:$0x4]  }
0x18e: {  	s0 =	sadd.s32 @!p0 $0x100000, s0  }
0x18f: {  	[sflag:s0] =	ssyncadd.tile.s32 @!p0 $0x1;
	_ =	shalt  }
.Lfunc_end2:
_tile_overlayer_lowered:
.L_overlay_start_2:
0x190: {  	(tag) =	ssettag $0x2  }
0x191: {  	s0 =	rddreg [dreg:$0x0];
	s2 =	stileid.u32  }
0x192: {  	s1 =	rddreg [dreg:$0x1];
	p0 =	sne.s32 s2, $0x0  }
0x193: {  	s3 =	rddreg [dreg:$0x2];
	[bflag:$0x3] =	sbarrier.arrive $0xFFFF;
	s2 =	simm.s32 @!p0 $0x1C04  }
0x194: {  	[timem:s3], [sflag:s2] =	dma.local @!p0 [hbm:s0], s1  }
0x195: {  	s0 =	simm.s32 @!p0 $0x4  }
0x196: {  	_ =	swait.ge @!p0 [sflag:s0], s1  }
0x197: {  	s1 =	ssub.s32 @!p0 $0x0, s1;
	[sflag:s0] =	ssyncset.done @!p0 $0x0  }
0x198: {  	[sflag:s0] =	ssyncadd.s32 @!p0 s1  }
0x199: {  	[bflag:$0x3] =	sbarrier.arrive $0xFFFF  }
0x19a: {  	_ =	shalt  }

// kernel: kernel.18.cloned.1.call-start
scs
__scs_entry_jumppad:
0x0: {  	(pc) =	sbr.rel $0x88, $3  }
0x1: {  	(tag) =	ssettag $0x0;
	lr =	simm.s32 $0x1  }
0x2: {  	[smem:$0x3F98] =	sst lr;
	_ =	strace $0xD0000000  }
0x3: {  	_ = 	snop  }
0x4: {  	_ = 	snop  }
0x5: {  	_ = 	snop  }
0x6: {  	_ = 	snop  }
0x7: {  	_ = 	snop  }
__scs_overlays_trampoline_lowered:
0x8: {  	[smem:$0x3FA7] =	sst s0  }
0x9: {  	[smem:$0x3FA8] =	sst s1  }
0xa: {  	[smem:$0x3FA9] =	sst s2  }
0xb: {  	[smem:$0x3FAA] =	sst s3  }
0xc: {  	[smem:$0x3FAB] =	sst s4  }
0xd: {  	[smem:$0x3FAC] =	sst s5  }
0xe: {  	[smem:$0x3FAD] =	sst s6  }
0xf: {  	[smem:$0x3FAE] =	sst s7  }
0x10: {  	[smem:$0x3FAF] =	sst s8  }
0x11: {  	[smem:$0x3FB0] =	sst s9;
	s0 =	simm.s32 @!p0 $0x0  }
0x12: {  	s1 =	sld [smem:$0x3F96];
	s0 =	simm.s32 @p0 $0x1  }
0x13: {  	[smem:$0x3FB1] =	sst s0;
	s0 =	simm.s32 @!p1 $0x0  }
0x14: {  	s2 =	sld [smem:$0x3F95];
	s0 =	simm.s32 @p1 $0x1  }
0x15: {  	[smem:$0x3FB2] =	sst s0;
	s0 =	simm.s32 @!p2 $0x0  }
0x16: {  	s3 =	sld [smem:$0x3FDB];
	s0 =	simm.s32 @p2 $0x1  }
0x17: {  	s4 =	simm.s32 $0x1BF5;
	[smem:$0x3FB4] =	sst s0  }
0x18: {  	s0 =	sld [smem:$0x3F97];
	_ =	swait.ge [sflag:s4], $0x0  }
0x19: {  	s7 =	sld [smem:$0x3F98]  }
0x1a: {  	s8 =	sadd.s32 $0xFFFFE003, lr  }
0x1b: {  	s9 =	sadd.s32 $0xFFFFFEF7, lr;
	s5 =	simm.s32 $0xFFFFFFFF;
	p2 =	slt.u32 s8, $0xFFFFF086  }
0x1c: {  	p1 =	slt.u32 s9, $0xF7A;
	s5 =	simm.s32 @!p2 $0x0  }
0x1d: {  	s5 =	simm.s32 @p1 $0x1;
	p0 =	seq.s32 s7, s2  }
0x1e: {  	s7 =	smul.u32 @!p0 $0xF7A, s2;
	p2 =	seq.s32 @!p0 s5, $0x0  }
0x1f: {  	s9 =	smul.u32 $0xF7A, s1;
	s8 =	simm.s32 @!p0 $0x1BF5;
	p2 =	por !p2, p0  }
0x20: {  	[sflag:s8] =	ssyncset.s32 @!p0 $0xFFFFF086;
	s6 =	sadd.s32 @!p0 s3, s7;
	s7 =	simm.s32 @!p0 $0x108  }
0x21: {  	s3 =	sadd.s32 s3, s9;
	s6 =	sadd.s32 @!p0 $0x88, s6;
	s7 =	simm.s32 @p2 $0x1082  }
0x22: {  	[simem:s7], [sflag:s8] =	dma.local @!p0 [hbm:s6], $0xF7A  }
0x23: {  	s9 =	sor.u32 $0xD0000000, s2;
	s6 =	simm.s32 $0x108;
	_ =	swait.ge @!p0 [sflag:s8], $0x0  }
0x24: {  	s3 =	sadd.s32 $0x88, s3;
	s6 =	simm.s32 @!p1 $0x1082;
	[sflag:s4] =	ssyncset.s32 $0xFFFFF086  }
0x25: {  	[simem:s6], [sflag:s4] =	dma.local [hbm:s3], $0xF7A  }
0x26: {  	[smem:$0x3F98] =	sst s1;
	(tag) =	ssettag s2;
	_ =	strace s9  }
0x27: {  	s1 =	sld [smem:$0x3FA8]  }
0x28: {  	s2 =	sld [smem:$0x3FA9]  }
0x29: {  	s4 =	sld [smem:$0x3FAB]  }
0x2a: {  	p0 =	seq.s32 s5, $0x0;
	s5 =	sld [smem:$0x3FAC]  }
0x2b: {  	s6 =	sld [smem:$0x3FAD]  }
0x2c: {  	s7 =	sld [smem:$0x3FAE]  }
0x2d: {  	s3 =	simm.s32 $0x108;
	s8 =	sld [smem:$0x3FAF]  }
0x2e: {  	s3 =	simm.s32 @!p0 $0x1082;
	s9 =	sld [smem:$0x3FB0]  }
0x2f: {  	lr =	sadd.s32 s0, s3;
	s0 =	sld [smem:$0x3FA7]  }
0x30: {  	s3 =	sld [smem:$0x3FAA]  }
0x31: {  	[smem:$0x3FB3] =	sst s10  }
0x32: {  	s10 =	sld [smem:$0x3FB1];
	_ =	sdelay $0x3  }
0x33: {  	p0 =	seq.s32 s10, $0x1;
	s10 =	sld [smem:$0x3FB3];
	_ =	sdelay $0x3  }
0x34: {  	[smem:$0x3FB3] =	sst s10  }
0x35: {  	s10 =	sld [smem:$0x3FB2];
	_ =	sdelay $0x3  }
0x36: {  	p1 =	seq.s32 s10, $0x1;
	s10 =	sld [smem:$0x3FB3];
	_ =	sdelay $0x3  }
0x37: {  	[smem:$0x3FB3] =	sst s10  }
0x38: {  	s10 =	sld [smem:$0x3FB4]  }
0x39: {  	_ = 	snop;
	(pc) =	sbr.ind lr, $3  }
0x3a: {  	_ = 	snop  }
0x3b: {  	_ = 	snop  }
0x3c: {  	p2 =	seq.s32 s10, $0x1;
	s10 =	sld [smem:$0x3FB3]  }
0x3d: {  	_ =	shalt  }
0x3e: {  	_ =	shalt  }
0x3f: {  	_ =	shalt  }
0x40: {  	_ =	shalt  }
0x41: {  	_ =	shalt  }
0x42: {  	_ =	shalt  }
0x43: {  	_ =	shalt  }
0x44: {  	_ =	shalt  }
0x45: {  	_ =	shalt  }
0x46: {  	_ =	shalt  }
0x47: {  	_ =	shalt  }
0x48: {  	_ =	shalt  }
0x49: {  	_ =	shalt  }
0x4a: {  	_ =	shalt  }
0x4b: {  	_ =	shalt  }
0x4c: {  	_ =	shalt  }
0x4d: {  	_ =	shalt  }
0x4e: {  	_ =	shalt  }
0x4f: {  	_ =	shalt  }
0x50: {  	_ =	shalt  }
0x51: {  	_ =	shalt  }
0x52: {  	_ =	shalt  }
0x53: {  	_ =	shalt  }
0x54: {  	_ =	shalt  }
0x55: {  	_ =	shalt  }
0x56: {  	_ =	shalt  }
0x57: {  	_ =	shalt  }
0x58: {  	_ =	shalt  }
0x59: {  	_ =	shalt  }
0x5a: {  	_ =	shalt  }
0x5b: {  	_ =	shalt  }
0x5c: {  	_ =	shalt  }
0x5d: {  	_ =	shalt  }
0x5e: {  	_ =	shalt  }
0x5f: {  	_ =	shalt  }
0x60: {  	_ =	shalt  }
0x61: {  	_ =	shalt  }
0x62: {  	_ =	shalt  }
0x63: {  	_ =	shalt  }
0x64: {  	_ =	shalt  }
0x65: {  	_ =	shalt  }
0x66: {  	_ =	shalt  }
0x67: {  	_ =	shalt  }
0x68: {  	_ =	shalt  }
0x69: {  	_ =	shalt  }
0x6a: {  	_ =	shalt  }
0x6b: {  	_ =	shalt  }
0x6c: {  	_ =	shalt  }
0x6d: {  	_ =	shalt  }
0x6e: {  	_ =	shalt  }
0x6f: {  	_ =	shalt  }
0x70: {  	_ =	shalt  }
0x71: {  	_ =	shalt  }
0x72: {  	_ =	shalt  }
0x73: {  	_ =	shalt  }
0x74: {  	_ =	shalt  }
0x75: {  	_ =	shalt  }
0x76: {  	_ =	shalt  }
0x77: {  	_ =	shalt  }
0x78: {  	_ =	shalt  }
0x79: {  	_ =	shalt  }
0x7a: {  	_ =	shalt  }
0x7b: {  	_ =	shalt  }
0x7c: {  	_ =	shalt  }
0x7d: {  	_ =	shalt  }
0x7e: {  	_ =	shalt  }
0x7f: {  	_ =	shalt  }
0x80: {  	_ =	shalt  }
0x81: {  	_ =	shalt  }
0x82: {  	_ =	shalt  }
0x83: {  	_ =	shalt  }
0x84: {  	_ =	shalt  }
0x85: {  	_ =	shalt  }
0x86: {  	_ =	shalt  }
0x87: {  	_ =	shalt  }
.Lfunc_end0:
.L_simem_size_0:
called_computation.3_lowered:
.L_overlay_start_0:
0x88: {  	s2 =	sld [smem:$0x3FD9]  }
0x89: {  	s3 =	sld [smem:$0x3FFE];
	_ =	sdelay $0x1  }
0x8a: {  	s1 =	srdreg.scid  }
0x8b: {  	s0 =	sand.u32 $0x1, s1  }
0x8c: {  	s14 =	sshll.u32 s0, $0xA;
	s2 =	sadd.s32 s3, s2  }
0x8d: {  	s2 =	sadd.s32 s2, s14  }
0x8e: {  	[smem:$0x3FBF] =	sst s2  }
0x8f: {  	_ = 	snop  }
0x90: {  	s2 =	sld [smem:$0x3FD0];
	_ =	sdelay $0x2  }
0x91: {  	s15 =	simm.s32 $0xA;
	s4 =	simm.s32 $0x10  }
0x92: {  	[smem:s4], [sflag:s15] =	dma.local [hbm:s2], $0x1  }
0x93: {  	_ =	swait.eq [sflag:s15], $0x1  }
0x94: {  	[sflag:s15] =	ssyncset.done $0x0  }
0x95: {  	[sflag:s15] =	ssyncadd.s32 $0xFFFFFFFF  }
0x96: {  	s16 =	sld [smem:$0x11];
	(tm) =	ssettm $0x1  }
0x97: {  	s17 =	sld [smem:$0x3FFB];
	_ =	sdelay $0x3  }
0x98: {  	_ =	strace s17  }
0x99: {  	s3 =	sld [smem:$0x3FFC];
	_ =	sdelay $0x3  }
0x9a: {  	_ =	strace s3  }
0x9b: {  	s3 =	sld [smem:$0x3FFD];
	_ =	sdelay $0x3  }
0x9c: {  	_ =	strace s3  }
0x9d: {  	_ =	strace $0x8FFFFFFF  }
0x9e: {  	s18 =	sld [smem:$0x3FDB];
	_ =	sdelay $0x1  }
0x9f: {  	s19 =	simm.s32 $_scs_section_size  }
0xa0: {  	s5 =	simm.s32 $_size__tile_overlayer_lowered;
	s6 =	simm.s32 $_tile_overlayer_lowered  }
0xa1: {  	s22 =	simm.s32 $0x1BFF;
	s21 =	sshll.u32 s6, $0x1;
	s3 =	sadd.s32 s19, s18  }
0xa2: {  	s7 =	simm.s32 $0x0;
	s20 =	sshll.u32 s5, $0x1;
	s5 =	sadd.s32 s21, s3  }
0xa3: {  	[timem:s7], [sflag:s22] =	dma.local [hbm:s5], s20  }
0xa4: {  	_ =	swait.ge [sflag:s22], s20  }
0xa5: {  	s4 =	ssub.s32 $0x0, s20;
	[sflag:s22] =	ssyncset.done $0x0  }
0xa6: {  	[sflag:s22] =	ssyncadd.s32 s4;
	_ =	sdelay $0x1  }
0xa7: {  	s23 =	simm.s32 $0x1B8B  }
0xa8: {  	_ =	swait.ge [sflag:s23], $0x1  }
0xa9: {  	[sflag:s23] =	ssyncset.done $0x0  }
0xaa: {  	s25 =	simm.s32 $0x1B8E;
	s24 =	sld [smem:$0x3FFE];
	[sflag:s23] =	ssyncadd.s32 $0xFFFFFFFF  }
0xab: {  	s26 =	simm.s32 $execute0_lowered;
	[smem:$0x3FD2] =	sst s25  }
0xac: {  	s5 =	sshll.u32 s26, $0x1;
	_ =	strace $0x8000004F;
	[dreg:$0x1] =	wrdreg $0xFFFFFFFF  }
0xad: {  	s28 =	simm.s32 $_size_execute0_lowered;
	s3 =	sadd.s32 s3, s5;
	[dreg:$0x0] =	wrdreg $0x0  }
0xae: {  	s5 =	sshll.u32 s28, $0x1;
	[dreg:$0x2] =	wrdreg s3  }
0xaf: {  	[dreg:$0x3] =	wrdreg s5  }
0xb0: {  	[dreg:$0x4] =	wrdreg $0xC0  }
0xb1: {  	_ =	task [dreg:s7], $0x5FFFF  }
0xb2: {  	[dreg:$0x1] =	wrdreg $0xFFFFFFFF  }
0xb3: {  	[dreg:$0x0] =	wrdreg $0x60  }
0xb4: {  	[dreg:$0x2] =	wrdreg s24  }
0xb5: {  	[dreg:$0x3] =	wrdreg s16  }
0xb6: {  	[dreg:$0x4] =	wrdreg $0x9  }
0xb7: {  	_ =	task.clear_ibuf [dreg:s7], $0x5FFFF;
	_ =	strace $0x9000004F  }
0xb8: {  	s29 =	simm.s32 $0x9;
	_ =	strace $0x80000051  }
0xb9: {  	_ =	swait.ge [sflag:s29], $0x1  }
0xba: {  	[sflag:s29] =	ssyncadd.s32 $0xFFFFFFFF  }
0xbb: {  	_ =	strace $0x90000051  }
0xbc: {  	_ =	sfence  }
0xbd: {  	s30 =	sld [smem:$0x0];
	_ =	sdelay $0x2  }
0xbe: {  	s31 =	sshll.u32 s1, $0xD;
	s1 =	sshrl.u32 s1, $0x2  }
0xbf: {  	s3 =	sand.u32 $0x4000, s31;
	s1 =	sadd.s32 s1, s30  }
0xc0: {  	s0 =	sor.u32 s3, s0;
	s1 =	sshll.u32 s1, $0x11  }
0xc1: {  	s0 =	sor.u32 s1, s0  }
0xc2: {  	s0 =	sadd.s32 $0x8F2B, s0  }
0xc3: {  	[sflag:s0] =	ssyncadd.remote.s32 $0x1  }
0xc4: {  	_ =	sfence.sel $0xFFFF  }
0xc5: {  	[dreg:$0x0] =	wrdreg $0xFFFFFFFF;
	(pc) =	sbr.abs _section_cstart, $3  }
0xc6: {  	[dreg:$0x1] =	wrdreg $0xFFFFFFFF  }
0xc7: {  	_ =	task.clear_ibuf [dreg:s7], $0x2FFFF;
	_ =	strace $0x9FFFFFFF  }
0xc8: {  	(tm) =	ssettm $0x7FFFFFFF  }
0xc9: {  	_ =	shalt  }
tec
execute0_lowered:
.L_overlay_start_1:
0x0: {  	(tag) =	ssettag $0x1  }
0x1: {  	s1 =	srdreg.scid;
	s4 =	rddreg [dreg:$0x0]  }
0x2: {  	s0 =	stileid.u32;
	s5 =	rddreg [dreg:$0x1];
	s2 =	simm.s32 $0x0  }
0x3: {  	s10 =	simm.s32 $0x9C80;
	s3 =	sand.u32 $0x1, s1;
	s30 =	sshll.u32 s0, $0x1  }
0x4: {  	s11 =	simm.s32 $0xC400;
	s12 =	simm.s32 $0xEB80;
	s6 =	sor.u32 s3, s30  }
0x5: {  	s13 =	simm.s32 $0x11290;
	s1 =	rddreg [dreg:$0x2];
	s6 =	smul.u32 $0x2710, s6  }
0x6: {  	s14 =	simm.s32 $0x0;
	[smem:$0x7FF] =	sst s2;
	s7 =	ssub.s32 $0x2, s3  }
0x7: {  	_ =	strace $0x80000050;
	s31 =	sshrl.u32 s7, $0x1;
	s6 =	sshrl.u32 s6, $0x3  }
0x8: {  	s3 =	sadd.s32 $0x2E00, s4;
	s9 =	ssub.s32 s7, s31;
	s8 =	sadd.s32 s6, s4  }
0x9: {  	s5 =	sadd.s32 s5, s6;
	s4 =	sadd.s32 $0xF400, s8;
	s6 =	sadd.s32 $0x5600, s8  }
0xa: {  	s7 =	sadd.s32 $0x9C40, s5;
	s8 =	smax.u32 s9, $0x1;
	s9 =	simm.s32 $0x1  }
.LBB2_1:
0xb: {  	[tilespmem:s2], [sflag:$0x1] =	stream.linear.gather [hbm4b:s3+s2], $0x9C80, $0x38;
	[tilespmem:$0x13A00] =	vst v63  }
0xc: {  	_ =	swait.ge [sflag:s9], $0x9C80  }
0xd: {  	[sflag:s9] =	ssyncset.done $0x0  }
0xe: {  	[sflag:s9] =	ssyncadd.s32 $0xFFFF6380  }
0xf: {  	[tilespmem:s10], [sflag:$0x1] =	stream.linear.gather [hbm4b:s4+s2], $0x2710, $0x38;
	[tilespmem:$0x13A00] =	vst v63  }
0x10: {  	_ =	swait.ge [sflag:s9], $0x2710  }
0x11: {  	[sflag:s9] =	ssyncset.done $0x0  }
0x12: {  	[sflag:s9] =	ssyncadd.s32 $0xFFFFD8F0  }
0x13: {  	[tilespmem:s11], [sflag:$0x1] =	stream.linear.gather [hbm4b:s6+s2], $0x2710, $0x38;
	[tilespmem:$0x13A00] =	vst v63  }
0x14: {  	_ =	swait.ge [sflag:s9], $0x2710  }
0x15: {  	[sflag:s9] =	ssyncset.done $0x0  }
0x16: {  	s15 =	simm.s32 $0x0;
	[sflag:s9] =	ssyncadd.s32 $0xFFFFD8F0  }
0x17: {  	v0 =	vld [tilespmem:s15+$0x9C80]  }
0x18: {  	v1 =	vld [tilespmem:s15+$0xC400];
	_ =	sdelay $0x3  }
0x19: {  	v0 =	vshll.u32 v0, $0x2  }
0x1a: {  	v1 =	vshll.u32 v1, $0x2;
	v2 =	vor.u32 $0x1, v0  }
0x1b: {  	v3 =	vor.u32 $0x2, v1  }
0x1c: {  	v1 =	vor.u32 $0x3, v1;
	_ =	sdelay $0x1  }
0x1d: {  	v0 =	vld.idx.msk [tilespmem:v0+s2+$0x0], $0xffff  }
0x1e: {  	v2 =	vld.idx.msk [tilespmem:v2+s2+$0x0], $0xffff  }
0x1f: {  	v3 =	vld.idx.msk [tilespmem:v3+s2+$0x0], $0xffff  }
0x20: {  	v1 =	vld.idx.msk [tilespmem:v1+s2+$0x0], $0xffff;
	_ =	sdelay $0x3  }
0x21: {  	v0 =	vadd.f32 v3, v0  }
0x22: {  	v1 =	vadd.f32 v1, v2  }
0x23: {  	v0 =	vsub.f32 $0.0e+00, v0  }
0x24: {  	v1 =	vsub.f32 $0.0e+00, v1  }
0x25: {  	v0 =	vmul.f32 $1.442695020e+00, v0  }
0x26: {  	v1 =	vmul.f32 $1.442695020e+00, v1  }
0x27: {  	(erf) = vpow2.f32 v0  }
0x28: {  	(erf) = vpow2.f32 v1;
	_ =	sdelay $0x7  }
0x29: {  	v2 =	vpop (erf)  }
0x2a: {  	v2 =	vadd.f32 $1.000000000e+00, v2;
	v3 =	vpop (erf)  }
0x2b: {  	v3 =	vadd.f32 $1.000000000e+00, v3  }
0x2c: {  	(erf) = vrcp.f32 v2  }
0x2d: {  	s17 =	simm.s32 $0x10;
	(erf) = vrcp.f32 v3  }
0x2e: {  	v0 =	vld [tilespmem:s17+$0x9C80]  }
0x2f: {  	v1 =	vld [tilespmem:s17+$0xC400];
	_ =	sdelay $0x3  }
0x30: {  	v0 =	vshll.u32 v0, $0x2  }
0x31: {  	s16 =	simm.s32 $0x80;
	v2 =	vshll.u32 v1, $0x2;
	v1 =	vor.u32 $0x1, v0  }
.LBB2_2:
0x32: {  	p0 =	sne.s32 s16, $0x9C00;
	v3 =	vor.u32 $0x2, v2;
	v2 =	vor.u32 $0x3, v2;
	v4 =	vpop (erf);
	s18 =	smov.u32 s16;
	s16 =	sadd.s32 $0x40, s16  }
0x33: {  	[tilespmem:s15+$0xEB80] =	vst v4;
	v4 =	vpop (erf)  }
0x34: {  	[tilespmem:s15+$0x11290] =	vst v4;
	s15 =	smov.u32 s17  }
0x35: {  	v0 =	vld.idx.msk [tilespmem:v0+s2+$0x0], $0xffff  }
0x36: {  	v1 =	vld.idx.msk [tilespmem:v1+s2+$0x0], $0xffff  }
0x37: {  	v3 =	vld.idx.msk [tilespmem:v3+s2+$0x0], $0xffff  }
0x38: {  	v2 =	vld.idx.msk [tilespmem:v2+s2+$0x0], $0xffff;
	_ =	sdelay $0x4  }
0x39: {  	v0 =	vadd.f32 v3, v0  }
0x3a: {  	v1 =	vadd.f32 v2, v1  }
0x3b: {  	v0 =	vsub.f32 $0.0e+00, v0  }
0x3c: {  	v1 =	vsub.f32 $0.0e+00, v1  }
0x3d: {  	v0 =	vmul.f32 $1.442695020e+00, v0  }
0x3e: {  	v1 =	vmul.f32 $1.442695020e+00, v1  }
0x3f: {  	(erf) = vpow2.f32 v0  }
0x40: {  	(erf) = vpow2.f32 v1;
	_ =	sdelay $0x7  }
0x41: {  	v0 =	vpop (erf)  }
0x42: {  	v0 =	vadd.f32 $1.000000000e+00, v0;
	v1 =	vpop (erf)  }
0x43: {  	v1 =	vadd.f32 $1.000000000e+00, v1  }
0x44: {  	(erf) = vrcp.f32 v0  }
0x45: {  	s17 =	sshra.s32 s18, $0x2;
	(erf) = vrcp.f32 v1  }
0x46: {  	v0 =	vld [tilespmem:s17+$0x9C80]  }
0x47: {  	v1 =	vld [tilespmem:s17+$0xC400]  }
.Ltmp0:
0x48: {  	(pc) =	sbr.rel @p0 .LBB2_2-.Ltmp0, $3  }
0x49: {  	_ =	sdelay $0x1  }
0x4a: {  	v0 =	vshll.u32 v0, $0x2  }
0x4b: {  	v2 =	vshll.u32 v1, $0x2;
	v1 =	vor.u32 $0x1, v0  }
0x4c: {  	_ = 	snop  }
0x4d: {  	v3 =	vor.u32 $0x2, v2;
	v4 =	vpop (erf)  }
0x4e: {  	v61 =	vor.u32 $0x3, v2;
	[tilespmem:s15+$0xEB80] =	vst v4;
	v62 =	vpop (erf)  }
0x4f: {  	[tilespmem:s15+$0x11290] =	vst v62  }
0x50: {  	v0 =	vld.idx.msk [tilespmem:v0+s2+$0x0], $0xffff  }
0x51: {  	v1 =	vld.idx.msk [tilespmem:v1+s2+$0x0], $0xffff  }
0x52: {  	v3 =	vld.idx.msk [tilespmem:v3+s2+$0x0], $0xffff  }
0x53: {  	v2 =	vld.idx.msk [tilespmem:v61+s2+$0x0], $0xffff;
	_ =	sdelay $0x3  }
0x54: {  	v0 =	vadd.f32 v3, v0  }
0x55: {  	v1 =	vadd.f32 v2, v1  }
0x56: {  	v0 =	vsub.f32 $0.0e+00, v0  }
0x57: {  	v1 =	vsub.f32 $0.0e+00, v1  }
0x58: {  	v0 =	vmul.f32 $1.442695020e+00, v0  }
0x59: {  	v1 =	vmul.f32 $1.442695020e+00, v1  }
0x5a: {  	(erf) = vpow2.f32 v0  }
0x5b: {  	(erf) = vpow2.f32 v1;
	_ =	sdelay $0x7  }
0x5c: {  	v0 =	vpop (erf)  }
0x5d: {  	v0 =	vadd.f32 $1.000000000e+00, v0;
	v1 =	vpop (erf)  }
0x5e: {  	v1 =	vadd.f32 $1.000000000e+00, v1  }
0x5f: {  	(erf) = vrcp.f32 v0  }
0x60: {  	(erf) = vrcp.f32 v1;
	_ =	sdelay $0x7  }
0x61: {  	v0 =	vpop (erf)  }
0x62: {  	[tilespmem:s17+$0xEB80] =	vst v0;
	v63 =	vpop (erf)  }
0x63: {  	[tilespmem:s17+$0x11290] =	vst v63  }
0x64: {  	[hbm4b:s5+s2] =	stream.linear.scatter [tilespmem:s12], [sflag:$0x1], $0x2710, $0x38;
	[tilespmem:$0x13A00] =	vst v63  }
0x65: {  	s14 =	sadd.s32 $0x1, s14;
	_ =	swait.ge [sflag:s9], $0x2710  }
0x66: {  	p0 =	sne.s32 s14, s8;
	[sflag:s9] =	ssyncset.done $0x0  }
.Ltmp1:
0x67: {  	[sflag:s9] =	ssyncadd.s32 $0xFFFFD8F0;
	(pc) =	sbr.rel @p0 .LBB2_1-.Ltmp1, $4  }
0x68: {  	[hbm4b:s7+s2] =	stream.linear.scatter [tilespmem:s13], [sflag:$0x1], $0x2710, $0x38;
	[tilespmem:$0x13A00] =	vst v63  }
0x69: {  	_ =	swait.ge [sflag:s9], $0x2710  }
0x6a: {  	[sflag:s9] =	ssyncset.done $0x0  }
0x6b: {  	[sflag:s9] =	ssyncadd.s32 $0xFFFFD8F0  }
0x6c: {  	_ =	sfence.sel $0x180000  }
0x6d: {  	[bflag:$0x0] =	sbarrier.arrive $0xFFFF  }
0x6e: {  	p0 =	sne.s32 s0, $0x0;
	_ =	strace $0x90000050  }
0x6f: {  	s0 =	sadd.s32 @!p0 $0x100000, s1;
	[bflag:$0x2] =	sbarrier.arrive $0xFFFF  }
0x70: {  	[sflag:s0] =	ssyncadd.tile.s32 @!p0 $0x1;
	_ =	shalt  }
.Lfunc_end2:
_tile_overlayer_lowered:
.L_overlay_start_2:
0x71: {  	(tag) =	ssettag $0x2  }
0x72: {  	s0 =	rddreg [dreg:$0x0];
	s2 =	stileid.u32  }
0x73: {  	s1 =	rddreg [dreg:$0x1];
	p0 =	sne.s32 s2, $0x0  }
0x74: {  	s3 =	rddreg [dreg:$0x2];
	[bflag:$0x3] =	sbarrier.arrive $0xFFFF;
	s2 =	simm.s32 @!p0 $0x1C01  }
0x75: {  	[timem:s3], [sflag:s2] =	dma.local @!p0 [hbm:s0], s1  }
0x76: {  	s0 =	simm.s32 @!p0 $0x1  }
0x77: {  	_ =	swait.ge @!p0 [sflag:s0], s1  }
0x78: {  	s1 =	ssub.s32 @!p0 $0x0, s1;
	[sflag:s0] =	ssyncset.done @!p0 $0x0  }
0x79: {  	[sflag:s0] =	ssyncadd.s32 @!p0 s1  }
0x7a: {  	[bflag:$0x3] =	sbarrier.arrive $0xFFFF  }
0x7b: {  	_ =	shalt  }

// kernel: kernel.9.cloned.1.call-start
scs
__scs_entry_jumppad:
0x0: {  	(pc) =	sbr.rel $0x88, $3  }
0x1: {  	(tag) =	ssettag $0x0;
	lr =	simm.s32 $0x1  }
0x2: {  	[smem:$0x3F98] =	sst lr;
	_ =	strace $0xD0000000  }
0x3: {  	_ = 	snop  }
0x4: {  	_ = 	snop  }
0x5: {  	_ = 	snop  }
0x6: {  	_ = 	snop  }
0x7: {  	_ = 	snop  }
__scs_overlays_trampoline_lowered:
0x8: {  	[smem:$0x3FA7] =	sst s0  }
0x9: {  	[smem:$0x3FA8] =	sst s1  }
0xa: {  	[smem:$0x3FA9] =	sst s2  }
0xb: {  	[smem:$0x3FAA] =	sst s3  }
0xc: {  	[smem:$0x3FAB] =	sst s4  }
0xd: {  	[smem:$0x3FAC] =	sst s5  }
0xe: {  	[smem:$0x3FAD] =	sst s6  }
0xf: {  	[smem:$0x3FAE] =	sst s7  }
0x10: {  	[smem:$0x3FAF] =	sst s8  }
0x11: {  	[smem:$0x3FB0] =	sst s9;
	s0 =	simm.s32 @!p0 $0x0  }
0x12: {  	s1 =	sld [smem:$0x3F96];
	s0 =	simm.s32 @p0 $0x1  }
0x13: {  	[smem:$0x3FB1] =	sst s0;
	s0 =	simm.s32 @!p1 $0x0  }
0x14: {  	s2 =	sld [smem:$0x3F95];
	s0 =	simm.s32 @p1 $0x1  }
0x15: {  	[smem:$0x3FB2] =	sst s0;
	s0 =	simm.s32 @!p2 $0x0  }
0x16: {  	s3 =	sld [smem:$0x3FDB];
	s0 =	simm.s32 @p2 $0x1  }
0x17: {  	s4 =	simm.s32 $0x1BF5;
	[smem:$0x3FB4] =	sst s0  }
0x18: {  	s0 =	sld [smem:$0x3F97];
	_ =	swait.ge [sflag:s4], $0x0  }
0x19: {  	s7 =	sld [smem:$0x3F98]  }
0x1a: {  	s8 =	sadd.s32 $0xFFFFE003, lr  }
0x1b: {  	s9 =	sadd.s32 $0xFFFFFEF7, lr;
	s5 =	simm.s32 $0xFFFFFFFF;
	p2 =	slt.u32 s8, $0xFFFFF086  }
0x1c: {  	p1 =	slt.u32 s9, $0xF7A;
	s5 =	simm.s32 @!p2 $0x0  }
0x1d: {  	s5 =	simm.s32 @p1 $0x1;
	p0 =	seq.s32 s7, s2  }
0x1e: {  	s7 =	smul.u32 @!p0 $0xF7A, s2;
	p2 =	seq.s32 @!p0 s5, $0x0  }
0x1f: {  	s9 =	smul.u32 $0xF7A, s1;
	s8 =	simm.s32 @!p0 $0x1BF5;
	p2 =	por !p2, p0  }
0x20: {  	[sflag:s8] =	ssyncset.s32 @!p0 $0xFFFFF086;
	s6 =	sadd.s32 @!p0 s3, s7;
	s7 =	simm.s32 @!p0 $0x108  }
0x21: {  	s3 =	sadd.s32 s3, s9;
	s6 =	sadd.s32 @!p0 $0x88, s6;
	s7 =	simm.s32 @p2 $0x1082  }
0x22: {  	[simem:s7], [sflag:s8] =	dma.local @!p0 [hbm:s6], $0xF7A  }
0x23: {  	s9 =	sor.u32 $0xD0000000, s2;
	s6 =	simm.s32 $0x108;
	_ =	swait.ge @!p0 [sflag:s8], $0x0  }
0x24: {  	s3 =	sadd.s32 $0x88, s3;
	s6 =	simm.s32 @!p1 $0x1082;
	[sflag:s4] =	ssyncset.s32 $0xFFFFF086  }
0x25: {  	[simem:s6], [sflag:s4] =	dma.local [hbm:s3], $0xF7A  }
0x26: {  	[smem:$0x3F98] =	sst s1;
	(tag) =	ssettag s2;
	_ =	strace s9  }
0x27: {  	s1 =	sld [smem:$0x3FA8]  }
0x28: {  	s2 =	sld [smem:$0x3FA9]  }
0x29: {  	s4 =	sld [smem:$0x3FAB]  }
0x2a: {  	p0 =	seq.s32 s5, $0x0;
	s5 =	sld [smem:$0x3FAC]  }
0x2b: {  	s6 =	sld [smem:$0x3FAD]  }
0x2c: {  	s7 =	sld [smem:$0x3FAE]  }
0x2d: {  	s3 =	simm.s32 $0x108;
	s8 =	sld [smem:$0x3FAF]  }
0x2e: {  	s3 =	simm.s32 @!p0 $0x1082;
	s9 =	sld [smem:$0x3FB0]  }
0x2f: {  	lr =	sadd.s32 s0, s3;
	s0 =	sld [smem:$0x3FA7]  }
0x30: {  	s3 =	sld [smem:$0x3FAA]  }
0x31: {  	[smem:$0x3FB3] =	sst s10  }
0x32: {  	s10 =	sld [smem:$0x3FB1];
	_ =	sdelay $0x3  }
0x33: {  	p0 =	seq.s32 s10, $0x1;
	s10 =	sld [smem:$0x3FB3];
	_ =	sdelay $0x3  }
0x34: {  	[smem:$0x3FB3] =	sst s10  }
0x35: {  	s10 =	sld [smem:$0x3FB2];
	_ =	sdelay $0x3  }
0x36: {  	p1 =	seq.s32 s10, $0x1;
	s10 =	sld [smem:$0x3FB3];
	_ =	sdelay $0x3  }
0x37: {  	[smem:$0x3FB3] =	sst s10  }
0x38: {  	s10 =	sld [smem:$0x3FB4]  }
0x39: {  	_ = 	snop;
	(pc) =	sbr.ind lr, $3  }
0x3a: {  	_ = 	snop  }
0x3b: {  	_ = 	snop  }
0x3c: {  	p2 =	seq.s32 s10, $0x1;
	s10 =	sld [smem:$0x3FB3]  }
0x3d: {  	_ =	shalt  }
0x3e: {  	_ =	shalt  }
0x3f: {  	_ =	shalt  }
0x40: {  	_ =	shalt  }
0x41: {  	_ =	shalt  }
0x42: {  	_ =	shalt  }
0x43: {  	_ =	shalt  }
0x44: {  	_ =	shalt  }
0x45: {  	_ =	shalt  }
0x46: {  	_ =	shalt  }
0x47: {  	_ =	shalt  }
0x48: {  	_ =	shalt  }
0x49: {  	_ =	shalt  }
0x4a: {  	_ =	shalt  }
0x4b: {  	_ =	shalt  }
0x4c: {  	_ =	shalt  }
0x4d: {  	_ =	shalt  }
0x4e: {  	_ =	shalt  }
0x4f: {  	_ =	shalt  }
0x50: {  	_ =	shalt  }
0x51: {  	_ =	shalt  }
0x52: {  	_ =	shalt  }
0x53: {  	_ =	shalt  }
0x54: {  	_ =	shalt  }
0x55: {  	_ =	shalt  }
0x56: {  	_ =	shalt  }
0x57: {  	_ =	shalt  }
0x58: {  	_ =	shalt  }
0x59: {  	_ =	shalt  }
0x5a: {  	_ =	shalt  }
0x5b: {  	_ =	shalt  }
0x5c: {  	_ =	shalt  }
0x5d: {  	_ =	shalt  }
0x5e: {  	_ =	shalt  }
0x5f: {  	_ =	shalt  }
0x60: {  	_ =	shalt  }
0x61: {  	_ =	shalt  }
0x62: {  	_ =	shalt  }
0x63: {  	_ =	shalt  }
0x64: {  	_ =	shalt  }
0x65: {  	_ =	shalt  }
0x66: {  	_ =	shalt  }
0x67: {  	_ =	shalt  }
0x68: {  	_ =	shalt  }
0x69: {  	_ =	shalt  }
0x6a: {  	_ =	shalt  }
0x6b: {  	_ =	shalt  }
0x6c: {  	_ =	shalt  }
0x6d: {  	_ =	shalt  }
0x6e: {  	_ =	shalt  }
0x6f: {  	_ =	shalt  }
0x70: {  	_ =	shalt  }
0x71: {  	_ =	shalt  }
0x72: {  	_ =	shalt  }
0x73: {  	_ =	shalt  }
0x74: {  	_ =	shalt  }
0x75: {  	_ =	shalt  }
0x76: {  	_ =	shalt  }
0x77: {  	_ =	shalt  }
0x78: {  	_ =	shalt  }
0x79: {  	_ =	shalt  }
0x7a: {  	_ =	shalt  }
0x7b: {  	_ =	shalt  }
0x7c: {  	_ =	shalt  }
0x7d: {  	_ =	shalt  }
0x7e: {  	_ =	shalt  }
0x7f: {  	_ =	shalt  }
0x80: {  	_ =	shalt  }
0x81: {  	_ =	shalt  }
0x82: {  	_ =	shalt  }
0x83: {  	_ =	shalt  }
0x84: {  	_ =	shalt  }
0x85: {  	_ =	shalt  }
0x86: {  	_ =	shalt  }
0x87: {  	_ =	shalt  }
.Lfunc_end0:
.L_simem_size_0:
called_computation_lowered:
.L_overlay_start_0:
0x88: {  	s2 =	sld [smem:$0x3FD9]  }
0x89: {  	s3 =	sld [smem:$0x3FFE];
	_ =	sdelay $0x1  }
0x8a: {  	s1 =	srdreg.scid  }
0x8b: {  	s0 =	sand.u32 $0x1, s1  }
0x8c: {  	s14 =	sshll.u32 s0, $0xA;
	s2 =	sadd.s32 s3, s2  }
0x8d: {  	s2 =	sadd.s32 s2, s14  }
0x8e: {  	[smem:$0x3FBF] =	sst s2  }
0x8f: {  	_ = 	snop  }
0x90: {  	s2 =	sld [smem:$0x3FD0];
	_ =	sdelay $0x2  }
0x91: {  	s15 =	simm.s32 $0xA;
	s4 =	simm.s32 $0x10  }
0x92: {  	[smem:s4], [sflag:s15] =	dma.local [hbm:s2], $0x1  }
0x93: {  	_ =	swait.eq [sflag:s15], $0x1  }
0x94: {  	[sflag:s15] =	ssyncset.done $0x0  }
0x95: {  	[sflag:s15] =	ssyncadd.s32 $0xFFFFFFFF  }
0x96: {  	s16 =	sld [smem:$0x10];
	(tm) =	ssettm $0x1  }
0x97: {  	s17 =	sld [smem:$0x3FFB];
	_ =	sdelay $0x3  }
0x98: {  	_ =	strace s17  }
0x99: {  	s3 =	sld [smem:$0x3FFC];
	_ =	sdelay $0x3  }
0x9a: {  	_ =	strace s3  }
0x9b: {  	s3 =	sld [smem:$0x3FFD];
	_ =	sdelay $0x3  }
0x9c: {  	_ =	strace s3  }
0x9d: {  	_ =	strace $0x8FFFFFFF  }
0x9e: {  	s18 =	sld [smem:$0x3FDB];
	_ =	sdelay $0x1  }
0x9f: {  	s19 =	simm.s32 $_scs_section_size  }
0xa0: {  	s5 =	simm.s32 $_size__tile_overlayer_lowered;
	s6 =	simm.s32 $_tile_overlayer_lowered  }
0xa1: {  	s22 =	simm.s32 $0x1BFF;
	s21 =	sshll.u32 s6, $0x1;
	s3 =	sadd.s32 s19, s18  }
0xa2: {  	s7 =	simm.s32 $0x0;
	s20 =	sshll.u32 s5, $0x1;
	s5 =	sadd.s32 s21, s3  }
0xa3: {  	[timem:s7], [sflag:s22] =	dma.local [hbm:s5], s20  }
0xa4: {  	_ =	swait.ge [sflag:s22], s20  }
0xa5: {  	s4 =	ssub.s32 $0x0, s20;
	[sflag:s22] =	ssyncset.done $0x0  }
0xa6: {  	[sflag:s22] =	ssyncadd.s32 s4;
	_ =	sdelay $0x1  }
0xa7: {  	s23 =	simm.s32 $0x1B8B  }
0xa8: {  	_ =	swait.ge [sflag:s23], $0x1  }
0xa9: {  	[sflag:s23] =	ssyncset.done $0x0  }
0xaa: {  	s25 =	simm.s32 $0x1B8E;
	s24 =	sld [smem:$0x3FFE];
	[sflag:s23] =	ssyncadd.s32 $0xFFFFFFFF  }
0xab: {  	s26 =	simm.s32 $execute0_lowered;
	[smem:$0x3FD2] =	sst s25  }
0xac: {  	s5 =	sshll.u32 s26, $0x1;
	_ =	strace $0x80000046;
	[dreg:$0x1] =	wrdreg $0xFFFFFFFF  }
0xad: {  	s28 =	simm.s32 $_size_execute0_lowered;
	s3 =	sadd.s32 s3, s5;
	[dreg:$0x0] =	wrdreg $0x0  }
0xae: {  	s5 =	sshll.u32 s28, $0x1;
	[dreg:$0x2] =	wrdreg s3  }
0xaf: {  	[dreg:$0x3] =	wrdreg s5  }
0xb0: {  	[dreg:$0x4] =	wrdreg $0xC0  }
0xb1: {  	_ =	task [dreg:s7], $0x5FFFF  }
0xb2: {  	[dreg:$0x1] =	wrdreg $0xFFFFFFFF  }
0xb3: {  	[dreg:$0x0] =	wrdreg $0x60  }
0xb4: {  	[dreg:$0x2] =	wrdreg s24  }
0xb5: {  	[dreg:$0x3] =	wrdreg s16  }
0xb6: {  	[dreg:$0x4] =	wrdreg $0x9  }
0xb7: {  	_ =	task.clear_ibuf [dreg:s7], $0x5FFFF;
	_ =	strace $0x90000046  }
0xb8: {  	s29 =	simm.s32 $0x9;
	_ =	strace $0x80000048  }
0xb9: {  	_ =	swait.ge [sflag:s29], $0x1  }
0xba: {  	[sflag:s29] =	ssyncadd.s32 $0xFFFFFFFF  }
0xbb: {  	_ =	strace $0x90000048  }
0xbc: {  	_ =	sfence  }
0xbd: {  	s30 =	sld [smem:$0x0];
	_ =	sdelay $0x2  }
0xbe: {  	s31 =	sshll.u32 s1, $0xD;
	s1 =	sshrl.u32 s1, $0x2  }
0xbf: {  	s3 =	sand.u32 $0x4000, s31;
	s1 =	sadd.s32 s1, s30  }
0xc0: {  	s0 =	sor.u32 s3, s0;
	s1 =	sshll.u32 s1, $0x11  }
0xc1: {  	s0 =	sor.u32 s1, s0  }
0xc2: {  	s0 =	sadd.s32 $0x8F2B, s0  }
0xc3: {  	[sflag:s0] =	ssyncadd.remote.s32 $0x1  }
0xc4: {  	_ =	sfence.sel $0xFFFF  }
0xc5: {  	[dreg:$0x0] =	wrdreg $0xFFFFFFFF;
	(pc) =	sbr.abs _section_cstart, $3  }
0xc6: {  	[dreg:$0x1] =	wrdreg $0xFFFFFFFF  }
0xc7: {  	_ =	task.clear_ibuf [dreg:s7], $0x2FFFF;
	_ =	strace $0x9FFFFFFF  }
0xc8: {  	(tm) =	ssettm $0x7FFFFFFF  }
0xc9: {  	_ =	shalt  }
tec
execute0_lowered:
.L_overlay_start_1:
0x0: {  	(tag) =	ssettag $0x1  }
0x1: {  	s1 =	srdreg.scid;
	s4 =	rddreg [dreg:$0x0]  }
0x2: {  	s0 =	stileid.u32;
	s5 =	rddreg [dreg:$0x1];
	s2 =	simm.s32 $0x0  }
0x3: {  	s9 =	simm.s32 $0x2780;
	s3 =	sand.u32 $0x1, s1;
	s30 =	sshll.u32 s0, $0x1  }
0x4: {  	s10 =	simm.s32 $0x4F00;
	s11 =	simm.s32 $0x7680;
	s1 =	sor.u32 s3, s30  }
0x5: {  	[smem:$0x7FF] =	sst s2;
	s3 =	ssub.s32 $0x2, s3;
	s6 =	smul.u32 $0x4E2, s1  }
0x6: {  	s12 =	simm.s32 $0x0;
	s1 =	rddreg [dreg:$0x2];
	s31 =	sshrl.u32 s3, $0x1  }
0x7: {  	_ =	strace $0x80000047;
	s8 =	ssub.s32 s3, s31;
	s7 =	sadd.s32 s6, s4  }
0x8: {  	s4 =	sadd.s32 s5, s6;
	s3 =	sadd.s32 $0x2E00, s7;
	s5 =	sadd.s32 $0xCC00, s7  }
0x9: {  	v0 =	vimm.f32 $0.0e+00;
	v1 =	vimm.f32 $1.000000000e+00;
	s6 =	sadd.s32 $0x16A00, s7;
	s7 =	smax.u32 s8, $0x1;
	s8 =	simm.s32 $0x1  }
.LBB2_1:
0xa: {  	[tilespmem:s2], [sflag:$0x1] =	stream.linear.gather [hbm4b:s3+s2], $0x2710, $0x38;
	[tilespmem:$0x9E00] =	vst v63  }
0xb: {  	_ =	swait.ge [sflag:s8], $0x2710  }
0xc: {  	[sflag:s8] =	ssyncset.done $0x0  }
0xd: {  	[sflag:s8] =	ssyncadd.s32 $0xFFFFD8F0  }
0xe: {  	[tilespmem:s9], [sflag:$0x1] =	stream.linear.gather [hbm4b:s4+s2], $0x2710, $0x38;
	[tilespmem:$0x9E00] =	vst v63  }
0xf: {  	_ =	swait.ge [sflag:s8], $0x2710  }
0x10: {  	[sflag:s8] =	ssyncset.done $0x0  }
0x11: {  	s13 =	simm.s32 $0x0;
	[sflag:s8] =	ssyncadd.s32 $0xFFFFD8F0  }
.LBB2_2:
0x12: {  	p0 =	sne.s32 s13, $0x9C00  }
.Ltmp0:
0x13: {  	_ = 	snop;
	(pc) =	sbr.rel @p0 .LBB2_2-.Ltmp0, $4  }
0x14: {  	_ = 	snop  }
0x15: {  	s14 =	sshra.s32 s13, $0x2  }
0x16: {  	[tilespmem:s14+$0x4F00] =	vst v0  }
0x17: {  	s13 =	sadd.s32 $0x40, s13;
	[tilespmem:s14+$0x7680] =	vst v0  }
0x18: {  	s14 =	simm.s32 $0x0  }
0x19: {  	s13 =	simm.s32 $0x40;
	v2 =	vld [tilespmem:s14+$0x0]  }
.LBB2_4:
0x1a: {  	p0 =	sne.s32 s13, $0x9C00;
	v3 =	vld [tilespmem:s14+$0x2780];
	_ =	sdelay $0x4  }
.Ltmp1:
0x1b: {  	(pc) =	sbr.rel @p0 .LBB2_4-.Ltmp1, $4  }
0x1c: {  	_ = 	snop  }
0x1d: {  	[tilespmem:v2+s10+$0x0] =	vst.idx.add.f32.msk $0xffff, v1  }
0x1e: {  	s14 =	sshra.s32 s13, $0x2;
	[tilespmem:v3+s11+$0x0] =	vst.idx.add.f32.msk $0xffff, v1  }
0x1f: {  	s13 =	sadd.s32 $0x40, s13;
	v2 =	vld [tilespmem:s14+$0x0]  }
0x20: {  	_ = 	snop  }
0x21: {  	v3 =	vld [tilespmem:s14+$0x2780];
	_ =	sdelay $0x6  }
0x22: {  	[tilespmem:v2+s10+$0x0] =	vst.idx.add.f32.msk $0xffff, v1  }
0x23: {  	[tilespmem:v3+s11+$0x0] =	vst.idx.add.f32.msk $0xffff, v1  }
0x24: {  	[hbm4b:s5+s2] =	stream.linear.scatter [tilespmem:s10], [sflag:$0x1], $0x2710, $0x38;
	[tilespmem:$0x9E00] =	vst v63  }
0x25: {  	s12 =	sadd.s32 $0x1, s12;
	_ =	swait.ge [sflag:s8], $0x2710  }
0x26: {  	p0 =	sne.s32 s12, s7;
	[sflag:s8] =	ssyncset.done $0x0  }
.Ltmp2:
0x27: {  	[sflag:s8] =	ssyncadd.s32 $0xFFFFD8F0;
	(pc) =	sbr.rel @p0 .LBB2_1-.Ltmp2, $4  }
0x28: {  	[hbm4b:s6+s2] =	stream.linear.scatter [tilespmem:s11], [sflag:$0x1], $0x2710, $0x38;
	[tilespmem:$0x9E00] =	vst v63  }
0x29: {  	_ =	swait.ge [sflag:s8], $0x2710  }
0x2a: {  	[sflag:s8] =	ssyncset.done $0x0  }
0x2b: {  	[sflag:s8] =	ssyncadd.s32 $0xFFFFD8F0  }
0x2c: {  	_ =	sfence.sel $0x180000  }
0x2d: {  	[bflag:$0x0] =	sbarrier.arrive $0xFFFF  }
0x2e: {  	p0 =	sne.s32 s0, $0x0;
	_ =	strace $0x90000047  }
0x2f: {  	s0 =	sadd.s32 @!p0 $0x100000, s1;
	[bflag:$0x2] =	sbarrier.arrive $0xFFFF  }
0x30: {  	[sflag:s0] =	ssyncadd.tile.s32 @!p0 $0x1;
	_ =	shalt  }
.Lfunc_end2:
_tile_overlayer_lowered:
.L_overlay_start_2:
0x31: {  	(tag) =	ssettag $0x2  }
0x32: {  	s0 =	rddreg [dreg:$0x0];
	s2 =	stileid.u32  }
0x33: {  	s1 =	rddreg [dreg:$0x1];
	p0 =	sne.s32 s2, $0x0  }
0x34: {  	s3 =	rddreg [dreg:$0x2];
	[bflag:$0x3] =	sbarrier.arrive $0xFFFF;
	s2 =	simm.s32 @!p0 $0x1C01  }
0x35: {  	[timem:s3], [sflag:s2] =	dma.local @!p0 [hbm:s0], s1  }
0x36: {  	s0 =	simm.s32 @!p0 $0x1  }
0x37: {  	_ =	swait.ge @!p0 [sflag:s0], s1  }
0x38: {  	s1 =	ssub.s32 @!p0 $0x0, s1;
	[sflag:s0] =	ssyncset.done @!p0 $0x0  }
0x39: {  	[sflag:s0] =	ssyncadd.s32 @!p0 s1  }
0x3a: {  	[bflag:$0x3] =	sbarrier.arrive $0xFFFF  }
0x3b: {  	_ =	shalt  }

</sc_bundles>
